<compile_context>
chip_gen: v7x
topology: tpu7x:2x2x1
jax: 0.10.2.dev20260603
libtpu: 0.0.44.dev20260713+nightly
codegen_flags: <defaults>
</compile_context>

<pallas_src>
import functools

import jax
import jax.numpy as jnp
from jax import lax
from jax.experimental import pallas as pl
from jax.experimental.pallas import tpu as pltpu
from jax.experimental.pallas import tpu_sc as plsc

C, H, W = 16, 1024, 1024
N = H * W
S = 2048

_NC = 2
_NS = 16
_NW = _NC * _NS
_PPW = N // _NW

_TK = 1024
_TCHUNK = _PPW // _TK

_B = 1024
_NBLK = _PPW // _B
_GPB = _B // 16

_mesh = plsc.VectorSubcoreMesh(core_axis_name="c", subcore_axis_name="s")
_sc_params = pltpu.CompilerParams(
    use_tc_tiling_on_sc=False, needs_layout_passes=False
)


@functools.partial(
    pl.kernel,
    out_type=jax.ShapeDtypeStruct((N, C), jnp.float32),
    mesh=_mesh,
    compiler_params=_sc_params,
    scratch_types=[
        pltpu.VMEM((2, C * _TK), jnp.float32),
        pltpu.VMEM((2, _TK, C), jnp.float32),
        pltpu.SemaphoreType.DMA,
        pltpu.SemaphoreType.DMA,
        pltpu.SemaphoreType.DMA,
        pltpu.SemaphoreType.DMA,
    ],
)
def _sc_transpose(featc, table, ch_v, rows_v, semc0, semc1, semo0, semo1):
    ci = lax.axis_index("c")
    si = lax.axis_index("s")
    wid = si * _NC + ci
    base = wid * _PPW
    iota16 = lax.iota(jnp.int32, 16)
    cvecs = [jnp.full((16,), c, jnp.int32) for c in range(C)]
    semc = (semc0, semc1)
    semo = (semo0, semo1)

    def fire_in(bb, t):
        cbase = base + t * _TK
        for c in range(C):
            pltpu.async_copy(
                featc.at[pl.ds(c * N + cbase, _TK)],
                ch_v.at[bb, pl.ds(c * _TK, _TK)],
                semc[bb],
            )

    def wait_in(bb):
        pltpu.make_async_copy(
            featc.at[pl.ds(0, C * _TK)], ch_v.at[bb], semc[bb]
        ).wait()

    def process(bb):
        def group_body(g, carry2):
            win = rows_v.at[bb, pl.ds(g * 16, 16)]
            for c in range(C):
                val = ch_v[bb, pl.ds(c * _TK + g * 16, 16)]
                plsc.store_scatter(win, [iota16, cvecs[c]], val)
            return carry2

        lax.fori_loop(0, _TK // 16, group_body, 0)

    fire_in(0, 0)
    fire_in(1, 1)

    def chunk_step(tt, carry):
        for b in (0, 1):
            t = 2 * tt + b
            wait_in(b)

            @pl.when(t >= 2)
            def _():
                pltpu.make_async_copy(
                    rows_v.at[b], table.at[pl.ds(0, _TK)], semo[b]
                ).wait()

            process(b)

            @pl.when(t + 2 < _TCHUNK)
            def _():
                fire_in(b, t + 2)

            pltpu.async_copy(
                rows_v.at[b],
                table.at[pl.ds(base + t * _TK, _TK)],
                semo[b],
            )
        return carry

    lax.fori_loop(0, _TCHUNK // 2, chunk_step, 0)
    pltpu.make_async_copy(rows_v.at[0], table.at[pl.ds(0, _TK)], semo[0]).wait()
    pltpu.make_async_copy(rows_v.at[1], table.at[pl.ds(0, _TK)], semo[1]).wait()


@functools.partial(
    pl.kernel,
    out_type=(
        jax.ShapeDtypeStruct((_NW, S * C), jnp.float32),
        jax.ShapeDtypeStruct((_NW, S * C), jnp.float32),
    ),
    mesh=_mesh,
    compiler_params=_sc_params,
    scratch_types=[
        pltpu.VMEM((2, _B), jnp.int32),
        pltpu.VMEM((2, _B), jnp.int32),
        pltpu.VMEM((2, _B), jnp.int32),
        pltpu.VMEM((2, _B), jnp.int32),
        pltpu.VMEM((2, _B, C), jnp.float32),
        pltpu.VMEM((S * C,), jnp.float32),
        pltpu.VMEM((S * C,), jnp.float32),
        pltpu.SemaphoreType.DMA,
        pltpu.SemaphoreType.DMA,
        pltpu.SemaphoreType.DMA,
        pltpu.SemaphoreType.DMA,
    ],
)
def _sc_segsum(feat_t, rr_hbm, cc_hbm, seg_hbm,
               sums_out, cnts_out,
               rr_v, cc_v, seg_v, idx_v, rows_v, acc_f, cnt_f,
               semi0, semi1, semg0, semg1):
    ci = lax.axis_index("c")
    si = lax.axis_index("s")
    wid = si * _NC + ci
    tbase = wid * _PPW
    semi = (semi0, semi1)
    semg = (semg0, semg1)
    zero16 = jnp.zeros((16,), jnp.float32)

    def zbody(i, carry):
        acc_f[pl.ds(i * 16, 16)] = zero16
        cnt_f[pl.ds(i * 16, 16)] = zero16
        return carry

    lax.fori_loop(0, S * C // 16, zbody, 0)

    def fire_inputs(bb, blk):
        gb = tbase + blk * _B
        pltpu.async_copy(rr_hbm.at[pl.ds(gb, _B)], rr_v.at[bb], semi[bb])
        pltpu.async_copy(cc_hbm.at[pl.ds(gb, _B)], cc_v.at[bb], semi[bb])
        pltpu.async_copy(seg_hbm.at[pl.ds(gb, _B)], seg_v.at[bb], semi[bb])

    def wait_inputs(bb):
        pltpu.make_async_copy(rr_hbm.at[pl.ds(0, _B)], rr_v.at[bb], semi[bb]).wait()
        pltpu.make_async_copy(cc_hbm.at[pl.ds(0, _B)], cc_v.at[bb], semi[bb]).wait()
        pltpu.make_async_copy(seg_hbm.at[pl.ds(0, _B)], seg_v.at[bb], semi[bb]).wait()

    def compute_idx(bb):
        def ibody(g, carry):
            sl = pl.ds(g * 16, 16)
            idx_v[bb, sl] = rr_v[bb, sl] * W + cc_v[bb, sl]
            return carry

        lax.fori_loop(0, _GPB, ibody, 0)

    def fire_gathers(bb):
        for j in range(_B // 128):
            pltpu.async_copy(
                feat_t.at[idx_v.at[bb, pl.ds(j * 128, 128)]],
                rows_v.at[bb, pl.ds(j * 128, 128)],
                semg[bb],
            )

    def wait_gathers(bb):
        pltpu.make_async_copy(
            feat_t.at[pl.ds(0, _B)], rows_v.at[bb], semg[bb]
        ).wait()

    def flush(p, a, n):
        sl = pl.ds(p * C, C)
        acc_f[sl] = acc_f[sl] + a
        cnt_f[sl] = cnt_f[sl] + n

    def process(bb, carry):
        def group(g, carry2):
            s = seg_v[bb, pl.ds(g * 16, 16)]
            s0 = s[0]
            s15 = s[15]
            base_px = g * 16

            def uniform_fn(c3):
                rs = rows_v[bb, base_px]
                for l in range(1, 16):
                    rs = rs + rows_v[bb, base_px + l]

                def same_fn(c4):
                    a, n, p = c4
                    return (a + rs, n + 1.0, p)

                def diff_fn(c4):
                    a, n, p = c4
                    flush(p, a, n)
                    return (rs, jnp.ones((16,), jnp.float32), s0)

                return lax.cond(s0 == c3[2], same_fn, diff_fn, c3)

            def mixed_fn(c3):
                c4 = c3
                for l in range(16):
                    sl_ = s[l]
                    row = rows_v[bb, base_px + l]

                    def same_fn(c5, row=row):
                        a, n, p = c5
                        return (a + row, n + 0.0625, p)

                    def diff_fn(c5, row=row, sl_=sl_):
                        a, n, p = c5
                        flush(p, a, n)
                        return (row, jnp.full((16,), 0.0625, jnp.float32), sl_)

                    c4 = lax.cond(sl_ == c4[2], same_fn, diff_fn, c4)
                return c4

            return lax.cond(s0 == s15, uniform_fn, mixed_fn, carry2)

        return lax.fori_loop(0, _GPB, group, carry)

    fire_inputs(0, 0)
    wait_inputs(0)
    compute_idx(0)
    fire_gathers(0)
    fire_inputs(1, 1)
    sfirst = seg_v[0, pl.ds(0, 16)]
    carry = (zero16, zero16, sfirst[0])

    def block_step(t, carry):
        for b in (0, 1):
            blk = 2 * t + b
            nb = 1 - b

            @pl.when(blk + 1 < _NBLK)
            def _():
                wait_inputs(nb)
                compute_idx(nb)
                fire_gathers(nb)

            wait_gathers(b)
            carry = process(b, carry)

            @pl.when(blk + 2 < _NBLK)
            def _():
                fire_inputs(b, blk + 2)
        return carry

    carry = lax.fori_loop(0, _NBLK // 2, block_step, carry)
    a, n, p = carry
    flush(p, a, n)

    pltpu.sync_copy(acc_f, sums_out.at[wid])
    pltpu.sync_copy(cnt_f, cnts_out.at[wid])


def _merge_body(s_ref, c_ref, o_ref):
    sm = jnp.sum(s_ref[...], axis=0).reshape(S * C // 128, 128)
    cn = jnp.sum(c_ref[...], axis=0).reshape(S * C // 128, 128)
    ii = lax.broadcasted_iota(jnp.int32, (128, 128), 0)
    jj = lax.broadcasted_iota(jnp.int32, (128, 128), 1)
    m = ((ii // C) == (jj // C)).astype(jnp.float32)
    nb = jax.lax.dot(cn, m, precision=jax.lax.Precision.HIGHEST)
    o_ref[...] = sm / jnp.maximum(nb, 1.0)


_merge = pl.pallas_call(
    _merge_body,
    out_shape=jax.ShapeDtypeStruct((S * C // 128, 128), jnp.float32),
)


def kernel(features, coords, segment_ids):
    featc = features.reshape(C * N)
    feat_t = _sc_transpose(featc)
    rr = coords[:, 0]
    cc = coords[:, 1]
    sums, cnts = _sc_segsum(feat_t, rr, cc, segment_ids)
    return _merge(sums, cnts).reshape(S, C)

# --- scband reference (transcript-rebuilt; emitter-appended) ---
"""Pipeline reference for scband-sp-vecs-unet-38869454029179 (READ-ONLY COPY).

The authoritative reference and input builder live on the scoring server;
editing this copy changes nothing except your own understanding.
"""

import jax, jax.numpy as jnp
import numpy as np

C, H, W = 16, 1024, 1024
N = H * W
S = 2048


def setup_inputs(seed: int = 0) -> dict:
    key = jax.random.key(seed)
    k1, k2, k3 = jax.random.split(key, 3)
    features = jax.random.normal(k1, (C, H, W), dtype=jnp.float32)
    coords = jax.random.randint(k2, (N, 2), 0, H, dtype=jnp.int32)
    segment_ids = jnp.sort(jax.random.randint(k3, (N,), 0, S, dtype=jnp.int32))
    return {"features": features, "coords": coords, "segment_ids": segment_ids}


def reference(features, coords, segment_ids):
    # Faithful translation of SpVecsUnet.get_node_features:
    #   for each superpixel sp: sp_feat_vecs[i] = features[:, sp[:, -2], sp[:, -1]].sum(-1) / mass
    # Vectorized: gather per-pixel feature vectors, then segment mean over superpixel ids.
    gathered = features[:, coords[:, 0], coords[:, 1]]  # [C, N] gather
    data = gathered.T  # [N, C]
    sums = jax.ops.segment_sum(data, segment_ids, num_segments=S)  # [S, C]
    counts = jax.ops.segment_sum(jnp.ones((data.shape[0],), dtype=data.dtype), segment_ids, num_segments=S)
    sp_feat_vecs = sums / jnp.maximum(counts, 1.0)[:, None]
    return sp_feat_vecs

if __name__ == "__main__":
    import jax
    _d = setup_inputs()
    print(jax.jit(kernel)(*tuple(_d.values())))

</pallas_src>

<mosaic_0001>
#map = affine_map<(d0, d1) -> (0)>
#map1 = affine_map<(d0, d1) -> (0, 0)>
module attributes {stable_mosaic.version = 14 : i64} {
  func.func @_sc_transpose(%arg0: i32, %arg1: i32, %arg2: memref<16777216xf32, #tpu.memory_space<hbm>>, %arg3: memref<1048576x16xf32, #tpu.memory_space<hbm>>, %arg4: memref<2x16384xf32, #tpu.memory_space<vmem>>, %arg5: memref<2x1024x16xf32, #tpu.memory_space<vmem>>, %arg6: memref<!tpu.dma_semaphore, #tpu.memory_space<semaphore_mem>>, %arg7: memref<!tpu.dma_semaphore, #tpu.memory_space<semaphore_mem>>, %arg8: memref<!tpu.dma_semaphore, #tpu.memory_space<semaphore_mem>>, %arg9: memref<!tpu.dma_semaphore, #tpu.memory_space<semaphore_mem>>) attributes {dimension_semantics = [#tpu.dimension_semantics<core_parallel>, #tpu.dimension_semantics<subcore_parallel>], iteration_bounds = array<i64: 2, 16>, scalar_prefetch = 0 : i64, scratch_operands = 6 : i64, tpu.core_type = #tpu.core_type<sc_vector_subcore>, window_params = [{transform_indices = #map}, {transform_indices = #map1}]} {
    %mul3A = arith.constant 2 : i32
    %mul3A_0 = arith.muli %arg1, %mul3A : i32
    %add3A = arith.addi %mul3A_0, %arg0 : i32
    %mul3A_1 = arith.constant 32768 : i32
    %mul3A_2 = arith.muli %add3A, %mul3A_1 : i32
    %iota3A = tpu.iota {dimensions = array<i32: 0>} : vector<16xi32>
    %broadcast_in_dim3A = arith.constant 0 : i32
    %broadcast_in_dim3A_3 = vector.broadcast %broadcast_in_dim3A : i32 to vector<16xi32>
    %broadcast_in_dim3A_4 = arith.constant 1 : i32
    %broadcast_in_dim3A_5 = vector.broadcast %broadcast_in_dim3A_4 : i32 to vector<16xi32>
    %broadcast_in_dim3A_6 = arith.constant 2 : i32
    %broadcast_in_dim3A_7 = vector.broadcast %broadcast_in_dim3A_6 : i32 to vector<16xi32>
    %broadcast_in_dim3A_8 = arith.constant 3 : i32
    %broadcast_in_dim3A_9 = vector.broadcast %broadcast_in_dim3A_8 : i32 to vector<16xi32>
    %broadcast_in_dim3A_10 = arith.constant 4 : i32
    %broadcast_in_dim3A_11 = vector.broadcast %broadcast_in_dim3A_10 : i32 to vector<16xi32>
    %broadcast_in_dim3A_12 = arith.constant 5 : i32
    %broadcast_in_dim3A_13 = vector.broadcast %broadcast_in_dim3A_12 : i32 to vector<16xi32>
    %broadcast_in_dim3A_14 = arith.constant 6 : i32
    %broadcast_in_dim3A_15 = vector.broadcast %broadcast_in_dim3A_14 : i32 to vector<16xi32>
    %broadcast_in_dim3A_16 = arith.constant 7 : i32
    %broadcast_in_dim3A_17 = vector.broadcast %broadcast_in_dim3A_16 : i32 to vector<16xi32>
    %broadcast_in_dim3A_18 = arith.constant 8 : i32
    %broadcast_in_dim3A_19 = vector.broadcast %broadcast_in_dim3A_18 : i32 to vector<16xi32>
    %broadcast_in_dim3A_20 = arith.constant 9 : i32
    %broadcast_in_dim3A_21 = vector.broadcast %broadcast_in_dim3A_20 : i32 to vector<16xi32>
    %broadcast_in_dim3A_22 = arith.constant 10 : i32
    %broadcast_in_dim3A_23 = vector.broadcast %broadcast_in_dim3A_22 : i32 to vector<16xi32>
    %broadcast_in_dim3A_24 = arith.constant 11 : i32
    %broadcast_in_dim3A_25 = vector.broadcast %broadcast_in_dim3A_24 : i32 to vector<16xi32>
    %broadcast_in_dim3A_26 = arith.constant 12 : i32
    %broadcast_in_dim3A_27 = vector.broadcast %broadcast_in_dim3A_26 : i32 to vector<16xi32>
    %broadcast_in_dim3A_28 = arith.constant 13 : i32
    %broadcast_in_dim3A_29 = vector.broadcast %broadcast_in_dim3A_28 : i32 to vector<16xi32>
    %broadcast_in_dim3A_30 = arith.constant 14 : i32
    %broadcast_in_dim3A_31 = vector.broadcast %broadcast_in_dim3A_30 : i32 to vector<16xi32>
    %broadcast_in_dim3A_32 = arith.constant 15 : i32
    %broadcast_in_dim3A_33 = vector.broadcast %broadcast_in_dim3A_32 : i32 to vector<16xi32>
    %add3A_34 = arith.constant 0 : i32
    %add3A_35 = arith.addi %mul3A_2, %add3A_34 : i32
    %add3A_36 = arith.constant 0 : i32
    %add3A_37 = arith.addi %add3A_36, %add3A_35 : i32
    %dma_start3A = arith.constant 0 : i32
    %dma_start3A_38 = arith.constant 0 : i32
    %dma_start3A_39 = tpu.memref_slice %arg4[%dma_start3A, %dma_start3A_38] : memref<2x16384xf32, #tpu.memory_space<vmem>> -> memref<1x1024xf32, #tpu.memory_space<vmem>>
    %dma_start3A_40 = tpu.memref_squeeze %dma_start3A_39 : memref<1x1024xf32, #tpu.memory_space<vmem>> -> memref<1024xf32, #tpu.memory_space<vmem>>
    %dma_start3A_41 = tpu.memref_slice %arg2[%add3A_37] : memref<16777216xf32, #tpu.memory_space<hbm>> -> memref<1024xf32, #tpu.memory_space<hbm>>
    %dma_start3A_42 = arith.constant 0 : i32
    %dma_start3A_43 = tpu.memref_slice %arg4[%dma_start3A, %dma_start3A_42] : memref<2x16384xf32, #tpu.memory_space<vmem>> -> memref<1x1024xf32, #tpu.memory_space<vmem>>
    %dma_start3A_44 = tpu.memref_squeeze %dma_start3A_43 : memref<1x1024xf32, #tpu.memory_space<vmem>> -> memref<1024xf32, #tpu.memory_space<vmem>>
    %dma_start3A_45 = tpu.memref_slice %arg2[%add3A_37] : memref<16777216xf32, #tpu.memory_space<hbm>> -> memref<1024xf32, #tpu.memory_space<hbm>>
    tpu.enqueue_dma source(%dma_start3A_45 : memref<1024xf32, #tpu.memory_space<hbm>>) target(%dma_start3A_44 : memref<1024xf32, #tpu.memory_space<vmem>>) target_semaphore(%arg6 : memref<!tpu.dma_semaphore, #tpu.memory_space<semaphore_mem>>)
    %add3A_46 = arith.constant 1048576 : i32
    %add3A_47 = arith.addi %add3A_46, %add3A_35 : i32
    %dma_start3A_48 = arith.constant 0 : i32
    %dma_start3A_49 = arith.constant 1024 : i32
    %dma_start3A_50 = tpu.memref_slice %arg4[%dma_start3A_48, %dma_start3A_49] : memref<2x16384xf32, #tpu.memory_space<vmem>> -> memref<1x1024xf32, #tpu.memory_space<vmem>>
    %dma_start3A_51 = tpu.memref_squeeze %dma_start3A_50 : memref<1x1024xf32, #tpu.memory_space<vmem>> -> memref<1024xf32, #tpu.memory_space<vmem>>
    %dma_start3A_52 = tpu.memref_slice %arg2[%add3A_47] : memref<16777216xf32, #tpu.memory_space<hbm>> -> memref<1024xf32, #tpu.memory_space<hbm>>
    %dma_start3A_53 = arith.constant 1024 : i32
    %dma_start3A_54 = tpu.memref_slice %arg4[%dma_start3A_48, %dma_start3A_53] : memref<2x16384xf32, #tpu.memory_space<vmem>> -> memref<1x1024xf32, #tpu.memory_space<vmem>>
    %dma_start3A_55 = tpu.memref_squeeze %dma_start3A_54 : memref<1x1024xf32, #tpu.memory_space<vmem>> -> memref<1024xf32, #tpu.memory_space<vmem>>
    %dma_start3A_56 = tpu.memref_slice %arg2[%add3A_47] : memref<16777216xf32, #tpu.memory_space<hbm>> -> memref<1024xf32, #tpu.memory_space<hbm>>
    tpu.enqueue_dma source(%dma_start3A_56 : memref<1024xf32, #tpu.memory_space<hbm>>) target(%dma_start3A_55 : memref<1024xf32, #tpu.memory_space<vmem>>) target_semaphore(%arg6 : memref<!tpu.dma_semaphore, #tpu.memory_space<semaphore_mem>>)
    %add3A_57 = arith.constant 2097152 : i32
    %add3A_58 = arith.addi %add3A_57, %add3A_35 : i32
    %dma_start3A_59 = arith.constant 0 : i32
    %dma_start3A_60 = arith.constant 2048 : i32
    %dma_start3A_61 = tpu.memref_slice %arg4[%dma_start3A_59, %dma_start3A_60] : memref<2x16384xf32, #tpu.memory_space<vmem>> -> memref<1x1024xf32, #tpu.memory_space<vmem>>
    %dma_start3A_62 = tpu.memref_squeeze %dma_start3A_61 : memref<1x1024xf32, #tpu.memory_space<vmem>> -> memref<1024xf32, #tpu.memory_space<vmem>>
    %dma_start3A_63 = tpu.memref_slice %arg2[%add3A_58] : memref<16777216xf32, #tpu.memory_space<hbm>> -> memref<1024xf32, #tpu.memory_space<hbm>>
    %dma_start3A_64 = arith.constant 2048 : i32
    %dma_start3A_65 = tpu.memref_slice %arg4[%dma_start3A_59, %dma_start3A_64] : memref<2x16384xf32, #tpu.memory_space<vmem>> -> memref<1x1024xf32, #tpu.memory_space<vmem>>
    %dma_start3A_66 = tpu.memref_squeeze %dma_start3A_65 : memref<1x1024xf32, #tpu.memory_space<vmem>> -> memref<1024xf32, #tpu.memory_space<vmem>>
    %dma_start3A_67 = tpu.memref_slice %arg2[%add3A_58] : memref<16777216xf32, #tpu.memory_space<hbm>> -> memref<1024xf32, #tpu.memory_space<hbm>>
    tpu.enqueue_dma source(%dma_start3A_67 : memref<1024xf32, #tpu.memory_space<hbm>>) target(%dma_start3A_66 : memref<1024xf32, #tpu.memory_space<vmem>>) target_semaphore(%arg6 : memref<!tpu.dma_semaphore, #tpu.memory_space<semaphore_mem>>)
    %add3A_68 = arith.constant 3145728 : i32
    %add3A_69 = arith.addi %add3A_68, %add3A_35 : i32
    %dma_start3A_70 = arith.constant 0 : i32
    %dma_start3A_71 = arith.constant 3072 : i32
    %dma_start3A_72 = tpu.memref_slice %arg4[%dma_start3A_70, %dma_start3A_71] : memref<2x16384xf32, #tpu.memory_space<vmem>> -> memref<1x1024xf32, #tpu.memory_space<vmem>>
    %dma_start3A_73 = tpu.memref_squeeze %dma_start3A_72 : memref<1x1024xf32, #tpu.memory_space<vmem>> -> memref<1024xf32, #tpu.memory_space<vmem>>
    %dma_start3A_74 = tpu.memref_slice %arg2[%add3A_69] : memref<16777216xf32, #tpu.memory_space<hbm>> -> memref<1024xf32, #tpu.memory_space<hbm>>
    %dma_start3A_75 = arith.constant 3072 : i32
    %dma_start3A_76 = tpu.memref_slice %arg4[%dma_start3A_70, %dma_start3A_75] : memref<2x16384xf32, #tpu.memory_space<vmem>> -> memref<1x1024xf32, #tpu.memory_space<vmem>>
    %dma_start3A_77 = tpu.memref_squeeze %dma_start3A_76 : memref<1x1024xf32, #tpu.memory_space<vmem>> -> memref<1024xf32, #tpu.memory_space<vmem>>
    %dma_start3A_78 = tpu.memref_slice %arg2[%add3A_69] : memref<16777216xf32, #tpu.memory_space<hbm>> -> memref<1024xf32, #tpu.memory_space<hbm>>
    tpu.enqueue_dma source(%dma_start3A_78 : memref<1024xf32, #tpu.memory_space<hbm>>) target(%dma_start3A_77 : memref<1024xf32, #tpu.memory_space<vmem>>) target_semaphore(%arg6 : memref<!tpu.dma_semaphore, #tpu.memory_space<semaphore_mem>>)
    %add3A_79 = arith.constant 4194304 : i32
    %add3A_80 = arith.addi %add3A_79, %add3A_35 : i32
    %dma_start3A_81 = arith.constant 0 : i32
    %dma_start3A_82 = arith.constant 4096 : i32
    %dma_start3A_83 = tpu.memref_slice %arg4[%dma_start3A_81, %dma_start3A_82] : memref<2x16384xf32, #tpu.memory_space<vmem>> -> memref<1x1024xf32, #tpu.memory_space<vmem>>
    %dma_start3A_84 = tpu.memref_squeeze %dma_start3A_83 : memref<1x1024xf32, #tpu.memory_space<vmem>> -> memref<1024xf32, #tpu.memory_space<vmem>>
    %dma_start3A_85 = tpu.memref_slice %arg2[%add3A_80] : memref<16777216xf32, #tpu.memory_space<hbm>> -> memref<1024xf32, #tpu.memory_space<hbm>>
    %dma_start3A_86 = arith.constant 4096 : i32
    %dma_start3A_87 = tpu.memref_slice %arg4[%dma_start3A_81, %dma_start3A_86] : memref<2x16384xf32, #tpu.memory_space<vmem>> -> memref<1x1024xf32, #tpu.memory_space<vmem>>
    %dma_start3A_88 = tpu.memref_squeeze %dma_start3A_87 : memref<1x1024xf32, #tpu.memory_space<vmem>> -> memref<1024xf32, #tpu.memory_space<vmem>>
    %dma_start3A_89 = tpu.memref_slice %arg2[%add3A_80] : memref<16777216xf32, #tpu.memory_space<hbm>> -> memref<1024xf32, #tpu.memory_space<hbm>>
    tpu.enqueue_dma source(%dma_start3A_89 : memref<1024xf32, #tpu.memory_space<hbm>>) target(%dma_start3A_88 : memref<1024xf32, #tpu.memory_space<vmem>>) target_semaphore(%arg6 : memref<!tpu.dma_semaphore, #tpu.memory_space<semaphore_mem>>)
    %add3A_90 = arith.constant 5242880 : i32
    %add3A_91 = arith.addi %add3A_90, %add3A_35 : i32
    %dma_start3A_92 = arith.constant 0 : i32
    %dma_start3A_93 = arith.constant 5120 : i32
    %dma_start3A_94 = tpu.memref_slice %arg4[%dma_start3A_92, %dma_start3A_93] : memref<2x16384xf32, #tpu.memory_space<vmem>> -> memref<1x1024xf32, #tpu.memory_space<vmem>>
    %dma_start3A_95 = tpu.memref_squeeze %dma_start3A_94 : memref<1x1024xf32, #tpu.memory_space<vmem>> -> memref<1024xf32, #tpu.memory_space<vmem>>
    %dma_start3A_96 = tpu.memref_slice %arg2[%add3A_91] : memref<16777216xf32, #tpu.memory_space<hbm>> -> memref<1024xf32, #tpu.memory_space<hbm>>
    %dma_start3A_97 = arith.constant 5120 : i32
    %dma_start3A_98 = tpu.memref_slice %arg4[%dma_start3A_92, %dma_start3A_97] : memref<2x16384xf32, #tpu.memory_space<vmem>> -> memref<1x1024xf32, #tpu.memory_space<vmem>>
    %dma_start3A_99 = tpu.memref_squeeze %dma_start3A_98 : memref<1x1024xf32, #tpu.memory_space<vmem>> -> memref<1024xf32, #tpu.memory_space<vmem>>
    %dma_start3A_100 = tpu.memref_slice %arg2[%add3A_91] : memref<16777216xf32, #tpu.memory_space<hbm>> -> memref<1024xf32, #tpu.memory_space<hbm>>
    tpu.enqueue_dma source(%dma_start3A_100 : memref<1024xf32, #tpu.memory_space<hbm>>) target(%dma_start3A_99 : memref<1024xf32, #tpu.memory_space<vmem>>) target_semaphore(%arg6 : memref<!tpu.dma_semaphore, #tpu.memory_space<semaphore_mem>>)
    %add3A_101 = arith.constant 6291456 : i32
    %add3A_102 = arith.addi %add3A_101, %add3A_35 : i32
    %dma_start3A_103 = arith.constant 0 : i32
    %dma_start3A_104 = arith.constant 6144 : i32
    %dma_start3A_105 = tpu.memref_slice %arg4[%dma_start3A_103, %dma_start3A_104] : memref<2x16384xf32, #tpu.memory_space<vmem>> -> memref<1x1024xf32, #tpu.memory_space<vmem>>
    %dma_start3A_106 = tpu.memref_squeeze %dma_start3A_105 : memref<1x1024xf32, #tpu.memory_space<vmem>> -> memref<1024xf32, #tpu.memory_space<vmem>>
    %dma_start3A_107 = tpu.memref_slice %arg2[%add3A_102] : memref<16777216xf32, #tpu.memory_space<hbm>> -> memref<1024xf32, #tpu.memory_space<hbm>>
    %dma_start3A_108 = arith.constant 6144 : i32
    %dma_start3A_109 = tpu.memref_slice %arg4[%dma_start3A_103, %dma_start3A_108] : memref<2x16384xf32, #tpu.memory_space<vmem>> -> memref<1x1024xf32, #tpu.memory_space<vmem>>
    %dma_start3A_110 = tpu.memref_squeeze %dma_start3A_109 : memref<1x1024xf32, #tpu.memory_space<vmem>> -> memref<1024xf32, #tpu.memory_space<vmem>>
    %dma_start3A_111 = tpu.memref_slice %arg2[%add3A_102] : memref<16777216xf32, #tpu.memory_space<hbm>> -> memref<1024xf32, #tpu.memory_space<hbm>>
    tpu.enqueue_dma source(%dma_start3A_111 : memref<1024xf32, #tpu.memory_space<hbm>>) target(%dma_start3A_110 : memref<1024xf32, #tpu.memory_space<vmem>>) target_semaphore(%arg6 : memref<!tpu.dma_semaphore, #tpu.memory_space<semaphore_mem>>)
    %add3A_112 = arith.constant 7340032 : i32
    %add3A_113 = arith.addi %add3A_112, %add3A_35 : i32
    %dma_start3A_114 = arith.constant 0 : i32
    %dma_start3A_115 = arith.constant 7168 : i32
    %dma_start3A_116 = tpu.memref_slice %arg4[%dma_start3A_114, %dma_start3A_115] : memref<2x16384xf32, #tpu.memory_space<vmem>> -> memref<1x1024xf32, #tpu.memory_space<vmem>>
    %dma_start3A_117 = tpu.memref_squeeze %dma_start3A_116 : memref<1x1024xf32, #tpu.memory_space<vmem>> -> memref<1024xf32, #tpu.memory_space<vmem>>
    %dma_start3A_118 = tpu.memref_slice %arg2[%add3A_113] : memref<16777216xf32, #tpu.memory_space<hbm>> -> memref<1024xf32, #tpu.memory_space<hbm>>
    %dma_start3A_119 = arith.constant 7168 : i32
    %dma_start3A_120 = tpu.memref_slice %arg4[%dma_start3A_114, %dma_start3A_119] : memref<2x16384xf32, #tpu.memory_space<vmem>> -> memref<1x1024xf32, #tpu.memory_space<vmem>>
    %dma_start3A_121 = tpu.memref_squeeze %dma_start3A_120 : memref<1x1024xf32, #tpu.memory_space<vmem>> -> memref<1024xf32, #tpu.memory_space<vmem>>
    %dma_start3A_122 = tpu.memref_slice %arg2[%add3A_113] : memref<16777216xf32, #tpu.memory_space<hbm>> -> memref<1024xf32, #tpu.memory_space<hbm>>
    tpu.enqueue_dma source(%dma_start3A_122 : memref<1024xf32, #tpu.memory_space<hbm>>) target(%dma_start3A_121 : memref<1024xf32, #tpu.memory_space<vmem>>) target_semaphore(%arg6 : memref<!tpu.dma_semaphore, #tpu.memory_space<semaphore_mem>>)
    %add3A_123 = arith.constant 8388608 : i32
    %add3A_124 = arith.addi %add3A_123, %add3A_35 : i32
    %dma_start3A_125 = arith.constant 0 : i32
    %dma_start3A_126 = arith.constant 8192 : i32
    %dma_start3A_127 = tpu.memref_slice %arg4[%dma_start3A_125, %dma_start3A_126] : memref<2x16384xf32, #tpu.memory_space<vmem>> -> memref<1x1024xf32, #tpu.memory_space<vmem>>
    %dma_start3A_128 = tpu.memref_squeeze %dma_start3A_127 : memref<1x1024xf32, #tpu.memory_space<vmem>> -> memref<1024xf32, #tpu.memory_space<vmem>>
    %dma_start3A_129 = tpu.memref_slice %arg2[%add3A_124] : memref<16777216xf32, #tpu.memory_space<hbm>> -> memref<1024xf32, #tpu.memory_space<hbm>>
    %dma_start3A_130 = arith.constant 8192 : i32
    %dma_start3A_131 = tpu.memref_slice %arg4[%dma_start3A_125, %dma_start3A_130] : memref<2x16384xf32, #tpu.memory_space<vmem>> -> memref<1x1024xf32, #tpu.memory_space<vmem>>
    %dma_start3A_132 = tpu.memref_squeeze %dma_start3A_131 : memref<1x1024xf32, #tpu.memory_space<vmem>> -> memref<1024xf32, #tpu.memory_space<vmem>>
    %dma_start3A_133 = tpu.memref_slice %arg2[%add3A_124] : memref<16777216xf32, #tpu.memory_space<hbm>> -> memref<1024xf32, #tpu.memory_space<hbm>>
    tpu.enqueue_dma source(%dma_start3A_133 : memref<1024xf32, #tpu.memory_space<hbm>>) target(%dma_start3A_132 : memref<1024xf32, #tpu.memory_space<vmem>>) target_semaphore(%arg6 : memref<!tpu.dma_semaphore, #tpu.memory_space<semaphore_mem>>)
    %add3A_134 = arith.constant 9437184 : i32
    %add3A_135 = arith.addi %add3A_134, %add3A_35 : i32
    %dma_start3A_136 = arith.constant 0 : i32
    %dma_start3A_137 = arith.constant 9216 : i32
    %dma_start3A_138 = tpu.memref_slice %arg4[%dma_start3A_136, %dma_start3A_137] : memref<2x16384xf32, #tpu.memory_space<vmem>> -> memref<1x1024xf32, #tpu.memory_space<vmem>>
    %dma_start3A_139 = tpu.memref_squeeze %dma_start3A_138 : memref<1x1024xf32, #tpu.memory_space<vmem>> -> memref<1024xf32, #tpu.memory_space<vmem>>
    %dma_start3A_140 = tpu.memref_slice %arg2[%add3A_135] : memref<16777216xf32, #tpu.memory_space<hbm>> -> memref<1024xf32, #tpu.memory_space<hbm>>
    %dma_start3A_141 = arith.constant 9216 : i32
    %dma_start3A_142 = tpu.memref_slice %arg4[%dma_start3A_136, %dma_start3A_141] : memref<2x16384xf32, #tpu.memory_space<vmem>> -> memref<1x1024xf32, #tpu.memory_space<vmem>>
    %dma_start3A_143 = tpu.memref_squeeze %dma_start3A_142 : memref<1x1024xf32, #tpu.memory_space<vmem>> -> memref<1024xf32, #tpu.memory_space<vmem>>
    %dma_start3A_144 = tpu.memref_slice %arg2[%add3A_135] : memref<16777216xf32, #tpu.memory_space<hbm>> -> memref<1024xf32, #tpu.memory_space<hbm>>
    tpu.enqueue_dma source(%dma_start3A_144 : memref<1024xf32, #tpu.memory_space<hbm>>) target(%dma_start3A_143 : memref<1024xf32, #tpu.memory_space<vmem>>) target_semaphore(%arg6 : memref<!tpu.dma_semaphore, #tpu.memory_space<semaphore_mem>>)
    %add3A_145 = arith.constant 10485760 : i32
    %add3A_146 = arith.addi %add3A_145, %add3A_35 : i32
    %dma_start3A_147 = arith.constant 0 : i32
    %dma_start3A_148 = arith.constant 10240 : i32
    %dma_start3A_149 = tpu.memref_slice %arg4[%dma_start3A_147, %dma_start3A_148] : memref<2x16384xf32, #tpu.memory_space<vmem>> -> memref<1x1024xf32, #tpu.memory_space<vmem>>
    %dma_start3A_150 = tpu.memref_squeeze %dma_start3A_149 : memref<1x1024xf32, #tpu.memory_space<vmem>> -> memref<1024xf32, #tpu.memory_space<vmem>>
    %dma_start3A_151 = tpu.memref_slice %arg2[%add3A_146] : memref<16777216xf32, #tpu.memory_space<hbm>> -> memref<1024xf32, #tpu.memory_space<hbm>>
    %dma_start3A_152 = arith.constant 10240 : i32
    %dma_start3A_153 = tpu.memref_slice %arg4[%dma_start3A_147, %dma_start3A_152] : memref<2x16384xf32, #tpu.memory_space<vmem>> -> memref<1x1024xf32, #tpu.memory_space<vmem>>
    %dma_start3A_154 = tpu.memref_squeeze %dma_start3A_153 : memref<1x1024xf32, #tpu.memory_space<vmem>> -> memref<1024xf32, #tpu.memory_space<vmem>>
    %dma_start3A_155 = tpu.memref_slice %arg2[%add3A_146] : memref<16777216xf32, #tpu.memory_space<hbm>> -> memref<1024xf32, #tpu.memory_space<hbm>>
    tpu.enqueue_dma source(%dma_start3A_155 : memref<1024xf32, #tpu.memory_space<hbm>>) target(%dma_start3A_154 : memref<1024xf32, #tpu.memory_space<vmem>>) target_semaphore(%arg6 : memref<!tpu.dma_semaphore, #tpu.memory_space<semaphore_mem>>)
    %add3A_156 = arith.constant 11534336 : i32
    %add3A_157 = arith.addi %add3A_156, %add3A_35 : i32
    %dma_start3A_158 = arith.constant 0 : i32
    %dma_start3A_159 = arith.constant 11264 : i32
    %dma_start3A_160 = tpu.memref_slice %arg4[%dma_start3A_158, %dma_start3A_159] : memref<2x16384xf32, #tpu.memory_space<vmem>> -> memref<1x1024xf32, #tpu.memory_space<vmem>>
    %dma_start3A_161 = tpu.memref_squeeze %dma_start3A_160 : memref<1x1024xf32, #tpu.memory_space<vmem>> -> memref<1024xf32, #tpu.memory_space<vmem>>
    %dma_start3A_162 = tpu.memref_slice %arg2[%add3A_157] : memref<16777216xf32, #tpu.memory_space<hbm>> -> memref<1024xf32, #tpu.memory_space<hbm>>
    %dma_start3A_163 = arith.constant 11264 : i32
    %dma_start3A_164 = tpu.memref_slice %arg4[%dma_start3A_158, %dma_start3A_163] : memref<2x16384xf32, #tpu.memory_space<vmem>> -> memref<1x1024xf32, #tpu.memory_space<vmem>>
    %dma_start3A_165 = tpu.memref_squeeze %dma_start3A_164 : memref<1x1024xf32, #tpu.memory_space<vmem>> -> memref<1024xf32, #tpu.memory_space<vmem>>
    %dma_start3A_166 = tpu.memref_slice %arg2[%add3A_157] : memref<16777216xf32, #tpu.memory_space<hbm>> -> memref<1024xf32, #tpu.memory_space<hbm>>
    tpu.enqueue_dma source(%dma_start3A_166 : memref<1024xf32, #tpu.memory_space<hbm>>) target(%dma_start3A_165 : memref<1024xf32, #tpu.memory_space<vmem>>) target_semaphore(%arg6 : memref<!tpu.dma_semaphore, #tpu.memory_space<semaphore_mem>>)
    %add3A_167 = arith.constant 12582912 : i32
    %add3A_168 = arith.addi %add3A_167, %add3A_35 : i32
    %dma_start3A_169 = arith.constant 0 : i32
    %dma_start3A_170 = arith.constant 12288 : i32
    %dma_start3A_171 = tpu.memref_slice %arg4[%dma_start3A_169, %dma_start3A_170] : memref<2x16384xf32, #tpu.memory_space<vmem>> -> memref<1x1024xf32, #tpu.memory_space<vmem>>
    %dma_start3A_172 = tpu.memref_squeeze %dma_start3A_171 : memref<1x1024xf32, #tpu.memory_space<vmem>> -> memref<1024xf32, #tpu.memory_space<vmem>>
    %dma_start3A_173 = tpu.memref_slice %arg2[%add3A_168] : memref<16777216xf32, #tpu.memory_space<hbm>> -> memref<1024xf32, #tpu.memory_space<hbm>>
    %dma_start3A_174 = arith.constant 12288 : i32
    %dma_start3A_175 = tpu.memref_slice %arg4[%dma_start3A_169, %dma_start3A_174] : memref<2x16384xf32, #tpu.memory_space<vmem>> -> memref<1x1024xf32, #tpu.memory_space<vmem>>
    %dma_start3A_176 = tpu.memref_squeeze %dma_start3A_175 : memref<1x1024xf32, #tpu.memory_space<vmem>> -> memref<1024xf32, #tpu.memory_space<vmem>>
    %dma_start3A_177 = tpu.memref_slice %arg2[%add3A_168] : memref<16777216xf32, #tpu.memory_space<hbm>> -> memref<1024xf32, #tpu.memory_space<hbm>>
    tpu.enqueue_dma source(%dma_start3A_177 : memref<1024xf32, #tpu.memory_space<hbm>>) target(%dma_start3A_176 : memref<1024xf32, #tpu.memory_space<vmem>>) target_semaphore(%arg6 : memref<!tpu.dma_semaphore, #tpu.memory_space<semaphore_mem>>)
    %add3A_178 = arith.constant 13631488 : i32
    %add3A_179 = arith.addi %add3A_178, %add3A_35 : i32
    %dma_start3A_180 = arith.constant 0 : i32
    %dma_start3A_181 = arith.constant 13312 : i32
    %dma_start3A_182 = tpu.memref_slice %arg4[%dma_start3A_180, %dma_start3A_181] : memref<2x16384xf32, #tpu.memory_space<vmem>> -> memref<1x1024xf32, #tpu.memory_space<vmem>>
    %dma_start3A_183 = tpu.memref_squeeze %dma_start3A_182 : memref<1x1024xf32, #tpu.memory_space<vmem>> -> memref<1024xf32, #tpu.memory_space<vmem>>
    %dma_start3A_184 = tpu.memref_slice %arg2[%add3A_179] : memref<16777216xf32, #tpu.memory_space<hbm>> -> memref<1024xf32, #tpu.memory_space<hbm>>
    %dma_start3A_185 = arith.constant 13312 : i32
    %dma_start3A_186 = tpu.memref_slice %arg4[%dma_start3A_180, %dma_start3A_185] : memref<2x16384xf32, #tpu.memory_space<vmem>> -> memref<1x1024xf32, #tpu.memory_space<vmem>>
    %dma_start3A_187 = tpu.memref_squeeze %dma_start3A_186 : memref<1x1024xf32, #tpu.memory_space<vmem>> -> memref<1024xf32, #tpu.memory_space<vmem>>
    %dma_start3A_188 = tpu.memref_slice %arg2[%add3A_179] : memref<16777216xf32, #tpu.memory_space<hbm>> -> memref<1024xf32, #tpu.memory_space<hbm>>
    tpu.enqueue_dma source(%dma_start3A_188 : memref<1024xf32, #tpu.memory_space<hbm>>) target(%dma_start3A_187 : memref<1024xf32, #tpu.memory_space<vmem>>) target_semaphore(%arg6 : memref<!tpu.dma_semaphore, #tpu.memory_space<semaphore_mem>>)
    %add3A_189 = arith.constant 14680064 : i32
    %add3A_190 = arith.addi %add3A_189, %add3A_35 : i32
    %dma_start3A_191 = arith.constant 0 : i32
    %dma_start3A_192 = arith.constant 14336 : i32
    %dma_start3A_193 = tpu.memref_slice %arg4[%dma_start3A_191, %dma_start3A_192] : memref<2x16384xf32, #tpu.memory_space<vmem>> -> memref<1x1024xf32, #tpu.memory_space<vmem>>
    %dma_start3A_194 = tpu.memref_squeeze %dma_start3A_193 : memref<1x1024xf32, #tpu.memory_space<vmem>> -> memref<1024xf32, #tpu.memory_space<vmem>>
    %dma_start3A_195 = tpu.memref_slice %arg2[%add3A_190] : memref<16777216xf32, #tpu.memory_space<hbm>> -> memref<1024xf32, #tpu.memory_space<hbm>>
    %dma_start3A_196 = arith.constant 14336 : i32
    %dma_start3A_197 = tpu.memref_slice %arg4[%dma_start3A_191, %dma_start3A_196] : memref<2x16384xf32, #tpu.memory_space<vmem>> -> memref<1x1024xf32, #tpu.memory_space<vmem>>
    %dma_start3A_198 = tpu.memref_squeeze %dma_start3A_197 : memref<1x1024xf32, #tpu.memory_space<vmem>> -> memref<1024xf32, #tpu.memory_space<vmem>>
    %dma_start3A_199 = tpu.memref_slice %arg2[%add3A_190] : memref<16777216xf32, #tpu.memory_space<hbm>> -> memref<1024xf32, #tpu.memory_space<hbm>>
    tpu.enqueue_dma source(%dma_start3A_199 : memref<1024xf32, #tpu.memory_space<hbm>>) target(%dma_start3A_198 : memref<1024xf32, #tpu.memory_space<vmem>>) target_semaphore(%arg6 : memref<!tpu.dma_semaphore, #tpu.memory_space<semaphore_mem>>)
    %add3A_200 = arith.constant 15728640 : i32
    %add3A_201 = arith.addi %add3A_200, %add3A_35 : i32
    %dma_start3A_202 = arith.constant 0 : i32
    %dma_start3A_203 = arith.constant 15360 : i32
    %dma_start3A_204 = tpu.memref_slice %arg4[%dma_start3A_202, %dma_start3A_203] : memref<2x16384xf32, #tpu.memory_space<vmem>> -> memref<1x1024xf32, #tpu.memory_space<vmem>>
    %dma_start3A_205 = tpu.memref_squeeze %dma_start3A_204 : memref<1x1024xf32, #tpu.memory_space<vmem>> -> memref<1024xf32, #tpu.memory_space<vmem>>
    %dma_start3A_206 = tpu.memref_slice %arg2[%add3A_201] : memref<16777216xf32, #tpu.memory_space<hbm>> -> memref<1024xf32, #tpu.memory_space<hbm>>
    %dma_start3A_207 = arith.constant 15360 : i32
    %dma_start3A_208 = tpu.memref_slice %arg4[%dma_start3A_202, %dma_start3A_207] : memref<2x16384xf32, #tpu.memory_space<vmem>> -> memref<1x1024xf32, #tpu.memory_space<vmem>>
    %dma_start3A_209 = tpu.memref_squeeze %dma_start3A_208 : memref<1x1024xf32, #tpu.memory_space<vmem>> -> memref<1024xf32, #tpu.memory_space<vmem>>
    %dma_start3A_210 = tpu.memref_slice %arg2[%add3A_201] : memref<16777216xf32, #tpu.memory_space<hbm>> -> memref<1024xf32, #tpu.memory_space<hbm>>
    tpu.enqueue_dma source(%dma_start3A_210 : memref<1024xf32, #tpu.memory_space<hbm>>) target(%dma_start3A_209 : memref<1024xf32, #tpu.memory_space<vmem>>) target_semaphore(%arg6 : memref<!tpu.dma_semaphore, #tpu.memory_space<semaphore_mem>>)
    %add3A_211 = arith.constant 1024 : i32
    %add3A_212 = arith.addi %mul3A_2, %add3A_211 : i32
    %add3A_213 = arith.constant 0 : i32
    %add3A_214 = arith.addi %add3A_213, %add3A_212 : i32
    %dma_start3A_215 = arith.constant 1 : i32
    %dma_start3A_216 = arith.constant 0 : i32
    %dma_start3A_217 = tpu.memref_slice %arg4[%dma_start3A_215, %dma_start3A_216] : memref<2x16384xf32, #tpu.memory_space<vmem>> -> memref<1x1024xf32, #tpu.memory_space<vmem>>
    %dma_start3A_218 = tpu.memref_squeeze %dma_start3A_217 : memref<1x1024xf32, #tpu.memory_space<vmem>> -> memref<1024xf32, #tpu.memory_space<vmem>>
    %dma_start3A_219 = tpu.memref_slice %arg2[%add3A_214] : memref<16777216xf32, #tpu.memory_space<hbm>> -> memref<1024xf32, #tpu.memory_space<hbm>>
    %dma_start3A_220 = arith.constant 0 : i32
    %dma_start3A_221 = tpu.memref_slice %arg4[%dma_start3A_215, %dma_start3A_220] : memref<2x16384xf32, #tpu.memory_space<vmem>> -> memref<1x1024xf32, #tpu.memory_space<vmem>>
    %dma_start3A_222 = tpu.memref_squeeze %dma_start3A_221 : memref<1x1024xf32, #tpu.memory_space<vmem>> -> memref<1024xf32, #tpu.memory_space<vmem>>
    %dma_start3A_223 = tpu.memref_slice %arg2[%add3A_214] : memref<16777216xf32, #tpu.memory_space<hbm>> -> memref<1024xf32, #tpu.memory_space<hbm>>
    tpu.enqueue_dma source(%dma_start3A_223 : memref<1024xf32, #tpu.memory_space<hbm>>) target(%dma_start3A_222 : memref<1024xf32, #tpu.memory_space<vmem>>) target_semaphore(%arg7 : memref<!tpu.dma_semaphore, #tpu.memory_space<semaphore_mem>>)
    %add3A_224 = arith.constant 1048576 : i32
    %add3A_225 = arith.addi %add3A_224, %add3A_212 : i32
    %dma_start3A_226 = arith.constant 1 : i32
    %dma_start3A_227 = arith.constant 1024 : i32
    %dma_start3A_228 = tpu.memref_slice %arg4[%dma_start3A_226, %dma_start3A_227] : memref<2x16384xf32, #tpu.memory_space<vmem>> -> memref<1x1024xf32, #tpu.memory_space<vmem>>
    %dma_start3A_229 = tpu.memref_squeeze %dma_start3A_228 : memref<1x1024xf32, #tpu.memory_space<vmem>> -> memref<1024xf32, #tpu.memory_space<vmem>>
    %dma_start3A_230 = tpu.memref_slice %arg2[%add3A_225] : memref<16777216xf32, #tpu.memory_space<hbm>> -> memref<1024xf32, #tpu.memory_space<hbm>>
    %dma_start3A_231 = arith.constant 1024 : i32
    %dma_start3A_232 = tpu.memref_slice %arg4[%dma_start3A_226, %dma_start3A_231] : memref<2x16384xf32, #tpu.memory_space<vmem>> -> memref<1x1024xf32, #tpu.memory_space<vmem>>
    %dma_start3A_233 = tpu.memref_squeeze %dma_start3A_232 : memref<1x1024xf32, #tpu.memory_space<vmem>> -> memref<1024xf32, #tpu.memory_space<vmem>>
    %dma_start3A_234 = tpu.memref_slice %arg2[%add3A_225] : memref<16777216xf32, #tpu.memory_space<hbm>> -> memref<1024xf32, #tpu.memory_space<hbm>>
    tpu.enqueue_dma source(%dma_start3A_234 : memref<1024xf32, #tpu.memory_space<hbm>>) target(%dma_start3A_233 : memref<1024xf32, #tpu.memory_space<vmem>>) target_semaphore(%arg7 : memref<!tpu.dma_semaphore, #tpu.memory_space<semaphore_mem>>)
    %add3A_235 = arith.constant 2097152 : i32
    %add3A_236 = arith.addi %add3A_235, %add3A_212 : i32
    %dma_start3A_237 = arith.constant 1 : i32
    %dma_start3A_238 = arith.constant 2048 : i32
    %dma_start3A_239 = tpu.memref_slice %arg4[%dma_start3A_237, %dma_start3A_238] : memref<2x16384xf32, #tpu.memory_space<vmem>> -> memref<1x1024xf32, #tpu.memory_space<vmem>>
    %dma_start3A_240 = tpu.memref_squeeze %dma_start3A_239 : memref<1x1024xf32, #tpu.memory_space<vmem>> -> memref<1024xf32, #tpu.memory_space<vmem>>
    %dma_start3A_241 = tpu.memref_slice %arg2[%add3A_236] : memref<16777216xf32, #tpu.memory_space<hbm>> -> memref<1024xf32, #tpu.memory_space<hbm>>
    %dma_start3A_242 = arith.constant 2048 : i32
    %dma_start3A_243 = tpu.memref_slice %arg4[%dma_start3A_237, %dma_start3A_242] : memref<2x16384xf32, #tpu.memory_space<vmem>> -> memref<1x1024xf32, #tpu.memory_space<vmem>>
    %dma_start3A_244 = tpu.memref_squeeze %dma_start3A_243 : memref<1x1024xf32, #tpu.memory_space<vmem>> -> memref<1024xf32, #tpu.memory_space<vmem>>
    %dma_start3A_245 = tpu.memref_slice %arg2[%add3A_236] : memref<16777216xf32, #tpu.memory_space<hbm>> -> memref<1024xf32, #tpu.memory_space<hbm>>
    tpu.enqueue_dma source(%dma_start3A_245 : memref<1024xf32, #tpu.memory_space<hbm>>) target(%dma_start3A_244 : memref<1024xf32, #tpu.memory_space<vmem>>) target_semaphore(%arg7 : memref<!tpu.dma_semaphore, #tpu.memory_space<semaphore_mem>>)
    %add3A_246 = arith.constant 3145728 : i32
    %add3A_247 = arith.addi %add3A_246, %add3A_212 : i32
    %dma_start3A_248 = arith.constant 1 : i32
    %dma_start3A_249 = arith.constant 3072 : i32
    %dma_start3A_250 = tpu.memref_slice %arg4[%dma_start3A_248, %dma_start3A_249] : memref<2x16384xf32, #tpu.memory_space<vmem>> -> memref<1x1024xf32, #tpu.memory_space<vmem>>
    %dma_start3A_251 = tpu.memref_squeeze %dma_start3A_250 : memref<1x1024xf32, #tpu.memory_space<vmem>> -> memref<1024xf32, #tpu.memory_space<vmem>>
    %dma_start3A_252 = tpu.memref_slice %arg2[%add3A_247] : memref<16777216xf32, #tpu.memory_space<hbm>> -> memref<1024xf32, #tpu.memory_space<hbm>>
    %dma_start3A_253 = arith.constant 3072 : i32
    %dma_start3A_254 = tpu.memref_slice %arg4[%dma_start3A_248, %dma_start3A_253] : memref<2x16384xf32, #tpu.memory_space<vmem>> -> memref<1x1024xf32, #tpu.memory_space<vmem>>
    %dma_start3A_255 = tpu.memref_squeeze %dma_start3A_254 : memref<1x1024xf32, #tpu.memory_space<vmem>> -> memref<1024xf32, #tpu.memory_space<vmem>>
    %dma_start3A_256 = tpu.memref_slice %arg2[%add3A_247] : memref<16777216xf32, #tpu.memory_space<hbm>> -> memref<1024xf32, #tpu.memory_space<hbm>>
    tpu.enqueue_dma source(%dma_start3A_256 : memref<1024xf32, #tpu.memory_space<hbm>>) target(%dma_start3A_255 : memref<1024xf32, #tpu.memory_space<vmem>>) target_semaphore(%arg7 : memref<!tpu.dma_semaphore, #tpu.memory_space<semaphore_mem>>)
    %add3A_257 = arith.constant 4194304 : i32
    %add3A_258 = arith.addi %add3A_257, %add3A_212 : i32
    %dma_start3A_259 = arith.constant 1 : i32
    %dma_start3A_260 = arith.constant 4096 : i32
    %dma_start3A_261 = tpu.memref_slice %arg4[%dma_start3A_259, %dma_start3A_260] : memref<2x16384xf32, #tpu.memory_space<vmem>> -> memref<1x1024xf32, #tpu.memory_space<vmem>>
    %dma_start3A_262 = tpu.memref_squeeze %dma_start3A_261 : memref<1x1024xf32, #tpu.memory_space<vmem>> -> memref<1024xf32, #tpu.memory_space<vmem>>
    %dma_start3A_263 = tpu.memref_slice %arg2[%add3A_258] : memref<16777216xf32, #tpu.memory_space<hbm>> -> memref<1024xf32, #tpu.memory_space<hbm>>
    %dma_start3A_264 = arith.constant 4096 : i32
    %dma_start3A_265 = tpu.memref_slice %arg4[%dma_start3A_259, %dma_start3A_264] : memref<2x16384xf32, #tpu.memory_space<vmem>> -> memref<1x1024xf32, #tpu.memory_space<vmem>>
    %dma_start3A_266 = tpu.memref_squeeze %dma_start3A_265 : memref<1x1024xf32, #tpu.memory_space<vmem>> -> memref<1024xf32, #tpu.memory_space<vmem>>
    %dma_start3A_267 = tpu.memref_slice %arg2[%add3A_258] : memref<16777216xf32, #tpu.memory_space<hbm>> -> memref<1024xf32, #tpu.memory_space<hbm>>
    tpu.enqueue_dma source(%dma_start3A_267 : memref<1024xf32, #tpu.memory_space<hbm>>) target(%dma_start3A_266 : memref<1024xf32, #tpu.memory_space<vmem>>) target_semaphore(%arg7 : memref<!tpu.dma_semaphore, #tpu.memory_space<semaphore_mem>>)
    %add3A_268 = arith.constant 5242880 : i32
    %add3A_269 = arith.addi %add3A_268, %add3A_212 : i32
    %dma_start3A_270 = arith.constant 1 : i32
    %dma_start3A_271 = arith.constant 5120 : i32
    %dma_start3A_272 = tpu.memref_slice %arg4[%dma_start3A_270, %dma_start3A_271] : memref<2x16384xf32, #tpu.memory_space<vmem>> -> memref<1x1024xf32, #tpu.memory_space<vmem>>
    %dma_start3A_273 = tpu.memref_squeeze %dma_start3A_272 : memref<1x1024xf32, #tpu.memory_space<vmem>> -> memref<1024xf32, #tpu.memory_space<vmem>>
    %dma_start3A_274 = tpu.memref_slice %arg2[%add3A_269] : memref<16777216xf32, #tpu.memory_space<hbm>> -> memref<1024xf32, #tpu.memory_space<hbm>>
    %dma_start3A_275 = arith.constant 5120 : i32
    %dma_start3A_276 = tpu.memref_slice %arg4[%dma_start3A_270, %dma_start3A_275] : memref<2x16384xf32, #tpu.memory_space<vmem>> -> memref<1x1024xf32, #tpu.memory_space<vmem>>
    %dma_start3A_277 = tpu.memref_squeeze %dma_start3A_276 : memref<1x1024xf32, #tpu.memory_space<vmem>> -> memref<1024xf32, #tpu.memory_space<vmem>>
    %dma_start3A_278 = tpu.memref_slice %arg2[%add3A_269] : memref<16777216xf32, #tpu.memory_space<hbm>> -> memref<1024xf32, #tpu.memory_space<hbm>>
    tpu.enqueue_dma source(%dma_start3A_278 : memref<1024xf32, #tpu.memory_space<hbm>>) target(%dma_start3A_277 : memref<1024xf32, #tpu.memory_space<vmem>>) target_semaphore(%arg7 : memref<!tpu.dma_semaphore, #tpu.memory_space<semaphore_mem>>)
    %add3A_279 = arith.constant 6291456 : i32
    %add3A_280 = arith.addi %add3A_279, %add3A_212 : i32
    %dma_start3A_281 = arith.constant 1 : i32
    %dma_start3A_282 = arith.constant 6144 : i32
    %dma_start3A_283 = tpu.memref_slice %arg4[%dma_start3A_281, %dma_start3A_282] : memref<2x16384xf32, #tpu.memory_space<vmem>> -> memref<1x1024xf32, #tpu.memory_space<vmem>>
    %dma_start3A_284 = tpu.memref_squeeze %dma_start3A_283 : memref<1x1024xf32, #tpu.memory_space<vmem>> -> memref<1024xf32, #tpu.memory_space<vmem>>
    %dma_start3A_285 = tpu.memref_slice %arg2[%add3A_280] : memref<16777216xf32, #tpu.memory_space<hbm>> -> memref<1024xf32, #tpu.memory_space<hbm>>
    %dma_start3A_286 = arith.constant 6144 : i32
    %dma_start3A_287 = tpu.memref_slice %arg4[%dma_start3A_281, %dma_start3A_286] : memref<2x16384xf32, #tpu.memory_space<vmem>> -> memref<1x1024xf32, #tpu.memory_space<vmem>>
    %dma_start3A_288 = tpu.memref_squeeze %dma_start3A_287 : memref<1x1024xf32, #tpu.memory_space<vmem>> -> memref<1024xf32, #tpu.memory_space<vmem>>
    %dma_start3A_289 = tpu.memref_slice %arg2[%add3A_280] : memref<16777216xf32, #tpu.memory_space<hbm>> -> memref<1024xf32, #tpu.memory_space<hbm>>
    tpu.enqueue_dma source(%dma_start3A_289 : memref<1024xf32, #tpu.memory_space<hbm>>) target(%dma_start3A_288 : memref<1024xf32, #tpu.memory_space<vmem>>) target_semaphore(%arg7 : memref<!tpu.dma_semaphore, #tpu.memory_space<semaphore_mem>>)
    %add3A_290 = arith.constant 7340032 : i32
    %add3A_291 = arith.addi %add3A_290, %add3A_212 : i32
    %dma_start3A_292 = arith.constant 1 : i32
    %dma_start3A_293 = arith.constant 7168 : i32
    %dma_start3A_294 = tpu.memref_slice %arg4[%dma_start3A_292, %dma_start3A_293] : memref<2x16384xf32, #tpu.memory_space<vmem>> -> memref<1x1024xf32, #tpu.memory_space<vmem>>
    %dma_start3A_295 = tpu.memref_squeeze %dma_start3A_294 : memref<1x1024xf32, #tpu.memory_space<vmem>> -> memref<1024xf32, #tpu.memory_space<vmem>>
    %dma_start3A_296 = tpu.memref_slice %arg2[%add3A_291] : memref<16777216xf32, #tpu.memory_space<hbm>> -> memref<1024xf32, #tpu.memory_space<hbm>>
    %dma_start3A_297 = arith.constant 7168 : i32
    %dma_start3A_298 = tpu.memref_slice %arg4[%dma_start3A_292, %dma_start3A_297] : memref<2x16384xf32, #tpu.memory_space<vmem>> -> memref<1x1024xf32, #tpu.memory_space<vmem>>
    %dma_start3A_299 = tpu.memref_squeeze %dma_start3A_298 : memref<1x1024xf32, #tpu.memory_space<vmem>> -> memref<1024xf32, #tpu.memory_space<vmem>>
    %dma_start3A_300 = tpu.memref_slice %arg2[%add3A_291] : memref<16777216xf32, #tpu.memory_space<hbm>> -> memref<1024xf32, #tpu.memory_space<hbm>>
    tpu.enqueue_dma source(%dma_start3A_300 : memref<1024xf32, #tpu.memory_space<hbm>>) target(%dma_start3A_299 : memref<1024xf32, #tpu.memory_space<vmem>>) target_semaphore(%arg7 : memref<!tpu.dma_semaphore, #tpu.memory_space<semaphore_mem>>)
    %add3A_301 = arith.constant 8388608 : i32
    %add3A_302 = arith.addi %add3A_301, %add3A_212 : i32
    %dma_start3A_303 = arith.constant 1 : i32
    %dma_start3A_304 = arith.constant 8192 : i32
    %dma_start3A_305 = tpu.memref_slice %arg4[%dma_start3A_303, %dma_start3A_304] : memref<2x16384xf32, #tpu.memory_space<vmem>> -> memref<1x1024xf32, #tpu.memory_space<vmem>>
    %dma_start3A_306 = tpu.memref_squeeze %dma_start3A_305 : memref<1x1024xf32, #tpu.memory_space<vmem>> -> memref<1024xf32, #tpu.memory_space<vmem>>
    %dma_start3A_307 = tpu.memref_slice %arg2[%add3A_302] : memref<16777216xf32, #tpu.memory_space<hbm>> -> memref<1024xf32, #tpu.memory_space<hbm>>
    %dma_start3A_308 = arith.constant 8192 : i32
    %dma_start3A_309 = tpu.memref_slice %arg4[%dma_start3A_303, %dma_start3A_308] : memref<2x16384xf32, #tpu.memory_space<vmem>> -> memref<1x1024xf32, #tpu.memory_space<vmem>>
    %dma_start3A_310 = tpu.memref_squeeze %dma_start3A_309 : memref<1x1024xf32, #tpu.memory_space<vmem>> -> memref<1024xf32, #tpu.memory_space<vmem>>
    %dma_start3A_311 = tpu.memref_slice %arg2[%add3A_302] : memref<16777216xf32, #tpu.memory_space<hbm>> -> memref<1024xf32, #tpu.memory_space<hbm>>
    tpu.enqueue_dma source(%dma_start3A_311 : memref<1024xf32, #tpu.memory_space<hbm>>) target(%dma_start3A_310 : memref<1024xf32, #tpu.memory_space<vmem>>) target_semaphore(%arg7 : memref<!tpu.dma_semaphore, #tpu.memory_space<semaphore_mem>>)
    %add3A_312 = arith.constant 9437184 : i32
    %add3A_313 = arith.addi %add3A_312, %add3A_212 : i32
    %dma_start3A_314 = arith.constant 1 : i32
    %dma_start3A_315 = arith.constant 9216 : i32
    %dma_start3A_316 = tpu.memref_slice %arg4[%dma_start3A_314, %dma_start3A_315] : memref<2x16384xf32, #tpu.memory_space<vmem>> -> memref<1x1024xf32, #tpu.memory_space<vmem>>
    %dma_start3A_317 = tpu.memref_squeeze %dma_start3A_316 : memref<1x1024xf32, #tpu.memory_space<vmem>> -> memref<1024xf32, #tpu.memory_space<vmem>>
    %dma_start3A_318 = tpu.memref_slice %arg2[%add3A_313] : memref<16777216xf32, #tpu.memory_space<hbm>> -> memref<1024xf32, #tpu.memory_space<hbm>>
    %dma_start3A_319 = arith.constant 9216 : i32
    %dma_start3A_320 = tpu.memref_slice %arg4[%dma_start3A_314, %dma_start3A_319] : memref<2x16384xf32, #tpu.memory_space<vmem>> -> memref<1x1024xf32, #tpu.memory_space<vmem>>
    %dma_start3A_321 = tpu.memref_squeeze %dma_start3A_320 : memref<1x1024xf32, #tpu.memory_space<vmem>> -> memref<1024xf32, #tpu.memory_space<vmem>>
    %dma_start3A_322 = tpu.memref_slice %arg2[%add3A_313] : memref<16777216xf32, #tpu.memory_space<hbm>> -> memref<1024xf32, #tpu.memory_space<hbm>>
    tpu.enqueue_dma source(%dma_start3A_322 : memref<1024xf32, #tpu.memory_space<hbm>>) target(%dma_start3A_321 : memref<1024xf32, #tpu.memory_space<vmem>>) target_semaphore(%arg7 : memref<!tpu.dma_semaphore, #tpu.memory_space<semaphore_mem>>)
    %add3A_323 = arith.constant 10485760 : i32
    %add3A_324 = arith.addi %add3A_323, %add3A_212 : i32
    %dma_start3A_325 = arith.constant 1 : i32
    %dma_start3A_326 = arith.constant 10240 : i32
    %dma_start3A_327 = tpu.memref_slice %arg4[%dma_start3A_325, %dma_start3A_326] : memref<2x16384xf32, #tpu.memory_space<vmem>> -> memref<1x1024xf32, #tpu.memory_space<vmem>>
    %dma_start3A_328 = tpu.memref_squeeze %dma_start3A_327 : memref<1x1024xf32, #tpu.memory_space<vmem>> -> memref<1024xf32, #tpu.memory_space<vmem>>
    %dma_start3A_329 = tpu.memref_slice %arg2[%add3A_324] : memref<16777216xf32, #tpu.memory_space<hbm>> -> memref<1024xf32, #tpu.memory_space<hbm>>
    %dma_start3A_330 = arith.constant 10240 : i32
    %dma_start3A_331 = tpu.memref_slice %arg4[%dma_start3A_325, %dma_start3A_330] : memref<2x16384xf32, #tpu.memory_space<vmem>> -> memref<1x1024xf32, #tpu.memory_space<vmem>>
    %dma_start3A_332 = tpu.memref_squeeze %dma_start3A_331 : memref<1x1024xf32, #tpu.memory_space<vmem>> -> memref<1024xf32, #tpu.memory_space<vmem>>
    %dma_start3A_333 = tpu.memref_slice %arg2[%add3A_324] : memref<16777216xf32, #tpu.memory_space<hbm>> -> memref<1024xf32, #tpu.memory_space<hbm>>
    tpu.enqueue_dma source(%dma_start3A_333 : memref<1024xf32, #tpu.memory_space<hbm>>) target(%dma_start3A_332 : memref<1024xf32, #tpu.memory_space<vmem>>) target_semaphore(%arg7 : memref<!tpu.dma_semaphore, #tpu.memory_space<semaphore_mem>>)
    %add3A_334 = arith.constant 11534336 : i32
    %add3A_335 = arith.addi %add3A_334, %add3A_212 : i32
    %dma_start3A_336 = arith.constant 1 : i32
    %dma_start3A_337 = arith.constant 11264 : i32
    %dma_start3A_338 = tpu.memref_slice %arg4[%dma_start3A_336, %dma_start3A_337] : memref<2x16384xf32, #tpu.memory_space<vmem>> -> memref<1x1024xf32, #tpu.memory_space<vmem>>
    %dma_start3A_339 = tpu.memref_squeeze %dma_start3A_338 : memref<1x1024xf32, #tpu.memory_space<vmem>> -> memref<1024xf32, #tpu.memory_space<vmem>>
    %dma_start3A_340 = tpu.memref_slice %arg2[%add3A_335] : memref<16777216xf32, #tpu.memory_space<hbm>> -> memref<1024xf32, #tpu.memory_space<hbm>>
    %dma_start3A_341 = arith.constant 11264 : i32
    %dma_start3A_342 = tpu.memref_slice %arg4[%dma_start3A_336, %dma_start3A_341] : memref<2x16384xf32, #tpu.memory_space<vmem>> -> memref<1x1024xf32, #tpu.memory_space<vmem>>
    %dma_start3A_343 = tpu.memref_squeeze %dma_start3A_342 : memref<1x1024xf32, #tpu.memory_space<vmem>> -> memref<1024xf32, #tpu.memory_space<vmem>>
    %dma_start3A_344 = tpu.memref_slice %arg2[%add3A_335] : memref<16777216xf32, #tpu.memory_space<hbm>> -> memref<1024xf32, #tpu.memory_space<hbm>>
    tpu.enqueue_dma source(%dma_start3A_344 : memref<1024xf32, #tpu.memory_space<hbm>>) target(%dma_start3A_343 : memref<1024xf32, #tpu.memory_space<vmem>>) target_semaphore(%arg7 : memref<!tpu.dma_semaphore, #tpu.memory_space<semaphore_mem>>)
    %add3A_345 = arith.constant 12582912 : i32
    %add3A_346 = arith.addi %add3A_345, %add3A_212 : i32
    %dma_start3A_347 = arith.constant 1 : i32
    %dma_start3A_348 = arith.constant 12288 : i32
    %dma_start3A_349 = tpu.memref_slice %arg4[%dma_start3A_347, %dma_start3A_348] : memref<2x16384xf32, #tpu.memory_space<vmem>> -> memref<1x1024xf32, #tpu.memory_space<vmem>>
    %dma_start3A_350 = tpu.memref_squeeze %dma_start3A_349 : memref<1x1024xf32, #tpu.memory_space<vmem>> -> memref<1024xf32, #tpu.memory_space<vmem>>
    %dma_start3A_351 = tpu.memref_slice %arg2[%add3A_346] : memref<16777216xf32, #tpu.memory_space<hbm>> -> memref<1024xf32, #tpu.memory_space<hbm>>
    %dma_start3A_352 = arith.constant 12288 : i32
    %dma_start3A_353 = tpu.memref_slice %arg4[%dma_start3A_347, %dma_start3A_352] : memref<2x16384xf32, #tpu.memory_space<vmem>> -> memref<1x1024xf32, #tpu.memory_space<vmem>>
    %dma_start3A_354 = tpu.memref_squeeze %dma_start3A_353 : memref<1x1024xf32, #tpu.memory_space<vmem>> -> memref<1024xf32, #tpu.memory_space<vmem>>
    %dma_start3A_355 = tpu.memref_slice %arg2[%add3A_346] : memref<16777216xf32, #tpu.memory_space<hbm>> -> memref<1024xf32, #tpu.memory_space<hbm>>
    tpu.enqueue_dma source(%dma_start3A_355 : memref<1024xf32, #tpu.memory_space<hbm>>) target(%dma_start3A_354 : memref<1024xf32, #tpu.memory_space<vmem>>) target_semaphore(%arg7 : memref<!tpu.dma_semaphore, #tpu.memory_space<semaphore_mem>>)
    %add3A_356 = arith.constant 13631488 : i32
    %add3A_357 = arith.addi %add3A_356, %add3A_212 : i32
    %dma_start3A_358 = arith.constant 1 : i32
    %dma_start3A_359 = arith.constant 13312 : i32
    %dma_start3A_360 = tpu.memref_slice %arg4[%dma_start3A_358, %dma_start3A_359] : memref<2x16384xf32, #tpu.memory_space<vmem>> -> memref<1x1024xf32, #tpu.memory_space<vmem>>
    %dma_start3A_361 = tpu.memref_squeeze %dma_start3A_360 : memref<1x1024xf32, #tpu.memory_space<vmem>> -> memref<1024xf32, #tpu.memory_space<vmem>>
    %dma_start3A_362 = tpu.memref_slice %arg2[%add3A_357] : memref<16777216xf32, #tpu.memory_space<hbm>> -> memref<1024xf32, #tpu.memory_space<hbm>>
    %dma_start3A_363 = arith.constant 13312 : i32
    %dma_start3A_364 = tpu.memref_slice %arg4[%dma_start3A_358, %dma_start3A_363] : memref<2x16384xf32, #tpu.memory_space<vmem>> -> memref<1x1024xf32, #tpu.memory_space<vmem>>
    %dma_start3A_365 = tpu.memref_squeeze %dma_start3A_364 : memref<1x1024xf32, #tpu.memory_space<vmem>> -> memref<1024xf32, #tpu.memory_space<vmem>>
    %dma_start3A_366 = tpu.memref_slice %arg2[%add3A_357] : memref<16777216xf32, #tpu.memory_space<hbm>> -> memref<1024xf32, #tpu.memory_space<hbm>>
    tpu.enqueue_dma source(%dma_start3A_366 : memref<1024xf32, #tpu.memory_space<hbm>>) target(%dma_start3A_365 : memref<1024xf32, #tpu.memory_space<vmem>>) target_semaphore(%arg7 : memref<!tpu.dma_semaphore, #tpu.memory_space<semaphore_mem>>)
    %add3A_367 = arith.constant 14680064 : i32
    %add3A_368 = arith.addi %add3A_367, %add3A_212 : i32
    %dma_start3A_369 = arith.constant 1 : i32
    %dma_start3A_370 = arith.constant 14336 : i32
    %dma_start3A_371 = tpu.memref_slice %arg4[%dma_start3A_369, %dma_start3A_370] : memref<2x16384xf32, #tpu.memory_space<vmem>> -> memref<1x1024xf32, #tpu.memory_space<vmem>>
    %dma_start3A_372 = tpu.memref_squeeze %dma_start3A_371 : memref<1x1024xf32, #tpu.memory_space<vmem>> -> memref<1024xf32, #tpu.memory_space<vmem>>
    %dma_start3A_373 = tpu.memref_slice %arg2[%add3A_368] : memref<16777216xf32, #tpu.memory_space<hbm>> -> memref<1024xf32, #tpu.memory_space<hbm>>
    %dma_start3A_374 = arith.constant 14336 : i32
    %dma_start3A_375 = tpu.memref_slice %arg4[%dma_start3A_369, %dma_start3A_374] : memref<2x16384xf32, #tpu.memory_space<vmem>> -> memref<1x1024xf32, #tpu.memory_space<vmem>>
    %dma_start3A_376 = tpu.memref_squeeze %dma_start3A_375 : memref<1x1024xf32, #tpu.memory_space<vmem>> -> memref<1024xf32, #tpu.memory_space<vmem>>
    %dma_start3A_377 = tpu.memref_slice %arg2[%add3A_368] : memref<16777216xf32, #tpu.memory_space<hbm>> -> memref<1024xf32, #tpu.memory_space<hbm>>
    tpu.enqueue_dma source(%dma_start3A_377 : memref<1024xf32, #tpu.memory_space<hbm>>) target(%dma_start3A_376 : memref<1024xf32, #tpu.memory_space<vmem>>) target_semaphore(%arg7 : memref<!tpu.dma_semaphore, #tpu.memory_space<semaphore_mem>>)
    %add3A_378 = arith.constant 15728640 : i32
    %add3A_379 = arith.addi %add3A_378, %add3A_212 : i32
    %dma_start3A_380 = arith.constant 1 : i32
    %dma_start3A_381 = arith.constant 15360 : i32
    %dma_start3A_382 = tpu.memref_slice %arg4[%dma_start3A_380, %dma_start3A_381] : memref<2x16384xf32, #tpu.memory_space<vmem>> -> memref<1x1024xf32, #tpu.memory_space<vmem>>
    %dma_start3A_383 = tpu.memref_squeeze %dma_start3A_382 : memref<1x1024xf32, #tpu.memory_space<vmem>> -> memref<1024xf32, #tpu.memory_space<vmem>>
    %dma_start3A_384 = tpu.memref_slice %arg2[%add3A_379] : memref<16777216xf32, #tpu.memory_space<hbm>> -> memref<1024xf32, #tpu.memory_space<hbm>>
    %dma_start3A_385 = arith.constant 15360 : i32
    %dma_start3A_386 = tpu.memref_slice %arg4[%dma_start3A_380, %dma_start3A_385] : memref<2x16384xf32, #tpu.memory_space<vmem>> -> memref<1x1024xf32, #tpu.memory_space<vmem>>
    %dma_start3A_387 = tpu.memref_squeeze %dma_start3A_386 : memref<1x1024xf32, #tpu.memory_space<vmem>> -> memref<1024xf32, #tpu.memory_space<vmem>>
    %dma_start3A_388 = tpu.memref_slice %arg2[%add3A_379] : memref<16777216xf32, #tpu.memory_space<hbm>> -> memref<1024xf32, #tpu.memory_space<hbm>>
    tpu.enqueue_dma source(%dma_start3A_388 : memref<1024xf32, #tpu.memory_space<hbm>>) target(%dma_start3A_387 : memref<1024xf32, #tpu.memory_space<vmem>>) target_semaphore(%arg7 : memref<!tpu.dma_semaphore, #tpu.memory_space<semaphore_mem>>)
    %scan3A = arith.constant 0 : i32
    %scan3A_389 = arith.constant 0 : i32
    %scan3A_390 = arith.constant 16 : i32
    %scan3A_391 = arith.addi %scan3A_389, %scan3A_390 : i32
    %scan3A_392 = arith.constant 1 : i32
    scf.for %scan3A_423 = %scan3A_389 to %scan3A_391 step %scan3A_392  : i32 {
      %mul3A_424 = arith.constant 2 : i32
      %mul3A_425 = arith.muli %mul3A_424, %scan3A_423 : i32
      %add3A_426 = arith.constant 0 : i32
      %add3A_427 = arith.addi %mul3A_425, %add3A_426 : i32
      %dma_wait3A_428 = arith.constant 0 : i32
      %dma_wait3A_429 = arith.constant 0 : i32
      %dma_wait3A_430 = tpu.memref_slice %arg4[%dma_wait3A_428, %dma_wait3A_429] : memref<2x16384xf32, #tpu.memory_space<vmem>> -> memref<1x16384xf32, #tpu.memory_space<vmem>>
      %dma_wait3A_431 = tpu.memref_squeeze %dma_wait3A_430 : memref<1x16384xf32, #tpu.memory_space<vmem>> -> memref<16384xf32, #tpu.memory_space<vmem>>
      %dma_wait3A_432 = arith.constant 0 : i32
      %dma_wait3A_433 = tpu.memref_slice %arg2[%dma_wait3A_432] : memref<16777216xf32, #tpu.memory_space<hbm>> -> memref<16384xf32, #tpu.memory_space<hbm>>
      %dma_wait3A_434 = arith.constant 0 : i32
      %dma_wait3A_435 = tpu.memref_slice %arg4[%dma_wait3A_428, %dma_wait3A_434] : memref<2x16384xf32, #tpu.memory_space<vmem>> -> memref<1x16384xf32, #tpu.memory_space<vmem>>
      %dma_wait3A_436 = tpu.memref_squeeze %dma_wait3A_435 : memref<1x16384xf32, #tpu.memory_space<vmem>> -> memref<16384xf32, #tpu.memory_space<vmem>>
      %dma_wait3A_437 = arith.constant 0 : i32
      %dma_wait3A_438 = tpu.memref_slice %arg2[%dma_wait3A_437] : memref<16777216xf32, #tpu.memory_space<hbm>> -> memref<16384xf32, #tpu.memory_space<hbm>>
      tpu.wait_dma2 semaphore(%arg6 : memref<!tpu.dma_semaphore, #tpu.memory_space<semaphore_mem>>) src(%dma_wait3A_438 : memref<16384xf32, #tpu.memory_space<hbm>>) dst(%dma_wait3A_436 : memref<16384xf32, #tpu.memory_space<vmem>>)
      %ge3A = arith.constant 2 : i32
      %ge3A_439 = arith.cmpi sge, %add3A_427, %ge3A : i32
      %convert_element_type3A = arith.extui %ge3A_439 : i1 to i32
      %cond3A = arith.constant 0 : i32
      %cond3A_440 = arith.cmpi ne, %convert_element_type3A, %cond3A : i32
      scf.if %cond3A_440 {
        %dma_wait3A_518 = arith.constant 0 : i32
        %dma_wait3A_519 = arith.constant 0 : i32
        %dma_wait3A_520 = arith.constant 0 : i32
        %dma_wait3A_521 = tpu.memref_slice %arg5[%dma_wait3A_518, %dma_wait3A_519, %dma_wait3A_520] : memref<2x1024x16xf32, #tpu.memory_space<vmem>> -> memref<1x1024x16xf32, #tpu.memory_space<vmem>>
        %dma_wait3A_522 = tpu.memref_squeeze %dma_wait3A_521 : memref<1x1024x16xf32, #tpu.memory_space<vmem>> -> memref<1024x16xf32, #tpu.memory_space<vmem>>
        %dma_wait3A_523 = arith.constant 0 : i32
        %dma_wait3A_524 = arith.constant 0 : i32
        %dma_wait3A_525 = tpu.memref_slice %arg3[%dma_wait3A_523, %dma_wait3A_524] : memref<1048576x16xf32, #tpu.memory_space<hbm>> -> memref<1024x16xf32, #tpu.memory_space<hbm>>
        %dma_wait3A_526 = arith.constant 0 : i32
        %dma_wait3A_527 = arith.constant 0 : i32
        %dma_wait3A_528 = tpu.memref_slice %arg3[%dma_wait3A_526, %dma_wait3A_527] : memref<1048576x16xf32, #tpu.memory_space<hbm>> -> memref<1024x16xf32, #tpu.memory_space<hbm>>
        %dma_wait3A_529 = arith.constant 0 : i32
        %dma_wait3A_530 = arith.constant 0 : i32
        %dma_wait3A_531 = tpu.memref_slice %arg5[%dma_wait3A_518, %dma_wait3A_529, %dma_wait3A_530] : memref<2x1024x16xf32, #tpu.memory_space<vmem>> -> memref<1x1024x16xf32, #tpu.memory_space<vmem>>
        %dma_wait3A_532 = tpu.memref_squeeze %dma_wait3A_531 : memref<1x1024x16xf32, #tpu.memory_space<vmem>> -> memref<1024x16xf32, #tpu.memory_space<vmem>>
        tpu.wait_dma2 semaphore(%arg8 : memref<!tpu.dma_semaphore, #tpu.memory_space<semaphore_mem>>) src(%dma_wait3A_532 : memref<1024x16xf32, #tpu.memory_space<vmem>>) dst(%dma_wait3A_528 : memref<1024x16xf32, #tpu.memory_space<hbm>>)
      } else {
      }
      %scan3A_441 = arith.constant 0 : i32
      %scan3A_442 = arith.constant 0 : i32
      %scan3A_443 = arith.constant 64 : i32
      %scan3A_444 = arith.addi %scan3A_442, %scan3A_443 : i32
      %scan3A_445 = arith.constant 1 : i32
      scf.for %scan3A_518 = %scan3A_442 to %scan3A_444 step %scan3A_445  : i32 {
        %mul3A_519 = arith.constant 16 : i32
        %mul3A_520 = arith.muli %scan3A_518, %mul3A_519 : i32
        %mul3A_521 = arith.constant 16 : i32
        %mul3A_522 = arith.muli %scan3A_518, %mul3A_521 : i32
        %add3A_523 = arith.constant 0 : i32
        %add3A_524 = arith.addi %add3A_523, %mul3A_522 : i32
        %get3A = arith.constant 0 : i32
        %get3A_525 = arith.index_cast %get3A : i32 to index
        %get3A_526 = arith.index_cast %add3A_524 : i32 to index
        %get3A_527 = tpu.vector_load %arg4[%get3A_525, %get3A_526] {strides = array<i32>} : memref<2x16384xf32, #tpu.memory_space<vmem>>, vector<16xf32>,
        %scatter3A = arith.constant 0 : i32
        %scatter3A_528 = arith.constant 0 : i32
        %scatter3A_529 = tpu.memref_slice %arg5[%scatter3A, %mul3A_520, %scatter3A_528] : memref<2x1024x16xf32, #tpu.memory_space<vmem>> -> memref<1x16x16xf32, #tpu.memory_space<vmem>>
        %scatter3A_530 = tpu.memref_squeeze %scatter3A_529 : memref<1x16x16xf32, #tpu.memory_space<vmem>> -> memref<16x16xf32, #tpu.memory_space<vmem>>
        tpu.vector_store_idx %scatter3A_530[%iota3A, %broadcast_in_dim3A_3], %get3A_527 : memref<16x16xf32, #tpu.memory_space<vmem>>[vector<16xi32>, vector<16xi32>], vector<16xf32>,
        %mul3A_531 = arith.constant 16 : i32
        %mul3A_532 = arith.muli %scan3A_518, %mul3A_531 : i32
        %add3A_533 = arith.constant 1024 : i32
        %add3A_534 = arith.addi %add3A_533, %mul3A_532 : i32
        %get3A_535 = arith.constant 0 : i32
        %get3A_536 = arith.index_cast %get3A_535 : i32 to index
        %get3A_537 = arith.index_cast %add3A_534 : i32 to index
        %get3A_538 = tpu.vector_load %arg4[%get3A_536, %get3A_537] {strides = array<i32>} : memref<2x16384xf32, #tpu.memory_space<vmem>>, vector<16xf32>,
        %scatter3A_539 = arith.constant 0 : i32
        %scatter3A_540 = arith.constant 0 : i32
        %scatter3A_541 = tpu.memref_slice %arg5[%scatter3A_539, %mul3A_520, %scatter3A_540] : memref<2x1024x16xf32, #tpu.memory_space<vmem>> -> memref<1x16x16xf32, #tpu.memory_space<vmem>>
        %scatter3A_542 = tpu.memref_squeeze %scatter3A_541 : memref<1x16x16xf32, #tpu.memory_space<vmem>> -> memref<16x16xf32, #tpu.memory_space<vmem>>
        tpu.vector_store_idx %scatter3A_542[%iota3A, %broadcast_in_dim3A_5], %get3A_538 : memref<16x16xf32, #tpu.memory_space<vmem>>[vector<16xi32>, vector<16xi32>], vector<16xf32>,
        %mul3A_543 = arith.constant 16 : i32
        %mul3A_544 = arith.muli %scan3A_518, %mul3A_543 : i32
        %add3A_545 = arith.constant 2048 : i32
        %add3A_546 = arith.addi %add3A_545, %mul3A_544 : i32
        %get3A_547 = arith.constant 0 : i32
        %get3A_548 = arith.index_cast %get3A_547 : i32 to index
        %get3A_549 = arith.index_cast %add3A_546 : i32 to index
        %get3A_550 = tpu.vector_load %arg4[%get3A_548, %get3A_549] {strides = array<i32>} : memref<2x16384xf32, #tpu.memory_space<vmem>>, vector<16xf32>,
        %scatter3A_551 = arith.constant 0 : i32
        %scatter3A_552 = arith.constant 0 : i32
        %scatter3A_553 = tpu.memref_slice %arg5[%scatter3A_551, %mul3A_520, %scatter3A_552] : memref<2x1024x16xf32, #tpu.memory_space<vmem>> -> memref<1x16x16xf32, #tpu.memory_space<vmem>>
        %scatter3A_554 = tpu.memref_squeeze %scatter3A_553 : memref<1x16x16xf32, #tpu.memory_space<vmem>> -> memref<16x16xf32, #tpu.memory_space<vmem>>
        tpu.vector_store_idx %scatter3A_554[%iota3A, %broadcast_in_dim3A_7], %get3A_550 : memref<16x16xf32, #tpu.memory_space<vmem>>[vector<16xi32>, vector<16xi32>], vector<16xf32>,
        %mul3A_555 = arith.constant 16 : i32
        %mul3A_556 = arith.muli %scan3A_518, %mul3A_555 : i32
        %add3A_557 = arith.constant 3072 : i32
        %add3A_558 = arith.addi %add3A_557, %mul3A_556 : i32
        %get3A_559 = arith.constant 0 : i32
        %get3A_560 = arith.index_cast %get3A_559 : i32 to index
        %get3A_561 = arith.index_cast %add3A_558 : i32 to index
        %get3A_562 = tpu.vector_load %arg4[%get3A_560, %get3A_561] {strides = array<i32>} : memref<2x16384xf32, #tpu.memory_space<vmem>>, vector<16xf32>,
        %scatter3A_563 = arith.constant 0 : i32
        %scatter3A_564 = arith.constant 0 : i32
        %scatter3A_565 = tpu.memref_slice %arg5[%scatter3A_563, %mul3A_520, %scatter3A_564] : memref<2x1024x16xf32, #tpu.memory_space<vmem>> -> memref<1x16x16xf32, #tpu.memory_space<vmem>>
        %scatter3A_566 = tpu.memref_squeeze %scatter3A_565 : memref<1x16x16xf32, #tpu.memory_space<vmem>> -> memref<16x16xf32, #tpu.memory_space<vmem>>
        tpu.vector_store_idx %scatter3A_566[%iota3A, %broadcast_in_dim3A_9], %get3A_562 : memref<16x16xf32, #tpu.memory_space<vmem>>[vector<16xi32>, vector<16xi32>], vector<16xf32>,
        %mul3A_567 = arith.constant 16 : i32
        %mul3A_568 = arith.muli %scan3A_518, %mul3A_567 : i32
        %add3A_569 = arith.constant 4096 : i32
        %add3A_570 = arith.addi %add3A_569, %mul3A_568 : i32
        %get3A_571 = arith.constant 0 : i32
        %get3A_572 = arith.index_cast %get3A_571 : i32 to index
        %get3A_573 = arith.index_cast %add3A_570 : i32 to index
        %get3A_574 = tpu.vector_load %arg4[%get3A_572, %get3A_573] {strides = array<i32>} : memref<2x16384xf32, #tpu.memory_space<vmem>>, vector<16xf32>,
        %scatter3A_575 = arith.constant 0 : i32
        %scatter3A_576 = arith.constant 0 : i32
        %scatter3A_577 = tpu.memref_slice %arg5[%scatter3A_575, %mul3A_520, %scatter3A_576] : memref<2x1024x16xf32, #tpu.memory_space<vmem>> -> memref<1x16x16xf32, #tpu.memory_space<vmem>>
        %scatter3A_578 = tpu.memref_squeeze %scatter3A_577 : memref<1x16x16xf32, #tpu.memory_space<vmem>> -> memref<16x16xf32, #tpu.memory_space<vmem>>
        tpu.vector_store_idx %scatter3A_578[%iota3A, %broadcast_in_dim3A_11], %get3A_574 : memref<16x16xf32, #tpu.memory_space<vmem>>[vector<16xi32>, vector<16xi32>], vector<16xf32>,
        %mul3A_579 = arith.constant 16 : i32
        %mul3A_580 = arith.muli %scan3A_518, %mul3A_579 : i32
        %add3A_581 = arith.constant 5120 : i32
        %add3A_582 = arith.addi %add3A_581, %mul3A_580 : i32
        %get3A_583 = arith.constant 0 : i32
        %get3A_584 = arith.index_cast %get3A_583 : i32 to index
        %get3A_585 = arith.index_cast %add3A_582 : i32 to index
        %get3A_586 = tpu.vector_load %arg4[%get3A_584, %get3A_585] {strides = array<i32>} : memref<2x16384xf32, #tpu.memory_space<vmem>>, vector<16xf32>,
        %scatter3A_587 = arith.constant 0 : i32
        %scatter3A_588 = arith.constant 0 : i32
        %scatter3A_589 = tpu.memref_slice %arg5[%scatter3A_587, %mul3A_520, %scatter3A_588] : memref<2x1024x16xf32, #tpu.memory_space<vmem>> -> memref<1x16x16xf32, #tpu.memory_space<vmem>>
        %scatter3A_590 = tpu.memref_squeeze %scatter3A_589 : memref<1x16x16xf32, #tpu.memory_space<vmem>> -> memref<16x16xf32, #tpu.memory_space<vmem>>
        tpu.vector_store_idx %scatter3A_590[%iota3A, %broadcast_in_dim3A_13], %get3A_586 : memref<16x16xf32, #tpu.memory_space<vmem>>[vector<16xi32>, vector<16xi32>], vector<16xf32>,
        %mul3A_591 = arith.constant 16 : i32
        %mul3A_592 = arith.muli %scan3A_518, %mul3A_591 : i32
        %add3A_593 = arith.constant 6144 : i32
        %add3A_594 = arith.addi %add3A_593, %mul3A_592 : i32
        %get3A_595 = arith.constant 0 : i32
        %get3A_596 = arith.index_cast %get3A_595 : i32 to index
        %get3A_597 = arith.index_cast %add3A_594 : i32 to index
        %get3A_598 = tpu.vector_load %arg4[%get3A_596, %get3A_597] {strides = array<i32>} : memref<2x16384xf32, #tpu.memory_space<vmem>>, vector<16xf32>,
        %scatter3A_599 = arith.constant 0 : i32
        %scatter3A_600 = arith.constant 0 : i32
        %scatter3A_601 = tpu.memref_slice %arg5[%scatter3A_599, %mul3A_520, %scatter3A_600] : memref<2x1024x16xf32, #tpu.memory_space<vmem>> -> memref<1x16x16xf32, #tpu.memory_space<vmem>>
        %scatter3A_602 = tpu.memref_squeeze %scatter3A_601 : memref<1x16x16xf32, #tpu.memory_space<vmem>> -> memref<16x16xf32, #tpu.memory_space<vmem>>
        tpu.vector_store_idx %scatter3A_602[%iota3A, %broadcast_in_dim3A_15], %get3A_598 : memref<16x16xf32, #tpu.memory_space<vmem>>[vector<16xi32>, vector<16xi32>], vector<16xf32>,
        %mul3A_603 = arith.constant 16 : i32
        %mul3A_604 = arith.muli %scan3A_518, %mul3A_603 : i32
        %add3A_605 = arith.constant 7168 : i32
        %add3A_606 = arith.addi %add3A_605, %mul3A_604 : i32
        %get3A_607 = arith.constant 0 : i32
        %get3A_608 = arith.index_cast %get3A_607 : i32 to index
        %get3A_609 = arith.index_cast %add3A_606 : i32 to index
        %get3A_610 = tpu.vector_load %arg4[%get3A_608, %get3A_609] {strides = array<i32>} : memref<2x16384xf32, #tpu.memory_space<vmem>>, vector<16xf32>,
        %scatter3A_611 = arith.constant 0 : i32
        %scatter3A_612 = arith.constant 0 : i32
        %scatter3A_613 = tpu.memref_slice %arg5[%scatter3A_611, %mul3A_520, %scatter3A_612] : memref<2x1024x16xf32, #tpu.memory_space<vmem>> -> memref<1x16x16xf32, #tpu.memory_space<vmem>>
        %scatter3A_614 = tpu.memref_squeeze %scatter3A_613 : memref<1x16x16xf32, #tpu.memory_space<vmem>> -> memref<16x16xf32, #tpu.memory_space<vmem>>
        tpu.vector_store_idx %scatter3A_614[%iota3A, %broadcast_in_dim3A_17], %get3A_610 : memref<16x16xf32, #tpu.memory_space<vmem>>[vector<16xi32>, vector<16xi32>], vector<16xf32>,
        %mul3A_615 = arith.constant 16 : i32
        %mul3A_616 = arith.muli %scan3A_518, %mul3A_615 : i32
        %add3A_617 = arith.constant 8192 : i32
        %add3A_618 = arith.addi %add3A_617, %mul3A_616 : i32
        %get3A_619 = arith.constant 0 : i32
        %get3A_620 = arith.index_cast %get3A_619 : i32 to index
        %get3A_621 = arith.index_cast %add3A_618 : i32 to index
        %get3A_622 = tpu.vector_load %arg4[%get3A_620, %get3A_621] {strides = array<i32>} : memref<2x16384xf32, #tpu.memory_space<vmem>>, vector<16xf32>,
        %scatter3A_623 = arith.constant 0 : i32
        %scatter3A_624 = arith.constant 0 : i32
        %scatter3A_625 = tpu.memref_slice %arg5[%scatter3A_623, %mul3A_520, %scatter3A_624] : memref<2x1024x16xf32, #tpu.memory_space<vmem>> -> memref<1x16x16xf32, #tpu.memory_space<vmem>>
        %scatter3A_626 = tpu.memref_squeeze %scatter3A_625 : memref<1x16x16xf32, #tpu.memory_space<vmem>> -> memref<16x16xf32, #tpu.memory_space<vmem>>
        tpu.vector_store_idx %scatter3A_626[%iota3A, %broadcast_in_dim3A_19], %get3A_622 : memref<16x16xf32, #tpu.memory_space<vmem>>[vector<16xi32>, vector<16xi32>], vector<16xf32>,
        %mul3A_627 = arith.constant 16 : i32
        %mul3A_628 = arith.muli %scan3A_518, %mul3A_627 : i32
        %add3A_629 = arith.constant 9216 : i32
        %add3A_630 = arith.addi %add3A_629, %mul3A_628 : i32
        %get3A_631 = arith.constant 0 : i32
        %get3A_632 = arith.index_cast %get3A_631 : i32 to index
        %get3A_633 = arith.index_cast %add3A_630 : i32 to index
        %get3A_634 = tpu.vector_load %arg4[%get3A_632, %get3A_633] {strides = array<i32>} : memref<2x16384xf32, #tpu.memory_space<vmem>>, vector<16xf32>,
        %scatter3A_635 = arith.constant 0 : i32
        %scatter3A_636 = arith.constant 0 : i32
        %scatter3A_637 = tpu.memref_slice %arg5[%scatter3A_635, %mul3A_520, %scatter3A_636] : memref<2x1024x16xf32, #tpu.memory_space<vmem>> -> memref<1x16x16xf32, #tpu.memory_space<vmem>>
        %scatter3A_638 = tpu.memref_squeeze %scatter3A_637 : memref<1x16x16xf32, #tpu.memory_space<vmem>> -> memref<16x16xf32, #tpu.memory_space<vmem>>
        tpu.vector_store_idx %scatter3A_638[%iota3A, %broadcast_in_dim3A_21], %get3A_634 : memref<16x16xf32, #tpu.memory_space<vmem>>[vector<16xi32>, vector<16xi32>], vector<16xf32>,
        %mul3A_639 = arith.constant 16 : i32
        %mul3A_640 = arith.muli %scan3A_518, %mul3A_639 : i32
        %add3A_641 = arith.constant 10240 : i32
        %add3A_642 = arith.addi %add3A_641, %mul3A_640 : i32
        %get3A_643 = arith.constant 0 : i32
        %get3A_644 = arith.index_cast %get3A_643 : i32 to index
        %get3A_645 = arith.index_cast %add3A_642 : i32 to index
        %get3A_646 = tpu.vector_load %arg4[%get3A_644, %get3A_645] {strides = array<i32>} : memref<2x16384xf32, #tpu.memory_space<vmem>>, vector<16xf32>,
        %scatter3A_647 = arith.constant 0 : i32
        %scatter3A_648 = arith.constant 0 : i32
        %scatter3A_649 = tpu.memref_slice %arg5[%scatter3A_647, %mul3A_520, %scatter3A_648] : memref<2x1024x16xf32, #tpu.memory_space<vmem>> -> memref<1x16x16xf32, #tpu.memory_space<vmem>>
        %scatter3A_650 = tpu.memref_squeeze %scatter3A_649 : memref<1x16x16xf32, #tpu.memory_space<vmem>> -> memref<16x16xf32, #tpu.memory_space<vmem>>
        tpu.vector_store_idx %scatter3A_650[%iota3A, %broadcast_in_dim3A_23], %get3A_646 : memref<16x16xf32, #tpu.memory_space<vmem>>[vector<16xi32>, vector<16xi32>], vector<16xf32>,
        %mul3A_651 = arith.constant 16 : i32
        %mul3A_652 = arith.muli %scan3A_518, %mul3A_651 : i32
        %add3A_653 = arith.constant 11264 : i32
        %add3A_654 = arith.addi %add3A_653, %mul3A_652 : i32
        %get3A_655 = arith.constant 0 : i32
        %get3A_656 = arith.index_cast %get3A_655 : i32 to index
        %get3A_657 = arith.index_cast %add3A_654 : i32 to index
        %get3A_658 = tpu.vector_load %arg4[%get3A_656, %get3A_657] {strides = array<i32>} : memref<2x16384xf32, #tpu.memory_space<vmem>>, vector<16xf32>,
        %scatter3A_659 = arith.constant 0 : i32
        %scatter3A_660 = arith.constant 0 : i32
        %scatter3A_661 = tpu.memref_slice %arg5[%scatter3A_659, %mul3A_520, %scatter3A_660] : memref<2x1024x16xf32, #tpu.memory_space<vmem>> -> memref<1x16x16xf32, #tpu.memory_space<vmem>>
        %scatter3A_662 = tpu.memref_squeeze %scatter3A_661 : memref<1x16x16xf32, #tpu.memory_space<vmem>> -> memref<16x16xf32, #tpu.memory_space<vmem>>
        tpu.vector_store_idx %scatter3A_662[%iota3A, %broadcast_in_dim3A_25], %get3A_658 : memref<16x16xf32, #tpu.memory_space<vmem>>[vector<16xi32>, vector<16xi32>], vector<16xf32>,
        %mul3A_663 = arith.constant 16 : i32
        %mul3A_664 = arith.muli %scan3A_518, %mul3A_663 : i32
        %add3A_665 = arith.constant 12288 : i32
        %add3A_666 = arith.addi %add3A_665, %mul3A_664 : i32
        %get3A_667 = arith.constant 0 : i32
        %get3A_668 = arith.index_cast %get3A_667 : i32 to index
        %get3A_669 = arith.index_cast %add3A_666 : i32 to index
        %get3A_670 = tpu.vector_load %arg4[%get3A_668, %get3A_669] {strides = array<i32>} : memref<2x16384xf32, #tpu.memory_space<vmem>>, vector<16xf32>,
        %scatter3A_671 = arith.constant 0 : i32
        %scatter3A_672 = arith.constant 0 : i32
        %scatter3A_673 = tpu.memref_slice %arg5[%scatter3A_671, %mul3A_520, %scatter3A_672] : memref<2x1024x16xf32, #tpu.memory_space<vmem>> -> memref<1x16x16xf32, #tpu.memory_space<vmem>>
        %scatter3A_674 = tpu.memref_squeeze %scatter3A_673 : memref<1x16x16xf32, #tpu.memory_space<vmem>> -> memref<16x16xf32, #tpu.memory_space<vmem>>
        tpu.vector_store_idx %scatter3A_674[%iota3A, %broadcast_in_dim3A_27], %get3A_670 : memref<16x16xf32, #tpu.memory_space<vmem>>[vector<16xi32>, vector<16xi32>], vector<16xf32>,
        %mul3A_675 = arith.constant 16 : i32
        %mul3A_676 = arith.muli %scan3A_518, %mul3A_675 : i32
        %add3A_677 = arith.constant 13312 : i32
        %add3A_678 = arith.addi %add3A_677, %mul3A_676 : i32
        %get3A_679 = arith.constant 0 : i32
        %get3A_680 = arith.index_cast %get3A_679 : i32 to index
        %get3A_681 = arith.index_cast %add3A_678 : i32 to index
        %get3A_682 = tpu.vector_load %arg4[%get3A_680, %get3A_681] {strides = array<i32>} : memref<2x16384xf32, #tpu.memory_space<vmem>>, vector<16xf32>,
        %scatter3A_683 = arith.constant 0 : i32
        %scatter3A_684 = arith.constant 0 : i32
        %scatter3A_685 = tpu.memref_slice %arg5[%scatter3A_683, %mul3A_520, %scatter3A_684] : memref<2x1024x16xf32, #tpu.memory_space<vmem>> -> memref<1x16x16xf32, #tpu.memory_space<vmem>>
        %scatter3A_686 = tpu.memref_squeeze %scatter3A_685 : memref<1x16x16xf32, #tpu.memory_space<vmem>> -> memref<16x16xf32, #tpu.memory_space<vmem>>
        tpu.vector_store_idx %scatter3A_686[%iota3A, %broadcast_in_dim3A_29], %get3A_682 : memref<16x16xf32, #tpu.memory_space<vmem>>[vector<16xi32>, vector<16xi32>], vector<16xf32>,
        %mul3A_687 = arith.constant 16 : i32
        %mul3A_688 = arith.muli %scan3A_518, %mul3A_687 : i32
        %add3A_689 = arith.constant 14336 : i32
        %add3A_690 = arith.addi %add3A_689, %mul3A_688 : i32
        %get3A_691 = arith.constant 0 : i32
        %get3A_692 = arith.index_cast %get3A_691 : i32 to index
        %get3A_693 = arith.index_cast %add3A_690 : i32 to index
        %get3A_694 = tpu.vector_load %arg4[%get3A_692, %get3A_693] {strides = array<i32>} : memref<2x16384xf32, #tpu.memory_space<vmem>>, vector<16xf32>,
        %scatter3A_695 = arith.constant 0 : i32
        %scatter3A_696 = arith.constant 0 : i32
        %scatter3A_697 = tpu.memref_slice %arg5[%scatter3A_695, %mul3A_520, %scatter3A_696] : memref<2x1024x16xf32, #tpu.memory_space<vmem>> -> memref<1x16x16xf32, #tpu.memory_space<vmem>>
        %scatter3A_698 = tpu.memref_squeeze %scatter3A_697 : memref<1x16x16xf32, #tpu.memory_space<vmem>> -> memref<16x16xf32, #tpu.memory_space<vmem>>
        tpu.vector_store_idx %scatter3A_698[%iota3A, %broadcast_in_dim3A_31], %get3A_694 : memref<16x16xf32, #tpu.memory_space<vmem>>[vector<16xi32>, vector<16xi32>], vector<16xf32>,
        %mul3A_699 = arith.constant 16 : i32
        %mul3A_700 = arith.muli %scan3A_518, %mul3A_699 : i32
        %add3A_701 = arith.constant 15360 : i32
        %add3A_702 = arith.addi %add3A_701, %mul3A_700 : i32
        %get3A_703 = arith.constant 0 : i32
        %get3A_704 = arith.index_cast %get3A_703 : i32 to index
        %get3A_705 = arith.index_cast %add3A_702 : i32 to index
        %get3A_706 = tpu.vector_load %arg4[%get3A_704, %get3A_705] {strides = array<i32>} : memref<2x16384xf32, #tpu.memory_space<vmem>>, vector<16xf32>,
        %scatter3A_707 = arith.constant 0 : i32
        %scatter3A_708 = arith.constant 0 : i32
        %scatter3A_709 = tpu.memref_slice %arg5[%scatter3A_707, %mul3A_520, %scatter3A_708] : memref<2x1024x16xf32, #tpu.memory_space<vmem>> -> memref<1x16x16xf32, #tpu.memory_space<vmem>>
        %scatter3A_710 = tpu.memref_squeeze %scatter3A_709 : memref<1x16x16xf32, #tpu.memory_space<vmem>> -> memref<16x16xf32, #tpu.memory_space<vmem>>
        tpu.vector_store_idx %scatter3A_710[%iota3A, %broadcast_in_dim3A_33], %get3A_706 : memref<16x16xf32, #tpu.memory_space<vmem>>[vector<16xi32>, vector<16xi32>], vector<16xf32>,
      }
      %scan3A_446 = arith.constant 64 : i32
      %add3A_447 = arith.constant 2 : i32
      %add3A_448 = arith.addi %add3A_427, %add3A_447 : i32
      %lt3A = arith.constant 32 : i32
      %lt3A_449 = arith.cmpi slt, %add3A_448, %lt3A : i32
      %convert_element_type3A_450 = arith.extui %lt3A_449 : i1 to i32
      %cond3A_451 = arith.constant 0 : i32
      %cond3A_452 = arith.cmpi ne, %convert_element_type3A_450, %cond3A_451 : i32
      scf.if %cond3A_452 {
        %add3A_518 = arith.constant 2 : i32
        %add3A_519 = arith.addi %add3A_427, %add3A_518 : i32
        %mul3A_520 = arith.constant 1024 : i32
        %mul3A_521 = arith.muli %add3A_519, %mul3A_520 : i32
        %add3A_522 = arith.addi %mul3A_2, %mul3A_521 : i32
        %add3A_523 = arith.constant 0 : i32
        %add3A_524 = arith.addi %add3A_523, %add3A_522 : i32
        %dma_start3A_525 = arith.constant 0 : i32
        %dma_start3A_526 = arith.constant 0 : i32
        %dma_start3A_527 = tpu.memref_slice %arg4[%dma_start3A_525, %dma_start3A_526] : memref<2x16384xf32, #tpu.memory_space<vmem>> -> memref<1x1024xf32, #tpu.memory_space<vmem>>
        %dma_start3A_528 = tpu.memref_squeeze %dma_start3A_527 : memref<1x1024xf32, #tpu.memory_space<vmem>> -> memref<1024xf32, #tpu.memory_space<vmem>>
        %dma_start3A_529 = tpu.memref_slice %arg2[%add3A_524] : memref<16777216xf32, #tpu.memory_space<hbm>> -> memref<1024xf32, #tpu.memory_space<hbm>>
        %dma_start3A_530 = arith.constant 0 : i32
        %dma_start3A_531 = tpu.memref_slice %arg4[%dma_start3A_525, %dma_start3A_530] : memref<2x16384xf32, #tpu.memory_space<vmem>> -> memref<1x1024xf32, #tpu.memory_space<vmem>>
        %dma_start3A_532 = tpu.memref_squeeze %dma_start3A_531 : memref<1x1024xf32, #tpu.memory_space<vmem>> -> memref<1024xf32, #tpu.memory_space<vmem>>
        %dma_start3A_533 = tpu.memref_slice %arg2[%add3A_524] : memref<16777216xf32, #tpu.memory_space<hbm>> -> memref<1024xf32, #tpu.memory_space<hbm>>
        tpu.enqueue_dma source(%dma_start3A_533 : memref<1024xf32, #tpu.memory_space<hbm>>) target(%dma_start3A_532 : memref<1024xf32, #tpu.memory_space<vmem>>) target_semaphore(%arg6 : memref<!tpu.dma_semaphore, #tpu.memory_space<semaphore_mem>>)
        %add3A_534 = arith.constant 1048576 : i32
        %add3A_535 = arith.addi %add3A_534, %add3A_522 : i32
        %dma_start3A_536 = arith.constant 0 : i32
        %dma_start3A_537 = arith.constant 1024 : i32
        %dma_start3A_538 = tpu.memref_slice %arg4[%dma_start3A_536, %dma_start3A_537] : memref<2x16384xf32, #tpu.memory_space<vmem>> -> memref<1x1024xf32, #tpu.memory_space<vmem>>
        %dma_start3A_539 = tpu.memref_squeeze %dma_start3A_538 : memref<1x1024xf32, #tpu.memory_space<vmem>> -> memref<1024xf32, #tpu.memory_space<vmem>>
        %dma_start3A_540 = tpu.memref_slice %arg2[%add3A_535] : memref<16777216xf32, #tpu.memory_space<hbm>> -> memref<1024xf32, #tpu.memory_space<hbm>>
        %dma_start3A_541 = arith.constant 1024 : i32
        %dma_start3A_542 = tpu.memref_slice %arg4[%dma_start3A_536, %dma_start3A_541] : memref<2x16384xf32, #tpu.memory_space<vmem>> -> memref<1x1024xf32, #tpu.memory_space<vmem>>
        %dma_start3A_543 = tpu.memref_squeeze %dma_start3A_542 : memref<1x1024xf32, #tpu.memory_space<vmem>> -> memref<1024xf32, #tpu.memory_space<vmem>>
        %dma_start3A_544 = tpu.memref_slice %arg2[%add3A_535] : memref<16777216xf32, #tpu.memory_space<hbm>> -> memref<1024xf32, #tpu.memory_space<hbm>>
        tpu.enqueue_dma source(%dma_start3A_544 : memref<1024xf32, #tpu.memory_space<hbm>>) target(%dma_start3A_543 : memref<1024xf32, #tpu.memory_space<vmem>>) target_semaphore(%arg6 : memref<!tpu.dma_semaphore, #tpu.memory_space<semaphore_mem>>)
        %add3A_545 = arith.constant 2097152 : i32
        %add3A_546 = arith.addi %add3A_545, %add3A_522 : i32
        %dma_start3A_547 = arith.constant 0 : i32
        %dma_start3A_548 = arith.constant 2048 : i32
        %dma_start3A_549 = tpu.memref_slice %arg4[%dma_start3A_547, %dma_start3A_548] : memref<2x16384xf32, #tpu.memory_space<vmem>> -> memref<1x1024xf32, #tpu.memory_space<vmem>>
        %dma_start3A_550 = tpu.memref_squeeze %dma_start3A_549 : memref<1x1024xf32, #tpu.memory_space<vmem>> -> memref<1024xf32, #tpu.memory_space<vmem>>
        %dma_start3A_551 = tpu.memref_slice %arg2[%add3A_546] : memref<16777216xf32, #tpu.memory_space<hbm>> -> memref<1024xf32, #tpu.memory_space<hbm>>
        %dma_start3A_552 = arith.constant 2048 : i32
        %dma_start3A_553 = tpu.memref_slice %arg4[%dma_start3A_547, %dma_start3A_552] : memref<2x16384xf32, #tpu.memory_space<vmem>> -> memref<1x1024xf32, #tpu.memory_space<vmem>>
        %dma_start3A_554 = tpu.memref_squeeze %dma_start3A_553 : memref<1x1024xf32, #tpu.memory_space<vmem>> -> memref<1024xf32, #tpu.memory_space<vmem>>
        %dma_start3A_555 = tpu.memref_slice %arg2[%add3A_546] : memref<16777216xf32, #tpu.memory_space<hbm>> -> memref<1024xf32, #tpu.memory_space<hbm>>
        tpu.enqueue_dma source(%dma_start3A_555 : memref<1024xf32, #tpu.memory_space<hbm>>) target(%dma_start3A_554 : memref<1024xf32, #tpu.memory_space<vmem>>) target_semaphore(%arg6 : memref<!tpu.dma_semaphore, #tpu.memory_space<semaphore_mem>>)
        %add3A_556 = arith.constant 3145728 : i32
        %add3A_557 = arith.addi %add3A_556, %add3A_522 : i32
        %dma_start3A_558 = arith.constant 0 : i32
        %dma_start3A_559 = arith.constant 3072 : i32
        %dma_start3A_560 = tpu.memref_slice %arg4[%dma_start3A_558, %dma_start3A_559] : memref<2x16384xf32, #tpu.memory_space<vmem>> -> memref<1x1024xf32, #tpu.memory_space<vmem>>
        %dma_start3A_561 = tpu.memref_squeeze %dma_start3A_560 : memref<1x1024xf32, #tpu.memory_space<vmem>> -> memref<1024xf32, #tpu.memory_space<vmem>>
        %dma_start3A_562 = tpu.memref_slice %arg2[%add3A_557] : memref<16777216xf32, #tpu.memory_space<hbm>> -> memref<1024xf32, #tpu.memory_space<hbm>>
        %dma_start3A_563 = arith.constant 3072 : i32
        %dma_start3A_564 = tpu.memref_slice %arg4[%dma_start3A_558, %dma_start3A_563] : memref<2x16384xf32, #tpu.memory_space<vmem>> -> memref<1x1024xf32, #tpu.memory_space<vmem>>
        %dma_start3A_565 = tpu.memref_squeeze %dma_start3A_564 : memref<1x1024xf32, #tpu.memory_space<vmem>> -> memref<1024xf32, #tpu.memory_space<vmem>>
        %dma_start3A_566 = tpu.memref_slice %arg2[%add3A_557] : memref<16777216xf32, #tpu.memory_space<hbm>> -> memref<1024xf32, #tpu.memory_space<hbm>>
        tpu.enqueue_dma source(%dma_start3A_566 : memref<1024xf32, #tpu.memory_space<hbm>>) target(%dma_start3A_565 : memref<1024xf32, #tpu.memory_space<vmem>>) target_semaphore(%arg6 : memref<!tpu.dma_semaphore, #tpu.memory_space<semaphore_mem>>)
        %add3A_567 = arith.constant 4194304 : i32
        %add3A_568 = arith.addi %add3A_567, %add3A_522 : i32
        %dma_start3A_569 = arith.constant 0 : i32
        %dma_start3A_570 = arith.constant 4096 : i32
        %dma_start3A_571 = tpu.memref_slice %arg4[%dma_start3A_569, %dma_start3A_570] : memref<2x16384xf32, #tpu.memory_space<vmem>> -> memref<1x1024xf32, #tpu.memory_space<vmem>>
        %dma_start3A_572 = tpu.memref_squeeze %dma_start3A_571 : memref<1x1024xf32, #tpu.memory_space<vmem>> -> memref<1024xf32, #tpu.memory_space<vmem>>
        %dma_start3A_573 = tpu.memref_slice %arg2[%add3A_568] : memref<16777216xf32, #tpu.memory_space<hbm>> -> memref<1024xf32, #tpu.memory_space<hbm>>
        %dma_start3A_574 = arith.constant 4096 : i32
        %dma_start3A_575 = tpu.memref_slice %arg4[%dma_start3A_569, %dma_start3A_574] : memref<2x16384xf32, #tpu.memory_space<vmem>> -> memref<1x1024xf32, #tpu.memory_space<vmem>>
        %dma_start3A_576 = tpu.memref_squeeze %dma_start3A_575 : memref<1x1024xf32, #tpu.memory_space<vmem>> -> memref<1024xf32, #tpu.memory_space<vmem>>
        %dma_start3A_577 = tpu.memref_slice %arg2[%add3A_568] : memref<16777216xf32, #tpu.memory_space<hbm>> -> memref<1024xf32, #tpu.memory_space<hbm>>
        tpu.enqueue_dma source(%dma_start3A_577 : memref<1024xf32, #tpu.memory_space<hbm>>) target(%dma_start3A_576 : memref<1024xf32, #tpu.memory_space<vmem>>) target_semaphore(%arg6 : memref<!tpu.dma_semaphore, #tpu.memory_space<semaphore_mem>>)
        %add3A_578 = arith.constant 5242880 : i32
        %add3A_579 = arith.addi %add3A_578, %add3A_522 : i32
        %dma_start3A_580 = arith.constant 0 : i32
        %dma_start3A_581 = arith.constant 5120 : i32
        %dma_start3A_582 = tpu.memref_slice %arg4[%dma_start3A_580, %dma_start3A_581] : memref<2x16384xf32, #tpu.memory_space<vmem>> -> memref<1x1024xf32, #tpu.memory_space<vmem>>
        %dma_start3A_583 = tpu.memref_squeeze %dma_start3A_582 : memref<1x1024xf32, #tpu.memory_space<vmem>> -> memref<1024xf32, #tpu.memory_space<vmem>>
        %dma_start3A_584 = tpu.memref_slice %arg2[%add3A_579] : memref<16777216xf32, #tpu.memory_space<hbm>> -> memref<1024xf32, #tpu.memory_space<hbm>>
        %dma_start3A_585 = arith.constant 5120 : i32
        %dma_start3A_586 = tpu.memref_slice %arg4[%dma_start3A_580, %dma_start3A_585] : memref<2x16384xf32, #tpu.memory_space<vmem>> -> memref<1x1024xf32, #tpu.memory_space<vmem>>
        %dma_start3A_587 = tpu.memref_squeeze %dma_start3A_586 : memref<1x1024xf32, #tpu.memory_space<vmem>> -> memref<1024xf32, #tpu.memory_space<vmem>>
        %dma_start3A_588 = tpu.memref_slice %arg2[%add3A_579] : memref<16777216xf32, #tpu.memory_space<hbm>> -> memref<1024xf32, #tpu.memory_space<hbm>>
        tpu.enqueue_dma source(%dma_start3A_588 : memref<1024xf32, #tpu.memory_space<hbm>>) target(%dma_start3A_587 : memref<1024xf32, #tpu.memory_space<vmem>>) target_semaphore(%arg6 : memref<!tpu.dma_semaphore, #tpu.memory_space<semaphore_mem>>)
        %add3A_589 = arith.constant 6291456 : i32
        %add3A_590 = arith.addi %add3A_589, %add3A_522 : i32
        %dma_start3A_591 = arith.constant 0 : i32
        %dma_start3A_592 = arith.constant 6144 : i32
        %dma_start3A_593 = tpu.memref_slice %arg4[%dma_start3A_591, %dma_start3A_592] : memref<2x16384xf32, #tpu.memory_space<vmem>> -> memref<1x1024xf32, #tpu.memory_space<vmem>>
        %dma_start3A_594 = tpu.memref_squeeze %dma_start3A_593 : memref<1x1024xf32, #tpu.memory_space<vmem>> -> memref<1024xf32, #tpu.memory_space<vmem>>
        %dma_start3A_595 = tpu.memref_slice %arg2[%add3A_590] : memref<16777216xf32, #tpu.memory_space<hbm>> -> memref<1024xf32, #tpu.memory_space<hbm>>
        %dma_start3A_596 = arith.constant 6144 : i32
        %dma_start3A_597 = tpu.memref_slice %arg4[%dma_start3A_591, %dma_start3A_596] : memref<2x16384xf32, #tpu.memory_space<vmem>> -> memref<1x1024xf32, #tpu.memory_space<vmem>>
        %dma_start3A_598 = tpu.memref_squeeze %dma_start3A_597 : memref<1x1024xf32, #tpu.memory_space<vmem>> -> memref<1024xf32, #tpu.memory_space<vmem>>
        %dma_start3A_599 = tpu.memref_slice %arg2[%add3A_590] : memref<16777216xf32, #tpu.memory_space<hbm>> -> memref<1024xf32, #tpu.memory_space<hbm>>
        tpu.enqueue_dma source(%dma_start3A_599 : memref<1024xf32, #tpu.memory_space<hbm>>) target(%dma_start3A_598 : memref<1024xf32, #tpu.memory_space<vmem>>) target_semaphore(%arg6 : memref<!tpu.dma_semaphore, #tpu.memory_space<semaphore_mem>>)
        %add3A_600 = arith.constant 7340032 : i32
        %add3A_601 = arith.addi %add3A_600, %add3A_522 : i32
        %dma_start3A_602 = arith.constant 0 : i32
        %dma_start3A_603 = arith.constant 7168 : i32
        %dma_start3A_604 = tpu.memref_slice %arg4[%dma_start3A_602, %dma_start3A_603] : memref<2x16384xf32, #tpu.memory_space<vmem>> -> memref<1x1024xf32, #tpu.memory_space<vmem>>
        %dma_start3A_605 = tpu.memref_squeeze %dma_start3A_604 : memref<1x1024xf32, #tpu.memory_space<vmem>> -> memref<1024xf32, #tpu.memory_space<vmem>>
        %dma_start3A_606 = tpu.memref_slice %arg2[%add3A_601] : memref<16777216xf32, #tpu.memory_space<hbm>> -> memref<1024xf32, #tpu.memory_space<hbm>>
        %dma_start3A_607 = arith.constant 7168 : i32
        %dma_start3A_608 = tpu.memref_slice %arg4[%dma_start3A_602, %dma_start3A_607] : memref<2x16384xf32, #tpu.memory_space<vmem>> -> memref<1x1024xf32, #tpu.memory_space<vmem>>
        %dma_start3A_609 = tpu.memref_squeeze %dma_start3A_608 : memref<1x1024xf32, #tpu.memory_space<vmem>> -> memref<1024xf32, #tpu.memory_space<vmem>>
        %dma_start3A_610 = tpu.memref_slice %arg2[%add3A_601] : memref<16777216xf32, #tpu.memory_space<hbm>> -> memref<1024xf32, #tpu.memory_space<hbm>>
        tpu.enqueue_dma source(%dma_start3A_610 : memref<1024xf32, #tpu.memory_space<hbm>>) target(%dma_start3A_609 : memref<1024xf32, #tpu.memory_space<vmem>>) target_semaphore(%arg6 : memref<!tpu.dma_semaphore, #tpu.memory_space<semaphore_mem>>)
        %add3A_611 = arith.constant 8388608 : i32
        %add3A_612 = arith.addi %add3A_611, %add3A_522 : i32
        %dma_start3A_613 = arith.constant 0 : i32
        %dma_start3A_614 = arith.constant 8192 : i32
        %dma_start3A_615 = tpu.memref_slice %arg4[%dma_start3A_613, %dma_start3A_614] : memref<2x16384xf32, #tpu.memory_space<vmem>> -> memref<1x1024xf32, #tpu.memory_space<vmem>>
        %dma_start3A_616 = tpu.memref_squeeze %dma_start3A_615 : memref<1x1024xf32, #tpu.memory_space<vmem>> -> memref<1024xf32, #tpu.memory_space<vmem>>
        %dma_start3A_617 = tpu.memref_slice %arg2[%add3A_612] : memref<16777216xf32, #tpu.memory_space<hbm>> -> memref<1024xf32, #tpu.memory_space<hbm>>
        %dma_start3A_618 = arith.constant 8192 : i32
        %dma_start3A_619 = tpu.memref_slice %arg4[%dma_start3A_613, %dma_start3A_618] : memref<2x16384xf32, #tpu.memory_space<vmem>> -> memref<1x1024xf32, #tpu.memory_space<vmem>>
        %dma_start3A_620 = tpu.memref_squeeze %dma_start3A_619 : memref<1x1024xf32, #tpu.memory_space<vmem>> -> memref<1024xf32, #tpu.memory_space<vmem>>
        %dma_start3A_621 = tpu.memref_slice %arg2[%add3A_612] : memref<16777216xf32, #tpu.memory_space<hbm>> -> memref<1024xf32, #tpu.memory_space<hbm>>
        tpu.enqueue_dma source(%dma_start3A_621 : memref<1024xf32, #tpu.memory_space<hbm>>) target(%dma_start3A_620 : memref<1024xf32, #tpu.memory_space<vmem>>) target_semaphore(%arg6 : memref<!tpu.dma_semaphore, #tpu.memory_space<semaphore_mem>>)
        %add3A_622 = arith.constant 9437184 : i32
        %add3A_623 = arith.addi %add3A_622, %add3A_522 : i32
        %dma_start3A_624 = arith.constant 0 : i32
        %dma_start3A_625 = arith.constant 9216 : i32
        %dma_start3A_626 = tpu.memref_slice %arg4[%dma_start3A_624, %dma_start3A_625] : memref<2x16384xf32, #tpu.memory_space<vmem>> -> memref<1x1024xf32, #tpu.memory_space<vmem>>
        %dma_start3A_627 = tpu.memref_squeeze %dma_start3A_626 : memref<1x1024xf32, #tpu.memory_space<vmem>> -> memref<1024xf32, #tpu.memory_space<vmem>>
        %dma_start3A_628 = tpu.memref_slice %arg2[%add3A_623] : memref<16777216xf32, #tpu.memory_space<hbm>> -> memref<1024xf32, #tpu.memory_space<hbm>>
        %dma_start3A_629 = arith.constant 9216 : i32
        %dma_start3A_630 = tpu.memref_slice %arg4[%dma_start3A_624, %dma_start3A_629] : memref<2x16384xf32, #tpu.memory_space<vmem>> -> memref<1x1024xf32, #tpu.memory_space<vmem>>
        %dma_start3A_631 = tpu.memref_squeeze %dma_start3A_630 : memref<1x1024xf32, #tpu.memory_space<vmem>> -> memref<1024xf32, #tpu.memory_space<vmem>>
        %dma_start3A_632 = tpu.memref_slice %arg2[%add3A_623] : memref<16777216xf32, #tpu.memory_space<hbm>> -> memref<1024xf32, #tpu.memory_space<hbm>>
        tpu.enqueue_dma source(%dma_start3A_632 : memref<1024xf32, #tpu.memory_space<hbm>>) target(%dma_start3A_631 : memref<1024xf32, #tpu.memory_space<vmem>>) target_semaphore(%arg6 : memref<!tpu.dma_semaphore, #tpu.memory_space<semaphore_mem>>)
        %add3A_633 = arith.constant 10485760 : i32
        %add3A_634 = arith.addi %add3A_633, %add3A_522 : i32
        %dma_start3A_635 = arith.constant 0 : i32
        %dma_start3A_636 = arith.constant 10240 : i32
        %dma_start3A_637 = tpu.memref_slice %arg4[%dma_start3A_635, %dma_start3A_636] : memref<2x16384xf32, #tpu.memory_space<vmem>> -> memref<1x1024xf32, #tpu.memory_space<vmem>>
        %dma_start3A_638 = tpu.memref_squeeze %dma_start3A_637 : memref<1x1024xf32, #tpu.memory_space<vmem>> -> memref<1024xf32, #tpu.memory_space<vmem>>
        %dma_start3A_639 = tpu.memref_slice %arg2[%add3A_634] : memref<16777216xf32, #tpu.memory_space<hbm>> -> memref<1024xf32, #tpu.memory_space<hbm>>
        %dma_start3A_640 = arith.constant 10240 : i32
        %dma_start3A_641 = tpu.memref_slice %arg4[%dma_start3A_635, %dma_start3A_640] : memref<2x16384xf32, #tpu.memory_space<vmem>> -> memref<1x1024xf32, #tpu.memory_space<vmem>>
        %dma_start3A_642 = tpu.memref_squeeze %dma_start3A_641 : memref<1x1024xf32, #tpu.memory_space<vmem>> -> memref<1024xf32, #tpu.memory_space<vmem>>
        %dma_start3A_643 = tpu.memref_slice %arg2[%add3A_634] : memref<16777216xf32, #tpu.memory_space<hbm>> -> memref<1024xf32, #tpu.memory_space<hbm>>
        tpu.enqueue_dma source(%dma_start3A_643 : memref<1024xf32, #tpu.memory_space<hbm>>) target(%dma_start3A_642 : memref<1024xf32, #tpu.memory_space<vmem>>) target_semaphore(%arg6 : memref<!tpu.dma_semaphore, #tpu.memory_space<semaphore_mem>>)
        %add3A_644 = arith.constant 11534336 : i32
        %add3A_645 = arith.addi %add3A_644, %add3A_522 : i32
        %dma_start3A_646 = arith.constant 0 : i32
        %dma_start3A_647 = arith.constant 11264 : i32
        %dma_start3A_648 = tpu.memref_slice %arg4[%dma_start3A_646, %dma_start3A_647] : memref<2x16384xf32, #tpu.memory_space<vmem>> -> memref<1x1024xf32, #tpu.memory_space<vmem>>
        %dma_start3A_649 = tpu.memref_squeeze %dma_start3A_648 : memref<1x1024xf32, #tpu.memory_space<vmem>> -> memref<1024xf32, #tpu.memory_space<vmem>>
        %dma_start3A_650 = tpu.memref_slice %arg2[%add3A_645] : memref<16777216xf32, #tpu.memory_space<hbm>> -> memref<1024xf32, #tpu.memory_space<hbm>>
        %dma_start3A_651 = arith.constant 11264 : i32
        %dma_start3A_652 = tpu.memref_slice %arg4[%dma_start3A_646, %dma_start3A_651] : memref<2x16384xf32, #tpu.memory_space<vmem>> -> memref<1x1024xf32, #tpu.memory_space<vmem>>
        %dma_start3A_653 = tpu.memref_squeeze %dma_start3A_652 : memref<1x1024xf32, #tpu.memory_space<vmem>> -> memref<1024xf32, #tpu.memory_space<vmem>>
        %dma_start3A_654 = tpu.memref_slice %arg2[%add3A_645] : memref<16777216xf32, #tpu.memory_space<hbm>> -> memref<1024xf32, #tpu.memory_space<hbm>>
        tpu.enqueue_dma source(%dma_start3A_654 : memref<1024xf32, #tpu.memory_space<hbm>>) target(%dma_start3A_653 : memref<1024xf32, #tpu.memory_space<vmem>>) target_semaphore(%arg6 : memref<!tpu.dma_semaphore, #tpu.memory_space<semaphore_mem>>)
        %add3A_655 = arith.constant 12582912 : i32
        %add3A_656 = arith.addi %add3A_655, %add3A_522 : i32
        %dma_start3A_657 = arith.constant 0 : i32
        %dma_start3A_658 = arith.constant 12288 : i32
        %dma_start3A_659 = tpu.memref_slice %arg4[%dma_start3A_657, %dma_start3A_658] : memref<2x16384xf32, #tpu.memory_space<vmem>> -> memref<1x1024xf32, #tpu.memory_space<vmem>>
        %dma_start3A_660 = tpu.memref_squeeze %dma_start3A_659 : memref<1x1024xf32, #tpu.memory_space<vmem>> -> memref<1024xf32, #tpu.memory_space<vmem>>
        %dma_start3A_661 = tpu.memref_slice %arg2[%add3A_656] : memref<16777216xf32, #tpu.memory_space<hbm>> -> memref<1024xf32, #tpu.memory_space<hbm>>
        %dma_start3A_662 = arith.constant 12288 : i32
        %dma_start3A_663 = tpu.memref_slice %arg4[%dma_start3A_657, %dma_start3A_662] : memref<2x16384xf32, #tpu.memory_space<vmem>> -> memref<1x1024xf32, #tpu.memory_space<vmem>>
        %dma_start3A_664 = tpu.memref_squeeze %dma_start3A_663 : memref<1x1024xf32, #tpu.memory_space<vmem>> -> memref<1024xf32, #tpu.memory_space<vmem>>
        %dma_start3A_665 = tpu.memref_slice %arg2[%add3A_656] : memref<16777216xf32, #tpu.memory_space<hbm>> -> memref<1024xf32, #tpu.memory_space<hbm>>
        tpu.enqueue_dma source(%dma_start3A_665 : memref<1024xf32, #tpu.memory_space<hbm>>) target(%dma_start3A_664 : memref<1024xf32, #tpu.memory_space<vmem>>) target_semaphore(%arg6 : memref<!tpu.dma_semaphore, #tpu.memory_space<semaphore_mem>>)
        %add3A_666 = arith.constant 13631488 : i32
        %add3A_667 = arith.addi %add3A_666, %add3A_522 : i32
        %dma_start3A_668 = arith.constant 0 : i32
        %dma_start3A_669 = arith.constant 13312 : i32
        %dma_start3A_670 = tpu.memref_slice %arg4[%dma_start3A_668, %dma_start3A_669] : memref<2x16384xf32, #tpu.memory_space<vmem>> -> memref<1x1024xf32, #tpu.memory_space<vmem>>
        %dma_start3A_671 = tpu.memref_squeeze %dma_start3A_670 : memref<1x1024xf32, #tpu.memory_space<vmem>> -> memref<1024xf32, #tpu.memory_space<vmem>>
        %dma_start3A_672 = tpu.memref_slice %arg2[%add3A_667] : memref<16777216xf32, #tpu.memory_space<hbm>> -> memref<1024xf32, #tpu.memory_space<hbm>>
        %dma_start3A_673 = arith.constant 13312 : i32
        %dma_start3A_674 = tpu.memref_slice %arg4[%dma_start3A_668, %dma_start3A_673] : memref<2x16384xf32, #tpu.memory_space<vmem>> -> memref<1x1024xf32, #tpu.memory_space<vmem>>
        %dma_start3A_675 = tpu.memref_squeeze %dma_start3A_674 : memref<1x1024xf32, #tpu.memory_space<vmem>> -> memref<1024xf32, #tpu.memory_space<vmem>>
        %dma_start3A_676 = tpu.memref_slice %arg2[%add3A_667] : memref<16777216xf32, #tpu.memory_space<hbm>> -> memref<1024xf32, #tpu.memory_space<hbm>>
        tpu.enqueue_dma source(%dma_start3A_676 : memref<1024xf32, #tpu.memory_space<hbm>>) target(%dma_start3A_675 : memref<1024xf32, #tpu.memory_space<vmem>>) target_semaphore(%arg6 : memref<!tpu.dma_semaphore, #tpu.memory_space<semaphore_mem>>)
        %add3A_677 = arith.constant 14680064 : i32
        %add3A_678 = arith.addi %add3A_677, %add3A_522 : i32
        %dma_start3A_679 = arith.constant 0 : i32
        %dma_start3A_680 = arith.constant 14336 : i32
        %dma_start3A_681 = tpu.memref_slice %arg4[%dma_start3A_679, %dma_start3A_680] : memref<2x16384xf32, #tpu.memory_space<vmem>> -> memref<1x1024xf32, #tpu.memory_space<vmem>>
        %dma_start3A_682 = tpu.memref_squeeze %dma_start3A_681 : memref<1x1024xf32, #tpu.memory_space<vmem>> -> memref<1024xf32, #tpu.memory_space<vmem>>
        %dma_start3A_683 = tpu.memref_slice %arg2[%add3A_678] : memref<16777216xf32, #tpu.memory_space<hbm>> -> memref<1024xf32, #tpu.memory_space<hbm>>
        %dma_start3A_684 = arith.constant 14336 : i32
        %dma_start3A_685 = tpu.memref_slice %arg4[%dma_start3A_679, %dma_start3A_684] : memref<2x16384xf32, #tpu.memory_space<vmem>> -> memref<1x1024xf32, #tpu.memory_space<vmem>>
        %dma_start3A_686 = tpu.memref_squeeze %dma_start3A_685 : memref<1x1024xf32, #tpu.memory_space<vmem>> -> memref<1024xf32, #tpu.memory_space<vmem>>
        %dma_start3A_687 = tpu.memref_slice %arg2[%add3A_678] : memref<16777216xf32, #tpu.memory_space<hbm>> -> memref<1024xf32, #tpu.memory_space<hbm>>
        tpu.enqueue_dma source(%dma_start3A_687 : memref<1024xf32, #tpu.memory_space<hbm>>) target(%dma_start3A_686 : memref<1024xf32, #tpu.memory_space<vmem>>) target_semaphore(%arg6 : memref<!tpu.dma_semaphore, #tpu.memory_space<semaphore_mem>>)
        %add3A_688 = arith.constant 15728640 : i32
        %add3A_689 = arith.addi %add3A_688, %add3A_522 : i32
        %dma_start3A_690 = arith.constant 0 : i32
        %dma_start3A_691 = arith.constant 15360 : i32
        %dma_start3A_692 = tpu.memref_slice %arg4[%dma_start3A_690, %dma_start3A_691] : memref<2x16384xf32, #tpu.memory_space<vmem>> -> memref<1x1024xf32, #tpu.memory_space<vmem>>
        %dma_start3A_693 = tpu.memref_squeeze %dma_start3A_692 : memref<1x1024xf32, #tpu.memory_space<vmem>> -> memref<1024xf32, #tpu.memory_space<vmem>>
        %dma_start3A_694 = tpu.memref_slice %arg2[%add3A_689] : memref<16777216xf32, #tpu.memory_space<hbm>> -> memref<1024xf32, #tpu.memory_space<hbm>>
        %dma_start3A_695 = arith.constant 15360 : i32
        %dma_start3A_696 = tpu.memref_slice %arg4[%dma_start3A_690, %dma_start3A_695] : memref<2x16384xf32, #tpu.memory_space<vmem>> -> memref<1x1024xf32, #tpu.memory_space<vmem>>
        %dma_start3A_697 = tpu.memref_squeeze %dma_start3A_696 : memref<1x1024xf32, #tpu.memory_space<vmem>> -> memref<1024xf32, #tpu.memory_space<vmem>>
        %dma_start3A_698 = tpu.memref_slice %arg2[%add3A_689] : memref<16777216xf32, #tpu.memory_space<hbm>> -> memref<1024xf32, #tpu.memory_space<hbm>>
        tpu.enqueue_dma source(%dma_start3A_698 : memref<1024xf32, #tpu.memory_space<hbm>>) target(%dma_start3A_697 : memref<1024xf32, #tpu.memory_space<vmem>>) target_semaphore(%arg6 : memref<!tpu.dma_semaphore, #tpu.memory_space<semaphore_mem>>)
      } else {
      }
      %mul3A_453 = arith.constant 1024 : i32
      %mul3A_454 = arith.muli %add3A_427, %mul3A_453 : i32
      %add3A_455 = arith.addi %mul3A_2, %mul3A_454 : i32
      %dma_start3A_456 = arith.constant 0 : i32
      %dma_start3A_457 = arith.constant 0 : i32
      %dma_start3A_458 = arith.constant 0 : i32
      %dma_start3A_459 = tpu.memref_slice %arg5[%dma_start3A_456, %dma_start3A_457, %dma_start3A_458] : memref<2x1024x16xf32, #tpu.memory_space<vmem>> -> memref<1x1024x16xf32, #tpu.memory_space<vmem>>
      %dma_start3A_460 = tpu.memref_squeeze %dma_start3A_459 : memref<1x1024x16xf32, #tpu.memory_space<vmem>> -> memref<1024x16xf32, #tpu.memory_space<vmem>>
      %dma_start3A_461 = arith.constant 0 : i32
      %dma_start3A_462 = tpu.memref_slice %arg3[%add3A_455, %dma_start3A_461] : memref<1048576x16xf32, #tpu.memory_space<hbm>> -> memref<1024x16xf32, #tpu.memory_space<hbm>>
      %dma_start3A_463 = arith.constant 0 : i32
      %dma_start3A_464 = tpu.memref_slice %arg3[%add3A_455, %dma_start3A_463] : memref<1048576x16xf32, #tpu.memory_space<hbm>> -> memref<1024x16xf32, #tpu.memory_space<hbm>>
      %dma_start3A_465 = arith.constant 0 : i32
      %dma_start3A_466 = arith.constant 0 : i32
      %dma_start3A_467 = tpu.memref_slice %arg5[%dma_start3A_456, %dma_start3A_465, %dma_start3A_466] : memref<2x1024x16xf32, #tpu.memory_space<vmem>> -> memref<1x1024x16xf32, #tpu.memory_space<vmem>>
      %dma_start3A_468 = tpu.memref_squeeze %dma_start3A_467 : memref<1x1024x16xf32, #tpu.memory_space<vmem>> -> memref<1024x16xf32, #tpu.memory_space<vmem>>
      tpu.enqueue_dma source(%dma_start3A_468 : memref<1024x16xf32, #tpu.memory_space<vmem>>) target(%dma_start3A_464 : memref<1024x16xf32, #tpu.memory_space<hbm>>) target_semaphore(%arg8 : memref<!tpu.dma_semaphore, #tpu.memory_space<semaphore_mem>>)
      %mul3A_469 = arith.constant 2 : i32
      %mul3A_470 = arith.muli %mul3A_469, %scan3A_423 : i32
      %add3A_471 = arith.constant 1 : i32
      %add3A_472 = arith.addi %mul3A_470, %add3A_471 : i32
      %dma_wait3A_473 = arith.constant 1 : i32
      %dma_wait3A_474 = arith.constant 0 : i32
      %dma_wait3A_475 = tpu.memref_slice %arg4[%dma_wait3A_473, %dma_wait3A_474] : memref<2x16384xf32, #tpu.memory_space<vmem>> -> memref<1x16384xf32, #tpu.memory_space<vmem>>
      %dma_wait3A_476 = tpu.memref_squeeze %dma_wait3A_475 : memref<1x16384xf32, #tpu.memory_space<vmem>> -> memref<16384xf32, #tpu.memory_space<vmem>>
      %dma_wait3A_477 = arith.constant 0 : i32
      %dma_wait3A_478 = tpu.memref_slice %arg2[%dma_wait3A_477] : memref<16777216xf32, #tpu.memory_space<hbm>> -> memref<16384xf32, #tpu.memory_space<hbm>>
      %dma_wait3A_479 = arith.constant 0 : i32
      %dma_wait3A_480 = tpu.memref_slice %arg4[%dma_wait3A_473, %dma_wait3A_479] : memref<2x16384xf32, #tpu.memory_space<vmem>> -> memref<1x16384xf32, #tpu.memory_space<vmem>>
      %dma_wait3A_481 = tpu.memref_squeeze %dma_wait3A_480 : memref<1x16384xf32, #tpu.memory_space<vmem>> -> memref<16384xf32, #tpu.memory_space<vmem>>
      %dma_wait3A_482 = arith.constant 0 : i32
      %dma_wait3A_483 = tpu.memref_slice %arg2[%dma_wait3A_482] : memref<16777216xf32, #tpu.memory_space<hbm>> -> memref<16384xf32, #tpu.memory_space<hbm>>
      tpu.wait_dma2 semaphore(%arg7 : memref<!tpu.dma_semaphore, #tpu.memory_space<semaphore_mem>>) src(%dma_wait3A_483 : memref<16384xf32, #tpu.memory_space<hbm>>) dst(%dma_wait3A_481 : memref<16384xf32, #tpu.memory_space<vmem>>)
      %ge3A_484 = arith.constant 2 : i32
      %ge3A_485 = arith.cmpi sge, %add3A_472, %ge3A_484 : i32
      %convert_element_type3A_486 = arith.extui %ge3A_485 : i1 to i32
      %cond3A_487 = arith.constant 0 : i32
      %cond3A_488 = arith.cmpi ne, %convert_element_type3A_486, %cond3A_487 : i32
      scf.if %cond3A_488 {
        %dma_wait3A_518 = arith.constant 1 : i32
        %dma_wait3A_519 = arith.constant 0 : i32
        %dma_wait3A_520 = arith.constant 0 : i32
        %dma_wait3A_521 = tpu.memref_slice %arg5[%dma_wait3A_518, %dma_wait3A_519, %dma_wait3A_520] : memref<2x1024x16xf32, #tpu.memory_space<vmem>> -> memref<1x1024x16xf32, #tpu.memory_space<vmem>>
        %dma_wait3A_522 = tpu.memref_squeeze %dma_wait3A_521 : memref<1x1024x16xf32, #tpu.memory_space<vmem>> -> memref<1024x16xf32, #tpu.memory_space<vmem>>
        %dma_wait3A_523 = arith.constant 0 : i32
        %dma_wait3A_524 = arith.constant 0 : i32
        %dma_wait3A_525 = tpu.memref_slice %arg3[%dma_wait3A_523, %dma_wait3A_524] : memref<1048576x16xf32, #tpu.memory_space<hbm>> -> memref<1024x16xf32, #tpu.memory_space<hbm>>
        %dma_wait3A_526 = arith.constant 0 : i32
        %dma_wait3A_527 = arith.constant 0 : i32
        %dma_wait3A_528 = tpu.memref_slice %arg3[%dma_wait3A_526, %dma_wait3A_527] : memref<1048576x16xf32, #tpu.memory_space<hbm>> -> memref<1024x16xf32, #tpu.memory_space<hbm>>
        %dma_wait3A_529 = arith.constant 0 : i32
        %dma_wait3A_530 = arith.constant 0 : i32
        %dma_wait3A_531 = tpu.memref_slice %arg5[%dma_wait3A_518, %dma_wait3A_529, %dma_wait3A_530] : memref<2x1024x16xf32, #tpu.memory_space<vmem>> -> memref<1x1024x16xf32, #tpu.memory_space<vmem>>
        %dma_wait3A_532 = tpu.memref_squeeze %dma_wait3A_531 : memref<1x1024x16xf32, #tpu.memory_space<vmem>> -> memref<1024x16xf32, #tpu.memory_space<vmem>>
        tpu.wait_dma2 semaphore(%arg9 : memref<!tpu.dma_semaphore, #tpu.memory_space<semaphore_mem>>) src(%dma_wait3A_532 : memref<1024x16xf32, #tpu.memory_space<vmem>>) dst(%dma_wait3A_528 : memref<1024x16xf32, #tpu.memory_space<hbm>>)
      } else {
      }
      %scan3A_489 = arith.constant 0 : i32
      %scan3A_490 = arith.constant 0 : i32
      %scan3A_491 = arith.constant 64 : i32
      %scan3A_492 = arith.addi %scan3A_490, %scan3A_491 : i32
      %scan3A_493 = arith.constant 1 : i32
      scf.for %scan3A_518 = %scan3A_490 to %scan3A_492 step %scan3A_493  : i32 {
        %mul3A_519 = arith.constant 16 : i32
        %mul3A_520 = arith.muli %scan3A_518, %mul3A_519 : i32
        %mul3A_521 = arith.constant 16 : i32
        %mul3A_522 = arith.muli %scan3A_518, %mul3A_521 : i32
        %add3A_523 = arith.constant 0 : i32
        %add3A_524 = arith.addi %add3A_523, %mul3A_522 : i32
        %get3A = arith.constant 1 : i32
        %get3A_525 = arith.index_cast %get3A : i32 to index
        %get3A_526 = arith.index_cast %add3A_524 : i32 to index
        %get3A_527 = tpu.vector_load %arg4[%get3A_525, %get3A_526] {strides = array<i32>} : memref<2x16384xf32, #tpu.memory_space<vmem>>, vector<16xf32>,
        %scatter3A = arith.constant 1 : i32
        %scatter3A_528 = arith.constant 0 : i32
        %scatter3A_529 = tpu.memref_slice %arg5[%scatter3A, %mul3A_520, %scatter3A_528] : memref<2x1024x16xf32, #tpu.memory_space<vmem>> -> memref<1x16x16xf32, #tpu.memory_space<vmem>>
        %scatter3A_530 = tpu.memref_squeeze %scatter3A_529 : memref<1x16x16xf32, #tpu.memory_space<vmem>> -> memref<16x16xf32, #tpu.memory_space<vmem>>
        tpu.vector_store_idx %scatter3A_530[%iota3A, %broadcast_in_dim3A_3], %get3A_527 : memref<16x16xf32, #tpu.memory_space<vmem>>[vector<16xi32>, vector<16xi32>], vector<16xf32>,
        %mul3A_531 = arith.constant 16 : i32
        %mul3A_532 = arith.muli %scan3A_518, %mul3A_531 : i32
        %add3A_533 = arith.constant 1024 : i32
        %add3A_534 = arith.addi %add3A_533, %mul3A_532 : i32
        %get3A_535 = arith.constant 1 : i32
        %get3A_536 = arith.index_cast %get3A_535 : i32 to index
        %get3A_537 = arith.index_cast %add3A_534 : i32 to index
        %get3A_538 = tpu.vector_load %arg4[%get3A_536, %get3A_537] {strides = array<i32>} : memref<2x16384xf32, #tpu.memory_space<vmem>>, vector<16xf32>,
        %scatter3A_539 = arith.constant 1 : i32
        %scatter3A_540 = arith.constant 0 : i32
        %scatter3A_541 = tpu.memref_slice %arg5[%scatter3A_539, %mul3A_520, %scatter3A_540] : memref<2x1024x16xf32, #tpu.memory_space<vmem>> -> memref<1x16x16xf32, #tpu.memory_space<vmem>>
        %scatter3A_542 = tpu.memref_squeeze %scatter3A_541 : memref<1x16x16xf32, #tpu.memory_space<vmem>> -> memref<16x16xf32, #tpu.memory_space<vmem>>
        tpu.vector_store_idx %scatter3A_542[%iota3A, %broadcast_in_dim3A_5], %get3A_538 : memref<16x16xf32, #tpu.memory_space<vmem>>[vector<16xi32>, vector<16xi32>], vector<16xf32>,
        %mul3A_543 = arith.constant 16 : i32
        %mul3A_544 = arith.muli %scan3A_518, %mul3A_543 : i32
        %add3A_545 = arith.constant 2048 : i32
        %add3A_546 = arith.addi %add3A_545, %mul3A_544 : i32
        %get3A_547 = arith.constant 1 : i32
        %get3A_548 = arith.index_cast %get3A_547 : i32 to index
        %get3A_549 = arith.index_cast %add3A_546 : i32 to index
        %get3A_550 = tpu.vector_load %arg4[%get3A_548, %get3A_549] {strides = array<i32>} : memref<2x16384xf32, #tpu.memory_space<vmem>>, vector<16xf32>,
        %scatter3A_551 = arith.constant 1 : i32
        %scatter3A_552 = arith.constant 0 : i32
        %scatter3A_553 = tpu.memref_slice %arg5[%scatter3A_551, %mul3A_520, %scatter3A_552] : memref<2x1024x16xf32, #tpu.memory_space<vmem>> -> memref<1x16x16xf32, #tpu.memory_space<vmem>>
        %scatter3A_554 = tpu.memref_squeeze %scatter3A_553 : memref<1x16x16xf32, #tpu.memory_space<vmem>> -> memref<16x16xf32, #tpu.memory_space<vmem>>
        tpu.vector_store_idx %scatter3A_554[%iota3A, %broadcast_in_dim3A_7], %get3A_550 : memref<16x16xf32, #tpu.memory_space<vmem>>[vector<16xi32>, vector<16xi32>], vector<16xf32>,
        %mul3A_555 = arith.constant 16 : i32
        %mul3A_556 = arith.muli %scan3A_518, %mul3A_555 : i32
        %add3A_557 = arith.constant 3072 : i32
        %add3A_558 = arith.addi %add3A_557, %mul3A_556 : i32
        %get3A_559 = arith.constant 1 : i32
        %get3A_560 = arith.index_cast %get3A_559 : i32 to index
        %get3A_561 = arith.index_cast %add3A_558 : i32 to index
        %get3A_562 = tpu.vector_load %arg4[%get3A_560, %get3A_561] {strides = array<i32>} : memref<2x16384xf32, #tpu.memory_space<vmem>>, vector<16xf32>,
        %scatter3A_563 = arith.constant 1 : i32
        %scatter3A_564 = arith.constant 0 : i32
        %scatter3A_565 = tpu.memref_slice %arg5[%scatter3A_563, %mul3A_520, %scatter3A_564] : memref<2x1024x16xf32, #tpu.memory_space<vmem>> -> memref<1x16x16xf32, #tpu.memory_space<vmem>>
        %scatter3A_566 = tpu.memref_squeeze %scatter3A_565 : memref<1x16x16xf32, #tpu.memory_space<vmem>> -> memref<16x16xf32, #tpu.memory_space<vmem>>
        tpu.vector_store_idx %scatter3A_566[%iota3A, %broadcast_in_dim3A_9], %get3A_562 : memref<16x16xf32, #tpu.memory_space<vmem>>[vector<16xi32>, vector<16xi32>], vector<16xf32>,
        %mul3A_567 = arith.constant 16 : i32
        %mul3A_568 = arith.muli %scan3A_518, %mul3A_567 : i32
        %add3A_569 = arith.constant 4096 : i32
        %add3A_570 = arith.addi %add3A_569, %mul3A_568 : i32
        %get3A_571 = arith.constant 1 : i32
        %get3A_572 = arith.index_cast %get3A_571 : i32 to index
        %get3A_573 = arith.index_cast %add3A_570 : i32 to index
        %get3A_574 = tpu.vector_load %arg4[%get3A_572, %get3A_573] {strides = array<i32>} : memref<2x16384xf32, #tpu.memory_space<vmem>>, vector<16xf32>,
        %scatter3A_575 = arith.constant 1 : i32
        %scatter3A_576 = arith.constant 0 : i32
        %scatter3A_577 = tpu.memref_slice %arg5[%scatter3A_575, %mul3A_520, %scatter3A_576] : memref<2x1024x16xf32, #tpu.memory_space<vmem>> -> memref<1x16x16xf32, #tpu.memory_space<vmem>>
        %scatter3A_578 = tpu.memref_squeeze %scatter3A_577 : memref<1x16x16xf32, #tpu.memory_space<vmem>> -> memref<16x16xf32, #tpu.memory_space<vmem>>
        tpu.vector_store_idx %scatter3A_578[%iota3A, %broadcast_in_dim3A_11], %get3A_574 : memref<16x16xf32, #tpu.memory_space<vmem>>[vector<16xi32>, vector<16xi32>], vector<16xf32>,
        %mul3A_579 = arith.constant 16 : i32
        %mul3A_580 = arith.muli %scan3A_518, %mul3A_579 : i32
        %add3A_581 = arith.constant 5120 : i32
        %add3A_582 = arith.addi %add3A_581, %mul3A_580 : i32
        %get3A_583 = arith.constant 1 : i32
        %get3A_584 = arith.index_cast %get3A_583 : i32 to index
        %get3A_585 = arith.index_cast %add3A_582 : i32 to index
        %get3A_586 = tpu.vector_load %arg4[%get3A_584, %get3A_585] {strides = array<i32>} : memref<2x16384xf32, #tpu.memory_space<vmem>>, vector<16xf32>,
        %scatter3A_587 = arith.constant 1 : i32
        %scatter3A_588 = arith.constant 0 : i32
        %scatter3A_589 = tpu.memref_slice %arg5[%scatter3A_587, %mul3A_520, %scatter3A_588] : memref<2x1024x16xf32, #tpu.memory_space<vmem>> -> memref<1x16x16xf32, #tpu.memory_space<vmem>>
        %scatter3A_590 = tpu.memref_squeeze %scatter3A_589 : memref<1x16x16xf32, #tpu.memory_space<vmem>> -> memref<16x16xf32, #tpu.memory_space<vmem>>
        tpu.vector_store_idx %scatter3A_590[%iota3A, %broadcast_in_dim3A_13], %get3A_586 : memref<16x16xf32, #tpu.memory_space<vmem>>[vector<16xi32>, vector<16xi32>], vector<16xf32>,
        %mul3A_591 = arith.constant 16 : i32
        %mul3A_592 = arith.muli %scan3A_518, %mul3A_591 : i32
        %add3A_593 = arith.constant 6144 : i32
        %add3A_594 = arith.addi %add3A_593, %mul3A_592 : i32
        %get3A_595 = arith.constant 1 : i32
        %get3A_596 = arith.index_cast %get3A_595 : i32 to index
        %get3A_597 = arith.index_cast %add3A_594 : i32 to index
        %get3A_598 = tpu.vector_load %arg4[%get3A_596, %get3A_597] {strides = array<i32>} : memref<2x16384xf32, #tpu.memory_space<vmem>>, vector<16xf32>,
        %scatter3A_599 = arith.constant 1 : i32
        %scatter3A_600 = arith.constant 0 : i32
        %scatter3A_601 = tpu.memref_slice %arg5[%scatter3A_599, %mul3A_520, %scatter3A_600] : memref<2x1024x16xf32, #tpu.memory_space<vmem>> -> memref<1x16x16xf32, #tpu.memory_space<vmem>>
        %scatter3A_602 = tpu.memref_squeeze %scatter3A_601 : memref<1x16x16xf32, #tpu.memory_space<vmem>> -> memref<16x16xf32, #tpu.memory_space<vmem>>
        tpu.vector_store_idx %scatter3A_602[%iota3A, %broadcast_in_dim3A_15], %get3A_598 : memref<16x16xf32, #tpu.memory_space<vmem>>[vector<16xi32>, vector<16xi32>], vector<16xf32>,
        %mul3A_603 = arith.constant 16 : i32
        %mul3A_604 = arith.muli %scan3A_518, %mul3A_603 : i32
        %add3A_605 = arith.constant 7168 : i32
        %add3A_606 = arith.addi %add3A_605, %mul3A_604 : i32
        %get3A_607 = arith.constant 1 : i32
        %get3A_608 = arith.index_cast %get3A_607 : i32 to index
        %get3A_609 = arith.index_cast %add3A_606 : i32 to index
        %get3A_610 = tpu.vector_load %arg4[%get3A_608, %get3A_609] {strides = array<i32>} : memref<2x16384xf32, #tpu.memory_space<vmem>>, vector<16xf32>,
        %scatter3A_611 = arith.constant 1 : i32
        %scatter3A_612 = arith.constant 0 : i32
        %scatter3A_613 = tpu.memref_slice %arg5[%scatter3A_611, %mul3A_520, %scatter3A_612] : memref<2x1024x16xf32, #tpu.memory_space<vmem>> -> memref<1x16x16xf32, #tpu.memory_space<vmem>>
        %scatter3A_614 = tpu.memref_squeeze %scatter3A_613 : memref<1x16x16xf32, #tpu.memory_space<vmem>> -> memref<16x16xf32, #tpu.memory_space<vmem>>
        tpu.vector_store_idx %scatter3A_614[%iota3A, %broadcast_in_dim3A_17], %get3A_610 : memref<16x16xf32, #tpu.memory_space<vmem>>[vector<16xi32>, vector<16xi32>], vector<16xf32>,
        %mul3A_615 = arith.constant 16 : i32
        %mul3A_616 = arith.muli %scan3A_518, %mul3A_615 : i32
        %add3A_617 = arith.constant 8192 : i32
        %add3A_618 = arith.addi %add3A_617, %mul3A_616 : i32
        %get3A_619 = arith.constant 1 : i32
        %get3A_620 = arith.index_cast %get3A_619 : i32 to index
        %get3A_621 = arith.index_cast %add3A_618 : i32 to index
        %get3A_622 = tpu.vector_load %arg4[%get3A_620, %get3A_621] {strides = array<i32>} : memref<2x16384xf32, #tpu.memory_space<vmem>>, vector<16xf32>,
        %scatter3A_623 = arith.constant 1 : i32
        %scatter3A_624 = arith.constant 0 : i32
        %scatter3A_625 = tpu.memref_slice %arg5[%scatter3A_623, %mul3A_520, %scatter3A_624] : memref<2x1024x16xf32, #tpu.memory_space<vmem>> -> memref<1x16x16xf32, #tpu.memory_space<vmem>>
        %scatter3A_626 = tpu.memref_squeeze %scatter3A_625 : memref<1x16x16xf32, #tpu.memory_space<vmem>> -> memref<16x16xf32, #tpu.memory_space<vmem>>
        tpu.vector_store_idx %scatter3A_626[%iota3A, %broadcast_in_dim3A_19], %get3A_622 : memref<16x16xf32, #tpu.memory_space<vmem>>[vector<16xi32>, vector<16xi32>], vector<16xf32>,
        %mul3A_627 = arith.constant 16 : i32
        %mul3A_628 = arith.muli %scan3A_518, %mul3A_627 : i32
        %add3A_629 = arith.constant 9216 : i32
        %add3A_630 = arith.addi %add3A_629, %mul3A_628 : i32
        %get3A_631 = arith.constant 1 : i32
        %get3A_632 = arith.index_cast %get3A_631 : i32 to index
        %get3A_633 = arith.index_cast %add3A_630 : i32 to index
        %get3A_634 = tpu.vector_load %arg4[%get3A_632, %get3A_633] {strides = array<i32>} : memref<2x16384xf32, #tpu.memory_space<vmem>>, vector<16xf32>,
        %scatter3A_635 = arith.constant 1 : i32
        %scatter3A_636 = arith.constant 0 : i32
        %scatter3A_637 = tpu.memref_slice %arg5[%scatter3A_635, %mul3A_520, %scatter3A_636] : memref<2x1024x16xf32, #tpu.memory_space<vmem>> -> memref<1x16x16xf32, #tpu.memory_space<vmem>>
        %scatter3A_638 = tpu.memref_squeeze %scatter3A_637 : memref<1x16x16xf32, #tpu.memory_space<vmem>> -> memref<16x16xf32, #tpu.memory_space<vmem>>
        tpu.vector_store_idx %scatter3A_638[%iota3A, %broadcast_in_dim3A_21], %get3A_634 : memref<16x16xf32, #tpu.memory_space<vmem>>[vector<16xi32>, vector<16xi32>], vector<16xf32>,
        %mul3A_639 = arith.constant 16 : i32
        %mul3A_640 = arith.muli %scan3A_518, %mul3A_639 : i32
        %add3A_641 = arith.constant 10240 : i32
        %add3A_642 = arith.addi %add3A_641, %mul3A_640 : i32
        %get3A_643 = arith.constant 1 : i32
        %get3A_644 = arith.index_cast %get3A_643 : i32 to index
        %get3A_645 = arith.index_cast %add3A_642 : i32 to index
        %get3A_646 = tpu.vector_load %arg4[%get3A_644, %get3A_645] {strides = array<i32>} : memref<2x16384xf32, #tpu.memory_space<vmem>>, vector<16xf32>,
        %scatter3A_647 = arith.constant 1 : i32
        %scatter3A_648 = arith.constant 0 : i32
        %scatter3A_649 = tpu.memref_slice %arg5[%scatter3A_647, %mul3A_520, %scatter3A_648] : memref<2x1024x16xf32, #tpu.memory_space<vmem>> -> memref<1x16x16xf32, #tpu.memory_space<vmem>>
        %scatter3A_650 = tpu.memref_squeeze %scatter3A_649 : memref<1x16x16xf32, #tpu.memory_space<vmem>> -> memref<16x16xf32, #tpu.memory_space<vmem>>
        tpu.vector_store_idx %scatter3A_650[%iota3A, %broadcast_in_dim3A_23], %get3A_646 : memref<16x16xf32, #tpu.memory_space<vmem>>[vector<16xi32>, vector<16xi32>], vector<16xf32>,
        %mul3A_651 = arith.constant 16 : i32
        %mul3A_652 = arith.muli %scan3A_518, %mul3A_651 : i32
        %add3A_653 = arith.constant 11264 : i32
        %add3A_654 = arith.addi %add3A_653, %mul3A_652 : i32
        %get3A_655 = arith.constant 1 : i32
        %get3A_656 = arith.index_cast %get3A_655 : i32 to index
        %get3A_657 = arith.index_cast %add3A_654 : i32 to index
        %get3A_658 = tpu.vector_load %arg4[%get3A_656, %get3A_657] {strides = array<i32>} : memref<2x16384xf32, #tpu.memory_space<vmem>>, vector<16xf32>,
        %scatter3A_659 = arith.constant 1 : i32
        %scatter3A_660 = arith.constant 0 : i32
        %scatter3A_661 = tpu.memref_slice %arg5[%scatter3A_659, %mul3A_520, %scatter3A_660] : memref<2x1024x16xf32, #tpu.memory_space<vmem>> -> memref<1x16x16xf32, #tpu.memory_space<vmem>>
        %scatter3A_662 = tpu.memref_squeeze %scatter3A_661 : memref<1x16x16xf32, #tpu.memory_space<vmem>> -> memref<16x16xf32, #tpu.memory_space<vmem>>
        tpu.vector_store_idx %scatter3A_662[%iota3A, %broadcast_in_dim3A_25], %get3A_658 : memref<16x16xf32, #tpu.memory_space<vmem>>[vector<16xi32>, vector<16xi32>], vector<16xf32>,
        %mul3A_663 = arith.constant 16 : i32
        %mul3A_664 = arith.muli %scan3A_518, %mul3A_663 : i32
        %add3A_665 = arith.constant 12288 : i32
        %add3A_666 = arith.addi %add3A_665, %mul3A_664 : i32
        %get3A_667 = arith.constant 1 : i32
        %get3A_668 = arith.index_cast %get3A_667 : i32 to index
        %get3A_669 = arith.index_cast %add3A_666 : i32 to index
        %get3A_670 = tpu.vector_load %arg4[%get3A_668, %get3A_669] {strides = array<i32>} : memref<2x16384xf32, #tpu.memory_space<vmem>>, vector<16xf32>,
        %scatter3A_671 = arith.constant 1 : i32
        %scatter3A_672 = arith.constant 0 : i32
        %scatter3A_673 = tpu.memref_slice %arg5[%scatter3A_671, %mul3A_520, %scatter3A_672] : memref<2x1024x16xf32, #tpu.memory_space<vmem>> -> memref<1x16x16xf32, #tpu.memory_space<vmem>>
        %scatter3A_674 = tpu.memref_squeeze %scatter3A_673 : memref<1x16x16xf32, #tpu.memory_space<vmem>> -> memref<16x16xf32, #tpu.memory_space<vmem>>
        tpu.vector_store_idx %scatter3A_674[%iota3A, %broadcast_in_dim3A_27], %get3A_670 : memref<16x16xf32, #tpu.memory_space<vmem>>[vector<16xi32>, vector<16xi32>], vector<16xf32>,
        %mul3A_675 = arith.constant 16 : i32
        %mul3A_676 = arith.muli %scan3A_518, %mul3A_675 : i32
        %add3A_677 = arith.constant 13312 : i32
        %add3A_678 = arith.addi %add3A_677, %mul3A_676 : i32
        %get3A_679 = arith.constant 1 : i32
        %get3A_680 = arith.index_cast %get3A_679 : i32 to index
        %get3A_681 = arith.index_cast %add3A_678 : i32 to index
        %get3A_682 = tpu.vector_load %arg4[%get3A_680, %get3A_681] {strides = array<i32>} : memref<2x16384xf32, #tpu.memory_space<vmem>>, vector<16xf32>,
        %scatter3A_683 = arith.constant 1 : i32
        %scatter3A_684 = arith.constant 0 : i32
        %scatter3A_685 = tpu.memref_slice %arg5[%scatter3A_683, %mul3A_520, %scatter3A_684] : memref<2x1024x16xf32, #tpu.memory_space<vmem>> -> memref<1x16x16xf32, #tpu.memory_space<vmem>>
        %scatter3A_686 = tpu.memref_squeeze %scatter3A_685 : memref<1x16x16xf32, #tpu.memory_space<vmem>> -> memref<16x16xf32, #tpu.memory_space<vmem>>
        tpu.vector_store_idx %scatter3A_686[%iota3A, %broadcast_in_dim3A_29], %get3A_682 : memref<16x16xf32, #tpu.memory_space<vmem>>[vector<16xi32>, vector<16xi32>], vector<16xf32>,
        %mul3A_687 = arith.constant 16 : i32
        %mul3A_688 = arith.muli %scan3A_518, %mul3A_687 : i32
        %add3A_689 = arith.constant 14336 : i32
        %add3A_690 = arith.addi %add3A_689, %mul3A_688 : i32
        %get3A_691 = arith.constant 1 : i32
        %get3A_692 = arith.index_cast %get3A_691 : i32 to index
        %get3A_693 = arith.index_cast %add3A_690 : i32 to index
        %get3A_694 = tpu.vector_load %arg4[%get3A_692, %get3A_693] {strides = array<i32>} : memref<2x16384xf32, #tpu.memory_space<vmem>>, vector<16xf32>,
        %scatter3A_695 = arith.constant 1 : i32
        %scatter3A_696 = arith.constant 0 : i32
        %scatter3A_697 = tpu.memref_slice %arg5[%scatter3A_695, %mul3A_520, %scatter3A_696] : memref<2x1024x16xf32, #tpu.memory_space<vmem>> -> memref<1x16x16xf32, #tpu.memory_space<vmem>>
        %scatter3A_698 = tpu.memref_squeeze %scatter3A_697 : memref<1x16x16xf32, #tpu.memory_space<vmem>> -> memref<16x16xf32, #tpu.memory_space<vmem>>
        tpu.vector_store_idx %scatter3A_698[%iota3A, %broadcast_in_dim3A_31], %get3A_694 : memref<16x16xf32, #tpu.memory_space<vmem>>[vector<16xi32>, vector<16xi32>], vector<16xf32>,
        %mul3A_699 = arith.constant 16 : i32
        %mul3A_700 = arith.muli %scan3A_518, %mul3A_699 : i32
        %add3A_701 = arith.constant 15360 : i32
        %add3A_702 = arith.addi %add3A_701, %mul3A_700 : i32
        %get3A_703 = arith.constant 1 : i32
        %get3A_704 = arith.index_cast %get3A_703 : i32 to index
        %get3A_705 = arith.index_cast %add3A_702 : i32 to index
        %get3A_706 = tpu.vector_load %arg4[%get3A_704, %get3A_705] {strides = array<i32>} : memref<2x16384xf32, #tpu.memory_space<vmem>>, vector<16xf32>,
        %scatter3A_707 = arith.constant 1 : i32
        %scatter3A_708 = arith.constant 0 : i32
        %scatter3A_709 = tpu.memref_slice %arg5[%scatter3A_707, %mul3A_520, %scatter3A_708] : memref<2x1024x16xf32, #tpu.memory_space<vmem>> -> memref<1x16x16xf32, #tpu.memory_space<vmem>>
        %scatter3A_710 = tpu.memref_squeeze %scatter3A_709 : memref<1x16x16xf32, #tpu.memory_space<vmem>> -> memref<16x16xf32, #tpu.memory_space<vmem>>
        tpu.vector_store_idx %scatter3A_710[%iota3A, %broadcast_in_dim3A_33], %get3A_706 : memref<16x16xf32, #tpu.memory_space<vmem>>[vector<16xi32>, vector<16xi32>], vector<16xf32>,
      }
      %scan3A_494 = arith.constant 64 : i32
      %add3A_495 = arith.constant 2 : i32
      %add3A_496 = arith.addi %add3A_472, %add3A_495 : i32
      %lt3A_497 = arith.constant 32 : i32
      %lt3A_498 = arith.cmpi slt, %add3A_496, %lt3A_497 : i32
      %convert_element_type3A_499 = arith.extui %lt3A_498 : i1 to i32
      %cond3A_500 = arith.constant 0 : i32
      %cond3A_501 = arith.cmpi ne, %convert_element_type3A_499, %cond3A_500 : i32
      scf.if %cond3A_501 {
        %add3A_518 = arith.constant 2 : i32
        %add3A_519 = arith.addi %add3A_472, %add3A_518 : i32
        %mul3A_520 = arith.constant 1024 : i32
        %mul3A_521 = arith.muli %add3A_519, %mul3A_520 : i32
        %add3A_522 = arith.addi %mul3A_2, %mul3A_521 : i32
        %add3A_523 = arith.constant 0 : i32
        %add3A_524 = arith.addi %add3A_523, %add3A_522 : i32
        %dma_start3A_525 = arith.constant 1 : i32
        %dma_start3A_526 = arith.constant 0 : i32
        %dma_start3A_527 = tpu.memref_slice %arg4[%dma_start3A_525, %dma_start3A_526] : memref<2x16384xf32, #tpu.memory_space<vmem>> -> memref<1x1024xf32, #tpu.memory_space<vmem>>
        %dma_start3A_528 = tpu.memref_squeeze %dma_start3A_527 : memref<1x1024xf32, #tpu.memory_space<vmem>> -> memref<1024xf32, #tpu.memory_space<vmem>>
        %dma_start3A_529 = tpu.memref_slice %arg2[%add3A_524] : memref<16777216xf32, #tpu.memory_space<hbm>> -> memref<1024xf32, #tpu.memory_space<hbm>>
        %dma_start3A_530 = arith.constant 0 : i32
        %dma_start3A_531 = tpu.memref_slice %arg4[%dma_start3A_525, %dma_start3A_530] : memref<2x16384xf32, #tpu.memory_space<vmem>> -> memref<1x1024xf32, #tpu.memory_space<vmem>>
        %dma_start3A_532 = tpu.memref_squeeze %dma_start3A_531 : memref<1x1024xf32, #tpu.memory_space<vmem>> -> memref<1024xf32, #tpu.memory_space<vmem>>
        %dma_start3A_533 = tpu.memref_slice %arg2[%add3A_524] : memref<16777216xf32, #tpu.memory_space<hbm>> -> memref<1024xf32, #tpu.memory_space<hbm>>
        tpu.enqueue_dma source(%dma_start3A_533 : memref<1024xf32, #tpu.memory_space<hbm>>) target(%dma_start3A_532 : memref<1024xf32, #tpu.memory_space<vmem>>) target_semaphore(%arg7 : memref<!tpu.dma_semaphore, #tpu.memory_space<semaphore_mem>>)
        %add3A_534 = arith.constant 1048576 : i32
        %add3A_535 = arith.addi %add3A_534, %add3A_522 : i32
        %dma_start3A_536 = arith.constant 1 : i32
        %dma_start3A_537 = arith.constant 1024 : i32
        %dma_start3A_538 = tpu.memref_slice %arg4[%dma_start3A_536, %dma_start3A_537] : memref<2x16384xf32, #tpu.memory_space<vmem>> -> memref<1x1024xf32, #tpu.memory_space<vmem>>
        %dma_start3A_539 = tpu.memref_squeeze %dma_start3A_538 : memref<1x1024xf32, #tpu.memory_space<vmem>> -> memref<1024xf32, #tpu.memory_space<vmem>>
        %dma_start3A_540 = tpu.memref_slice %arg2[%add3A_535] : memref<16777216xf32, #tpu.memory_space<hbm>> -> memref<1024xf32, #tpu.memory_space<hbm>>
        %dma_start3A_541 = arith.constant 1024 : i32
        %dma_start3A_542 = tpu.memref_slice %arg4[%dma_start3A_536, %dma_start3A_541] : memref<2x16384xf32, #tpu.memory_space<vmem>> -> memref<1x1024xf32, #tpu.memory_space<vmem>>
        %dma_start3A_543 = tpu.memref_squeeze %dma_start3A_542 : memref<1x1024xf32, #tpu.memory_space<vmem>> -> memref<1024xf32, #tpu.memory_space<vmem>>
        %dma_start3A_544 = tpu.memref_slice %arg2[%add3A_535] : memref<16777216xf32, #tpu.memory_space<hbm>> -> memref<1024xf32, #tpu.memory_space<hbm>>
        tpu.enqueue_dma source(%dma_start3A_544 : memref<1024xf32, #tpu.memory_space<hbm>>) target(%dma_start3A_543 : memref<1024xf32, #tpu.memory_space<vmem>>) target_semaphore(%arg7 : memref<!tpu.dma_semaphore, #tpu.memory_space<semaphore_mem>>)
        %add3A_545 = arith.constant 2097152 : i32
        %add3A_546 = arith.addi %add3A_545, %add3A_522 : i32
        %dma_start3A_547 = arith.constant 1 : i32
        %dma_start3A_548 = arith.constant 2048 : i32
        %dma_start3A_549 = tpu.memref_slice %arg4[%dma_start3A_547, %dma_start3A_548] : memref<2x16384xf32, #tpu.memory_space<vmem>> -> memref<1x1024xf32, #tpu.memory_space<vmem>>
        %dma_start3A_550 = tpu.memref_squeeze %dma_start3A_549 : memref<1x1024xf32, #tpu.memory_space<vmem>> -> memref<1024xf32, #tpu.memory_space<vmem>>
        %dma_start3A_551 = tpu.memref_slice %arg2[%add3A_546] : memref<16777216xf32, #tpu.memory_space<hbm>> -> memref<1024xf32, #tpu.memory_space<hbm>>
        %dma_start3A_552 = arith.constant 2048 : i32
        %dma_start3A_553 = tpu.memref_slice %arg4[%dma_start3A_547, %dma_start3A_552] : memref<2x16384xf32, #tpu.memory_space<vmem>> -> memref<1x1024xf32, #tpu.memory_space<vmem>>
        %dma_start3A_554 = tpu.memref_squeeze %dma_start3A_553 : memref<1x1024xf32, #tpu.memory_space<vmem>> -> memref<1024xf32, #tpu.memory_space<vmem>>
        %dma_start3A_555 = tpu.memref_slice %arg2[%add3A_546] : memref<16777216xf32, #tpu.memory_space<hbm>> -> memref<1024xf32, #tpu.memory_space<hbm>>
        tpu.enqueue_dma source(%dma_start3A_555 : memref<1024xf32, #tpu.memory_space<hbm>>) target(%dma_start3A_554 : memref<1024xf32, #tpu.memory_space<vmem>>) target_semaphore(%arg7 : memref<!tpu.dma_semaphore, #tpu.memory_space<semaphore_mem>>)
        %add3A_556 = arith.constant 3145728 : i32
        %add3A_557 = arith.addi %add3A_556, %add3A_522 : i32
        %dma_start3A_558 = arith.constant 1 : i32
        %dma_start3A_559 = arith.constant 3072 : i32
        %dma_start3A_560 = tpu.memref_slice %arg4[%dma_start3A_558, %dma_start3A_559] : memref<2x16384xf32, #tpu.memory_space<vmem>> -> memref<1x1024xf32, #tpu.memory_space<vmem>>
        %dma_start3A_561 = tpu.memref_squeeze %dma_start3A_560 : memref<1x1024xf32, #tpu.memory_space<vmem>> -> memref<1024xf32, #tpu.memory_space<vmem>>
        %dma_start3A_562 = tpu.memref_slice %arg2[%add3A_557] : memref<16777216xf32, #tpu.memory_space<hbm>> -> memref<1024xf32, #tpu.memory_space<hbm>>
        %dma_start3A_563 = arith.constant 3072 : i32
        %dma_start3A_564 = tpu.memref_slice %arg4[%dma_start3A_558, %dma_start3A_563] : memref<2x16384xf32, #tpu.memory_space<vmem>> -> memref<1x1024xf32, #tpu.memory_space<vmem>>
        %dma_start3A_565 = tpu.memref_squeeze %dma_start3A_564 : memref<1x1024xf32, #tpu.memory_space<vmem>> -> memref<1024xf32, #tpu.memory_space<vmem>>
        %dma_start3A_566 = tpu.memref_slice %arg2[%add3A_557] : memref<16777216xf32, #tpu.memory_space<hbm>> -> memref<1024xf32, #tpu.memory_space<hbm>>
        tpu.enqueue_dma source(%dma_start3A_566 : memref<1024xf32, #tpu.memory_space<hbm>>) target(%dma_start3A_565 : memref<1024xf32, #tpu.memory_space<vmem>>) target_semaphore(%arg7 : memref<!tpu.dma_semaphore, #tpu.memory_space<semaphore_mem>>)
        %add3A_567 = arith.constant 4194304 : i32
        %add3A_568 = arith.addi %add3A_567, %add3A_522 : i32
        %dma_start3A_569 = arith.constant 1 : i32
        %dma_start3A_570 = arith.constant 4096 : i32
        %dma_start3A_571 = tpu.memref_slice %arg4[%dma_start3A_569, %dma_start3A_570] : memref<2x16384xf32, #tpu.memory_space<vmem>> -> memref<1x1024xf32, #tpu.memory_space<vmem>>
        %dma_start3A_572 = tpu.memref_squeeze %dma_start3A_571 : memref<1x1024xf32, #tpu.memory_space<vmem>> -> memref<1024xf32, #tpu.memory_space<vmem>>
        %dma_start3A_573 = tpu.memref_slice %arg2[%add3A_568] : memref<16777216xf32, #tpu.memory_space<hbm>> -> memref<1024xf32, #tpu.memory_space<hbm>>
        %dma_start3A_574 = arith.constant 4096 : i32
        %dma_start3A_575 = tpu.memref_slice %arg4[%dma_start3A_569, %dma_start3A_574] : memref<2x16384xf32, #tpu.memory_space<vmem>> -> memref<1x1024xf32, #tpu.memory_space<vmem>>
        %dma_start3A_576 = tpu.memref_squeeze %dma_start3A_575 : memref<1x1024xf32, #tpu.memory_space<vmem>> -> memref<1024xf32, #tpu.memory_space<vmem>>
        %dma_start3A_577 = tpu.memref_slice %arg2[%add3A_568] : memref<16777216xf32, #tpu.memory_space<hbm>> -> memref<1024xf32, #tpu.memory_space<hbm>>
        tpu.enqueue_dma source(%dma_start3A_577 : memref<1024xf32, #tpu.memory_space<hbm>>) target(%dma_start3A_576 : memref<1024xf32, #tpu.memory_space<vmem>>) target_semaphore(%arg7 : memref<!tpu.dma_semaphore, #tpu.memory_space<semaphore_mem>>)
        %add3A_578 = arith.constant 5242880 : i32
        %add3A_579 = arith.addi %add3A_578, %add3A_522 : i32
        %dma_start3A_580 = arith.constant 1 : i32
        %dma_start3A_581 = arith.constant 5120 : i32
        %dma_start3A_582 = tpu.memref_slice %arg4[%dma_start3A_580, %dma_start3A_581] : memref<2x16384xf32, #tpu.memory_space<vmem>> -> memref<1x1024xf32, #tpu.memory_space<vmem>>
        %dma_start3A_583 = tpu.memref_squeeze %dma_start3A_582 : memref<1x1024xf32, #tpu.memory_space<vmem>> -> memref<1024xf32, #tpu.memory_space<vmem>>
        %dma_start3A_584 = tpu.memref_slice %arg2[%add3A_579] : memref<16777216xf32, #tpu.memory_space<hbm>> -> memref<1024xf32, #tpu.memory_space<hbm>>
        %dma_start3A_585 = arith.constant 5120 : i32
        %dma_start3A_586 = tpu.memref_slice %arg4[%dma_start3A_580, %dma_start3A_585] : memref<2x16384xf32, #tpu.memory_space<vmem>> -> memref<1x1024xf32, #tpu.memory_space<vmem>>
        %dma_start3A_587 = tpu.memref_squeeze %dma_start3A_586 : memref<1x1024xf32, #tpu.memory_space<vmem>> -> memref<1024xf32, #tpu.memory_space<vmem>>
        %dma_start3A_588 = tpu.memref_slice %arg2[%add3A_579] : memref<16777216xf32, #tpu.memory_space<hbm>> -> memref<1024xf32, #tpu.memory_space<hbm>>
        tpu.enqueue_dma source(%dma_start3A_588 : memref<1024xf32, #tpu.memory_space<hbm>>) target(%dma_start3A_587 : memref<1024xf32, #tpu.memory_space<vmem>>) target_semaphore(%arg7 : memref<!tpu.dma_semaphore, #tpu.memory_space<semaphore_mem>>)
        %add3A_589 = arith.constant 6291456 : i32
        %add3A_590 = arith.addi %add3A_589, %add3A_522 : i32
        %dma_start3A_591 = arith.constant 1 : i32
        %dma_start3A_592 = arith.constant 6144 : i32
        %dma_start3A_593 = tpu.memref_slice %arg4[%dma_start3A_591, %dma_start3A_592] : memref<2x16384xf32, #tpu.memory_space<vmem>> -> memref<1x1024xf32, #tpu.memory_space<vmem>>
        %dma_start3A_594 = tpu.memref_squeeze %dma_start3A_593 : memref<1x1024xf32, #tpu.memory_space<vmem>> -> memref<1024xf32, #tpu.memory_space<vmem>>
        %dma_start3A_595 = tpu.memref_slice %arg2[%add3A_590] : memref<16777216xf32, #tpu.memory_space<hbm>> -> memref<1024xf32, #tpu.memory_space<hbm>>
        %dma_start3A_596 = arith.constant 6144 : i32
        %dma_start3A_597 = tpu.memref_slice %arg4[%dma_start3A_591, %dma_start3A_596] : memref<2x16384xf32, #tpu.memory_space<vmem>> -> memref<1x1024xf32, #tpu.memory_space<vmem>>
        %dma_start3A_598 = tpu.memref_squeeze %dma_start3A_597 : memref<1x1024xf32, #tpu.memory_space<vmem>> -> memref<1024xf32, #tpu.memory_space<vmem>>
        %dma_start3A_599 = tpu.memref_slice %arg2[%add3A_590] : memref<16777216xf32, #tpu.memory_space<hbm>> -> memref<1024xf32, #tpu.memory_space<hbm>>
        tpu.enqueue_dma source(%dma_start3A_599 : memref<1024xf32, #tpu.memory_space<hbm>>) target(%dma_start3A_598 : memref<1024xf32, #tpu.memory_space<vmem>>) target_semaphore(%arg7 : memref<!tpu.dma_semaphore, #tpu.memory_space<semaphore_mem>>)
        %add3A_600 = arith.constant 7340032 : i32
        %add3A_601 = arith.addi %add3A_600, %add3A_522 : i32
        %dma_start3A_602 = arith.constant 1 : i32
        %dma_start3A_603 = arith.constant 7168 : i32
        %dma_start3A_604 = tpu.memref_slice %arg4[%dma_start3A_602, %dma_start3A_603] : memref<2x16384xf32, #tpu.memory_space<vmem>> -> memref<1x1024xf32, #tpu.memory_space<vmem>>
        %dma_start3A_605 = tpu.memref_squeeze %dma_start3A_604 : memref<1x1024xf32, #tpu.memory_space<vmem>> -> memref<1024xf32, #tpu.memory_space<vmem>>
        %dma_start3A_606 = tpu.memref_slice %arg2[%add3A_601] : memref<16777216xf32, #tpu.memory_space<hbm>> -> memref<1024xf32, #tpu.memory_space<hbm>>
        %dma_start3A_607 = arith.constant 7168 : i32
        %dma_start3A_608 = tpu.memref_slice %arg4[%dma_start3A_602, %dma_start3A_607] : memref<2x16384xf32, #tpu.memory_space<vmem>> -> memref<1x1024xf32, #tpu.memory_space<vmem>>
        %dma_start3A_609 = tpu.memref_squeeze %dma_start3A_608 : memref<1x1024xf32, #tpu.memory_space<vmem>> -> memref<1024xf32, #tpu.memory_space<vmem>>
        %dma_start3A_610 = tpu.memref_slice %arg2[%add3A_601] : memref<16777216xf32, #tpu.memory_space<hbm>> -> memref<1024xf32, #tpu.memory_space<hbm>>
        tpu.enqueue_dma source(%dma_start3A_610 : memref<1024xf32, #tpu.memory_space<hbm>>) target(%dma_start3A_609 : memref<1024xf32, #tpu.memory_space<vmem>>) target_semaphore(%arg7 : memref<!tpu.dma_semaphore, #tpu.memory_space<semaphore_mem>>)
        %add3A_611 = arith.constant 8388608 : i32
        %add3A_612 = arith.addi %add3A_611, %add3A_522 : i32
        %dma_start3A_613 = arith.constant 1 : i32
        %dma_start3A_614 = arith.constant 8192 : i32
        %dma_start3A_615 = tpu.memref_slice %arg4[%dma_start3A_613, %dma_start3A_614] : memref<2x16384xf32, #tpu.memory_space<vmem>> -> memref<1x1024xf32, #tpu.memory_space<vmem>>
        %dma_start3A_616 = tpu.memref_squeeze %dma_start3A_615 : memref<1x1024xf32, #tpu.memory_space<vmem>> -> memref<1024xf32, #tpu.memory_space<vmem>>
        %dma_start3A_617 = tpu.memref_slice %arg2[%add3A_612] : memref<16777216xf32, #tpu.memory_space<hbm>> -> memref<1024xf32, #tpu.memory_space<hbm>>
        %dma_start3A_618 = arith.constant 8192 : i32
        %dma_start3A_619 = tpu.memref_slice %arg4[%dma_start3A_613, %dma_start3A_618] : memref<2x16384xf32, #tpu.memory_space<vmem>> -> memref<1x1024xf32, #tpu.memory_space<vmem>>
        %dma_start3A_620 = tpu.memref_squeeze %dma_start3A_619 : memref<1x1024xf32, #tpu.memory_space<vmem>> -> memref<1024xf32, #tpu.memory_space<vmem>>
        %dma_start3A_621 = tpu.memref_slice %arg2[%add3A_612] : memref<16777216xf32, #tpu.memory_space<hbm>> -> memref<1024xf32, #tpu.memory_space<hbm>>
        tpu.enqueue_dma source(%dma_start3A_621 : memref<1024xf32, #tpu.memory_space<hbm>>) target(%dma_start3A_620 : memref<1024xf32, #tpu.memory_space<vmem>>) target_semaphore(%arg7 : memref<!tpu.dma_semaphore, #tpu.memory_space<semaphore_mem>>)
        %add3A_622 = arith.constant 9437184 : i32
        %add3A_623 = arith.addi %add3A_622, %add3A_522 : i32
        %dma_start3A_624 = arith.constant 1 : i32
        %dma_start3A_625 = arith.constant 9216 : i32
        %dma_start3A_626 = tpu.memref_slice %arg4[%dma_start3A_624, %dma_start3A_625] : memref<2x16384xf32, #tpu.memory_space<vmem>> -> memref<1x1024xf32, #tpu.memory_space<vmem>>
        %dma_start3A_627 = tpu.memref_squeeze %dma_start3A_626 : memref<1x1024xf32, #tpu.memory_space<vmem>> -> memref<1024xf32, #tpu.memory_space<vmem>>
        %dma_start3A_628 = tpu.memref_slice %arg2[%add3A_623] : memref<16777216xf32, #tpu.memory_space<hbm>> -> memref<1024xf32, #tpu.memory_space<hbm>>
        %dma_start3A_629 = arith.constant 9216 : i32
        %dma_start3A_630 = tpu.memref_slice %arg4[%dma_start3A_624, %dma_start3A_629] : memref<2x16384xf32, #tpu.memory_space<vmem>> -> memref<1x1024xf32, #tpu.memory_space<vmem>>
        %dma_start3A_631 = tpu.memref_squeeze %dma_start3A_630 : memref<1x1024xf32, #tpu.memory_space<vmem>> -> memref<1024xf32, #tpu.memory_space<vmem>>
        %dma_start3A_632 = tpu.memref_slice %arg2[%add3A_623] : memref<16777216xf32, #tpu.memory_space<hbm>> -> memref<1024xf32, #tpu.memory_space<hbm>>
        tpu.enqueue_dma source(%dma_start3A_632 : memref<1024xf32, #tpu.memory_space<hbm>>) target(%dma_start3A_631 : memref<1024xf32, #tpu.memory_space<vmem>>) target_semaphore(%arg7 : memref<!tpu.dma_semaphore, #tpu.memory_space<semaphore_mem>>)
        %add3A_633 = arith.constant 10485760 : i32
        %add3A_634 = arith.addi %add3A_633, %add3A_522 : i32
        %dma_start3A_635 = arith.constant 1 : i32
        %dma_start3A_636 = arith.constant 10240 : i32
        %dma_start3A_637 = tpu.memref_slice %arg4[%dma_start3A_635, %dma_start3A_636] : memref<2x16384xf32, #tpu.memory_space<vmem>> -> memref<1x1024xf32, #tpu.memory_space<vmem>>
        %dma_start3A_638 = tpu.memref_squeeze %dma_start3A_637 : memref<1x1024xf32, #tpu.memory_space<vmem>> -> memref<1024xf32, #tpu.memory_space<vmem>>
        %dma_start3A_639 = tpu.memref_slice %arg2[%add3A_634] : memref<16777216xf32, #tpu.memory_space<hbm>> -> memref<1024xf32, #tpu.memory_space<hbm>>
        %dma_start3A_640 = arith.constant 10240 : i32
        %dma_start3A_641 = tpu.memref_slice %arg4[%dma_start3A_635, %dma_start3A_640] : memref<2x16384xf32, #tpu.memory_space<vmem>> -> memref<1x1024xf32, #tpu.memory_space<vmem>>
        %dma_start3A_642 = tpu.memref_squeeze %dma_start3A_641 : memref<1x1024xf32, #tpu.memory_space<vmem>> -> memref<1024xf32, #tpu.memory_space<vmem>>
        %dma_start3A_643 = tpu.memref_slice %arg2[%add3A_634] : memref<16777216xf32, #tpu.memory_space<hbm>> -> memref<1024xf32, #tpu.memory_space<hbm>>
        tpu.enqueue_dma source(%dma_start3A_643 : memref<1024xf32, #tpu.memory_space<hbm>>) target(%dma_start3A_642 : memref<1024xf32, #tpu.memory_space<vmem>>) target_semaphore(%arg7 : memref<!tpu.dma_semaphore, #tpu.memory_space<semaphore_mem>>)
        %add3A_644 = arith.constant 11534336 : i32
        %add3A_645 = arith.addi %add3A_644, %add3A_522 : i32
        %dma_start3A_646 = arith.constant 1 : i32
        %dma_start3A_647 = arith.constant 11264 : i32
        %dma_start3A_648 = tpu.memref_slice %arg4[%dma_start3A_646, %dma_start3A_647] : memref<2x16384xf32, #tpu.memory_space<vmem>> -> memref<1x1024xf32, #tpu.memory_space<vmem>>
        %dma_start3A_649 = tpu.memref_squeeze %dma_start3A_648 : memref<1x1024xf32, #tpu.memory_space<vmem>> -> memref<1024xf32, #tpu.memory_space<vmem>>
        %dma_start3A_650 = tpu.memref_slice %arg2[%add3A_645] : memref<16777216xf32, #tpu.memory_space<hbm>> -> memref<1024xf32, #tpu.memory_space<hbm>>
        %dma_start3A_651 = arith.constant 11264 : i32
        %dma_start3A_652 = tpu.memref_slice %arg4[%dma_start3A_646, %dma_start3A_651] : memref<2x16384xf32, #tpu.memory_space<vmem>> -> memref<1x1024xf32, #tpu.memory_space<vmem>>
        %dma_start3A_653 = tpu.memref_squeeze %dma_start3A_652 : memref<1x1024xf32, #tpu.memory_space<vmem>> -> memref<1024xf32, #tpu.memory_space<vmem>>
        %dma_start3A_654 = tpu.memref_slice %arg2[%add3A_645] : memref<16777216xf32, #tpu.memory_space<hbm>> -> memref<1024xf32, #tpu.memory_space<hbm>>
        tpu.enqueue_dma source(%dma_start3A_654 : memref<1024xf32, #tpu.memory_space<hbm>>) target(%dma_start3A_653 : memref<1024xf32, #tpu.memory_space<vmem>>) target_semaphore(%arg7 : memref<!tpu.dma_semaphore, #tpu.memory_space<semaphore_mem>>)
        %add3A_655 = arith.constant 12582912 : i32
        %add3A_656 = arith.addi %add3A_655, %add3A_522 : i32
        %dma_start3A_657 = arith.constant 1 : i32
        %dma_start3A_658 = arith.constant 12288 : i32
        %dma_start3A_659 = tpu.memref_slice %arg4[%dma_start3A_657, %dma_start3A_658] : memref<2x16384xf32, #tpu.memory_space<vmem>> -> memref<1x1024xf32, #tpu.memory_space<vmem>>
        %dma_start3A_660 = tpu.memref_squeeze %dma_start3A_659 : memref<1x1024xf32, #tpu.memory_space<vmem>> -> memref<1024xf32, #tpu.memory_space<vmem>>
        %dma_start3A_661 = tpu.memref_slice %arg2[%add3A_656] : memref<16777216xf32, #tpu.memory_space<hbm>> -> memref<1024xf32, #tpu.memory_space<hbm>>
        %dma_start3A_662 = arith.constant 12288 : i32
        %dma_start3A_663 = tpu.memref_slice %arg4[%dma_start3A_657, %dma_start3A_662] : memref<2x16384xf32, #tpu.memory_space<vmem>> -> memref<1x1024xf32, #tpu.memory_space<vmem>>
        %dma_start3A_664 = tpu.memref_squeeze %dma_start3A_663 : memref<1x1024xf32, #tpu.memory_space<vmem>> -> memref<1024xf32, #tpu.memory_space<vmem>>
        %dma_start3A_665 = tpu.memref_slice %arg2[%add3A_656] : memref<16777216xf32, #tpu.memory_space<hbm>> -> memref<1024xf32, #tpu.memory_space<hbm>>
        tpu.enqueue_dma source(%dma_start3A_665 : memref<1024xf32, #tpu.memory_space<hbm>>) target(%dma_start3A_664 : memref<1024xf32, #tpu.memory_space<vmem>>) target_semaphore(%arg7 : memref<!tpu.dma_semaphore, #tpu.memory_space<semaphore_mem>>)
        %add3A_666 = arith.constant 13631488 : i32
        %add3A_667 = arith.addi %add3A_666, %add3A_522 : i32
        %dma_start3A_668 = arith.constant 1 : i32
        %dma_start3A_669 = arith.constant 13312 : i32
        %dma_start3A_670 = tpu.memref_slice %arg4[%dma_start3A_668, %dma_start3A_669] : memref<2x16384xf32, #tpu.memory_space<vmem>> -> memref<1x1024xf32, #tpu.memory_space<vmem>>
        %dma_start3A_671 = tpu.memref_squeeze %dma_start3A_670 : memref<1x1024xf32, #tpu.memory_space<vmem>> -> memref<1024xf32, #tpu.memory_space<vmem>>
        %dma_start3A_672 = tpu.memref_slice %arg2[%add3A_667] : memref<16777216xf32, #tpu.memory_space<hbm>> -> memref<1024xf32, #tpu.memory_space<hbm>>
        %dma_start3A_673 = arith.constant 13312 : i32
        %dma_start3A_674 = tpu.memref_slice %arg4[%dma_start3A_668, %dma_start3A_673] : memref<2x16384xf32, #tpu.memory_space<vmem>> -> memref<1x1024xf32, #tpu.memory_space<vmem>>
        %dma_start3A_675 = tpu.memref_squeeze %dma_start3A_674 : memref<1x1024xf32, #tpu.memory_space<vmem>> -> memref<1024xf32, #tpu.memory_space<vmem>>
        %dma_start3A_676 = tpu.memref_slice %arg2[%add3A_667] : memref<16777216xf32, #tpu.memory_space<hbm>> -> memref<1024xf32, #tpu.memory_space<hbm>>
        tpu.enqueue_dma source(%dma_start3A_676 : memref<1024xf32, #tpu.memory_space<hbm>>) target(%dma_start3A_675 : memref<1024xf32, #tpu.memory_space<vmem>>) target_semaphore(%arg7 : memref<!tpu.dma_semaphore, #tpu.memory_space<semaphore_mem>>)
        %add3A_677 = arith.constant 14680064 : i32
        %add3A_678 = arith.addi %add3A_677, %add3A_522 : i32
        %dma_start3A_679 = arith.constant 1 : i32
        %dma_start3A_680 = arith.constant 14336 : i32
        %dma_start3A_681 = tpu.memref_slice %arg4[%dma_start3A_679, %dma_start3A_680] : memref<2x16384xf32, #tpu.memory_space<vmem>> -> memref<1x1024xf32, #tpu.memory_space<vmem>>
        %dma_start3A_682 = tpu.memref_squeeze %dma_start3A_681 : memref<1x1024xf32, #tpu.memory_space<vmem>> -> memref<1024xf32, #tpu.memory_space<vmem>>
        %dma_start3A_683 = tpu.memref_slice %arg2[%add3A_678] : memref<16777216xf32, #tpu.memory_space<hbm>> -> memref<1024xf32, #tpu.memory_space<hbm>>
        %dma_start3A_684 = arith.constant 14336 : i32
        %dma_start3A_685 = tpu.memref_slice %arg4[%dma_start3A_679, %dma_start3A_684] : memref<2x16384xf32, #tpu.memory_space<vmem>> -> memref<1x1024xf32, #tpu.memory_space<vmem>>
        %dma_start3A_686 = tpu.memref_squeeze %dma_start3A_685 : memref<1x1024xf32, #tpu.memory_space<vmem>> -> memref<1024xf32, #tpu.memory_space<vmem>>
        %dma_start3A_687 = tpu.memref_slice %arg2[%add3A_678] : memref<16777216xf32, #tpu.memory_space<hbm>> -> memref<1024xf32, #tpu.memory_space<hbm>>
        tpu.enqueue_dma source(%dma_start3A_687 : memref<1024xf32, #tpu.memory_space<hbm>>) target(%dma_start3A_686 : memref<1024xf32, #tpu.memory_space<vmem>>) target_semaphore(%arg7 : memref<!tpu.dma_semaphore, #tpu.memory_space<semaphore_mem>>)
        %add3A_688 = arith.constant 15728640 : i32
        %add3A_689 = arith.addi %add3A_688, %add3A_522 : i32
        %dma_start3A_690 = arith.constant 1 : i32
        %dma_start3A_691 = arith.constant 15360 : i32
        %dma_start3A_692 = tpu.memref_slice %arg4[%dma_start3A_690, %dma_start3A_691] : memref<2x16384xf32, #tpu.memory_space<vmem>> -> memref<1x1024xf32, #tpu.memory_space<vmem>>
        %dma_start3A_693 = tpu.memref_squeeze %dma_start3A_692 : memref<1x1024xf32, #tpu.memory_space<vmem>> -> memref<1024xf32, #tpu.memory_space<vmem>>
        %dma_start3A_694 = tpu.memref_slice %arg2[%add3A_689] : memref<16777216xf32, #tpu.memory_space<hbm>> -> memref<1024xf32, #tpu.memory_space<hbm>>
        %dma_start3A_695 = arith.constant 15360 : i32
        %dma_start3A_696 = tpu.memref_slice %arg4[%dma_start3A_690, %dma_start3A_695] : memref<2x16384xf32, #tpu.memory_space<vmem>> -> memref<1x1024xf32, #tpu.memory_space<vmem>>
        %dma_start3A_697 = tpu.memref_squeeze %dma_start3A_696 : memref<1x1024xf32, #tpu.memory_space<vmem>> -> memref<1024xf32, #tpu.memory_space<vmem>>
        %dma_start3A_698 = tpu.memref_slice %arg2[%add3A_689] : memref<16777216xf32, #tpu.memory_space<hbm>> -> memref<1024xf32, #tpu.memory_space<hbm>>
        tpu.enqueue_dma source(%dma_start3A_698 : memref<1024xf32, #tpu.memory_space<hbm>>) target(%dma_start3A_697 : memref<1024xf32, #tpu.memory_space<vmem>>) target_semaphore(%arg7 : memref<!tpu.dma_semaphore, #tpu.memory_space<semaphore_mem>>)
      } else {
      }
      %mul3A_502 = arith.constant 1024 : i32
      %mul3A_503 = arith.muli %add3A_472, %mul3A_502 : i32
      %add3A_504 = arith.addi %mul3A_2, %mul3A_503 : i32
      %dma_start3A_505 = arith.constant 1 : i32
      %dma_start3A_506 = arith.constant 0 : i32
      %dma_start3A_507 = arith.constant 0 : i32
      %dma_start3A_508 = tpu.memref_slice %arg5[%dma_start3A_505, %dma_start3A_506, %dma_start3A_507] : memref<2x1024x16xf32, #tpu.memory_space<vmem>> -> memref<1x1024x16xf32, #tpu.memory_space<vmem>>
      %dma_start3A_509 = tpu.memref_squeeze %dma_start3A_508 : memref<1x1024x16xf32, #tpu.memory_space<vmem>> -> memref<1024x16xf32, #tpu.memory_space<vmem>>
      %dma_start3A_510 = arith.constant 0 : i32
      %dma_start3A_511 = tpu.memref_slice %arg3[%add3A_504, %dma_start3A_510] : memref<1048576x16xf32, #tpu.memory_space<hbm>> -> memref<1024x16xf32, #tpu.memory_space<hbm>>
      %dma_start3A_512 = arith.constant 0 : i32
      %dma_start3A_513 = tpu.memref_slice %arg3[%add3A_504, %dma_start3A_512] : memref<1048576x16xf32, #tpu.memory_space<hbm>> -> memref<1024x16xf32, #tpu.memory_space<hbm>>
      %dma_start3A_514 = arith.constant 0 : i32
      %dma_start3A_515 = arith.constant 0 : i32
      %dma_start3A_516 = tpu.memref_slice %arg5[%dma_start3A_505, %dma_start3A_514, %dma_start3A_515] : memref<2x1024x16xf32, #tpu.memory_space<vmem>> -> memref<1x1024x16xf32, #tpu.memory_space<vmem>>
      %dma_start3A_517 = tpu.memref_squeeze %dma_start3A_516 : memref<1x1024x16xf32, #tpu.memory_space<vmem>> -> memref<1024x16xf32, #tpu.memory_space<vmem>>
      tpu.enqueue_dma source(%dma_start3A_517 : memref<1024x16xf32, #tpu.memory_space<vmem>>) target(%dma_start3A_513 : memref<1024x16xf32, #tpu.memory_space<hbm>>) target_semaphore(%arg9 : memref<!tpu.dma_semaphore, #tpu.memory_space<semaphore_mem>>)
    }
    %scan3A_393 = arith.constant 16 : i32
    %dma_wait3A = arith.constant 0 : i32
    %dma_wait3A_394 = arith.constant 0 : i32
    %dma_wait3A_395 = arith.constant 0 : i32
    %dma_wait3A_396 = tpu.memref_slice %arg5[%dma_wait3A, %dma_wait3A_394, %dma_wait3A_395] : memref<2x1024x16xf32, #tpu.memory_space<vmem>> -> memref<1x1024x16xf32, #tpu.memory_space<vmem>>
    %dma_wait3A_397 = tpu.memref_squeeze %dma_wait3A_396 : memref<1x1024x16xf32, #tpu.memory_space<vmem>> -> memref<1024x16xf32, #tpu.memory_space<vmem>>
    %dma_wait3A_398 = arith.constant 0 : i32
    %dma_wait3A_399 = arith.constant 0 : i32
    %dma_wait3A_400 = tpu.memref_slice %arg3[%dma_wait3A_398, %dma_wait3A_399] : memref<1048576x16xf32, #tpu.memory_space<hbm>> -> memref<1024x16xf32, #tpu.memory_space<hbm>>
    %dma_wait3A_401 = arith.constant 0 : i32
    %dma_wait3A_402 = arith.constant 0 : i32
    %dma_wait3A_403 = tpu.memref_slice %arg3[%dma_wait3A_401, %dma_wait3A_402] : memref<1048576x16xf32, #tpu.memory_space<hbm>> -> memref<1024x16xf32, #tpu.memory_space<hbm>>
    %dma_wait3A_404 = arith.constant 0 : i32
    %dma_wait3A_405 = arith.constant 0 : i32
    %dma_wait3A_406 = tpu.memref_slice %arg5[%dma_wait3A, %dma_wait3A_404, %dma_wait3A_405] : memref<2x1024x16xf32, #tpu.memory_space<vmem>> -> memref<1x1024x16xf32, #tpu.memory_space<vmem>>
    %dma_wait3A_407 = tpu.memref_squeeze %dma_wait3A_406 : memref<1x1024x16xf32, #tpu.memory_space<vmem>> -> memref<1024x16xf32, #tpu.memory_space<vmem>>
    tpu.wait_dma2 semaphore(%arg8 : memref<!tpu.dma_semaphore, #tpu.memory_space<semaphore_mem>>) src(%dma_wait3A_407 : memref<1024x16xf32, #tpu.memory_space<vmem>>) dst(%dma_wait3A_403 : memref<1024x16xf32, #tpu.memory_space<hbm>>)
    %dma_wait3A_408 = arith.constant 1 : i32
    %dma_wait3A_409 = arith.constant 0 : i32
    %dma_wait3A_410 = arith.constant 0 : i32
    %dma_wait3A_411 = tpu.memref_slice %arg5[%dma_wait3A_408, %dma_wait3A_409, %dma_wait3A_410] : memref<2x1024x16xf32, #tpu.memory_space<vmem>> -> memref<1x1024x16xf32, #tpu.memory_space<vmem>>
    %dma_wait3A_412 = tpu.memref_squeeze %dma_wait3A_411 : memref<1x1024x16xf32, #tpu.memory_space<vmem>> -> memref<1024x16xf32, #tpu.memory_space<vmem>>
    %dma_wait3A_413 = arith.constant 0 : i32
    %dma_wait3A_414 = arith.constant 0 : i32
    %dma_wait3A_415 = tpu.memref_slice %arg3[%dma_wait3A_413, %dma_wait3A_414] : memref<1048576x16xf32, #tpu.memory_space<hbm>> -> memref<1024x16xf32, #tpu.memory_space<hbm>>
    %dma_wait3A_416 = arith.constant 0 : i32
    %dma_wait3A_417 = arith.constant 0 : i32
    %dma_wait3A_418 = tpu.memref_slice %arg3[%dma_wait3A_416, %dma_wait3A_417] : memref<1048576x16xf32, #tpu.memory_space<hbm>> -> memref<1024x16xf32, #tpu.memory_space<hbm>>
    %dma_wait3A_419 = arith.constant 0 : i32
    %dma_wait3A_420 = arith.constant 0 : i32
    %dma_wait3A_421 = tpu.memref_slice %arg5[%dma_wait3A_408, %dma_wait3A_419, %dma_wait3A_420] : memref<2x1024x16xf32, #tpu.memory_space<vmem>> -> memref<1x1024x16xf32, #tpu.memory_space<vmem>>
    %dma_wait3A_422 = tpu.memref_squeeze %dma_wait3A_421 : memref<1x1024x16xf32, #tpu.memory_space<vmem>> -> memref<1024x16xf32, #tpu.memory_space<vmem>>
    tpu.wait_dma2 semaphore(%arg9 : memref<!tpu.dma_semaphore, #tpu.memory_space<semaphore_mem>>) src(%dma_wait3A_422 : memref<1024x16xf32, #tpu.memory_space<vmem>>) dst(%dma_wait3A_418 : memref<1024x16xf32, #tpu.memory_space<hbm>>)
    return
  }
}

#map = affine_map<(d0, d1) -> (0, 0)>
#map1 = affine_map<(d0, d1) -> (0)>
module attributes {stable_mosaic.version = 14 : i64} {
  func.func @_sc_segsum(%arg0: i32, %arg1: i32, %arg2: memref<1048576x16xf32, #tpu.memory_space<hbm>>, %arg3: memref<1048576xi32, #tpu.memory_space<hbm>>, %arg4: memref<1048576xi32, #tpu.memory_space<hbm>>, %arg5: memref<1048576xi32, #tpu.memory_space<hbm>>, %arg6: memref<32x32768xf32, #tpu.memory_space<hbm>>, %arg7: memref<32x32768xf32, #tpu.memory_space<hbm>>, %arg8: memref<2x1024xi32, #tpu.memory_space<vmem>>, %arg9: memref<2x1024xi32, #tpu.memory_space<vmem>>, %arg10: memref<2x1024xi32, #tpu.memory_space<vmem>>, %arg11: memref<2x1024xi32, #tpu.memory_space<vmem>>, %arg12: memref<2x1024x16xf32, #tpu.memory_space<vmem>>, %arg13: memref<32768xf32, #tpu.memory_space<vmem>>, %arg14: memref<32768xf32, #tpu.memory_space<vmem>>, %arg15: memref<!tpu.dma_semaphore, #tpu.memory_space<semaphore_mem>>, %arg16: memref<!tpu.dma_semaphore, #tpu.memory_space<semaphore_mem>>, %arg17: memref<!tpu.dma_semaphore, #tpu.memory_space<semaphore_mem>>, %arg18: memref<!tpu.dma_semaphore, #tpu.memory_space<semaphore_mem>>) attributes {dimension_semantics = [#tpu.dimension_semantics<core_parallel>, #tpu.dimension_semantics<subcore_parallel>], iteration_bounds = array<i64: 2, 16>, scalar_prefetch = 0 : i64, scratch_operands = 11 : i64, tpu.core_type = #tpu.core_type<sc_vector_subcore>, window_params = [{transform_indices = #map}, {transform_indices = #map1}, {transform_indices = #map1}, {transform_indices = #map1}, {transform_indices = #map}, {transform_indices = #map}]} {
    %mul3A = arith.constant 2 : i32
    %mul3A_0 = arith.muli %arg1, %mul3A : i32
    %add3A = arith.addi %mul3A_0, %arg0 : i32
    %mul3A_1 = arith.constant 32768 : i32
    %mul3A_2 = arith.muli %add3A, %mul3A_1 : i32
    %broadcast_in_dim3A = arith.constant 0.000000e+00 : f32
    %broadcast_in_dim3A_3 = vector.broadcast %broadcast_in_dim3A : f32 to vector<16xf32>
    %scan3A = arith.constant 0 : i32
    %scan3A_4 = arith.constant 0 : i32
    %scan3A_5 = arith.constant 2048 : i32
    %scan3A_6 = arith.addi %scan3A_4, %scan3A_5 : i32
    %scan3A_7 = arith.constant 1 : i32
    scf.for %scan3A_220 = %scan3A_4 to %scan3A_6 step %scan3A_7  : i32 {
      %mul3A_221 = arith.constant 16 : i32
      %mul3A_222 = arith.muli %scan3A_220, %mul3A_221 : i32
      %swap3A_223 = arith.index_cast %mul3A_222 : i32 to index
      %swap3A_224 = tpu.vector_load %arg13[%swap3A_223] {strides = array<i32>} : memref<32768xf32, #tpu.memory_space<vmem>>, vector<16xf32>,
      tpu.vector_store %arg13[%swap3A_223], %broadcast_in_dim3A_3 {strides = array<i32>} : memref<32768xf32, #tpu.memory_space<vmem>>, vector<16xf32>,
      %mul3A_225 = arith.constant 16 : i32
      %mul3A_226 = arith.muli %scan3A_220, %mul3A_225 : i32
      %swap3A_227 = arith.index_cast %mul3A_226 : i32 to index
      %swap3A_228 = tpu.vector_load %arg14[%swap3A_227] {strides = array<i32>} : memref<32768xf32, #tpu.memory_space<vmem>>, vector<16xf32>,
      tpu.vector_store %arg14[%swap3A_227], %broadcast_in_dim3A_3 {strides = array<i32>} : memref<32768xf32, #tpu.memory_space<vmem>>, vector<16xf32>,
    }
    %scan3A_8 = arith.constant 2048 : i32
    %add3A_9 = arith.constant 0 : i32
    %add3A_10 = arith.addi %mul3A_2, %add3A_9 : i32
    %dma_start3A = arith.constant 0 : i32
    %dma_start3A_11 = arith.constant 0 : i32
    %dma_start3A_12 = tpu.memref_slice %arg8[%dma_start3A, %dma_start3A_11] : memref<2x1024xi32, #tpu.memory_space<vmem>> -> memref<1x1024xi32, #tpu.memory_space<vmem>>
    %dma_start3A_13 = tpu.memref_squeeze %dma_start3A_12 : memref<1x1024xi32, #tpu.memory_space<vmem>> -> memref<1024xi32, #tpu.memory_space<vmem>>
    %dma_start3A_14 = tpu.memref_slice %arg3[%add3A_10] : memref<1048576xi32, #tpu.memory_space<hbm>> -> memref<1024xi32, #tpu.memory_space<hbm>>
    %dma_start3A_15 = arith.constant 0 : i32
    %dma_start3A_16 = tpu.memref_slice %arg8[%dma_start3A, %dma_start3A_15] : memref<2x1024xi32, #tpu.memory_space<vmem>> -> memref<1x1024xi32, #tpu.memory_space<vmem>>
    %dma_start3A_17 = tpu.memref_squeeze %dma_start3A_16 : memref<1x1024xi32, #tpu.memory_space<vmem>> -> memref<1024xi32, #tpu.memory_space<vmem>>
    %dma_start3A_18 = tpu.memref_slice %arg3[%add3A_10] : memref<1048576xi32, #tpu.memory_space<hbm>> -> memref<1024xi32, #tpu.memory_space<hbm>>
    tpu.enqueue_dma source(%dma_start3A_18 : memref<1024xi32, #tpu.memory_space<hbm>>) target(%dma_start3A_17 : memref<1024xi32, #tpu.memory_space<vmem>>) target_semaphore(%arg15 : memref<!tpu.dma_semaphore, #tpu.memory_space<semaphore_mem>>)
    %dma_start3A_19 = arith.constant 0 : i32
    %dma_start3A_20 = arith.constant 0 : i32
    %dma_start3A_21 = tpu.memref_slice %arg9[%dma_start3A_19, %dma_start3A_20] : memref<2x1024xi32, #tpu.memory_space<vmem>> -> memref<1x1024xi32, #tpu.memory_space<vmem>>
    %dma_start3A_22 = tpu.memref_squeeze %dma_start3A_21 : memref<1x1024xi32, #tpu.memory_space<vmem>> -> memref<1024xi32, #tpu.memory_space<vmem>>
    %dma_start3A_23 = tpu.memref_slice %arg4[%add3A_10] : memref<1048576xi32, #tpu.memory_space<hbm>> -> memref<1024xi32, #tpu.memory_space<hbm>>
    %dma_start3A_24 = arith.constant 0 : i32
    %dma_start3A_25 = tpu.memref_slice %arg9[%dma_start3A_19, %dma_start3A_24] : memref<2x1024xi32, #tpu.memory_space<vmem>> -> memref<1x1024xi32, #tpu.memory_space<vmem>>
    %dma_start3A_26 = tpu.memref_squeeze %dma_start3A_25 : memref<1x1024xi32, #tpu.memory_space<vmem>> -> memref<1024xi32, #tpu.memory_space<vmem>>
    %dma_start3A_27 = tpu.memref_slice %arg4[%add3A_10] : memref<1048576xi32, #tpu.memory_space<hbm>> -> memref<1024xi32, #tpu.memory_space<hbm>>
    tpu.enqueue_dma source(%dma_start3A_27 : memref<1024xi32, #tpu.memory_space<hbm>>) target(%dma_start3A_26 : memref<1024xi32, #tpu.memory_space<vmem>>) target_semaphore(%arg15 : memref<!tpu.dma_semaphore, #tpu.memory_space<semaphore_mem>>)
    %dma_start3A_28 = arith.constant 0 : i32
    %dma_start3A_29 = arith.constant 0 : i32
    %dma_start3A_30 = tpu.memref_slice %arg10[%dma_start3A_28, %dma_start3A_29] : memref<2x1024xi32, #tpu.memory_space<vmem>> -> memref<1x1024xi32, #tpu.memory_space<vmem>>
    %dma_start3A_31 = tpu.memref_squeeze %dma_start3A_30 : memref<1x1024xi32, #tpu.memory_space<vmem>> -> memref<1024xi32, #tpu.memory_space<vmem>>
    %dma_start3A_32 = tpu.memref_slice %arg5[%add3A_10] : memref<1048576xi32, #tpu.memory_space<hbm>> -> memref<1024xi32, #tpu.memory_space<hbm>>
    %dma_start3A_33 = arith.constant 0 : i32
    %dma_start3A_34 = tpu.memref_slice %arg10[%dma_start3A_28, %dma_start3A_33] : memref<2x1024xi32, #tpu.memory_space<vmem>> -> memref<1x1024xi32, #tpu.memory_space<vmem>>
    %dma_start3A_35 = tpu.memref_squeeze %dma_start3A_34 : memref<1x1024xi32, #tpu.memory_space<vmem>> -> memref<1024xi32, #tpu.memory_space<vmem>>
    %dma_start3A_36 = tpu.memref_slice %arg5[%add3A_10] : memref<1048576xi32, #tpu.memory_space<hbm>> -> memref<1024xi32, #tpu.memory_space<hbm>>
    tpu.enqueue_dma source(%dma_start3A_36 : memref<1024xi32, #tpu.memory_space<hbm>>) target(%dma_start3A_35 : memref<1024xi32, #tpu.memory_space<vmem>>) target_semaphore(%arg15 : memref<!tpu.dma_semaphore, #tpu.memory_space<semaphore_mem>>)
    %dma_wait3A = arith.constant 0 : i32
    %dma_wait3A_37 = arith.constant 0 : i32
    %dma_wait3A_38 = tpu.memref_slice %arg8[%dma_wait3A, %dma_wait3A_37] : memref<2x1024xi32, #tpu.memory_space<vmem>> -> memref<1x1024xi32, #tpu.memory_space<vmem>>
    %dma_wait3A_39 = tpu.memref_squeeze %dma_wait3A_38 : memref<1x1024xi32, #tpu.memory_space<vmem>> -> memref<1024xi32, #tpu.memory_space<vmem>>
    %dma_wait3A_40 = arith.constant 0 : i32
    %dma_wait3A_41 = tpu.memref_slice %arg3[%dma_wait3A_40] : memref<1048576xi32, #tpu.memory_space<hbm>> -> memref<1024xi32, #tpu.memory_space<hbm>>
    %dma_wait3A_42 = arith.constant 0 : i32
    %dma_wait3A_43 = tpu.memref_slice %arg8[%dma_wait3A, %dma_wait3A_42] : memref<2x1024xi32, #tpu.memory_space<vmem>> -> memref<1x1024xi32, #tpu.memory_space<vmem>>
    %dma_wait3A_44 = tpu.memref_squeeze %dma_wait3A_43 : memref<1x1024xi32, #tpu.memory_space<vmem>> -> memref<1024xi32, #tpu.memory_space<vmem>>
    %dma_wait3A_45 = arith.constant 0 : i32
    %dma_wait3A_46 = tpu.memref_slice %arg3[%dma_wait3A_45] : memref<1048576xi32, #tpu.memory_space<hbm>> -> memref<1024xi32, #tpu.memory_space<hbm>>
    tpu.wait_dma2 semaphore(%arg15 : memref<!tpu.dma_semaphore, #tpu.memory_space<semaphore_mem>>) src(%dma_wait3A_46 : memref<1024xi32, #tpu.memory_space<hbm>>) dst(%dma_wait3A_44 : memref<1024xi32, #tpu.memory_space<vmem>>)
    %dma_wait3A_47 = arith.constant 0 : i32
    %dma_wait3A_48 = arith.constant 0 : i32
    %dma_wait3A_49 = tpu.memref_slice %arg9[%dma_wait3A_47, %dma_wait3A_48] : memref<2x1024xi32, #tpu.memory_space<vmem>> -> memref<1x1024xi32, #tpu.memory_space<vmem>>
    %dma_wait3A_50 = tpu.memref_squeeze %dma_wait3A_49 : memref<1x1024xi32, #tpu.memory_space<vmem>> -> memref<1024xi32, #tpu.memory_space<vmem>>
    %dma_wait3A_51 = arith.constant 0 : i32
    %dma_wait3A_52 = tpu.memref_slice %arg4[%dma_wait3A_51] : memref<1048576xi32, #tpu.memory_space<hbm>> -> memref<1024xi32, #tpu.memory_space<hbm>>
    %dma_wait3A_53 = arith.constant 0 : i32
    %dma_wait3A_54 = tpu.memref_slice %arg9[%dma_wait3A_47, %dma_wait3A_53] : memref<2x1024xi32, #tpu.memory_space<vmem>> -> memref<1x1024xi32, #tpu.memory_space<vmem>>
    %dma_wait3A_55 = tpu.memref_squeeze %dma_wait3A_54 : memref<1x1024xi32, #tpu.memory_space<vmem>> -> memref<1024xi32, #tpu.memory_space<vmem>>
    %dma_wait3A_56 = arith.constant 0 : i32
    %dma_wait3A_57 = tpu.memref_slice %arg4[%dma_wait3A_56] : memref<1048576xi32, #tpu.memory_space<hbm>> -> memref<1024xi32, #tpu.memory_space<hbm>>
    tpu.wait_dma2 semaphore(%arg15 : memref<!tpu.dma_semaphore, #tpu.memory_space<semaphore_mem>>) src(%dma_wait3A_57 : memref<1024xi32, #tpu.memory_space<hbm>>) dst(%dma_wait3A_55 : memref<1024xi32, #tpu.memory_space<vmem>>)
    %dma_wait3A_58 = arith.constant 0 : i32
    %dma_wait3A_59 = arith.constant 0 : i32
    %dma_wait3A_60 = tpu.memref_slice %arg10[%dma_wait3A_58, %dma_wait3A_59] : memref<2x1024xi32, #tpu.memory_space<vmem>> -> memref<1x1024xi32, #tpu.memory_space<vmem>>
    %dma_wait3A_61 = tpu.memref_squeeze %dma_wait3A_60 : memref<1x1024xi32, #tpu.memory_space<vmem>> -> memref<1024xi32, #tpu.memory_space<vmem>>
    %dma_wait3A_62 = arith.constant 0 : i32
    %dma_wait3A_63 = tpu.memref_slice %arg5[%dma_wait3A_62] : memref<1048576xi32, #tpu.memory_space<hbm>> -> memref<1024xi32, #tpu.memory_space<hbm>>
    %dma_wait3A_64 = arith.constant 0 : i32
    %dma_wait3A_65 = tpu.memref_slice %arg10[%dma_wait3A_58, %dma_wait3A_64] : memref<2x1024xi32, #tpu.memory_space<vmem>> -> memref<1x1024xi32, #tpu.memory_space<vmem>>
    %dma_wait3A_66 = tpu.memref_squeeze %dma_wait3A_65 : memref<1x1024xi32, #tpu.memory_space<vmem>> -> memref<1024xi32, #tpu.memory_space<vmem>>
    %dma_wait3A_67 = arith.constant 0 : i32
    %dma_wait3A_68 = tpu.memref_slice %arg5[%dma_wait3A_67] : memref<1048576xi32, #tpu.memory_space<hbm>> -> memref<1024xi32, #tpu.memory_space<hbm>>
    tpu.wait_dma2 semaphore(%arg15 : memref<!tpu.dma_semaphore, #tpu.memory_space<semaphore_mem>>) src(%dma_wait3A_68 : memref<1024xi32, #tpu.memory_space<hbm>>) dst(%dma_wait3A_66 : memref<1024xi32, #tpu.memory_space<vmem>>)
    %scan3A_69 = arith.constant 0 : i32
    %scan3A_70 = arith.constant 0 : i32
    %scan3A_71 = arith.constant 64 : i32
    %scan3A_72 = arith.addi %scan3A_70, %scan3A_71 : i32
    %scan3A_73 = arith.constant 1 : i32
    scf.for %scan3A_220 = %scan3A_70 to %scan3A_72 step %scan3A_73  : i32 {
      %mul3A_221 = arith.constant 16 : i32
      %mul3A_222 = arith.muli %scan3A_220, %mul3A_221 : i32
      %get3A_223 = arith.constant 0 : i32
      %get3A_224 = arith.index_cast %get3A_223 : i32 to index
      %get3A_225 = arith.index_cast %mul3A_222 : i32 to index
      %get3A_226 = tpu.vector_load %arg8[%get3A_224, %get3A_225] {strides = array<i32>} : memref<2x1024xi32, #tpu.memory_space<vmem>>, vector<16xi32>,
      %mul3A_227 = arith.constant 1024 : i32
      %mul3A_228 = vector.broadcast %mul3A_227 : i32 to vector<16xi32>
      %mul3A_229 = arith.muli %get3A_226, %mul3A_228 : vector<16xi32>
      %get3A_230 = arith.constant 0 : i32
      %get3A_231 = arith.index_cast %get3A_230 : i32 to index
      %get3A_232 = arith.index_cast %mul3A_222 : i32 to index
      %get3A_233 = tpu.vector_load %arg9[%get3A_231, %get3A_232] {strides = array<i32>} : memref<2x1024xi32, #tpu.memory_space<vmem>>, vector<16xi32>,
      %add3A_234 = arith.addi %mul3A_229, %get3A_233 : vector<16xi32>
      %swap3A_235 = arith.constant 0 : i32
      %swap3A_236 = arith.index_cast %swap3A_235 : i32 to index
      %swap3A_237 = arith.index_cast %mul3A_222 : i32 to index
      %swap3A_238 = tpu.vector_load %arg11[%swap3A_236, %swap3A_237] {strides = array<i32>} : memref<2x1024xi32, #tpu.memory_space<vmem>>, vector<16xi32>,
      tpu.vector_store %arg11[%swap3A_236, %swap3A_237], %add3A_234 {strides = array<i32>} : memref<2x1024xi32, #tpu.memory_space<vmem>>, vector<16xi32>,
    }
    %scan3A_74 = arith.constant 64 : i32
    %dma_start3A_75 = arith.constant 0 : i32
    %dma_start3A_76 = arith.constant 0 : i32
    %dma_start3A_77 = arith.constant 0 : i32
    %dma_start3A_78 = arith.constant 0 : i32
    %dma_start3A_79 = tpu.memref_slice %arg12[%dma_start3A_76, %dma_start3A_77, %dma_start3A_78] : memref<2x1024x16xf32, #tpu.memory_space<vmem>> -> memref<1x128x16xf32, #tpu.memory_space<vmem>>
    %dma_start3A_80 = tpu.memref_squeeze %dma_start3A_79 : memref<1x128x16xf32, #tpu.memory_space<vmem>> -> memref<128x16xf32, #tpu.memory_space<vmem>>
    %dma_start3A_81 = arith.constant 0 : i32
    %dma_start3A_82 = tpu.memref_slice %arg11[%dma_start3A_75, %dma_start3A_81] : memref<2x1024xi32, #tpu.memory_space<vmem>> -> memref<1x128xi32, #tpu.memory_space<vmem>>
    %dma_start3A_83 = tpu.memref_squeeze %dma_start3A_82 : memref<1x128xi32, #tpu.memory_space<vmem>> -> memref<128xi32, #tpu.memory_space<vmem>>
    %dma_start3A_84 = arith.constant 0 : i32
    %dma_start3A_85 = arith.constant 0 : i32
    %dma_start3A_86 = tpu.memref_slice %arg2[%dma_start3A_84, %dma_start3A_85] : memref<1048576x16xf32, #tpu.memory_space<hbm>> -> memref<1048576x16xf32, #tpu.memory_space<hbm>>
    tpu.enqueue_indirect_dma source(%dma_start3A_86 : memref<1048576x16xf32, #tpu.memory_space<hbm>>) target(%dma_start3A_80 : memref<128x16xf32, #tpu.memory_space<vmem>>) offsets(%dma_start3A_83 : memref<128xi32, #tpu.memory_space<vmem>>) semaphore(%arg17 : memref<!tpu.dma_semaphore, #tpu.memory_space<semaphore_mem>>)
    %dma_start3A_87 = arith.constant 0 : i32
    %dma_start3A_88 = arith.constant 0 : i32
    %dma_start3A_89 = arith.constant 128 : i32
    %dma_start3A_90 = arith.constant 0 : i32
    %dma_start3A_91 = tpu.memref_slice %arg12[%dma_start3A_88, %dma_start3A_89, %dma_start3A_90] : memref<2x1024x16xf32, #tpu.memory_space<vmem>> -> memref<1x128x16xf32, #tpu.memory_space<vmem>>
    %dma_start3A_92 = tpu.memref_squeeze %dma_start3A_91 : memref<1x128x16xf32, #tpu.memory_space<vmem>> -> memref<128x16xf32, #tpu.memory_space<vmem>>
    %dma_start3A_93 = arith.constant 128 : i32
    %dma_start3A_94 = tpu.memref_slice %arg11[%dma_start3A_87, %dma_start3A_93] : memref<2x1024xi32, #tpu.memory_space<vmem>> -> memref<1x128xi32, #tpu.memory_space<vmem>>
    %dma_start3A_95 = tpu.memref_squeeze %dma_start3A_94 : memref<1x128xi32, #tpu.memory_space<vmem>> -> memref<128xi32, #tpu.memory_space<vmem>>
    %dma_start3A_96 = arith.constant 0 : i32
    %dma_start3A_97 = arith.constant 0 : i32
    %dma_start3A_98 = tpu.memref_slice %arg2[%dma_start3A_96, %dma_start3A_97] : memref<1048576x16xf32, #tpu.memory_space<hbm>> -> memref<1048576x16xf32, #tpu.memory_space<hbm>>
    tpu.enqueue_indirect_dma source(%dma_start3A_98 : memref<1048576x16xf32, #tpu.memory_space<hbm>>) target(%dma_start3A_92 : memref<128x16xf32, #tpu.memory_space<vmem>>) offsets(%dma_start3A_95 : memref<128xi32, #tpu.memory_space<vmem>>) semaphore(%arg17 : memref<!tpu.dma_semaphore, #tpu.memory_space<semaphore_mem>>)
    %dma_start3A_99 = arith.constant 0 : i32
    %dma_start3A_100 = arith.constant 0 : i32
    %dma_start3A_101 = arith.constant 256 : i32
    %dma_start3A_102 = arith.constant 0 : i32
    %dma_start3A_103 = tpu.memref_slice %arg12[%dma_start3A_100, %dma_start3A_101, %dma_start3A_102] : memref<2x1024x16xf32, #tpu.memory_space<vmem>> -> memref<1x128x16xf32, #tpu.memory_space<vmem>>
    %dma_start3A_104 = tpu.memref_squeeze %dma_start3A_103 : memref<1x128x16xf32, #tpu.memory_space<vmem>> -> memref<128x16xf32, #tpu.memory_space<vmem>>
    %dma_start3A_105 = arith.constant 256 : i32
    %dma_start3A_106 = tpu.memref_slice %arg11[%dma_start3A_99, %dma_start3A_105] : memref<2x1024xi32, #tpu.memory_space<vmem>> -> memref<1x128xi32, #tpu.memory_space<vmem>>
    %dma_start3A_107 = tpu.memref_squeeze %dma_start3A_106 : memref<1x128xi32, #tpu.memory_space<vmem>> -> memref<128xi32, #tpu.memory_space<vmem>>
    %dma_start3A_108 = arith.constant 0 : i32
    %dma_start3A_109 = arith.constant 0 : i32
    %dma_start3A_110 = tpu.memref_slice %arg2[%dma_start3A_108, %dma_start3A_109] : memref<1048576x16xf32, #tpu.memory_space<hbm>> -> memref<1048576x16xf32, #tpu.memory_space<hbm>>
    tpu.enqueue_indirect_dma source(%dma_start3A_110 : memref<1048576x16xf32, #tpu.memory_space<hbm>>) target(%dma_start3A_104 : memref<128x16xf32, #tpu.memory_space<vmem>>) offsets(%dma_start3A_107 : memref<128xi32, #tpu.memory_space<vmem>>) semaphore(%arg17 : memref<!tpu.dma_semaphore, #tpu.memory_space<semaphore_mem>>)
    %dma_start3A_111 = arith.constant 0 : i32
    %dma_start3A_112 = arith.constant 0 : i32
    %dma_start3A_113 = arith.constant 384 : i32
    %dma_start3A_114 = arith.constant 0 : i32
    %dma_start3A_115 = tpu.memref_slice %arg12[%dma_start3A_112, %dma_start3A_113, %dma_start3A_114] : memref<2x1024x16xf32, #tpu.memory_space<vmem>> -> memref<1x128x16xf32, #tpu.memory_space<vmem>>
    %dma_start3A_116 = tpu.memref_squeeze %dma_start3A_115 : memref<1x128x16xf32, #tpu.memory_space<vmem>> -> memref<128x16xf32, #tpu.memory_space<vmem>>
    %dma_start3A_117 = arith.constant 384 : i32
    %dma_start3A_118 = tpu.memref_slice %arg11[%dma_start3A_111, %dma_start3A_117] : memref<2x1024xi32, #tpu.memory_space<vmem>> -> memref<1x128xi32, #tpu.memory_space<vmem>>
    %dma_start3A_119 = tpu.memref_squeeze %dma_start3A_118 : memref<1x128xi32, #tpu.memory_space<vmem>> -> memref<128xi32, #tpu.memory_space<vmem>>
    %dma_start3A_120 = arith.constant 0 : i32
    %dma_start3A_121 = arith.constant 0 : i32
    %dma_start3A_122 = tpu.memref_slice %arg2[%dma_start3A_120, %dma_start3A_121] : memref<1048576x16xf32, #tpu.memory_space<hbm>> -> memref<1048576x16xf32, #tpu.memory_space<hbm>>
    tpu.enqueue_indirect_dma source(%dma_start3A_122 : memref<1048576x16xf32, #tpu.memory_space<hbm>>) target(%dma_start3A_116 : memref<128x16xf32, #tpu.memory_space<vmem>>) offsets(%dma_start3A_119 : memref<128xi32, #tpu.memory_space<vmem>>) semaphore(%arg17 : memref<!tpu.dma_semaphore, #tpu.memory_space<semaphore_mem>>)
    %dma_start3A_123 = arith.constant 0 : i32
    %dma_start3A_124 = arith.constant 0 : i32
    %dma_start3A_125 = arith.constant 512 : i32
    %dma_start3A_126 = arith.constant 0 : i32
    %dma_start3A_127 = tpu.memref_slice %arg12[%dma_start3A_124, %dma_start3A_125, %dma_start3A_126] : memref<2x1024x16xf32, #tpu.memory_space<vmem>> -> memref<1x128x16xf32, #tpu.memory_space<vmem>>
    %dma_start3A_128 = tpu.memref_squeeze %dma_start3A_127 : memref<1x128x16xf32, #tpu.memory_space<vmem>> -> memref<128x16xf32, #tpu.memory_space<vmem>>
    %dma_start3A_129 = arith.constant 512 : i32
    %dma_start3A_130 = tpu.memref_slice %arg11[%dma_start3A_123, %dma_start3A_129] : memref<2x1024xi32, #tpu.memory_space<vmem>> -> memref<1x128xi32, #tpu.memory_space<vmem>>
    %dma_start3A_131 = tpu.memref_squeeze %dma_start3A_130 : memref<1x128xi32, #tpu.memory_space<vmem>> -> memref<128xi32, #tpu.memory_space<vmem>>
    %dma_start3A_132 = arith.constant 0 : i32
    %dma_start3A_133 = arith.constant 0 : i32
    %dma_start3A_134 = tpu.memref_slice %arg2[%dma_start3A_132, %dma_start3A_133] : memref<1048576x16xf32, #tpu.memory_space<hbm>> -> memref<1048576x16xf32, #tpu.memory_space<hbm>>
    tpu.enqueue_indirect_dma source(%dma_start3A_134 : memref<1048576x16xf32, #tpu.memory_space<hbm>>) target(%dma_start3A_128 : memref<128x16xf32, #tpu.memory_space<vmem>>) offsets(%dma_start3A_131 : memref<128xi32, #tpu.memory_space<vmem>>) semaphore(%arg17 : memref<!tpu.dma_semaphore, #tpu.memory_space<semaphore_mem>>)
    %dma_start3A_135 = arith.constant 0 : i32
    %dma_start3A_136 = arith.constant 0 : i32
    %dma_start3A_137 = arith.constant 640 : i32
    %dma_start3A_138 = arith.constant 0 : i32
    %dma_start3A_139 = tpu.memref_slice %arg12[%dma_start3A_136, %dma_start3A_137, %dma_start3A_138] : memref<2x1024x16xf32, #tpu.memory_space<vmem>> -> memref<1x128x16xf32, #tpu.memory_space<vmem>>
    %dma_start3A_140 = tpu.memref_squeeze %dma_start3A_139 : memref<1x128x16xf32, #tpu.memory_space<vmem>> -> memref<128x16xf32, #tpu.memory_space<vmem>>
    %dma_start3A_141 = arith.constant 640 : i32
    %dma_start3A_142 = tpu.memref_slice %arg11[%dma_start3A_135, %dma_start3A_141] : memref<2x1024xi32, #tpu.memory_space<vmem>> -> memref<1x128xi32, #tpu.memory_space<vmem>>
    %dma_start3A_143 = tpu.memref_squeeze %dma_start3A_142 : memref<1x128xi32, #tpu.memory_space<vmem>> -> memref<128xi32, #tpu.memory_space<vmem>>
    %dma_start3A_144 = arith.constant 0 : i32
    %dma_start3A_145 = arith.constant 0 : i32
    %dma_start3A_146 = tpu.memref_slice %arg2[%dma_start3A_144, %dma_start3A_145] : memref<1048576x16xf32, #tpu.memory_space<hbm>> -> memref<1048576x16xf32, #tpu.memory_space<hbm>>
    tpu.enqueue_indirect_dma source(%dma_start3A_146 : memref<1048576x16xf32, #tpu.memory_space<hbm>>) target(%dma_start3A_140 : memref<128x16xf32, #tpu.memory_space<vmem>>) offsets(%dma_start3A_143 : memref<128xi32, #tpu.memory_space<vmem>>) semaphore(%arg17 : memref<!tpu.dma_semaphore, #tpu.memory_space<semaphore_mem>>)
    %dma_start3A_147 = arith.constant 0 : i32
    %dma_start3A_148 = arith.constant 0 : i32
    %dma_start3A_149 = arith.constant 768 : i32
    %dma_start3A_150 = arith.constant 0 : i32
    %dma_start3A_151 = tpu.memref_slice %arg12[%dma_start3A_148, %dma_start3A_149, %dma_start3A_150] : memref<2x1024x16xf32, #tpu.memory_space<vmem>> -> memref<1x128x16xf32, #tpu.memory_space<vmem>>
    %dma_start3A_152 = tpu.memref_squeeze %dma_start3A_151 : memref<1x128x16xf32, #tpu.memory_space<vmem>> -> memref<128x16xf32, #tpu.memory_space<vmem>>
    %dma_start3A_153 = arith.constant 768 : i32
    %dma_start3A_154 = tpu.memref_slice %arg11[%dma_start3A_147, %dma_start3A_153] : memref<2x1024xi32, #tpu.memory_space<vmem>> -> memref<1x128xi32, #tpu.memory_space<vmem>>
    %dma_start3A_155 = tpu.memref_squeeze %dma_start3A_154 : memref<1x128xi32, #tpu.memory_space<vmem>> -> memref<128xi32, #tpu.memory_space<vmem>>
    %dma_start3A_156 = arith.constant 0 : i32
    %dma_start3A_157 = arith.constant 0 : i32
    %dma_start3A_158 = tpu.memref_slice %arg2[%dma_start3A_156, %dma_start3A_157] : memref<1048576x16xf32, #tpu.memory_space<hbm>> -> memref<1048576x16xf32, #tpu.memory_space<hbm>>
    tpu.enqueue_indirect_dma source(%dma_start3A_158 : memref<1048576x16xf32, #tpu.memory_space<hbm>>) target(%dma_start3A_152 : memref<128x16xf32, #tpu.memory_space<vmem>>) offsets(%dma_start3A_155 : memref<128xi32, #tpu.memory_space<vmem>>) semaphore(%arg17 : memref<!tpu.dma_semaphore, #tpu.memory_space<semaphore_mem>>)
    %dma_start3A_159 = arith.constant 0 : i32
    %dma_start3A_160 = arith.constant 0 : i32
    %dma_start3A_161 = arith.constant 896 : i32
    %dma_start3A_162 = arith.constant 0 : i32
    %dma_start3A_163 = tpu.memref_slice %arg12[%dma_start3A_160, %dma_start3A_161, %dma_start3A_162] : memref<2x1024x16xf32, #tpu.memory_space<vmem>> -> memref<1x128x16xf32, #tpu.memory_space<vmem>>
    %dma_start3A_164 = tpu.memref_squeeze %dma_start3A_163 : memref<1x128x16xf32, #tpu.memory_space<vmem>> -> memref<128x16xf32, #tpu.memory_space<vmem>>
    %dma_start3A_165 = arith.constant 896 : i32
    %dma_start3A_166 = tpu.memref_slice %arg11[%dma_start3A_159, %dma_start3A_165] : memref<2x1024xi32, #tpu.memory_space<vmem>> -> memref<1x128xi32, #tpu.memory_space<vmem>>
    %dma_start3A_167 = tpu.memref_squeeze %dma_start3A_166 : memref<1x128xi32, #tpu.memory_space<vmem>> -> memref<128xi32, #tpu.memory_space<vmem>>
    %dma_start3A_168 = arith.constant 0 : i32
    %dma_start3A_169 = arith.constant 0 : i32
    %dma_start3A_170 = tpu.memref_slice %arg2[%dma_start3A_168, %dma_start3A_169] : memref<1048576x16xf32, #tpu.memory_space<hbm>> -> memref<1048576x16xf32, #tpu.memory_space<hbm>>
    tpu.enqueue_indirect_dma source(%dma_start3A_170 : memref<1048576x16xf32, #tpu.memory_space<hbm>>) target(%dma_start3A_164 : memref<128x16xf32, #tpu.memory_space<vmem>>) offsets(%dma_start3A_167 : memref<128xi32, #tpu.memory_space<vmem>>) semaphore(%arg17 : memref<!tpu.dma_semaphore, #tpu.memory_space<semaphore_mem>>)
    %add3A_171 = arith.constant 1024 : i32
    %add3A_172 = arith.addi %mul3A_2, %add3A_171 : i32
    %dma_start3A_173 = arith.constant 1 : i32
    %dma_start3A_174 = arith.constant 0 : i32
    %dma_start3A_175 = tpu.memref_slice %arg8[%dma_start3A_173, %dma_start3A_174] : memref<2x1024xi32, #tpu.memory_space<vmem>> -> memref<1x1024xi32, #tpu.memory_space<vmem>>
    %dma_start3A_176 = tpu.memref_squeeze %dma_start3A_175 : memref<1x1024xi32, #tpu.memory_space<vmem>> -> memref<1024xi32, #tpu.memory_space<vmem>>
    %dma_start3A_177 = tpu.memref_slice %arg3[%add3A_172] : memref<1048576xi32, #tpu.memory_space<hbm>> -> memref<1024xi32, #tpu.memory_space<hbm>>
    %dma_start3A_178 = arith.constant 0 : i32
    %dma_start3A_179 = tpu.memref_slice %arg8[%dma_start3A_173, %dma_start3A_178] : memref<2x1024xi32, #tpu.memory_space<vmem>> -> memref<1x1024xi32, #tpu.memory_space<vmem>>
    %dma_start3A_180 = tpu.memref_squeeze %dma_start3A_179 : memref<1x1024xi32, #tpu.memory_space<vmem>> -> memref<1024xi32, #tpu.memory_space<vmem>>
    %dma_start3A_181 = tpu.memref_slice %arg3[%add3A_172] : memref<1048576xi32, #tpu.memory_space<hbm>> -> memref<1024xi32, #tpu.memory_space<hbm>>
    tpu.enqueue_dma source(%dma_start3A_181 : memref<1024xi32, #tpu.memory_space<hbm>>) target(%dma_start3A_180 : memref<1024xi32, #tpu.memory_space<vmem>>) target_semaphore(%arg16 : memref<!tpu.dma_semaphore, #tpu.memory_space<semaphore_mem>>)
    %dma_start3A_182 = arith.constant 1 : i32
    %dma_start3A_183 = arith.constant 0 : i32
    %dma_start3A_184 = tpu.memref_slice %arg9[%dma_start3A_182, %dma_start3A_183] : memref<2x1024xi32, #tpu.memory_space<vmem>> -> memref<1x1024xi32, #tpu.memory_space<vmem>>
    %dma_start3A_185 = tpu.memref_squeeze %dma_start3A_184 : memref<1x1024xi32, #tpu.memory_space<vmem>> -> memref<1024xi32, #tpu.memory_space<vmem>>
    %dma_start3A_186 = tpu.memref_slice %arg4[%add3A_172] : memref<1048576xi32, #tpu.memory_space<hbm>> -> memref<1024xi32, #tpu.memory_space<hbm>>
    %dma_start3A_187 = arith.constant 0 : i32
    %dma_start3A_188 = tpu.memref_slice %arg9[%dma_start3A_182, %dma_start3A_187] : memref<2x1024xi32, #tpu.memory_space<vmem>> -> memref<1x1024xi32, #tpu.memory_space<vmem>>
    %dma_start3A_189 = tpu.memref_squeeze %dma_start3A_188 : memref<1x1024xi32, #tpu.memory_space<vmem>> -> memref<1024xi32, #tpu.memory_space<vmem>>
    %dma_start3A_190 = tpu.memref_slice %arg4[%add3A_172] : memref<1048576xi32, #tpu.memory_space<hbm>> -> memref<1024xi32, #tpu.memory_space<hbm>>
    tpu.enqueue_dma source(%dma_start3A_190 : memref<1024xi32, #tpu.memory_space<hbm>>) target(%dma_start3A_189 : memref<1024xi32, #tpu.memory_space<vmem>>) target_semaphore(%arg16 : memref<!tpu.dma_semaphore, #tpu.memory_space<semaphore_mem>>)
    %dma_start3A_191 = arith.constant 1 : i32
    %dma_start3A_192 = arith.constant 0 : i32
    %dma_start3A_193 = tpu.memref_slice %arg10[%dma_start3A_191, %dma_start3A_192] : memref<2x1024xi32, #tpu.memory_space<vmem>> -> memref<1x1024xi32, #tpu.memory_space<vmem>>
    %dma_start3A_194 = tpu.memref_squeeze %dma_start3A_193 : memref<1x1024xi32, #tpu.memory_space<vmem>> -> memref<1024xi32, #tpu.memory_space<vmem>>
    %dma_start3A_195 = tpu.memref_slice %arg5[%add3A_172] : memref<1048576xi32, #tpu.memory_space<hbm>> -> memref<1024xi32, #tpu.memory_space<hbm>>
    %dma_start3A_196 = arith.constant 0 : i32
    %dma_start3A_197 = tpu.memref_slice %arg10[%dma_start3A_191, %dma_start3A_196] : memref<2x1024xi32, #tpu.memory_space<vmem>> -> memref<1x1024xi32, #tpu.memory_space<vmem>>
    %dma_start3A_198 = tpu.memref_squeeze %dma_start3A_197 : memref<1x1024xi32, #tpu.memory_space<vmem>> -> memref<1024xi32, #tpu.memory_space<vmem>>
    %dma_start3A_199 = tpu.memref_slice %arg5[%add3A_172] : memref<1048576xi32, #tpu.memory_space<hbm>> -> memref<1024xi32, #tpu.memory_space<hbm>>
    tpu.enqueue_dma source(%dma_start3A_199 : memref<1024xi32, #tpu.memory_space<hbm>>) target(%dma_start3A_198 : memref<1024xi32, #tpu.memory_space<vmem>>) target_semaphore(%arg16 : memref<!tpu.dma_semaphore, #tpu.memory_space<semaphore_mem>>)
    %get3A = arith.constant 0 : i32
    %get3A_200 = arith.index_cast %get3A : i32 to index
    %get3A_201 = arith.constant 0 : index
    %get3A_202 = tpu.vector_load %arg10[%get3A_200, %get3A_201] {strides = array<i32>} : memref<2x1024xi32, #tpu.memory_space<vmem>>, vector<16xi32>,
    %slice3A = vector.extract_strided_slice %get3A_202 {offsets = [0], sizes = [1], strides = [1]} : vector<16xi32> to vector<1xi32>
    %squeeze3A = vector.extract %slice3A[0] : i32 from vector<1xi32>
    %scan3A_203 = arith.constant 0 : i32
    %scan3A_204 = arith.constant 16 : i32
    %scan3A_205 = arith.addi %scan3A_203, %scan3A_204 : i32
    %scan3A_206 = arith.constant 1 : i32
    %scan3A_207:3 = scf.for %scan3A_220 = %scan3A_203 to %scan3A_205 step %scan3A_206 iter_args(%scan3A_221 = %broadcast_in_dim3A_3, %scan3A_222 = %broadcast_in_dim3A_3, %scan3A_223 = %squeeze3A) -> (vector<16xf32>, vector<16xf32>, i32)  : i32 {
      %mul3A_224 = arith.constant 2 : i32
      %mul3A_225 = arith.muli %mul3A_224, %scan3A_220 : i32
      %add3A_226 = arith.constant 0 : i32
      %add3A_227 = arith.addi %mul3A_225, %add3A_226 : i32
      %add3A_228 = arith.constant 1 : i32
      %add3A_229 = arith.addi %add3A_227, %add3A_228 : i32
      %lt3A = arith.constant 32 : i32
      %lt3A_230 = arith.cmpi slt, %add3A_229, %lt3A : i32
      %convert_element_type3A = arith.extui %lt3A_230 : i1 to i32
      %cond3A = arith.constant 0 : i32
      %cond3A_231 = arith.cmpi ne, %convert_element_type3A, %cond3A : i32
      scf.if %cond3A_231 {
        %dma_wait3A_299 = arith.constant 1 : i32
        %dma_wait3A_300 = arith.constant 0 : i32
        %dma_wait3A_301 = tpu.memref_slice %arg8[%dma_wait3A_299, %dma_wait3A_300] : memref<2x1024xi32, #tpu.memory_space<vmem>> -> memref<1x1024xi32, #tpu.memory_space<vmem>>
        %dma_wait3A_302 = tpu.memref_squeeze %dma_wait3A_301 : memref<1x1024xi32, #tpu.memory_space<vmem>> -> memref<1024xi32, #tpu.memory_space<vmem>>
        %dma_wait3A_303 = arith.constant 0 : i32
        %dma_wait3A_304 = tpu.memref_slice %arg3[%dma_wait3A_303] : memref<1048576xi32, #tpu.memory_space<hbm>> -> memref<1024xi32, #tpu.memory_space<hbm>>
        %dma_wait3A_305 = arith.constant 0 : i32
        %dma_wait3A_306 = tpu.memref_slice %arg8[%dma_wait3A_299, %dma_wait3A_305] : memref<2x1024xi32, #tpu.memory_space<vmem>> -> memref<1x1024xi32, #tpu.memory_space<vmem>>
        %dma_wait3A_307 = tpu.memref_squeeze %dma_wait3A_306 : memref<1x1024xi32, #tpu.memory_space<vmem>> -> memref<1024xi32, #tpu.memory_space<vmem>>
        %dma_wait3A_308 = arith.constant 0 : i32
        %dma_wait3A_309 = tpu.memref_slice %arg3[%dma_wait3A_308] : memref<1048576xi32, #tpu.memory_space<hbm>> -> memref<1024xi32, #tpu.memory_space<hbm>>
        tpu.wait_dma2 semaphore(%arg16 : memref<!tpu.dma_semaphore, #tpu.memory_space<semaphore_mem>>) src(%dma_wait3A_309 : memref<1024xi32, #tpu.memory_space<hbm>>) dst(%dma_wait3A_307 : memref<1024xi32, #tpu.memory_space<vmem>>)
        %dma_wait3A_310 = arith.constant 1 : i32
        %dma_wait3A_311 = arith.constant 0 : i32
        %dma_wait3A_312 = tpu.memref_slice %arg9[%dma_wait3A_310, %dma_wait3A_311] : memref<2x1024xi32, #tpu.memory_space<vmem>> -> memref<1x1024xi32, #tpu.memory_space<vmem>>
        %dma_wait3A_313 = tpu.memref_squeeze %dma_wait3A_312 : memref<1x1024xi32, #tpu.memory_space<vmem>> -> memref<1024xi32, #tpu.memory_space<vmem>>
        %dma_wait3A_314 = arith.constant 0 : i32
        %dma_wait3A_315 = tpu.memref_slice %arg4[%dma_wait3A_314] : memref<1048576xi32, #tpu.memory_space<hbm>> -> memref<1024xi32, #tpu.memory_space<hbm>>
        %dma_wait3A_316 = arith.constant 0 : i32
        %dma_wait3A_317 = tpu.memref_slice %arg9[%dma_wait3A_310, %dma_wait3A_316] : memref<2x1024xi32, #tpu.memory_space<vmem>> -> memref<1x1024xi32, #tpu.memory_space<vmem>>
        %dma_wait3A_318 = tpu.memref_squeeze %dma_wait3A_317 : memref<1x1024xi32, #tpu.memory_space<vmem>> -> memref<1024xi32, #tpu.memory_space<vmem>>
        %dma_wait3A_319 = arith.constant 0 : i32
        %dma_wait3A_320 = tpu.memref_slice %arg4[%dma_wait3A_319] : memref<1048576xi32, #tpu.memory_space<hbm>> -> memref<1024xi32, #tpu.memory_space<hbm>>
        tpu.wait_dma2 semaphore(%arg16 : memref<!tpu.dma_semaphore, #tpu.memory_space<semaphore_mem>>) src(%dma_wait3A_320 : memref<1024xi32, #tpu.memory_space<hbm>>) dst(%dma_wait3A_318 : memref<1024xi32, #tpu.memory_space<vmem>>)
        %dma_wait3A_321 = arith.constant 1 : i32
        %dma_wait3A_322 = arith.constant 0 : i32
        %dma_wait3A_323 = tpu.memref_slice %arg10[%dma_wait3A_321, %dma_wait3A_322] : memref<2x1024xi32, #tpu.memory_space<vmem>> -> memref<1x1024xi32, #tpu.memory_space<vmem>>
        %dma_wait3A_324 = tpu.memref_squeeze %dma_wait3A_323 : memref<1x1024xi32, #tpu.memory_space<vmem>> -> memref<1024xi32, #tpu.memory_space<vmem>>
        %dma_wait3A_325 = arith.constant 0 : i32
        %dma_wait3A_326 = tpu.memref_slice %arg5[%dma_wait3A_325] : memref<1048576xi32, #tpu.memory_space<hbm>> -> memref<1024xi32, #tpu.memory_space<hbm>>
        %dma_wait3A_327 = arith.constant 0 : i32
        %dma_wait3A_328 = tpu.memref_slice %arg10[%dma_wait3A_321, %dma_wait3A_327] : memref<2x1024xi32, #tpu.memory_space<vmem>> -> memref<1x1024xi32, #tpu.memory_space<vmem>>
        %dma_wait3A_329 = tpu.memref_squeeze %dma_wait3A_328 : memref<1x1024xi32, #tpu.memory_space<vmem>> -> memref<1024xi32, #tpu.memory_space<vmem>>
        %dma_wait3A_330 = arith.constant 0 : i32
        %dma_wait3A_331 = tpu.memref_slice %arg5[%dma_wait3A_330] : memref<1048576xi32, #tpu.memory_space<hbm>> -> memref<1024xi32, #tpu.memory_space<hbm>>
        tpu.wait_dma2 semaphore(%arg16 : memref<!tpu.dma_semaphore, #tpu.memory_space<semaphore_mem>>) src(%dma_wait3A_331 : memref<1024xi32, #tpu.memory_space<hbm>>) dst(%dma_wait3A_329 : memref<1024xi32, #tpu.memory_space<vmem>>)
        %scan3A_332 = arith.constant 0 : i32
        %scan3A_333 = arith.constant 0 : i32
        %scan3A_334 = arith.constant 64 : i32
        %scan3A_335 = arith.addi %scan3A_333, %scan3A_334 : i32
        %scan3A_336 = arith.constant 1 : i32
        scf.for %scan3A_434 = %scan3A_333 to %scan3A_335 step %scan3A_336  : i32 {
          %mul3A_435 = arith.constant 16 : i32
          %mul3A_436 = arith.muli %scan3A_434, %mul3A_435 : i32
          %get3A_437 = arith.constant 1 : i32
          %get3A_438 = arith.index_cast %get3A_437 : i32 to index
          %get3A_439 = arith.index_cast %mul3A_436 : i32 to index
          %get3A_440 = tpu.vector_load %arg8[%get3A_438, %get3A_439] {strides = array<i32>} : memref<2x1024xi32, #tpu.memory_space<vmem>>, vector<16xi32>,
          %mul3A_441 = arith.constant 1024 : i32
          %mul3A_442 = vector.broadcast %mul3A_441 : i32 to vector<16xi32>
          %mul3A_443 = arith.muli %get3A_440, %mul3A_442 : vector<16xi32>
          %get3A_444 = arith.constant 1 : i32
          %get3A_445 = arith.index_cast %get3A_444 : i32 to index
          %get3A_446 = arith.index_cast %mul3A_436 : i32 to index
          %get3A_447 = tpu.vector_load %arg9[%get3A_445, %get3A_446] {strides = array<i32>} : memref<2x1024xi32, #tpu.memory_space<vmem>>, vector<16xi32>,
          %add3A_448 = arith.addi %mul3A_443, %get3A_447 : vector<16xi32>
          %swap3A_449 = arith.constant 1 : i32
          %swap3A_450 = arith.index_cast %swap3A_449 : i32 to index
          %swap3A_451 = arith.index_cast %mul3A_436 : i32 to index
          %swap3A_452 = tpu.vector_load %arg11[%swap3A_450, %swap3A_451] {strides = array<i32>} : memref<2x1024xi32, #tpu.memory_space<vmem>>, vector<16xi32>,
          tpu.vector_store %arg11[%swap3A_450, %swap3A_451], %add3A_448 {strides = array<i32>} : memref<2x1024xi32, #tpu.memory_space<vmem>>, vector<16xi32>,
        }
        %scan3A_337 = arith.constant 64 : i32
        %dma_start3A_338 = arith.constant 1 : i32
        %dma_start3A_339 = arith.constant 1 : i32
        %dma_start3A_340 = arith.constant 0 : i32
        %dma_start3A_341 = arith.constant 0 : i32
        %dma_start3A_342 = tpu.memref_slice %arg12[%dma_start3A_339, %dma_start3A_340, %dma_start3A_341] : memref<2x1024x16xf32, #tpu.memory_space<vmem>> -> memref<1x128x16xf32, #tpu.memory_space<vmem>>
        %dma_start3A_343 = tpu.memref_squeeze %dma_start3A_342 : memref<1x128x16xf32, #tpu.memory_space<vmem>> -> memref<128x16xf32, #tpu.memory_space<vmem>>
        %dma_start3A_344 = arith.constant 0 : i32
        %dma_start3A_345 = tpu.memref_slice %arg11[%dma_start3A_338, %dma_start3A_344] : memref<2x1024xi32, #tpu.memory_space<vmem>> -> memref<1x128xi32, #tpu.memory_space<vmem>>
        %dma_start3A_346 = tpu.memref_squeeze %dma_start3A_345 : memref<1x128xi32, #tpu.memory_space<vmem>> -> memref<128xi32, #tpu.memory_space<vmem>>
        %dma_start3A_347 = arith.constant 0 : i32
        %dma_start3A_348 = arith.constant 0 : i32
        %dma_start3A_349 = tpu.memref_slice %arg2[%dma_start3A_347, %dma_start3A_348] : memref<1048576x16xf32, #tpu.memory_space<hbm>> -> memref<1048576x16xf32, #tpu.memory_space<hbm>>
        tpu.enqueue_indirect_dma source(%dma_start3A_349 : memref<1048576x16xf32, #tpu.memory_space<hbm>>) target(%dma_start3A_343 : memref<128x16xf32, #tpu.memory_space<vmem>>) offsets(%dma_start3A_346 : memref<128xi32, #tpu.memory_space<vmem>>) semaphore(%arg18 : memref<!tpu.dma_semaphore, #tpu.memory_space<semaphore_mem>>)
        %dma_start3A_350 = arith.constant 1 : i32
        %dma_start3A_351 = arith.constant 1 : i32
        %dma_start3A_352 = arith.constant 128 : i32
        %dma_start3A_353 = arith.constant 0 : i32
        %dma_start3A_354 = tpu.memref_slice %arg12[%dma_start3A_351, %dma_start3A_352, %dma_start3A_353] : memref<2x1024x16xf32, #tpu.memory_space<vmem>> -> memref<1x128x16xf32, #tpu.memory_space<vmem>>
        %dma_start3A_355 = tpu.memref_squeeze %dma_start3A_354 : memref<1x128x16xf32, #tpu.memory_space<vmem>> -> memref<128x16xf32, #tpu.memory_space<vmem>>
        %dma_start3A_356 = arith.constant 128 : i32
        %dma_start3A_357 = tpu.memref_slice %arg11[%dma_start3A_350, %dma_start3A_356] : memref<2x1024xi32, #tpu.memory_space<vmem>> -> memref<1x128xi32, #tpu.memory_space<vmem>>
        %dma_start3A_358 = tpu.memref_squeeze %dma_start3A_357 : memref<1x128xi32, #tpu.memory_space<vmem>> -> memref<128xi32, #tpu.memory_space<vmem>>
        %dma_start3A_359 = arith.constant 0 : i32
        %dma_start3A_360 = arith.constant 0 : i32
        %dma_start3A_361 = tpu.memref_slice %arg2[%dma_start3A_359, %dma_start3A_360] : memref<1048576x16xf32, #tpu.memory_space<hbm>> -> memref<1048576x16xf32, #tpu.memory_space<hbm>>
        tpu.enqueue_indirect_dma source(%dma_start3A_361 : memref<1048576x16xf32, #tpu.memory_space<hbm>>) target(%dma_start3A_355 : memref<128x16xf32, #tpu.memory_space<vmem>>) offsets(%dma_start3A_358 : memref<128xi32, #tpu.memory_space<vmem>>) semaphore(%arg18 : memref<!tpu.dma_semaphore, #tpu.memory_space<semaphore_mem>>)
        %dma_start3A_362 = arith.constant 1 : i32
        %dma_start3A_363 = arith.constant 1 : i32
        %dma_start3A_364 = arith.constant 256 : i32
        %dma_start3A_365 = arith.constant 0 : i32
        %dma_start3A_366 = tpu.memref_slice %arg12[%dma_start3A_363, %dma_start3A_364, %dma_start3A_365] : memref<2x1024x16xf32, #tpu.memory_space<vmem>> -> memref<1x128x16xf32, #tpu.memory_space<vmem>>
        %dma_start3A_367 = tpu.memref_squeeze %dma_start3A_366 : memref<1x128x16xf32, #tpu.memory_space<vmem>> -> memref<128x16xf32, #tpu.memory_space<vmem>>
        %dma_start3A_368 = arith.constant 256 : i32
        %dma_start3A_369 = tpu.memref_slice %arg11[%dma_start3A_362, %dma_start3A_368] : memref<2x1024xi32, #tpu.memory_space<vmem>> -> memref<1x128xi32, #tpu.memory_space<vmem>>
        %dma_start3A_370 = tpu.memref_squeeze %dma_start3A_369 : memref<1x128xi32, #tpu.memory_space<vmem>> -> memref<128xi32, #tpu.memory_space<vmem>>
        %dma_start3A_371 = arith.constant 0 : i32
        %dma_start3A_372 = arith.constant 0 : i32
        %dma_start3A_373 = tpu.memref_slice %arg2[%dma_start3A_371, %dma_start3A_372] : memref<1048576x16xf32, #tpu.memory_space<hbm>> -> memref<1048576x16xf32, #tpu.memory_space<hbm>>
        tpu.enqueue_indirect_dma source(%dma_start3A_373 : memref<1048576x16xf32, #tpu.memory_space<hbm>>) target(%dma_start3A_367 : memref<128x16xf32, #tpu.memory_space<vmem>>) offsets(%dma_start3A_370 : memref<128xi32, #tpu.memory_space<vmem>>) semaphore(%arg18 : memref<!tpu.dma_semaphore, #tpu.memory_space<semaphore_mem>>)
        %dma_start3A_374 = arith.constant 1 : i32
        %dma_start3A_375 = arith.constant 1 : i32
        %dma_start3A_376 = arith.constant 384 : i32
        %dma_start3A_377 = arith.constant 0 : i32
        %dma_start3A_378 = tpu.memref_slice %arg12[%dma_start3A_375, %dma_start3A_376, %dma_start3A_377] : memref<2x1024x16xf32, #tpu.memory_space<vmem>> -> memref<1x128x16xf32, #tpu.memory_space<vmem>>
        %dma_start3A_379 = tpu.memref_squeeze %dma_start3A_378 : memref<1x128x16xf32, #tpu.memory_space<vmem>> -> memref<128x16xf32, #tpu.memory_space<vmem>>
        %dma_start3A_380 = arith.constant 384 : i32
        %dma_start3A_381 = tpu.memref_slice %arg11[%dma_start3A_374, %dma_start3A_380] : memref<2x1024xi32, #tpu.memory_space<vmem>> -> memref<1x128xi32, #tpu.memory_space<vmem>>
        %dma_start3A_382 = tpu.memref_squeeze %dma_start3A_381 : memref<1x128xi32, #tpu.memory_space<vmem>> -> memref<128xi32, #tpu.memory_space<vmem>>
        %dma_start3A_383 = arith.constant 0 : i32
        %dma_start3A_384 = arith.constant 0 : i32
        %dma_start3A_385 = tpu.memref_slice %arg2[%dma_start3A_383, %dma_start3A_384] : memref<1048576x16xf32, #tpu.memory_space<hbm>> -> memref<1048576x16xf32, #tpu.memory_space<hbm>>
        tpu.enqueue_indirect_dma source(%dma_start3A_385 : memref<1048576x16xf32, #tpu.memory_space<hbm>>) target(%dma_start3A_379 : memref<128x16xf32, #tpu.memory_space<vmem>>) offsets(%dma_start3A_382 : memref<128xi32, #tpu.memory_space<vmem>>) semaphore(%arg18 : memref<!tpu.dma_semaphore, #tpu.memory_space<semaphore_mem>>)
        %dma_start3A_386 = arith.constant 1 : i32
        %dma_start3A_387 = arith.constant 1 : i32
        %dma_start3A_388 = arith.constant 512 : i32
        %dma_start3A_389 = arith.constant 0 : i32
        %dma_start3A_390 = tpu.memref_slice %arg12[%dma_start3A_387, %dma_start3A_388, %dma_start3A_389] : memref<2x1024x16xf32, #tpu.memory_space<vmem>> -> memref<1x128x16xf32, #tpu.memory_space<vmem>>
        %dma_start3A_391 = tpu.memref_squeeze %dma_start3A_390 : memref<1x128x16xf32, #tpu.memory_space<vmem>> -> memref<128x16xf32, #tpu.memory_space<vmem>>
        %dma_start3A_392 = arith.constant 512 : i32
        %dma_start3A_393 = tpu.memref_slice %arg11[%dma_start3A_386, %dma_start3A_392] : memref<2x1024xi32, #tpu.memory_space<vmem>> -> memref<1x128xi32, #tpu.memory_space<vmem>>
        %dma_start3A_394 = tpu.memref_squeeze %dma_start3A_393 : memref<1x128xi32, #tpu.memory_space<vmem>> -> memref<128xi32, #tpu.memory_space<vmem>>
        %dma_start3A_395 = arith.constant 0 : i32
        %dma_start3A_396 = arith.constant 0 : i32
        %dma_start3A_397 = tpu.memref_slice %arg2[%dma_start3A_395, %dma_start3A_396] : memref<1048576x16xf32, #tpu.memory_space<hbm>> -> memref<1048576x16xf32, #tpu.memory_space<hbm>>
        tpu.enqueue_indirect_dma source(%dma_start3A_397 : memref<1048576x16xf32, #tpu.memory_space<hbm>>) target(%dma_start3A_391 : memref<128x16xf32, #tpu.memory_space<vmem>>) offsets(%dma_start3A_394 : memref<128xi32, #tpu.memory_space<vmem>>) semaphore(%arg18 : memref<!tpu.dma_semaphore, #tpu.memory_space<semaphore_mem>>)
        %dma_start3A_398 = arith.constant 1 : i32
        %dma_start3A_399 = arith.constant 1 : i32
        %dma_start3A_400 = arith.constant 640 : i32
        %dma_start3A_401 = arith.constant 0 : i32
        %dma_start3A_402 = tpu.memref_slice %arg12[%dma_start3A_399, %dma_start3A_400, %dma_start3A_401] : memref<2x1024x16xf32, #tpu.memory_space<vmem>> -> memref<1x128x16xf32, #tpu.memory_space<vmem>>
        %dma_start3A_403 = tpu.memref_squeeze %dma_start3A_402 : memref<1x128x16xf32, #tpu.memory_space<vmem>> -> memref<128x16xf32, #tpu.memory_space<vmem>>
        %dma_start3A_404 = arith.constant 640 : i32
        %dma_start3A_405 = tpu.memref_slice %arg11[%dma_start3A_398, %dma_start3A_404] : memref<2x1024xi32, #tpu.memory_space<vmem>> -> memref<1x128xi32, #tpu.memory_space<vmem>>
        %dma_start3A_406 = tpu.memref_squeeze %dma_start3A_405 : memref<1x128xi32, #tpu.memory_space<vmem>> -> memref<128xi32, #tpu.memory_space<vmem>>
        %dma_start3A_407 = arith.constant 0 : i32
        %dma_start3A_408 = arith.constant 0 : i32
        %dma_start3A_409 = tpu.memref_slice %arg2[%dma_start3A_407, %dma_start3A_408] : memref<1048576x16xf32, #tpu.memory_space<hbm>> -> memref<1048576x16xf32, #tpu.memory_space<hbm>>
        tpu.enqueue_indirect_dma source(%dma_start3A_409 : memref<1048576x16xf32, #tpu.memory_space<hbm>>) target(%dma_start3A_403 : memref<128x16xf32, #tpu.memory_space<vmem>>) offsets(%dma_start3A_406 : memref<128xi32, #tpu.memory_space<vmem>>) semaphore(%arg18 : memref<!tpu.dma_semaphore, #tpu.memory_space<semaphore_mem>>)
        %dma_start3A_410 = arith.constant 1 : i32
        %dma_start3A_411 = arith.constant 1 : i32
        %dma_start3A_412 = arith.constant 768 : i32
        %dma_start3A_413 = arith.constant 0 : i32
        %dma_start3A_414 = tpu.memref_slice %arg12[%dma_start3A_411, %dma_start3A_412, %dma_start3A_413] : memref<2x1024x16xf32, #tpu.memory_space<vmem>> -> memref<1x128x16xf32, #tpu.memory_space<vmem>>
        %dma_start3A_415 = tpu.memref_squeeze %dma_start3A_414 : memref<1x128x16xf32, #tpu.memory_space<vmem>> -> memref<128x16xf32, #tpu.memory_space<vmem>>
        %dma_start3A_416 = arith.constant 768 : i32
        %dma_start3A_417 = tpu.memref_slice %arg11[%dma_start3A_410, %dma_start3A_416] : memref<2x1024xi32, #tpu.memory_space<vmem>> -> memref<1x128xi32, #tpu.memory_space<vmem>>
        %dma_start3A_418 = tpu.memref_squeeze %dma_start3A_417 : memref<1x128xi32, #tpu.memory_space<vmem>> -> memref<128xi32, #tpu.memory_space<vmem>>
        %dma_start3A_419 = arith.constant 0 : i32
        %dma_start3A_420 = arith.constant 0 : i32
        %dma_start3A_421 = tpu.memref_slice %arg2[%dma_start3A_419, %dma_start3A_420] : memref<1048576x16xf32, #tpu.memory_space<hbm>> -> memref<1048576x16xf32, #tpu.memory_space<hbm>>
        tpu.enqueue_indirect_dma source(%dma_start3A_421 : memref<1048576x16xf32, #tpu.memory_space<hbm>>) target(%dma_start3A_415 : memref<128x16xf32, #tpu.memory_space<vmem>>) offsets(%dma_start3A_418 : memref<128xi32, #tpu.memory_space<vmem>>) semaphore(%arg18 : memref<!tpu.dma_semaphore, #tpu.memory_space<semaphore_mem>>)
        %dma_start3A_422 = arith.constant 1 : i32
        %dma_start3A_423 = arith.constant 1 : i32
        %dma_start3A_424 = arith.constant 896 : i32
        %dma_start3A_425 = arith.constant 0 : i32
        %dma_start3A_426 = tpu.memref_slice %arg12[%dma_start3A_423, %dma_start3A_424, %dma_start3A_425] : memref<2x1024x16xf32, #tpu.memory_space<vmem>> -> memref<1x128x16xf32, #tpu.memory_space<vmem>>
        %dma_start3A_427 = tpu.memref_squeeze %dma_start3A_426 : memref<1x128x16xf32, #tpu.memory_space<vmem>> -> memref<128x16xf32, #tpu.memory_space<vmem>>
        %dma_start3A_428 = arith.constant 896 : i32
        %dma_start3A_429 = tpu.memref_slice %arg11[%dma_start3A_422, %dma_start3A_428] : memref<2x1024xi32, #tpu.memory_space<vmem>> -> memref<1x128xi32, #tpu.memory_space<vmem>>
        %dma_start3A_430 = tpu.memref_squeeze %dma_start3A_429 : memref<1x128xi32, #tpu.memory_space<vmem>> -> memref<128xi32, #tpu.memory_space<vmem>>
        %dma_start3A_431 = arith.constant 0 : i32
        %dma_start3A_432 = arith.constant 0 : i32
        %dma_start3A_433 = tpu.memref_slice %arg2[%dma_start3A_431, %dma_start3A_432] : memref<1048576x16xf32, #tpu.memory_space<hbm>> -> memref<1048576x16xf32, #tpu.memory_space<hbm>>
        tpu.enqueue_indirect_dma source(%dma_start3A_433 : memref<1048576x16xf32, #tpu.memory_space<hbm>>) target(%dma_start3A_427 : memref<128x16xf32, #tpu.memory_space<vmem>>) offsets(%dma_start3A_430 : memref<128xi32, #tpu.memory_space<vmem>>) semaphore(%arg18 : memref<!tpu.dma_semaphore, #tpu.memory_space<semaphore_mem>>)
      } else {
      }
      %dma_wait3A_232 = arith.constant 0 : i32
      %dma_wait3A_233 = arith.constant 0 : i32
      %dma_wait3A_234 = arith.constant 0 : i32
      %dma_wait3A_235 = tpu.memref_slice %arg12[%dma_wait3A_232, %dma_wait3A_233, %dma_wait3A_234] : memref<2x1024x16xf32, #tpu.memory_space<vmem>> -> memref<1x1024x16xf32, #tpu.memory_space<vmem>>
      %dma_wait3A_236 = tpu.memref_squeeze %dma_wait3A_235 : memref<1x1024x16xf32, #tpu.memory_space<vmem>> -> memref<1024x16xf32, #tpu.memory_space<vmem>>
      %dma_wait3A_237 = arith.constant 0 : i32
      %dma_wait3A_238 = arith.constant 0 : i32
      %dma_wait3A_239 = tpu.memref_slice %arg2[%dma_wait3A_237, %dma_wait3A_238] : memref<1048576x16xf32, #tpu.memory_space<hbm>> -> memref<1024x16xf32, #tpu.memory_space<hbm>>
      %dma_wait3A_240 = arith.constant 0 : i32
      %dma_wait3A_241 = arith.constant 0 : i32
      %dma_wait3A_242 = tpu.memref_slice %arg12[%dma_wait3A_232, %dma_wait3A_240, %dma_wait3A_241] : memref<2x1024x16xf32, #tpu.memory_space<vmem>> -> memref<1x1024x16xf32, #tpu.memory_space<vmem>>
      %dma_wait3A_243 = tpu.memref_squeeze %dma_wait3A_242 : memref<1x1024x16xf32, #tpu.memory_space<vmem>> -> memref<1024x16xf32, #tpu.memory_space<vmem>>
      %dma_wait3A_244 = arith.constant 0 : i32
      %dma_wait3A_245 = arith.constant 0 : i32
      %dma_wait3A_246 = tpu.memref_slice %arg2[%dma_wait3A_244, %dma_wait3A_245] : memref<1048576x16xf32, #tpu.memory_space<hbm>> -> memref<1024x16xf32, #tpu.memory_space<hbm>>
      tpu.wait_dma2 semaphore(%arg17 : memref<!tpu.dma_semaphore, #tpu.memory_space<semaphore_mem>>) src(%dma_wait3A_246 : memref<1024x16xf32, #tpu.memory_space<hbm>>) dst(%dma_wait3A_243 : memref<1024x16xf32, #tpu.memory_space<vmem>>)
      %scan3A_247 = arith.constant 0 : i32
      %scan3A_248 = arith.constant 64 : i32
      %scan3A_249 = arith.addi %scan3A_247, %scan3A_248 : i32
      %scan3A_250 = arith.constant 1 : i32
      %scan3A_251:3 = scf.for %scan3A_299 = %scan3A_247 to %scan3A_249 step %scan3A_250 iter_args(%scan3A_300 = %scan3A_221, %scan3A_301 = %scan3A_222, %scan3A_302 = %scan3A_223) -> (vector<16xf32>, vector<16xf32>, i32)  : i32 {
        %mul3A_303 = arith.constant 16 : i32
        %mul3A_304 = arith.muli %scan3A_299, %mul3A_303 : i32
        %get3A_305 = arith.constant 0 : i32
        %get3A_306 = arith.index_cast %get3A_305 : i32 to index
        %get3A_307 = arith.index_cast %mul3A_304 : i32 to index
        %get3A_308 = tpu.vector_load %arg10[%get3A_306, %get3A_307] {strides = array<i32>} : memref<2x1024xi32, #tpu.memory_space<vmem>>, vector<16xi32>,
        %slice3A_309 = vector.extract_strided_slice %get3A_308 {offsets = [0], sizes = [1], strides = [1]} : vector<16xi32> to vector<1xi32>
        %squeeze3A_310 = vector.extract %slice3A_309[0] : i32 from vector<1xi32>
        %slice3A_311 = vector.extract_strided_slice %get3A_308 {offsets = [15], sizes = [1], strides = [1]} : vector<16xi32> to vector<1xi32>
        %squeeze3A_312 = vector.extract %slice3A_311[0] : i32 from vector<1xi32>
        %mul3A_313 = arith.constant 16 : i32
        %mul3A_314 = arith.muli %scan3A_299, %mul3A_313 : i32
        %eq3A = arith.cmpi eq, %squeeze3A_310, %squeeze3A_312 : i32
        %convert_element_type3A_315 = arith.extui %eq3A : i1 to i32
        %cond3A_316 = arith.constant 0 : i32
        %cond3A_317 = arith.cmpi ne, %convert_element_type3A_315, %cond3A_316 : i32
        %cond3A_318:3 = scf.if %cond3A_317 -> (vector<16xf32>, vector<16xf32>, i32) {
          %get3A_319 = arith.constant 0 : i32
          %get3A_320 = arith.index_cast %get3A_319 : i32 to index
          %get3A_321 = arith.index_cast %mul3A_314 : i32 to index
          %get3A_322 = arith.constant 0 : index
          %get3A_323 = tpu.vector_load %arg12[%get3A_320, %get3A_321, %get3A_322] {strides = array<i32>} : memref<2x1024x16xf32, #tpu.memory_space<vmem>>, vector<16xf32>,
          %add3A_324 = arith.constant 1 : i32
          %add3A_325 = arith.addi %mul3A_314, %add3A_324 : i32
          %get3A_326 = arith.constant 0 : i32
          %get3A_327 = arith.index_cast %get3A_326 : i32 to index
          %get3A_328 = arith.index_cast %add3A_325 : i32 to index
          %get3A_329 = arith.constant 0 : index
          %get3A_330 = tpu.vector_load %arg12[%get3A_327, %get3A_328, %get3A_329] {strides = array<i32>} : memref<2x1024x16xf32, #tpu.memory_space<vmem>>, vector<16xf32>,
          %add3A_331 = arith.addf %get3A_323, %get3A_330 : vector<16xf32>
          %add3A_332 = arith.constant 2 : i32
          %add3A_333 = arith.addi %mul3A_314, %add3A_332 : i32
          %get3A_334 = arith.constant 0 : i32
          %get3A_335 = arith.index_cast %get3A_334 : i32 to index
          %get3A_336 = arith.index_cast %add3A_333 : i32 to index
          %get3A_337 = arith.constant 0 : index
          %get3A_338 = tpu.vector_load %arg12[%get3A_335, %get3A_336, %get3A_337] {strides = array<i32>} : memref<2x1024x16xf32, #tpu.memory_space<vmem>>, vector<16xf32>,
          %add3A_339 = arith.addf %add3A_331, %get3A_338 : vector<16xf32>
          %add3A_340 = arith.constant 3 : i32
          %add3A_341 = arith.addi %mul3A_314, %add3A_340 : i32
          %get3A_342 = arith.constant 0 : i32
          %get3A_343 = arith.index_cast %get3A_342 : i32 to index
          %get3A_344 = arith.index_cast %add3A_341 : i32 to index
          %get3A_345 = arith.constant 0 : index
          %get3A_346 = tpu.vector_load %arg12[%get3A_343, %get3A_344, %get3A_345] {strides = array<i32>} : memref<2x1024x16xf32, #tpu.memory_space<vmem>>, vector<16xf32>,
          %add3A_347 = arith.addf %add3A_339, %get3A_346 : vector<16xf32>
          %add3A_348 = arith.constant 4 : i32
          %add3A_349 = arith.addi %mul3A_314, %add3A_348 : i32
          %get3A_350 = arith.constant 0 : i32
          %get3A_351 = arith.index_cast %get3A_350 : i32 to index
          %get3A_352 = arith.index_cast %add3A_349 : i32 to index
          %get3A_353 = arith.constant 0 : index
          %get3A_354 = tpu.vector_load %arg12[%get3A_351, %get3A_352, %get3A_353] {strides = array<i32>} : memref<2x1024x16xf32, #tpu.memory_space<vmem>>, vector<16xf32>,
          %add3A_355 = arith.addf %add3A_347, %get3A_354 : vector<16xf32>
          %add3A_356 = arith.constant 5 : i32
          %add3A_357 = arith.addi %mul3A_314, %add3A_356 : i32
          %get3A_358 = arith.constant 0 : i32
          %get3A_359 = arith.index_cast %get3A_358 : i32 to index
          %get3A_360 = arith.index_cast %add3A_357 : i32 to index
          %get3A_361 = arith.constant 0 : index
          %get3A_362 = tpu.vector_load %arg12[%get3A_359, %get3A_360, %get3A_361] {strides = array<i32>} : memref<2x1024x16xf32, #tpu.memory_space<vmem>>, vector<16xf32>,
          %add3A_363 = arith.addf %add3A_355, %get3A_362 : vector<16xf32>
          %add3A_364 = arith.constant 6 : i32
          %add3A_365 = arith.addi %mul3A_314, %add3A_364 : i32
          %get3A_366 = arith.constant 0 : i32
          %get3A_367 = arith.index_cast %get3A_366 : i32 to index
          %get3A_368 = arith.index_cast %add3A_365 : i32 to index
          %get3A_369 = arith.constant 0 : index
          %get3A_370 = tpu.vector_load %arg12[%get3A_367, %get3A_368, %get3A_369] {strides = array<i32>} : memref<2x1024x16xf32, #tpu.memory_space<vmem>>, vector<16xf32>,
          %add3A_371 = arith.addf %add3A_363, %get3A_370 : vector<16xf32>
          %add3A_372 = arith.constant 7 : i32
          %add3A_373 = arith.addi %mul3A_314, %add3A_372 : i32
          %get3A_374 = arith.constant 0 : i32
          %get3A_375 = arith.index_cast %get3A_374 : i32 to index
          %get3A_376 = arith.index_cast %add3A_373 : i32 to index
          %get3A_377 = arith.constant 0 : index
          %get3A_378 = tpu.vector_load %arg12[%get3A_375, %get3A_376, %get3A_377] {strides = array<i32>} : memref<2x1024x16xf32, #tpu.memory_space<vmem>>, vector<16xf32>,
          %add3A_379 = arith.addf %add3A_371, %get3A_378 : vector<16xf32>
          %add3A_380 = arith.constant 8 : i32
          %add3A_381 = arith.addi %mul3A_314, %add3A_380 : i32
          %get3A_382 = arith.constant 0 : i32
          %get3A_383 = arith.index_cast %get3A_382 : i32 to index
          %get3A_384 = arith.index_cast %add3A_381 : i32 to index
          %get3A_385 = arith.constant 0 : index
          %get3A_386 = tpu.vector_load %arg12[%get3A_383, %get3A_384, %get3A_385] {strides = array<i32>} : memref<2x1024x16xf32, #tpu.memory_space<vmem>>, vector<16xf32>,
          %add3A_387 = arith.addf %add3A_379, %get3A_386 : vector<16xf32>
          %add3A_388 = arith.constant 9 : i32
          %add3A_389 = arith.addi %mul3A_314, %add3A_388 : i32
          %get3A_390 = arith.constant 0 : i32
          %get3A_391 = arith.index_cast %get3A_390 : i32 to index
          %get3A_392 = arith.index_cast %add3A_389 : i32 to index
          %get3A_393 = arith.constant 0 : index
          %get3A_394 = tpu.vector_load %arg12[%get3A_391, %get3A_392, %get3A_393] {strides = array<i32>} : memref<2x1024x16xf32, #tpu.memory_space<vmem>>, vector<16xf32>,
          %add3A_395 = arith.addf %add3A_387, %get3A_394 : vector<16xf32>
          %add3A_396 = arith.constant 10 : i32
          %add3A_397 = arith.addi %mul3A_314, %add3A_396 : i32
          %get3A_398 = arith.constant 0 : i32
          %get3A_399 = arith.index_cast %get3A_398 : i32 to index
          %get3A_400 = arith.index_cast %add3A_397 : i32 to index
          %get3A_401 = arith.constant 0 : index
          %get3A_402 = tpu.vector_load %arg12[%get3A_399, %get3A_400, %get3A_401] {strides = array<i32>} : memref<2x1024x16xf32, #tpu.memory_space<vmem>>, vector<16xf32>,
          %add3A_403 = arith.addf %add3A_395, %get3A_402 : vector<16xf32>
          %add3A_404 = arith.constant 11 : i32
          %add3A_405 = arith.addi %mul3A_314, %add3A_404 : i32
          %get3A_406 = arith.constant 0 : i32
          %get3A_407 = arith.index_cast %get3A_406 : i32 to index
          %get3A_408 = arith.index_cast %add3A_405 : i32 to index
          %get3A_409 = arith.constant 0 : index
          %get3A_410 = tpu.vector_load %arg12[%get3A_407, %get3A_408, %get3A_409] {strides = array<i32>} : memref<2x1024x16xf32, #tpu.memory_space<vmem>>, vector<16xf32>,
          %add3A_411 = arith.addf %add3A_403, %get3A_410 : vector<16xf32>
          %add3A_412 = arith.constant 12 : i32
          %add3A_413 = arith.addi %mul3A_314, %add3A_412 : i32
          %get3A_414 = arith.constant 0 : i32
          %get3A_415 = arith.index_cast %get3A_414 : i32 to index
          %get3A_416 = arith.index_cast %add3A_413 : i32 to index
          %get3A_417 = arith.constant 0 : index
          %get3A_418 = tpu.vector_load %arg12[%get3A_415, %get3A_416, %get3A_417] {strides = array<i32>} : memref<2x1024x16xf32, #tpu.memory_space<vmem>>, vector<16xf32>,
          %add3A_419 = arith.addf %add3A_411, %get3A_418 : vector<16xf32>
          %add3A_420 = arith.constant 13 : i32
          %add3A_421 = arith.addi %mul3A_314, %add3A_420 : i32
          %get3A_422 = arith.constant 0 : i32
          %get3A_423 = arith.index_cast %get3A_422 : i32 to index
          %get3A_424 = arith.index_cast %add3A_421 : i32 to index
          %get3A_425 = arith.constant 0 : index
          %get3A_426 = tpu.vector_load %arg12[%get3A_423, %get3A_424, %get3A_425] {strides = array<i32>} : memref<2x1024x16xf32, #tpu.memory_space<vmem>>, vector<16xf32>,
          %add3A_427 = arith.addf %add3A_419, %get3A_426 : vector<16xf32>
          %add3A_428 = arith.constant 14 : i32
          %add3A_429 = arith.addi %mul3A_314, %add3A_428 : i32
          %get3A_430 = arith.constant 0 : i32
          %get3A_431 = arith.index_cast %get3A_430 : i32 to index
          %get3A_432 = arith.index_cast %add3A_429 : i32 to index
          %get3A_433 = arith.constant 0 : index
          %get3A_434 = tpu.vector_load %arg12[%get3A_431, %get3A_432, %get3A_433] {strides = array<i32>} : memref<2x1024x16xf32, #tpu.memory_space<vmem>>, vector<16xf32>,
          %add3A_435 = arith.addf %add3A_427, %get3A_434 : vector<16xf32>
          %add3A_436 = arith.constant 15 : i32
          %add3A_437 = arith.addi %mul3A_314, %add3A_436 : i32
          %get3A_438 = arith.constant 0 : i32
          %get3A_439 = arith.index_cast %get3A_438 : i32 to index
          %get3A_440 = arith.index_cast %add3A_437 : i32 to index
          %get3A_441 = arith.constant 0 : index
          %get3A_442 = tpu.vector_load %arg12[%get3A_439, %get3A_440, %get3A_441] {strides = array<i32>} : memref<2x1024x16xf32, #tpu.memory_space<vmem>>, vector<16xf32>,
          %add3A_443 = arith.addf %add3A_435, %get3A_442 : vector<16xf32>
          %eq3A_444 = arith.cmpi eq, %squeeze3A_310, %scan3A_302 : i32
          %convert_element_type3A_445 = arith.extui %eq3A_444 : i1 to i32
          %cond3A_446 = arith.constant 0 : i32
          %cond3A_447 = arith.cmpi ne, %convert_element_type3A_445, %cond3A_446 : i32
          %cond3A_448:3 = scf.if %cond3A_447 -> (vector<16xf32>, vector<16xf32>, i32) {
            %add3A_449 = arith.addf %scan3A_300, %add3A_443 : vector<16xf32>
            %add3A_450 = arith.constant 1.000000e+00 : f32
            %add3A_451 = vector.broadcast %add3A_450 : f32 to vector<16xf32>
            %add3A_452 = arith.addf %scan3A_301, %add3A_451 : vector<16xf32>
            scf.yield %add3A_449, %add3A_452, %scan3A_302 : vector<16xf32>, vector<16xf32>, i32
          } else {
            %mul3A_449 = arith.constant 16 : i32
            %mul3A_450 = arith.muli %scan3A_302, %mul3A_449 : i32
            %get3A_451 = arith.index_cast %mul3A_450 : i32 to index
            %get3A_452 = tpu.vector_load %arg13[%get3A_451] {strides = array<i32>} : memref<32768xf32, #tpu.memory_space<vmem>>, vector<16xf32>,
            %add3A_453 = arith.addf %get3A_452, %scan3A_300 : vector<16xf32>
            %swap3A_454 = arith.index_cast %mul3A_450 : i32 to index
            %swap3A_455 = tpu.vector_load %arg13[%swap3A_454] {strides = array<i32>} : memref<32768xf32, #tpu.memory_space<vmem>>, vector<16xf32>,
            tpu.vector_store %arg13[%swap3A_454], %add3A_453 {strides = array<i32>} : memref<32768xf32, #tpu.memory_space<vmem>>, vector<16xf32>,
            %get3A_456 = arith.index_cast %mul3A_450 : i32 to index
            %get3A_457 = tpu.vector_load %arg14[%get3A_456] {strides = array<i32>} : memref<32768xf32, #tpu.memory_space<vmem>>, vector<16xf32>,
            %add3A_458 = arith.addf %get3A_457, %scan3A_301 : vector<16xf32>
            %swap3A_459 = arith.index_cast %mul3A_450 : i32 to index
            %swap3A_460 = tpu.vector_load %arg14[%swap3A_459] {strides = array<i32>} : memref<32768xf32, #tpu.memory_space<vmem>>, vector<16xf32>,
            tpu.vector_store %arg14[%swap3A_459], %add3A_458 {strides = array<i32>} : memref<32768xf32, #tpu.memory_space<vmem>>, vector<16xf32>,
            %broadcast_in_dim3A_461 = arith.constant 1.000000e+00 : f32
            %broadcast_in_dim3A_462 = vector.broadcast %broadcast_in_dim3A_461 : f32 to vector<16xf32>
            scf.yield %add3A_443, %broadcast_in_dim3A_462, %squeeze3A_310 : vector<16xf32>, vector<16xf32>, i32
          }
          scf.yield %cond3A_448#0, %cond3A_448#1, %cond3A_448#2 : vector<16xf32>, vector<16xf32>, i32
        } else {
          %slice3A_319 = vector.extract_strided_slice %get3A_308 {offsets = [0], sizes = [1], strides = [1]} : vector<16xi32> to vector<1xi32>
          %squeeze3A_320 = vector.extract %slice3A_319[0] : i32 from vector<1xi32>
          %add3A_321 = arith.constant 0 : i32
          %add3A_322 = arith.addi %mul3A_314, %add3A_321 : i32
          %get3A_323 = arith.constant 0 : i32
          %get3A_324 = arith.index_cast %get3A_323 : i32 to index
          %get3A_325 = arith.index_cast %add3A_322 : i32 to index
          %get3A_326 = arith.constant 0 : index
          %get3A_327 = tpu.vector_load %arg12[%get3A_324, %get3A_325, %get3A_326] {strides = array<i32>} : memref<2x1024x16xf32, #tpu.memory_space<vmem>>, vector<16xf32>,
          %eq3A_328 = arith.cmpi eq, %squeeze3A_320, %scan3A_302 : i32
          %convert_element_type3A_329 = arith.extui %eq3A_328 : i1 to i32
          %cond3A_330 = arith.constant 0 : i32
          %cond3A_331 = arith.cmpi ne, %convert_element_type3A_329, %cond3A_330 : i32
          %cond3A_332:3 = scf.if %cond3A_331 -> (vector<16xf32>, vector<16xf32>, i32) {
            %add3A_543 = arith.addf %scan3A_300, %get3A_327 : vector<16xf32>
            %add3A_544 = arith.constant 6.250000e-02 : f32
            %add3A_545 = vector.broadcast %add3A_544 : f32 to vector<16xf32>
            %add3A_546 = arith.addf %scan3A_301, %add3A_545 : vector<16xf32>
            scf.yield %add3A_543, %add3A_546, %scan3A_302 : vector<16xf32>, vector<16xf32>, i32
          } else {
            %mul3A_543 = arith.constant 16 : i32
            %mul3A_544 = arith.muli %scan3A_302, %mul3A_543 : i32
            %get3A_545 = arith.index_cast %mul3A_544 : i32 to index
            %get3A_546 = tpu.vector_load %arg13[%get3A_545] {strides = array<i32>} : memref<32768xf32, #tpu.memory_space<vmem>>, vector<16xf32>,
            %add3A_547 = arith.addf %get3A_546, %scan3A_300 : vector<16xf32>
            %swap3A_548 = arith.index_cast %mul3A_544 : i32 to index
            %swap3A_549 = tpu.vector_load %arg13[%swap3A_548] {strides = array<i32>} : memref<32768xf32, #tpu.memory_space<vmem>>, vector<16xf32>,
            tpu.vector_store %arg13[%swap3A_548], %add3A_547 {strides = array<i32>} : memref<32768xf32, #tpu.memory_space<vmem>>, vector<16xf32>,
            %get3A_550 = arith.index_cast %mul3A_544 : i32 to index
            %get3A_551 = tpu.vector_load %arg14[%get3A_550] {strides = array<i32>} : memref<32768xf32, #tpu.memory_space<vmem>>, vector<16xf32>,
            %add3A_552 = arith.addf %get3A_551, %scan3A_301 : vector<16xf32>
            %swap3A_553 = arith.index_cast %mul3A_544 : i32 to index
            %swap3A_554 = tpu.vector_load %arg14[%swap3A_553] {strides = array<i32>} : memref<32768xf32, #tpu.memory_space<vmem>>, vector<16xf32>,
            tpu.vector_store %arg14[%swap3A_553], %add3A_552 {strides = array<i32>} : memref<32768xf32, #tpu.memory_space<vmem>>, vector<16xf32>,
            %broadcast_in_dim3A_555 = arith.constant 6.250000e-02 : f32
            %broadcast_in_dim3A_556 = vector.broadcast %broadcast_in_dim3A_555 : f32 to vector<16xf32>
            scf.yield %get3A_327, %broadcast_in_dim3A_556, %squeeze3A_320 : vector<16xf32>, vector<16xf32>, i32
          }
          %slice3A_333 = vector.extract_strided_slice %get3A_308 {offsets = [1], sizes = [1], strides = [1]} : vector<16xi32> to vector<1xi32>
          %squeeze3A_334 = vector.extract %slice3A_333[0] : i32 from vector<1xi32>
          %add3A_335 = arith.constant 1 : i32
          %add3A_336 = arith.addi %mul3A_314, %add3A_335 : i32
          %get3A_337 = arith.constant 0 : i32
          %get3A_338 = arith.index_cast %get3A_337 : i32 to index
          %get3A_339 = arith.index_cast %add3A_336 : i32 to index
          %get3A_340 = arith.constant 0 : index
          %get3A_341 = tpu.vector_load %arg12[%get3A_338, %get3A_339, %get3A_340] {strides = array<i32>} : memref<2x1024x16xf32, #tpu.memory_space<vmem>>, vector<16xf32>,
          %eq3A_342 = arith.cmpi eq, %squeeze3A_334, %cond3A_332#2 : i32
          %convert_element_type3A_343 = arith.extui %eq3A_342 : i1 to i32
          %cond3A_344 = arith.constant 0 : i32
          %cond3A_345 = arith.cmpi ne, %convert_element_type3A_343, %cond3A_344 : i32
          %cond3A_346:3 = scf.if %cond3A_345 -> (vector<16xf32>, vector<16xf32>, i32) {
            %add3A_543 = arith.addf %cond3A_332#0, %get3A_341 : vector<16xf32>
            %add3A_544 = arith.constant 6.250000e-02 : f32
            %add3A_545 = vector.broadcast %add3A_544 : f32 to vector<16xf32>
            %add3A_546 = arith.addf %cond3A_332#1, %add3A_545 : vector<16xf32>
            scf.yield %add3A_543, %add3A_546, %cond3A_332#2 : vector<16xf32>, vector<16xf32>, i32
          } else {
            %mul3A_543 = arith.constant 16 : i32
            %mul3A_544 = arith.muli %cond3A_332#2, %mul3A_543 : i32
            %get3A_545 = arith.index_cast %mul3A_544 : i32 to index
            %get3A_546 = tpu.vector_load %arg13[%get3A_545] {strides = array<i32>} : memref<32768xf32, #tpu.memory_space<vmem>>, vector<16xf32>,
            %add3A_547 = arith.addf %get3A_546, %cond3A_332#0 : vector<16xf32>
            %swap3A_548 = arith.index_cast %mul3A_544 : i32 to index
            %swap3A_549 = tpu.vector_load %arg13[%swap3A_548] {strides = array<i32>} : memref<32768xf32, #tpu.memory_space<vmem>>, vector<16xf32>,
            tpu.vector_store %arg13[%swap3A_548], %add3A_547 {strides = array<i32>} : memref<32768xf32, #tpu.memory_space<vmem>>, vector<16xf32>,
            %get3A_550 = arith.index_cast %mul3A_544 : i32 to index
            %get3A_551 = tpu.vector_load %arg14[%get3A_550] {strides = array<i32>} : memref<32768xf32, #tpu.memory_space<vmem>>, vector<16xf32>,
            %add3A_552 = arith.addf %get3A_551, %cond3A_332#1 : vector<16xf32>
            %swap3A_553 = arith.index_cast %mul3A_544 : i32 to index
            %swap3A_554 = tpu.vector_load %arg14[%swap3A_553] {strides = array<i32>} : memref<32768xf32, #tpu.memory_space<vmem>>, vector<16xf32>,
            tpu.vector_store %arg14[%swap3A_553], %add3A_552 {strides = array<i32>} : memref<32768xf32, #tpu.memory_space<vmem>>, vector<16xf32>,
            %broadcast_in_dim3A_555 = arith.constant 6.250000e-02 : f32
            %broadcast_in_dim3A_556 = vector.broadcast %broadcast_in_dim3A_555 : f32 to vector<16xf32>
            scf.yield %get3A_341, %broadcast_in_dim3A_556, %squeeze3A_334 : vector<16xf32>, vector<16xf32>, i32
          }
          %slice3A_347 = vector.extract_strided_slice %get3A_308 {offsets = [2], sizes = [1], strides = [1]} : vector<16xi32> to vector<1xi32>
          %squeeze3A_348 = vector.extract %slice3A_347[0] : i32 from vector<1xi32>
          %add3A_349 = arith.constant 2 : i32
          %add3A_350 = arith.addi %mul3A_314, %add3A_349 : i32
          %get3A_351 = arith.constant 0 : i32
          %get3A_352 = arith.index_cast %get3A_351 : i32 to index
          %get3A_353 = arith.index_cast %add3A_350 : i32 to index
          %get3A_354 = arith.constant 0 : index
          %get3A_355 = tpu.vector_load %arg12[%get3A_352, %get3A_353, %get3A_354] {strides = array<i32>} : memref<2x1024x16xf32, #tpu.memory_space<vmem>>, vector<16xf32>,
          %eq3A_356 = arith.cmpi eq, %squeeze3A_348, %cond3A_346#2 : i32
          %convert_element_type3A_357 = arith.extui %eq3A_356 : i1 to i32
          %cond3A_358 = arith.constant 0 : i32
          %cond3A_359 = arith.cmpi ne, %convert_element_type3A_357, %cond3A_358 : i32
          %cond3A_360:3 = scf.if %cond3A_359 -> (vector<16xf32>, vector<16xf32>, i32) {
            %add3A_543 = arith.addf %cond3A_346#0, %get3A_355 : vector<16xf32>
            %add3A_544 = arith.constant 6.250000e-02 : f32
            %add3A_545 = vector.broadcast %add3A_544 : f32 to vector<16xf32>
            %add3A_546 = arith.addf %cond3A_346#1, %add3A_545 : vector<16xf32>
            scf.yield %add3A_543, %add3A_546, %cond3A_346#2 : vector<16xf32>, vector<16xf32>, i32
          } else {
            %mul3A_543 = arith.constant 16 : i32
            %mul3A_544 = arith.muli %cond3A_346#2, %mul3A_543 : i32
            %get3A_545 = arith.index_cast %mul3A_544 : i32 to index
            %get3A_546 = tpu.vector_load %arg13[%get3A_545] {strides = array<i32>} : memref<32768xf32, #tpu.memory_space<vmem>>, vector<16xf32>,
            %add3A_547 = arith.addf %get3A_546, %cond3A_346#0 : vector<16xf32>
            %swap3A_548 = arith.index_cast %mul3A_544 : i32 to index
            %swap3A_549 = tpu.vector_load %arg13[%swap3A_548] {strides = array<i32>} : memref<32768xf32, #tpu.memory_space<vmem>>, vector<16xf32>,
            tpu.vector_store %arg13[%swap3A_548], %add3A_547 {strides = array<i32>} : memref<32768xf32, #tpu.memory_space<vmem>>, vector<16xf32>,
            %get3A_550 = arith.index_cast %mul3A_544 : i32 to index
            %get3A_551 = tpu.vector_load %arg14[%get3A_550] {strides = array<i32>} : memref<32768xf32, #tpu.memory_space<vmem>>, vector<16xf32>,
            %add3A_552 = arith.addf %get3A_551, %cond3A_346#1 : vector<16xf32>
            %swap3A_553 = arith.index_cast %mul3A_544 : i32 to index
            %swap3A_554 = tpu.vector_load %arg14[%swap3A_553] {strides = array<i32>} : memref<32768xf32, #tpu.memory_space<vmem>>, vector<16xf32>,
            tpu.vector_store %arg14[%swap3A_553], %add3A_552 {strides = array<i32>} : memref<32768xf32, #tpu.memory_space<vmem>>, vector<16xf32>,
            %broadcast_in_dim3A_555 = arith.constant 6.250000e-02 : f32
            %broadcast_in_dim3A_556 = vector.broadcast %broadcast_in_dim3A_555 : f32 to vector<16xf32>
            scf.yield %get3A_355, %broadcast_in_dim3A_556, %squeeze3A_348 : vector<16xf32>, vector<16xf32>, i32
          }
          %slice3A_361 = vector.extract_strided_slice %get3A_308 {offsets = [3], sizes = [1], strides = [1]} : vector<16xi32> to vector<1xi32>
          %squeeze3A_362 = vector.extract %slice3A_361[0] : i32 from vector<1xi32>
          %add3A_363 = arith.constant 3 : i32
          %add3A_364 = arith.addi %mul3A_314, %add3A_363 : i32
          %get3A_365 = arith.constant 0 : i32
          %get3A_366 = arith.index_cast %get3A_365 : i32 to index
          %get3A_367 = arith.index_cast %add3A_364 : i32 to index
          %get3A_368 = arith.constant 0 : index
          %get3A_369 = tpu.vector_load %arg12[%get3A_366, %get3A_367, %get3A_368] {strides = array<i32>} : memref<2x1024x16xf32, #tpu.memory_space<vmem>>, vector<16xf32>,
          %eq3A_370 = arith.cmpi eq, %squeeze3A_362, %cond3A_360#2 : i32
          %convert_element_type3A_371 = arith.extui %eq3A_370 : i1 to i32
          %cond3A_372 = arith.constant 0 : i32
          %cond3A_373 = arith.cmpi ne, %convert_element_type3A_371, %cond3A_372 : i32
          %cond3A_374:3 = scf.if %cond3A_373 -> (vector<16xf32>, vector<16xf32>, i32) {
            %add3A_543 = arith.addf %cond3A_360#0, %get3A_369 : vector<16xf32>
            %add3A_544 = arith.constant 6.250000e-02 : f32
            %add3A_545 = vector.broadcast %add3A_544 : f32 to vector<16xf32>
            %add3A_546 = arith.addf %cond3A_360#1, %add3A_545 : vector<16xf32>
            scf.yield %add3A_543, %add3A_546, %cond3A_360#2 : vector<16xf32>, vector<16xf32>, i32
          } else {
            %mul3A_543 = arith.constant 16 : i32
            %mul3A_544 = arith.muli %cond3A_360#2, %mul3A_543 : i32
            %get3A_545 = arith.index_cast %mul3A_544 : i32 to index
            %get3A_546 = tpu.vector_load %arg13[%get3A_545] {strides = array<i32>} : memref<32768xf32, #tpu.memory_space<vmem>>, vector<16xf32>,
            %add3A_547 = arith.addf %get3A_546, %cond3A_360#0 : vector<16xf32>
            %swap3A_548 = arith.index_cast %mul3A_544 : i32 to index
            %swap3A_549 = tpu.vector_load %arg13[%swap3A_548] {strides = array<i32>} : memref<32768xf32, #tpu.memory_space<vmem>>, vector<16xf32>,
            tpu.vector_store %arg13[%swap3A_548], %add3A_547 {strides = array<i32>} : memref<32768xf32, #tpu.memory_space<vmem>>, vector<16xf32>,
            %get3A_550 = arith.index_cast %mul3A_544 : i32 to index
            %get3A_551 = tpu.vector_load %arg14[%get3A_550] {strides = array<i32>} : memref<32768xf32, #tpu.memory_space<vmem>>, vector<16xf32>,
            %add3A_552 = arith.addf %get3A_551, %cond3A_360#1 : vector<16xf32>
            %swap3A_553 = arith.index_cast %mul3A_544 : i32 to index
            %swap3A_554 = tpu.vector_load %arg14[%swap3A_553] {strides = array<i32>} : memref<32768xf32, #tpu.memory_space<vmem>>, vector<16xf32>,
            tpu.vector_store %arg14[%swap3A_553], %add3A_552 {strides = array<i32>} : memref<32768xf32, #tpu.memory_space<vmem>>, vector<16xf32>,
            %broadcast_in_dim3A_555 = arith.constant 6.250000e-02 : f32
            %broadcast_in_dim3A_556 = vector.broadcast %broadcast_in_dim3A_555 : f32 to vector<16xf32>
            scf.yield %get3A_369, %broadcast_in_dim3A_556, %squeeze3A_362 : vector<16xf32>, vector<16xf32>, i32
          }
          %slice3A_375 = vector.extract_strided_slice %get3A_308 {offsets = [4], sizes = [1], strides = [1]} : vector<16xi32> to vector<1xi32>
          %squeeze3A_376 = vector.extract %slice3A_375[0] : i32 from vector<1xi32>
          %add3A_377 = arith.constant 4 : i32
          %add3A_378 = arith.addi %mul3A_314, %add3A_377 : i32
          %get3A_379 = arith.constant 0 : i32
          %get3A_380 = arith.index_cast %get3A_379 : i32 to index
          %get3A_381 = arith.index_cast %add3A_378 : i32 to index
          %get3A_382 = arith.constant 0 : index
          %get3A_383 = tpu.vector_load %arg12[%get3A_380, %get3A_381, %get3A_382] {strides = array<i32>} : memref<2x1024x16xf32, #tpu.memory_space<vmem>>, vector<16xf32>,
          %eq3A_384 = arith.cmpi eq, %squeeze3A_376, %cond3A_374#2 : i32
          %convert_element_type3A_385 = arith.extui %eq3A_384 : i1 to i32
          %cond3A_386 = arith.constant 0 : i32
          %cond3A_387 = arith.cmpi ne, %convert_element_type3A_385, %cond3A_386 : i32
          %cond3A_388:3 = scf.if %cond3A_387 -> (vector<16xf32>, vector<16xf32>, i32) {
            %add3A_543 = arith.addf %cond3A_374#0, %get3A_383 : vector<16xf32>
            %add3A_544 = arith.constant 6.250000e-02 : f32
            %add3A_545 = vector.broadcast %add3A_544 : f32 to vector<16xf32>
            %add3A_546 = arith.addf %cond3A_374#1, %add3A_545 : vector<16xf32>
            scf.yield %add3A_543, %add3A_546, %cond3A_374#2 : vector<16xf32>, vector<16xf32>, i32
          } else {
            %mul3A_543 = arith.constant 16 : i32
            %mul3A_544 = arith.muli %cond3A_374#2, %mul3A_543 : i32
            %get3A_545 = arith.index_cast %mul3A_544 : i32 to index
            %get3A_546 = tpu.vector_load %arg13[%get3A_545] {strides = array<i32>} : memref<32768xf32, #tpu.memory_space<vmem>>, vector<16xf32>,
            %add3A_547 = arith.addf %get3A_546, %cond3A_374#0 : vector<16xf32>
            %swap3A_548 = arith.index_cast %mul3A_544 : i32 to index
            %swap3A_549 = tpu.vector_load %arg13[%swap3A_548] {strides = array<i32>} : memref<32768xf32, #tpu.memory_space<vmem>>, vector<16xf32>,
            tpu.vector_store %arg13[%swap3A_548], %add3A_547 {strides = array<i32>} : memref<32768xf32, #tpu.memory_space<vmem>>, vector<16xf32>,
            %get3A_550 = arith.index_cast %mul3A_544 : i32 to index
            %get3A_551 = tpu.vector_load %arg14[%get3A_550] {strides = array<i32>} : memref<32768xf32, #tpu.memory_space<vmem>>, vector<16xf32>,
            %add3A_552 = arith.addf %get3A_551, %cond3A_374#1 : vector<16xf32>
            %swap3A_553 = arith.index_cast %mul3A_544 : i32 to index
            %swap3A_554 = tpu.vector_load %arg14[%swap3A_553] {strides = array<i32>} : memref<32768xf32, #tpu.memory_space<vmem>>, vector<16xf32>,
            tpu.vector_store %arg14[%swap3A_553], %add3A_552 {strides = array<i32>} : memref<32768xf32, #tpu.memory_space<vmem>>, vector<16xf32>,
            %broadcast_in_dim3A_555 = arith.constant 6.250000e-02 : f32
            %broadcast_in_dim3A_556 = vector.broadcast %broadcast_in_dim3A_555 : f32 to vector<16xf32>
            scf.yield %get3A_383, %broadcast_in_dim3A_556, %squeeze3A_376 : vector<16xf32>, vector<16xf32>, i32
          }
          %slice3A_389 = vector.extract_strided_slice %get3A_308 {offsets = [5], sizes = [1], strides = [1]} : vector<16xi32> to vector<1xi32>
          %squeeze3A_390 = vector.extract %slice3A_389[0] : i32 from vector<1xi32>
          %add3A_391 = arith.constant 5 : i32
          %add3A_392 = arith.addi %mul3A_314, %add3A_391 : i32
          %get3A_393 = arith.constant 0 : i32
          %get3A_394 = arith.index_cast %get3A_393 : i32 to index
          %get3A_395 = arith.index_cast %add3A_392 : i32 to index
          %get3A_396 = arith.constant 0 : index
          %get3A_397 = tpu.vector_load %arg12[%get3A_394, %get3A_395, %get3A_396] {strides = array<i32>} : memref<2x1024x16xf32, #tpu.memory_space<vmem>>, vector<16xf32>,
          %eq3A_398 = arith.cmpi eq, %squeeze3A_390, %cond3A_388#2 : i32
          %convert_element_type3A_399 = arith.extui %eq3A_398 : i1 to i32
          %cond3A_400 = arith.constant 0 : i32
          %cond3A_401 = arith.cmpi ne, %convert_element_type3A_399, %cond3A_400 : i32
          %cond3A_402:3 = scf.if %cond3A_401 -> (vector<16xf32>, vector<16xf32>, i32) {
            %add3A_543 = arith.addf %cond3A_388#0, %get3A_397 : vector<16xf32>
            %add3A_544 = arith.constant 6.250000e-02 : f32
            %add3A_545 = vector.broadcast %add3A_544 : f32 to vector<16xf32>
            %add3A_546 = arith.addf %cond3A_388#1, %add3A_545 : vector<16xf32>
            scf.yield %add3A_543, %add3A_546, %cond3A_388#2 : vector<16xf32>, vector<16xf32>, i32
          } else {
            %mul3A_543 = arith.constant 16 : i32
            %mul3A_544 = arith.muli %cond3A_388#2, %mul3A_543 : i32
            %get3A_545 = arith.index_cast %mul3A_544 : i32 to index
            %get3A_546 = tpu.vector_load %arg13[%get3A_545] {strides = array<i32>} : memref<32768xf32, #tpu.memory_space<vmem>>, vector<16xf32>,
            %add3A_547 = arith.addf %get3A_546, %cond3A_388#0 : vector<16xf32>
            %swap3A_548 = arith.index_cast %mul3A_544 : i32 to index
            %swap3A_549 = tpu.vector_load %arg13[%swap3A_548] {strides = array<i32>} : memref<32768xf32, #tpu.memory_space<vmem>>, vector<16xf32>,
            tpu.vector_store %arg13[%swap3A_548], %add3A_547 {strides = array<i32>} : memref<32768xf32, #tpu.memory_space<vmem>>, vector<16xf32>,
            %get3A_550 = arith.index_cast %mul3A_544 : i32 to index
            %get3A_551 = tpu.vector_load %arg14[%get3A_550] {strides = array<i32>} : memref<32768xf32, #tpu.memory_space<vmem>>, vector<16xf32>,
            %add3A_552 = arith.addf %get3A_551, %cond3A_388#1 : vector<16xf32>
            %swap3A_553 = arith.index_cast %mul3A_544 : i32 to index
            %swap3A_554 = tpu.vector_load %arg14[%swap3A_553] {strides = array<i32>} : memref<32768xf32, #tpu.memory_space<vmem>>, vector<16xf32>,
            tpu.vector_store %arg14[%swap3A_553], %add3A_552 {strides = array<i32>} : memref<32768xf32, #tpu.memory_space<vmem>>, vector<16xf32>,
            %broadcast_in_dim3A_555 = arith.constant 6.250000e-02 : f32
            %broadcast_in_dim3A_556 = vector.broadcast %broadcast_in_dim3A_555 : f32 to vector<16xf32>
            scf.yield %get3A_397, %broadcast_in_dim3A_556, %squeeze3A_390 : vector<16xf32>, vector<16xf32>, i32
          }
          %slice3A_403 = vector.extract_strided_slice %get3A_308 {offsets = [6], sizes = [1], strides = [1]} : vector<16xi32> to vector<1xi32>
          %squeeze3A_404 = vector.extract %slice3A_403[0] : i32 from vector<1xi32>
          %add3A_405 = arith.constant 6 : i32
          %add3A_406 = arith.addi %mul3A_314, %add3A_405 : i32
          %get3A_407 = arith.constant 0 : i32
          %get3A_408 = arith.index_cast %get3A_407 : i32 to index
          %get3A_409 = arith.index_cast %add3A_406 : i32 to index
          %get3A_410 = arith.constant 0 : index
          %get3A_411 = tpu.vector_load %arg12[%get3A_408, %get3A_409, %get3A_410] {strides = array<i32>} : memref<2x1024x16xf32, #tpu.memory_space<vmem>>, vector<16xf32>,
          %eq3A_412 = arith.cmpi eq, %squeeze3A_404, %cond3A_402#2 : i32
          %convert_element_type3A_413 = arith.extui %eq3A_412 : i1 to i32
          %cond3A_414 = arith.constant 0 : i32
          %cond3A_415 = arith.cmpi ne, %convert_element_type3A_413, %cond3A_414 : i32
          %cond3A_416:3 = scf.if %cond3A_415 -> (vector<16xf32>, vector<16xf32>, i32) {
            %add3A_543 = arith.addf %cond3A_402#0, %get3A_411 : vector<16xf32>
            %add3A_544 = arith.constant 6.250000e-02 : f32
            %add3A_545 = vector.broadcast %add3A_544 : f32 to vector<16xf32>
            %add3A_546 = arith.addf %cond3A_402#1, %add3A_545 : vector<16xf32>
            scf.yield %add3A_543, %add3A_546, %cond3A_402#2 : vector<16xf32>, vector<16xf32>, i32
          } else {
            %mul3A_543 = arith.constant 16 : i32
            %mul3A_544 = arith.muli %cond3A_402#2, %mul3A_543 : i32
            %get3A_545 = arith.index_cast %mul3A_544 : i32 to index
            %get3A_546 = tpu.vector_load %arg13[%get3A_545] {strides = array<i32>} : memref<32768xf32, #tpu.memory_space<vmem>>, vector<16xf32>,
            %add3A_547 = arith.addf %get3A_546, %cond3A_402#0 : vector<16xf32>
            %swap3A_548 = arith.index_cast %mul3A_544 : i32 to index
            %swap3A_549 = tpu.vector_load %arg13[%swap3A_548] {strides = array<i32>} : memref<32768xf32, #tpu.memory_space<vmem>>, vector<16xf32>,
            tpu.vector_store %arg13[%swap3A_548], %add3A_547 {strides = array<i32>} : memref<32768xf32, #tpu.memory_space<vmem>>, vector<16xf32>,
            %get3A_550 = arith.index_cast %mul3A_544 : i32 to index
            %get3A_551 = tpu.vector_load %arg14[%get3A_550] {strides = array<i32>} : memref<32768xf32, #tpu.memory_space<vmem>>, vector<16xf32>,
            %add3A_552 = arith.addf %get3A_551, %cond3A_402#1 : vector<16xf32>
            %swap3A_553 = arith.index_cast %mul3A_544 : i32 to index
            %swap3A_554 = tpu.vector_load %arg14[%swap3A_553] {strides = array<i32>} : memref<32768xf32, #tpu.memory_space<vmem>>, vector<16xf32>,
            tpu.vector_store %arg14[%swap3A_553], %add3A_552 {strides = array<i32>} : memref<32768xf32, #tpu.memory_space<vmem>>, vector<16xf32>,
            %broadcast_in_dim3A_555 = arith.constant 6.250000e-02 : f32
            %broadcast_in_dim3A_556 = vector.broadcast %broadcast_in_dim3A_555 : f32 to vector<16xf32>
            scf.yield %get3A_411, %broadcast_in_dim3A_556, %squeeze3A_404 : vector<16xf32>, vector<16xf32>, i32
          }
          %slice3A_417 = vector.extract_strided_slice %get3A_308 {offsets = [7], sizes = [1], strides = [1]} : vector<16xi32> to vector<1xi32>
          %squeeze3A_418 = vector.extract %slice3A_417[0] : i32 from vector<1xi32>
          %add3A_419 = arith.constant 7 : i32
          %add3A_420 = arith.addi %mul3A_314, %add3A_419 : i32
          %get3A_421 = arith.constant 0 : i32
          %get3A_422 = arith.index_cast %get3A_421 : i32 to index
          %get3A_423 = arith.index_cast %add3A_420 : i32 to index
          %get3A_424 = arith.constant 0 : index
          %get3A_425 = tpu.vector_load %arg12[%get3A_422, %get3A_423, %get3A_424] {strides = array<i32>} : memref<2x1024x16xf32, #tpu.memory_space<vmem>>, vector<16xf32>,
          %eq3A_426 = arith.cmpi eq, %squeeze3A_418, %cond3A_416#2 : i32
          %convert_element_type3A_427 = arith.extui %eq3A_426 : i1 to i32
          %cond3A_428 = arith.constant 0 : i32
          %cond3A_429 = arith.cmpi ne, %convert_element_type3A_427, %cond3A_428 : i32
          %cond3A_430:3 = scf.if %cond3A_429 -> (vector<16xf32>, vector<16xf32>, i32) {
            %add3A_543 = arith.addf %cond3A_416#0, %get3A_425 : vector<16xf32>
            %add3A_544 = arith.constant 6.250000e-02 : f32
            %add3A_545 = vector.broadcast %add3A_544 : f32 to vector<16xf32>
            %add3A_546 = arith.addf %cond3A_416#1, %add3A_545 : vector<16xf32>
            scf.yield %add3A_543, %add3A_546, %cond3A_416#2 : vector<16xf32>, vector<16xf32>, i32
          } else {
            %mul3A_543 = arith.constant 16 : i32
            %mul3A_544 = arith.muli %cond3A_416#2, %mul3A_543 : i32
            %get3A_545 = arith.index_cast %mul3A_544 : i32 to index
            %get3A_546 = tpu.vector_load %arg13[%get3A_545] {strides = array<i32>} : memref<32768xf32, #tpu.memory_space<vmem>>, vector<16xf32>,
            %add3A_547 = arith.addf %get3A_546, %cond3A_416#0 : vector<16xf32>
            %swap3A_548 = arith.index_cast %mul3A_544 : i32 to index
            %swap3A_549 = tpu.vector_load %arg13[%swap3A_548] {strides = array<i32>} : memref<32768xf32, #tpu.memory_space<vmem>>, vector<16xf32>,
            tpu.vector_store %arg13[%swap3A_548], %add3A_547 {strides = array<i32>} : memref<32768xf32, #tpu.memory_space<vmem>>, vector<16xf32>,
            %get3A_550 = arith.index_cast %mul3A_544 : i32 to index
            %get3A_551 = tpu.vector_load %arg14[%get3A_550] {strides = array<i32>} : memref<32768xf32, #tpu.memory_space<vmem>>, vector<16xf32>,
            %add3A_552 = arith.addf %get3A_551, %cond3A_416#1 : vector<16xf32>
            %swap3A_553 = arith.index_cast %mul3A_544 : i32 to index
            %swap3A_554 = tpu.vector_load %arg14[%swap3A_553] {strides = array<i32>} : memref<32768xf32, #tpu.memory_space<vmem>>, vector<16xf32>,
            tpu.vector_store %arg14[%swap3A_553], %add3A_552 {strides = array<i32>} : memref<32768xf32, #tpu.memory_space<vmem>>, vector<16xf32>,
            %broadcast_in_dim3A_555 = arith.constant 6.250000e-02 : f32
            %broadcast_in_dim3A_556 = vector.broadcast %broadcast_in_dim3A_555 : f32 to vector<16xf32>
            scf.yield %get3A_425, %broadcast_in_dim3A_556, %squeeze3A_418 : vector<16xf32>, vector<16xf32>, i32
          }
          %slice3A_431 = vector.extract_strided_slice %get3A_308 {offsets = [8], sizes = [1], strides = [1]} : vector<16xi32> to vector<1xi32>
          %squeeze3A_432 = vector.extract %slice3A_431[0] : i32 from vector<1xi32>
          %add3A_433 = arith.constant 8 : i32
          %add3A_434 = arith.addi %mul3A_314, %add3A_433 : i32
          %get3A_435 = arith.constant 0 : i32
          %get3A_436 = arith.index_cast %get3A_435 : i32 to index
          %get3A_437 = arith.index_cast %add3A_434 : i32 to index
          %get3A_438 = arith.constant 0 : index
          %get3A_439 = tpu.vector_load %arg12[%get3A_436, %get3A_437, %get3A_438] {strides = array<i32>} : memref<2x1024x16xf32, #tpu.memory_space<vmem>>, vector<16xf32>,
          %eq3A_440 = arith.cmpi eq, %squeeze3A_432, %cond3A_430#2 : i32
          %convert_element_type3A_441 = arith.extui %eq3A_440 : i1 to i32
          %cond3A_442 = arith.constant 0 : i32
          %cond3A_443 = arith.cmpi ne, %convert_element_type3A_441, %cond3A_442 : i32
          %cond3A_444:3 = scf.if %cond3A_443 -> (vector<16xf32>, vector<16xf32>, i32) {
            %add3A_543 = arith.addf %cond3A_430#0, %get3A_439 : vector<16xf32>
            %add3A_544 = arith.constant 6.250000e-02 : f32
            %add3A_545 = vector.broadcast %add3A_544 : f32 to vector<16xf32>
            %add3A_546 = arith.addf %cond3A_430#1, %add3A_545 : vector<16xf32>
            scf.yield %add3A_543, %add3A_546, %cond3A_430#2 : vector<16xf32>, vector<16xf32>, i32
          } else {
            %mul3A_543 = arith.constant 16 : i32
            %mul3A_544 = arith.muli %cond3A_430#2, %mul3A_543 : i32
            %get3A_545 = arith.index_cast %mul3A_544 : i32 to index
            %get3A_546 = tpu.vector_load %arg13[%get3A_545] {strides = array<i32>} : memref<32768xf32, #tpu.memory_space<vmem>>, vector<16xf32>,
            %add3A_547 = arith.addf %get3A_546, %cond3A_430#0 : vector<16xf32>
            %swap3A_548 = arith.index_cast %mul3A_544 : i32 to index
            %swap3A_549 = tpu.vector_load %arg13[%swap3A_548] {strides = array<i32>} : memref<32768xf32, #tpu.memory_space<vmem>>, vector<16xf32>,
            tpu.vector_store %arg13[%swap3A_548], %add3A_547 {strides = array<i32>} : memref<32768xf32, #tpu.memory_space<vmem>>, vector<16xf32>,
            %get3A_550 = arith.index_cast %mul3A_544 : i32 to index
            %get3A_551 = tpu.vector_load %arg14[%get3A_550] {strides = array<i32>} : memref<32768xf32, #tpu.memory_space<vmem>>, vector<16xf32>,
            %add3A_552 = arith.addf %get3A_551, %cond3A_430#1 : vector<16xf32>
            %swap3A_553 = arith.index_cast %mul3A_544 : i32 to index
            %swap3A_554 = tpu.vector_load %arg14[%swap3A_553] {strides = array<i32>} : memref<32768xf32, #tpu.memory_space<vmem>>, vector<16xf32>,
            tpu.vector_store %arg14[%swap3A_553], %add3A_552 {strides = array<i32>} : memref<32768xf32, #tpu.memory_space<vmem>>, vector<16xf32>,
            %broadcast_in_dim3A_555 = arith.constant 6.250000e-02 : f32
            %broadcast_in_dim3A_556 = vector.broadcast %broadcast_in_dim3A_555 : f32 to vector<16xf32>
            scf.yield %get3A_439, %broadcast_in_dim3A_556, %squeeze3A_432 : vector<16xf32>, vector<16xf32>, i32
          }
          %slice3A_445 = vector.extract_strided_slice %get3A_308 {offsets = [9], sizes = [1], strides = [1]} : vector<16xi32> to vector<1xi32>
          %squeeze3A_446 = vector.extract %slice3A_445[0] : i32 from vector<1xi32>
          %add3A_447 = arith.constant 9 : i32
          %add3A_448 = arith.addi %mul3A_314, %add3A_447 : i32
          %get3A_449 = arith.constant 0 : i32
          %get3A_450 = arith.index_cast %get3A_449 : i32 to index
          %get3A_451 = arith.index_cast %add3A_448 : i32 to index
          %get3A_452 = arith.constant 0 : index
          %get3A_453 = tpu.vector_load %arg12[%get3A_450, %get3A_451, %get3A_452] {strides = array<i32>} : memref<2x1024x16xf32, #tpu.memory_space<vmem>>, vector<16xf32>,
          %eq3A_454 = arith.cmpi eq, %squeeze3A_446, %cond3A_444#2 : i32
          %convert_element_type3A_455 = arith.extui %eq3A_454 : i1 to i32
          %cond3A_456 = arith.constant 0 : i32
          %cond3A_457 = arith.cmpi ne, %convert_element_type3A_455, %cond3A_456 : i32
          %cond3A_458:3 = scf.if %cond3A_457 -> (vector<16xf32>, vector<16xf32>, i32) {
            %add3A_543 = arith.addf %cond3A_444#0, %get3A_453 : vector<16xf32>
            %add3A_544 = arith.constant 6.250000e-02 : f32
            %add3A_545 = vector.broadcast %add3A_544 : f32 to vector<16xf32>
            %add3A_546 = arith.addf %cond3A_444#1, %add3A_545 : vector<16xf32>
            scf.yield %add3A_543, %add3A_546, %cond3A_444#2 : vector<16xf32>, vector<16xf32>, i32
          } else {
            %mul3A_543 = arith.constant 16 : i32
            %mul3A_544 = arith.muli %cond3A_444#2, %mul3A_543 : i32
            %get3A_545 = arith.index_cast %mul3A_544 : i32 to index
            %get3A_546 = tpu.vector_load %arg13[%get3A_545] {strides = array<i32>} : memref<32768xf32, #tpu.memory_space<vmem>>, vector<16xf32>,
            %add3A_547 = arith.addf %get3A_546, %cond3A_444#0 : vector<16xf32>
            %swap3A_548 = arith.index_cast %mul3A_544 : i32 to index
            %swap3A_549 = tpu.vector_load %arg13[%swap3A_548] {strides = array<i32>} : memref<32768xf32, #tpu.memory_space<vmem>>, vector<16xf32>,
            tpu.vector_store %arg13[%swap3A_548], %add3A_547 {strides = array<i32>} : memref<32768xf32, #tpu.memory_space<vmem>>, vector<16xf32>,
            %get3A_550 = arith.index_cast %mul3A_544 : i32 to index
            %get3A_551 = tpu.vector_load %arg14[%get3A_550] {strides = array<i32>} : memref<32768xf32, #tpu.memory_space<vmem>>, vector<16xf32>,
            %add3A_552 = arith.addf %get3A_551, %cond3A_444#1 : vector<16xf32>
            %swap3A_553 = arith.index_cast %mul3A_544 : i32 to index
            %swap3A_554 = tpu.vector_load %arg14[%swap3A_553] {strides = array<i32>} : memref<32768xf32, #tpu.memory_space<vmem>>, vector<16xf32>,
            tpu.vector_store %arg14[%swap3A_553], %add3A_552 {strides = array<i32>} : memref<32768xf32, #tpu.memory_space<vmem>>, vector<16xf32>,
            %broadcast_in_dim3A_555 = arith.constant 6.250000e-02 : f32
            %broadcast_in_dim3A_556 = vector.broadcast %broadcast_in_dim3A_555 : f32 to vector<16xf32>
            scf.yield %get3A_453, %broadcast_in_dim3A_556, %squeeze3A_446 : vector<16xf32>, vector<16xf32>, i32
          }
          %slice3A_459 = vector.extract_strided_slice %get3A_308 {offsets = [10], sizes = [1], strides = [1]} : vector<16xi32> to vector<1xi32>
          %squeeze3A_460 = vector.extract %slice3A_459[0] : i32 from vector<1xi32>
          %add3A_461 = arith.constant 10 : i32
          %add3A_462 = arith.addi %mul3A_314, %add3A_461 : i32
          %get3A_463 = arith.constant 0 : i32
          %get3A_464 = arith.index_cast %get3A_463 : i32 to index
          %get3A_465 = arith.index_cast %add3A_462 : i32 to index
          %get3A_466 = arith.constant 0 : index
          %get3A_467 = tpu.vector_load %arg12[%get3A_464, %get3A_465, %get3A_466] {strides = array<i32>} : memref<2x1024x16xf32, #tpu.memory_space<vmem>>, vector<16xf32>,
          %eq3A_468 = arith.cmpi eq, %squeeze3A_460, %cond3A_458#2 : i32
          %convert_element_type3A_469 = arith.extui %eq3A_468 : i1 to i32
          %cond3A_470 = arith.constant 0 : i32
          %cond3A_471 = arith.cmpi ne, %convert_element_type3A_469, %cond3A_470 : i32
          %cond3A_472:3 = scf.if %cond3A_471 -> (vector<16xf32>, vector<16xf32>, i32) {
            %add3A_543 = arith.addf %cond3A_458#0, %get3A_467 : vector<16xf32>
            %add3A_544 = arith.constant 6.250000e-02 : f32
            %add3A_545 = vector.broadcast %add3A_544 : f32 to vector<16xf32>
            %add3A_546 = arith.addf %cond3A_458#1, %add3A_545 : vector<16xf32>
            scf.yield %add3A_543, %add3A_546, %cond3A_458#2 : vector<16xf32>, vector<16xf32>, i32
          } else {
            %mul3A_543 = arith.constant 16 : i32
            %mul3A_544 = arith.muli %cond3A_458#2, %mul3A_543 : i32
            %get3A_545 = arith.index_cast %mul3A_544 : i32 to index
            %get3A_546 = tpu.vector_load %arg13[%get3A_545] {strides = array<i32>} : memref<32768xf32, #tpu.memory_space<vmem>>, vector<16xf32>,
            %add3A_547 = arith.addf %get3A_546, %cond3A_458#0 : vector<16xf32>
            %swap3A_548 = arith.index_cast %mul3A_544 : i32 to index
            %swap3A_549 = tpu.vector_load %arg13[%swap3A_548] {strides = array<i32>} : memref<32768xf32, #tpu.memory_space<vmem>>, vector<16xf32>,
            tpu.vector_store %arg13[%swap3A_548], %add3A_547 {strides = array<i32>} : memref<32768xf32, #tpu.memory_space<vmem>>, vector<16xf32>,
            %get3A_550 = arith.index_cast %mul3A_544 : i32 to index
            %get3A_551 = tpu.vector_load %arg14[%get3A_550] {strides = array<i32>} : memref<32768xf32, #tpu.memory_space<vmem>>, vector<16xf32>,
            %add3A_552 = arith.addf %get3A_551, %cond3A_458#1 : vector<16xf32>
            %swap3A_553 = arith.index_cast %mul3A_544 : i32 to index
            %swap3A_554 = tpu.vector_load %arg14[%swap3A_553] {strides = array<i32>} : memref<32768xf32, #tpu.memory_space<vmem>>, vector<16xf32>,
            tpu.vector_store %arg14[%swap3A_553], %add3A_552 {strides = array<i32>} : memref<32768xf32, #tpu.memory_space<vmem>>, vector<16xf32>,
            %broadcast_in_dim3A_555 = arith.constant 6.250000e-02 : f32
            %broadcast_in_dim3A_556 = vector.broadcast %broadcast_in_dim3A_555 : f32 to vector<16xf32>
            scf.yield %get3A_467, %broadcast_in_dim3A_556, %squeeze3A_460 : vector<16xf32>, vector<16xf32>, i32
          }
          %slice3A_473 = vector.extract_strided_slice %get3A_308 {offsets = [11], sizes = [1], strides = [1]} : vector<16xi32> to vector<1xi32>
          %squeeze3A_474 = vector.extract %slice3A_473[0] : i32 from vector<1xi32>
          %add3A_475 = arith.constant 11 : i32
          %add3A_476 = arith.addi %mul3A_314, %add3A_475 : i32
          %get3A_477 = arith.constant 0 : i32
          %get3A_478 = arith.index_cast %get3A_477 : i32 to index
          %get3A_479 = arith.index_cast %add3A_476 : i32 to index
          %get3A_480 = arith.constant 0 : index
          %get3A_481 = tpu.vector_load %arg12[%get3A_478, %get3A_479, %get3A_480] {strides = array<i32>} : memref<2x1024x16xf32, #tpu.memory_space<vmem>>, vector<16xf32>,
          %eq3A_482 = arith.cmpi eq, %squeeze3A_474, %cond3A_472#2 : i32
          %convert_element_type3A_483 = arith.extui %eq3A_482 : i1 to i32
          %cond3A_484 = arith.constant 0 : i32
          %cond3A_485 = arith.cmpi ne, %convert_element_type3A_483, %cond3A_484 : i32
          %cond3A_486:3 = scf.if %cond3A_485 -> (vector<16xf32>, vector<16xf32>, i32) {
            %add3A_543 = arith.addf %cond3A_472#0, %get3A_481 : vector<16xf32>
            %add3A_544 = arith.constant 6.250000e-02 : f32
            %add3A_545 = vector.broadcast %add3A_544 : f32 to vector<16xf32>
            %add3A_546 = arith.addf %cond3A_472#1, %add3A_545 : vector<16xf32>
            scf.yield %add3A_543, %add3A_546, %cond3A_472#2 : vector<16xf32>, vector<16xf32>, i32
          } else {
            %mul3A_543 = arith.constant 16 : i32
            %mul3A_544 = arith.muli %cond3A_472#2, %mul3A_543 : i32
            %get3A_545 = arith.index_cast %mul3A_544 : i32 to index
            %get3A_546 = tpu.vector_load %arg13[%get3A_545] {strides = array<i32>} : memref<32768xf32, #tpu.memory_space<vmem>>, vector<16xf32>,
            %add3A_547 = arith.addf %get3A_546, %cond3A_472#0 : vector<16xf32>
            %swap3A_548 = arith.index_cast %mul3A_544 : i32 to index
            %swap3A_549 = tpu.vector_load %arg13[%swap3A_548] {strides = array<i32>} : memref<32768xf32, #tpu.memory_space<vmem>>, vector<16xf32>,
            tpu.vector_store %arg13[%swap3A_548], %add3A_547 {strides = array<i32>} : memref<32768xf32, #tpu.memory_space<vmem>>, vector<16xf32>,
            %get3A_550 = arith.index_cast %mul3A_544 : i32 to index
            %get3A_551 = tpu.vector_load %arg14[%get3A_550] {strides = array<i32>} : memref<32768xf32, #tpu.memory_space<vmem>>, vector<16xf32>,
            %add3A_552 = arith.addf %get3A_551, %cond3A_472#1 : vector<16xf32>
            %swap3A_553 = arith.index_cast %mul3A_544 : i32 to index
            %swap3A_554 = tpu.vector_load %arg14[%swap3A_553] {strides = array<i32>} : memref<32768xf32, #tpu.memory_space<vmem>>, vector<16xf32>,
            tpu.vector_store %arg14[%swap3A_553], %add3A_552 {strides = array<i32>} : memref<32768xf32, #tpu.memory_space<vmem>>, vector<16xf32>,
            %broadcast_in_dim3A_555 = arith.constant 6.250000e-02 : f32
            %broadcast_in_dim3A_556 = vector.broadcast %broadcast_in_dim3A_555 : f32 to vector<16xf32>
            scf.yield %get3A_481, %broadcast_in_dim3A_556, %squeeze3A_474 : vector<16xf32>, vector<16xf32>, i32
          }
          %slice3A_487 = vector.extract_strided_slice %get3A_308 {offsets = [12], sizes = [1], strides = [1]} : vector<16xi32> to vector<1xi32>
          %squeeze3A_488 = vector.extract %slice3A_487[0] : i32 from vector<1xi32>
          %add3A_489 = arith.constant 12 : i32
          %add3A_490 = arith.addi %mul3A_314, %add3A_489 : i32
          %get3A_491 = arith.constant 0 : i32
          %get3A_492 = arith.index_cast %get3A_491 : i32 to index
          %get3A_493 = arith.index_cast %add3A_490 : i32 to index
          %get3A_494 = arith.constant 0 : index
          %get3A_495 = tpu.vector_load %arg12[%get3A_492, %get3A_493, %get3A_494] {strides = array<i32>} : memref<2x1024x16xf32, #tpu.memory_space<vmem>>, vector<16xf32>,
          %eq3A_496 = arith.cmpi eq, %squeeze3A_488, %cond3A_486#2 : i32
          %convert_element_type3A_497 = arith.extui %eq3A_496 : i1 to i32
          %cond3A_498 = arith.constant 0 : i32
          %cond3A_499 = arith.cmpi ne, %convert_element_type3A_497, %cond3A_498 : i32
          %cond3A_500:3 = scf.if %cond3A_499 -> (vector<16xf32>, vector<16xf32>, i32) {
            %add3A_543 = arith.addf %cond3A_486#0, %get3A_495 : vector<16xf32>
            %add3A_544 = arith.constant 6.250000e-02 : f32
            %add3A_545 = vector.broadcast %add3A_544 : f32 to vector<16xf32>
            %add3A_546 = arith.addf %cond3A_486#1, %add3A_545 : vector<16xf32>
            scf.yield %add3A_543, %add3A_546, %cond3A_486#2 : vector<16xf32>, vector<16xf32>, i32
          } else {
            %mul3A_543 = arith.constant 16 : i32
            %mul3A_544 = arith.muli %cond3A_486#2, %mul3A_543 : i32
            %get3A_545 = arith.index_cast %mul3A_544 : i32 to index
            %get3A_546 = tpu.vector_load %arg13[%get3A_545] {strides = array<i32>} : memref<32768xf32, #tpu.memory_space<vmem>>, vector<16xf32>,
            %add3A_547 = arith.addf %get3A_546, %cond3A_486#0 : vector<16xf32>
            %swap3A_548 = arith.index_cast %mul3A_544 : i32 to index
            %swap3A_549 = tpu.vector_load %arg13[%swap3A_548] {strides = array<i32>} : memref<32768xf32, #tpu.memory_space<vmem>>, vector<16xf32>,
            tpu.vector_store %arg13[%swap3A_548], %add3A_547 {strides = array<i32>} : memref<32768xf32, #tpu.memory_space<vmem>>, vector<16xf32>,
            %get3A_550 = arith.index_cast %mul3A_544 : i32 to index
            %get3A_551 = tpu.vector_load %arg14[%get3A_550] {strides = array<i32>} : memref<32768xf32, #tpu.memory_space<vmem>>, vector<16xf32>,
            %add3A_552 = arith.addf %get3A_551, %cond3A_486#1 : vector<16xf32>
            %swap3A_553 = arith.index_cast %mul3A_544 : i32 to index
            %swap3A_554 = tpu.vector_load %arg14[%swap3A_553] {strides = array<i32>} : memref<32768xf32, #tpu.memory_space<vmem>>, vector<16xf32>,
            tpu.vector_store %arg14[%swap3A_553], %add3A_552 {strides = array<i32>} : memref<32768xf32, #tpu.memory_space<vmem>>, vector<16xf32>,
            %broadcast_in_dim3A_555 = arith.constant 6.250000e-02 : f32
            %broadcast_in_dim3A_556 = vector.broadcast %broadcast_in_dim3A_555 : f32 to vector<16xf32>
            scf.yield %get3A_495, %broadcast_in_dim3A_556, %squeeze3A_488 : vector<16xf32>, vector<16xf32>, i32
          }
          %slice3A_501 = vector.extract_strided_slice %get3A_308 {offsets = [13], sizes = [1], strides = [1]} : vector<16xi32> to vector<1xi32>
          %squeeze3A_502 = vector.extract %slice3A_501[0] : i32 from vector<1xi32>
          %add3A_503 = arith.constant 13 : i32
          %add3A_504 = arith.addi %mul3A_314, %add3A_503 : i32
          %get3A_505 = arith.constant 0 : i32
          %get3A_506 = arith.index_cast %get3A_505 : i32 to index
          %get3A_507 = arith.index_cast %add3A_504 : i32 to index
          %get3A_508 = arith.constant 0 : index
          %get3A_509 = tpu.vector_load %arg12[%get3A_506, %get3A_507, %get3A_508] {strides = array<i32>} : memref<2x1024x16xf32, #tpu.memory_space<vmem>>, vector<16xf32>,
          %eq3A_510 = arith.cmpi eq, %squeeze3A_502, %cond3A_500#2 : i32
          %convert_element_type3A_511 = arith.extui %eq3A_510 : i1 to i32
          %cond3A_512 = arith.constant 0 : i32
          %cond3A_513 = arith.cmpi ne, %convert_element_type3A_511, %cond3A_512 : i32
          %cond3A_514:3 = scf.if %cond3A_513 -> (vector<16xf32>, vector<16xf32>, i32) {
            %add3A_543 = arith.addf %cond3A_500#0, %get3A_509 : vector<16xf32>
            %add3A_544 = arith.constant 6.250000e-02 : f32
            %add3A_545 = vector.broadcast %add3A_544 : f32 to vector<16xf32>
            %add3A_546 = arith.addf %cond3A_500#1, %add3A_545 : vector<16xf32>
            scf.yield %add3A_543, %add3A_546, %cond3A_500#2 : vector<16xf32>, vector<16xf32>, i32
          } else {
            %mul3A_543 = arith.constant 16 : i32
            %mul3A_544 = arith.muli %cond3A_500#2, %mul3A_543 : i32
            %get3A_545 = arith.index_cast %mul3A_544 : i32 to index
            %get3A_546 = tpu.vector_load %arg13[%get3A_545] {strides = array<i32>} : memref<32768xf32, #tpu.memory_space<vmem>>, vector<16xf32>,
            %add3A_547 = arith.addf %get3A_546, %cond3A_500#0 : vector<16xf32>
            %swap3A_548 = arith.index_cast %mul3A_544 : i32 to index
            %swap3A_549 = tpu.vector_load %arg13[%swap3A_548] {strides = array<i32>} : memref<32768xf32, #tpu.memory_space<vmem>>, vector<16xf32>,
            tpu.vector_store %arg13[%swap3A_548], %add3A_547 {strides = array<i32>} : memref<32768xf32, #tpu.memory_space<vmem>>, vector<16xf32>,
            %get3A_550 = arith.index_cast %mul3A_544 : i32 to index
            %get3A_551 = tpu.vector_load %arg14[%get3A_550] {strides = array<i32>} : memref<32768xf32, #tpu.memory_space<vmem>>, vector<16xf32>,
            %add3A_552 = arith.addf %get3A_551, %cond3A_500#1 : vector<16xf32>
            %swap3A_553 = arith.index_cast %mul3A_544 : i32 to index
            %swap3A_554 = tpu.vector_load %arg14[%swap3A_553] {strides = array<i32>} : memref<32768xf32, #tpu.memory_space<vmem>>, vector<16xf32>,
            tpu.vector_store %arg14[%swap3A_553], %add3A_552 {strides = array<i32>} : memref<32768xf32, #tpu.memory_space<vmem>>, vector<16xf32>,
            %broadcast_in_dim3A_555 = arith.constant 6.250000e-02 : f32
            %broadcast_in_dim3A_556 = vector.broadcast %broadcast_in_dim3A_555 : f32 to vector<16xf32>
            scf.yield %get3A_509, %broadcast_in_dim3A_556, %squeeze3A_502 : vector<16xf32>, vector<16xf32>, i32
          }
          %slice3A_515 = vector.extract_strided_slice %get3A_308 {offsets = [14], sizes = [1], strides = [1]} : vector<16xi32> to vector<1xi32>
          %squeeze3A_516 = vector.extract %slice3A_515[0] : i32 from vector<1xi32>
          %add3A_517 = arith.constant 14 : i32
          %add3A_518 = arith.addi %mul3A_314, %add3A_517 : i32
          %get3A_519 = arith.constant 0 : i32
          %get3A_520 = arith.index_cast %get3A_519 : i32 to index
          %get3A_521 = arith.index_cast %add3A_518 : i32 to index
          %get3A_522 = arith.constant 0 : index
          %get3A_523 = tpu.vector_load %arg12[%get3A_520, %get3A_521, %get3A_522] {strides = array<i32>} : memref<2x1024x16xf32, #tpu.memory_space<vmem>>, vector<16xf32>,
          %eq3A_524 = arith.cmpi eq, %squeeze3A_516, %cond3A_514#2 : i32
          %convert_element_type3A_525 = arith.extui %eq3A_524 : i1 to i32
          %cond3A_526 = arith.constant 0 : i32
          %cond3A_527 = arith.cmpi ne, %convert_element_type3A_525, %cond3A_526 : i32
          %cond3A_528:3 = scf.if %cond3A_527 -> (vector<16xf32>, vector<16xf32>, i32) {
            %add3A_543 = arith.addf %cond3A_514#0, %get3A_523 : vector<16xf32>
            %add3A_544 = arith.constant 6.250000e-02 : f32
            %add3A_545 = vector.broadcast %add3A_544 : f32 to vector<16xf32>
            %add3A_546 = arith.addf %cond3A_514#1, %add3A_545 : vector<16xf32>
            scf.yield %add3A_543, %add3A_546, %cond3A_514#2 : vector<16xf32>, vector<16xf32>, i32
          } else {
            %mul3A_543 = arith.constant 16 : i32
            %mul3A_544 = arith.muli %cond3A_514#2, %mul3A_543 : i32
            %get3A_545 = arith.index_cast %mul3A_544 : i32 to index
            %get3A_546 = tpu.vector_load %arg13[%get3A_545] {strides = array<i32>} : memref<32768xf32, #tpu.memory_space<vmem>>, vector<16xf32>,
            %add3A_547 = arith.addf %get3A_546, %cond3A_514#0 : vector<16xf32>
            %swap3A_548 = arith.index_cast %mul3A_544 : i32 to index
            %swap3A_549 = tpu.vector_load %arg13[%swap3A_548] {strides = array<i32>} : memref<32768xf32, #tpu.memory_space<vmem>>, vector<16xf32>,
            tpu.vector_store %arg13[%swap3A_548], %add3A_547 {strides = array<i32>} : memref<32768xf32, #tpu.memory_space<vmem>>, vector<16xf32>,
            %get3A_550 = arith.index_cast %mul3A_544 : i32 to index
            %get3A_551 = tpu.vector_load %arg14[%get3A_550] {strides = array<i32>} : memref<32768xf32, #tpu.memory_space<vmem>>, vector<16xf32>,
            %add3A_552 = arith.addf %get3A_551, %cond3A_514#1 : vector<16xf32>
            %swap3A_553 = arith.index_cast %mul3A_544 : i32 to index
            %swap3A_554 = tpu.vector_load %arg14[%swap3A_553] {strides = array<i32>} : memref<32768xf32, #tpu.memory_space<vmem>>, vector<16xf32>,
            tpu.vector_store %arg14[%swap3A_553], %add3A_552 {strides = array<i32>} : memref<32768xf32, #tpu.memory_space<vmem>>, vector<16xf32>,
            %broadcast_in_dim3A_555 = arith.constant 6.250000e-02 : f32
            %broadcast_in_dim3A_556 = vector.broadcast %broadcast_in_dim3A_555 : f32 to vector<16xf32>
            scf.yield %get3A_523, %broadcast_in_dim3A_556, %squeeze3A_516 : vector<16xf32>, vector<16xf32>, i32
          }
          %slice3A_529 = vector.extract_strided_slice %get3A_308 {offsets = [15], sizes = [1], strides = [1]} : vector<16xi32> to vector<1xi32>
          %squeeze3A_530 = vector.extract %slice3A_529[0] : i32 from vector<1xi32>
          %add3A_531 = arith.constant 15 : i32
          %add3A_532 = arith.addi %mul3A_314, %add3A_531 : i32
          %get3A_533 = arith.constant 0 : i32
          %get3A_534 = arith.index_cast %get3A_533 : i32 to index
          %get3A_535 = arith.index_cast %add3A_532 : i32 to index
          %get3A_536 = arith.constant 0 : index
          %get3A_537 = tpu.vector_load %arg12[%get3A_534, %get3A_535, %get3A_536] {strides = array<i32>} : memref<2x1024x16xf32, #tpu.memory_space<vmem>>, vector<16xf32>,
          %eq3A_538 = arith.cmpi eq, %squeeze3A_530, %cond3A_528#2 : i32
          %convert_element_type3A_539 = arith.extui %eq3A_538 : i1 to i32
          %cond3A_540 = arith.constant 0 : i32
          %cond3A_541 = arith.cmpi ne, %convert_element_type3A_539, %cond3A_540 : i32
          %cond3A_542:3 = scf.if %cond3A_541 -> (vector<16xf32>, vector<16xf32>, i32) {
            %add3A_543 = arith.addf %cond3A_528#0, %get3A_537 : vector<16xf32>
            %add3A_544 = arith.constant 6.250000e-02 : f32
            %add3A_545 = vector.broadcast %add3A_544 : f32 to vector<16xf32>
            %add3A_546 = arith.addf %cond3A_528#1, %add3A_545 : vector<16xf32>
            scf.yield %add3A_543, %add3A_546, %cond3A_528#2 : vector<16xf32>, vector<16xf32>, i32
          } else {
            %mul3A_543 = arith.constant 16 : i32
            %mul3A_544 = arith.muli %cond3A_528#2, %mul3A_543 : i32
            %get3A_545 = arith.index_cast %mul3A_544 : i32 to index
            %get3A_546 = tpu.vector_load %arg13[%get3A_545] {strides = array<i32>} : memref<32768xf32, #tpu.memory_space<vmem>>, vector<16xf32>,
            %add3A_547 = arith.addf %get3A_546, %cond3A_528#0 : vector<16xf32>
            %swap3A_548 = arith.index_cast %mul3A_544 : i32 to index
            %swap3A_549 = tpu.vector_load %arg13[%swap3A_548] {strides = array<i32>} : memref<32768xf32, #tpu.memory_space<vmem>>, vector<16xf32>,
            tpu.vector_store %arg13[%swap3A_548], %add3A_547 {strides = array<i32>} : memref<32768xf32, #tpu.memory_space<vmem>>, vector<16xf32>,
            %get3A_550 = arith.index_cast %mul3A_544 : i32 to index
            %get3A_551 = tpu.vector_load %arg14[%get3A_550] {strides = array<i32>} : memref<32768xf32, #tpu.memory_space<vmem>>, vector<16xf32>,
            %add3A_552 = arith.addf %get3A_551, %cond3A_528#1 : vector<16xf32>
            %swap3A_553 = arith.index_cast %mul3A_544 : i32 to index
            %swap3A_554 = tpu.vector_load %arg14[%swap3A_553] {strides = array<i32>} : memref<32768xf32, #tpu.memory_space<vmem>>, vector<16xf32>,
            tpu.vector_store %arg14[%swap3A_553], %add3A_552 {strides = array<i32>} : memref<32768xf32, #tpu.memory_space<vmem>>, vector<16xf32>,
            %broadcast_in_dim3A_555 = arith.constant 6.250000e-02 : f32
            %broadcast_in_dim3A_556 = vector.broadcast %broadcast_in_dim3A_555 : f32 to vector<16xf32>
            scf.yield %get3A_537, %broadcast_in_dim3A_556, %squeeze3A_530 : vector<16xf32>, vector<16xf32>, i32
          }
          scf.yield %cond3A_542#0, %cond3A_542#1, %cond3A_542#2 : vector<16xf32>, vector<16xf32>, i32
        }
        scf.yield %cond3A_318#0, %cond3A_318#1, %cond3A_318#2 : vector<16xf32>, vector<16xf32>, i32
      }
      %scan3A_252 = arith.constant 64 : i32
      %add3A_253 = arith.constant 2 : i32
      %add3A_254 = arith.addi %add3A_227, %add3A_253 : i32
      %lt3A_255 = arith.constant 32 : i32
      %lt3A_256 = arith.cmpi slt, %add3A_254, %lt3A_255 : i32
      %convert_element_type3A_257 = arith.extui %lt3A_256 : i1 to i32
      %cond3A_258 = arith.constant 0 : i32
      %cond3A_259 = arith.cmpi ne, %convert_element_type3A_257, %cond3A_258 : i32
      scf.if %cond3A_259 {
        %add3A_299 = arith.constant 2 : i32
        %add3A_300 = arith.addi %add3A_227, %add3A_299 : i32
        %mul3A_301 = arith.constant 1024 : i32
        %mul3A_302 = arith.muli %add3A_300, %mul3A_301 : i32
        %add3A_303 = arith.addi %mul3A_2, %mul3A_302 : i32
        %dma_start3A_304 = arith.constant 0 : i32
        %dma_start3A_305 = arith.constant 0 : i32
        %dma_start3A_306 = tpu.memref_slice %arg8[%dma_start3A_304, %dma_start3A_305] : memref<2x1024xi32, #tpu.memory_space<vmem>> -> memref<1x1024xi32, #tpu.memory_space<vmem>>
        %dma_start3A_307 = tpu.memref_squeeze %dma_start3A_306 : memref<1x1024xi32, #tpu.memory_space<vmem>> -> memref<1024xi32, #tpu.memory_space<vmem>>
        %dma_start3A_308 = tpu.memref_slice %arg3[%add3A_303] : memref<1048576xi32, #tpu.memory_space<hbm>> -> memref<1024xi32, #tpu.memory_space<hbm>>
        %dma_start3A_309 = arith.constant 0 : i32
        %dma_start3A_310 = tpu.memref_slice %arg8[%dma_start3A_304, %dma_start3A_309] : memref<2x1024xi32, #tpu.memory_space<vmem>> -> memref<1x1024xi32, #tpu.memory_space<vmem>>
        %dma_start3A_311 = tpu.memref_squeeze %dma_start3A_310 : memref<1x1024xi32, #tpu.memory_space<vmem>> -> memref<1024xi32, #tpu.memory_space<vmem>>
        %dma_start3A_312 = tpu.memref_slice %arg3[%add3A_303] : memref<1048576xi32, #tpu.memory_space<hbm>> -> memref<1024xi32, #tpu.memory_space<hbm>>
        tpu.enqueue_dma source(%dma_start3A_312 : memref<1024xi32, #tpu.memory_space<hbm>>) target(%dma_start3A_311 : memref<1024xi32, #tpu.memory_space<vmem>>) target_semaphore(%arg15 : memref<!tpu.dma_semaphore, #tpu.memory_space<semaphore_mem>>)
        %dma_start3A_313 = arith.constant 0 : i32
        %dma_start3A_314 = arith.constant 0 : i32
        %dma_start3A_315 = tpu.memref_slice %arg9[%dma_start3A_313, %dma_start3A_314] : memref<2x1024xi32, #tpu.memory_space<vmem>> -> memref<1x1024xi32, #tpu.memory_space<vmem>>
        %dma_start3A_316 = tpu.memref_squeeze %dma_start3A_315 : memref<1x1024xi32, #tpu.memory_space<vmem>> -> memref<1024xi32, #tpu.memory_space<vmem>>
        %dma_start3A_317 = tpu.memref_slice %arg4[%add3A_303] : memref<1048576xi32, #tpu.memory_space<hbm>> -> memref<1024xi32, #tpu.memory_space<hbm>>
        %dma_start3A_318 = arith.constant 0 : i32
        %dma_start3A_319 = tpu.memref_slice %arg9[%dma_start3A_313, %dma_start3A_318] : memref<2x1024xi32, #tpu.memory_space<vmem>> -> memref<1x1024xi32, #tpu.memory_space<vmem>>
        %dma_start3A_320 = tpu.memref_squeeze %dma_start3A_319 : memref<1x1024xi32, #tpu.memory_space<vmem>> -> memref<1024xi32, #tpu.memory_space<vmem>>
        %dma_start3A_321 = tpu.memref_slice %arg4[%add3A_303] : memref<1048576xi32, #tpu.memory_space<hbm>> -> memref<1024xi32, #tpu.memory_space<hbm>>
        tpu.enqueue_dma source(%dma_start3A_321 : memref<1024xi32, #tpu.memory_space<hbm>>) target(%dma_start3A_320 : memref<1024xi32, #tpu.memory_space<vmem>>) target_semaphore(%arg15 : memref<!tpu.dma_semaphore, #tpu.memory_space<semaphore_mem>>)
        %dma_start3A_322 = arith.constant 0 : i32
        %dma_start3A_323 = arith.constant 0 : i32
        %dma_start3A_324 = tpu.memref_slice %arg10[%dma_start3A_322, %dma_start3A_323] : memref<2x1024xi32, #tpu.memory_space<vmem>> -> memref<1x1024xi32, #tpu.memory_space<vmem>>
        %dma_start3A_325 = tpu.memref_squeeze %dma_start3A_324 : memref<1x1024xi32, #tpu.memory_space<vmem>> -> memref<1024xi32, #tpu.memory_space<vmem>>
        %dma_start3A_326 = tpu.memref_slice %arg5[%add3A_303] : memref<1048576xi32, #tpu.memory_space<hbm>> -> memref<1024xi32, #tpu.memory_space<hbm>>
        %dma_start3A_327 = arith.constant 0 : i32
        %dma_start3A_328 = tpu.memref_slice %arg10[%dma_start3A_322, %dma_start3A_327] : memref<2x1024xi32, #tpu.memory_space<vmem>> -> memref<1x1024xi32, #tpu.memory_space<vmem>>
        %dma_start3A_329 = tpu.memref_squeeze %dma_start3A_328 : memref<1x1024xi32, #tpu.memory_space<vmem>> -> memref<1024xi32, #tpu.memory_space<vmem>>
        %dma_start3A_330 = tpu.memref_slice %arg5[%add3A_303] : memref<1048576xi32, #tpu.memory_space<hbm>> -> memref<1024xi32, #tpu.memory_space<hbm>>
        tpu.enqueue_dma source(%dma_start3A_330 : memref<1024xi32, #tpu.memory_space<hbm>>) target(%dma_start3A_329 : memref<1024xi32, #tpu.memory_space<vmem>>) target_semaphore(%arg15 : memref<!tpu.dma_semaphore, #tpu.memory_space<semaphore_mem>>)
      } else {
      }
      %mul3A_260 = arith.constant 2 : i32
      %mul3A_261 = arith.muli %mul3A_260, %scan3A_220 : i32
      %add3A_262 = arith.constant 1 : i32
      %add3A_263 = arith.addi %mul3A_261, %add3A_262 : i32
      %add3A_264 = arith.constant 1 : i32
      %add3A_265 = arith.addi %add3A_263, %add3A_264 : i32
      %lt3A_266 = arith.constant 32 : i32
      %lt3A_267 = arith.cmpi slt, %add3A_265, %lt3A_266 : i32
      %convert_element_type3A_268 = arith.extui %lt3A_267 : i1 to i32
      %cond3A_269 = arith.constant 0 : i32
      %cond3A_270 = arith.cmpi ne, %convert_element_type3A_268, %cond3A_269 : i32
      scf.if %cond3A_270 {
        %dma_wait3A_299 = arith.constant 0 : i32
        %dma_wait3A_300 = arith.constant 0 : i32
        %dma_wait3A_301 = tpu.memref_slice %arg8[%dma_wait3A_299, %dma_wait3A_300] : memref<2x1024xi32, #tpu.memory_space<vmem>> -> memref<1x1024xi32, #tpu.memory_space<vmem>>
        %dma_wait3A_302 = tpu.memref_squeeze %dma_wait3A_301 : memref<1x1024xi32, #tpu.memory_space<vmem>> -> memref<1024xi32, #tpu.memory_space<vmem>>
        %dma_wait3A_303 = arith.constant 0 : i32
        %dma_wait3A_304 = tpu.memref_slice %arg3[%dma_wait3A_303] : memref<1048576xi32, #tpu.memory_space<hbm>> -> memref<1024xi32, #tpu.memory_space<hbm>>
        %dma_wait3A_305 = arith.constant 0 : i32
        %dma_wait3A_306 = tpu.memref_slice %arg8[%dma_wait3A_299, %dma_wait3A_305] : memref<2x1024xi32, #tpu.memory_space<vmem>> -> memref<1x1024xi32, #tpu.memory_space<vmem>>
        %dma_wait3A_307 = tpu.memref_squeeze %dma_wait3A_306 : memref<1x1024xi32, #tpu.memory_space<vmem>> -> memref<1024xi32, #tpu.memory_space<vmem>>
        %dma_wait3A_308 = arith.constant 0 : i32
        %dma_wait3A_309 = tpu.memref_slice %arg3[%dma_wait3A_308] : memref<1048576xi32, #tpu.memory_space<hbm>> -> memref<1024xi32, #tpu.memory_space<hbm>>
        tpu.wait_dma2 semaphore(%arg15 : memref<!tpu.dma_semaphore, #tpu.memory_space<semaphore_mem>>) src(%dma_wait3A_309 : memref<1024xi32, #tpu.memory_space<hbm>>) dst(%dma_wait3A_307 : memref<1024xi32, #tpu.memory_space<vmem>>)
        %dma_wait3A_310 = arith.constant 0 : i32
        %dma_wait3A_311 = arith.constant 0 : i32
        %dma_wait3A_312 = tpu.memref_slice %arg9[%dma_wait3A_310, %dma_wait3A_311] : memref<2x1024xi32, #tpu.memory_space<vmem>> -> memref<1x1024xi32, #tpu.memory_space<vmem>>
        %dma_wait3A_313 = tpu.memref_squeeze %dma_wait3A_312 : memref<1x1024xi32, #tpu.memory_space<vmem>> -> memref<1024xi32, #tpu.memory_space<vmem>>
        %dma_wait3A_314 = arith.constant 0 : i32
        %dma_wait3A_315 = tpu.memref_slice %arg4[%dma_wait3A_314] : memref<1048576xi32, #tpu.memory_space<hbm>> -> memref<1024xi32, #tpu.memory_space<hbm>>
        %dma_wait3A_316 = arith.constant 0 : i32
        %dma_wait3A_317 = tpu.memref_slice %arg9[%dma_wait3A_310, %dma_wait3A_316] : memref<2x1024xi32, #tpu.memory_space<vmem>> -> memref<1x1024xi32, #tpu.memory_space<vmem>>
        %dma_wait3A_318 = tpu.memref_squeeze %dma_wait3A_317 : memref<1x1024xi32, #tpu.memory_space<vmem>> -> memref<1024xi32, #tpu.memory_space<vmem>>
        %dma_wait3A_319 = arith.constant 0 : i32
        %dma_wait3A_320 = tpu.memref_slice %arg4[%dma_wait3A_319] : memref<1048576xi32, #tpu.memory_space<hbm>> -> memref<1024xi32, #tpu.memory_space<hbm>>
        tpu.wait_dma2 semaphore(%arg15 : memref<!tpu.dma_semaphore, #tpu.memory_space<semaphore_mem>>) src(%dma_wait3A_320 : memref<1024xi32, #tpu.memory_space<hbm>>) dst(%dma_wait3A_318 : memref<1024xi32, #tpu.memory_space<vmem>>)
        %dma_wait3A_321 = arith.constant 0 : i32
        %dma_wait3A_322 = arith.constant 0 : i32
        %dma_wait3A_323 = tpu.memref_slice %arg10[%dma_wait3A_321, %dma_wait3A_322] : memref<2x1024xi32, #tpu.memory_space<vmem>> -> memref<1x1024xi32, #tpu.memory_space<vmem>>
        %dma_wait3A_324 = tpu.memref_squeeze %dma_wait3A_323 : memref<1x1024xi32, #tpu.memory_space<vmem>> -> memref<1024xi32, #tpu.memory_space<vmem>>
        %dma_wait3A_325 = arith.constant 0 : i32
        %dma_wait3A_326 = tpu.memref_slice %arg5[%dma_wait3A_325] : memref<1048576xi32, #tpu.memory_space<hbm>> -> memref<1024xi32, #tpu.memory_space<hbm>>
        %dma_wait3A_327 = arith.constant 0 : i32
        %dma_wait3A_328 = tpu.memref_slice %arg10[%dma_wait3A_321, %dma_wait3A_327] : memref<2x1024xi32, #tpu.memory_space<vmem>> -> memref<1x1024xi32, #tpu.memory_space<vmem>>
        %dma_wait3A_329 = tpu.memref_squeeze %dma_wait3A_328 : memref<1x1024xi32, #tpu.memory_space<vmem>> -> memref<1024xi32, #tpu.memory_space<vmem>>
        %dma_wait3A_330 = arith.constant 0 : i32
        %dma_wait3A_331 = tpu.memref_slice %arg5[%dma_wait3A_330] : memref<1048576xi32, #tpu.memory_space<hbm>> -> memref<1024xi32, #tpu.memory_space<hbm>>
        tpu.wait_dma2 semaphore(%arg15 : memref<!tpu.dma_semaphore, #tpu.memory_space<semaphore_mem>>) src(%dma_wait3A_331 : memref<1024xi32, #tpu.memory_space<hbm>>) dst(%dma_wait3A_329 : memref<1024xi32, #tpu.memory_space<vmem>>)
        %scan3A_332 = arith.constant 0 : i32
        %scan3A_333 = arith.constant 0 : i32
        %scan3A_334 = arith.constant 64 : i32
        %scan3A_335 = arith.addi %scan3A_333, %scan3A_334 : i32
        %scan3A_336 = arith.constant 1 : i32
        scf.for %scan3A_434 = %scan3A_333 to %scan3A_335 step %scan3A_336  : i32 {
          %mul3A_435 = arith.constant 16 : i32
          %mul3A_436 = arith.muli %scan3A_434, %mul3A_435 : i32
          %get3A_437 = arith.constant 0 : i32
          %get3A_438 = arith.index_cast %get3A_437 : i32 to index
          %get3A_439 = arith.index_cast %mul3A_436 : i32 to index
          %get3A_440 = tpu.vector_load %arg8[%get3A_438, %get3A_439] {strides = array<i32>} : memref<2x1024xi32, #tpu.memory_space<vmem>>, vector<16xi32>,
          %mul3A_441 = arith.constant 1024 : i32
          %mul3A_442 = vector.broadcast %mul3A_441 : i32 to vector<16xi32>
          %mul3A_443 = arith.muli %get3A_440, %mul3A_442 : vector<16xi32>
          %get3A_444 = arith.constant 0 : i32
          %get3A_445 = arith.index_cast %get3A_444 : i32 to index
          %get3A_446 = arith.index_cast %mul3A_436 : i32 to index
          %get3A_447 = tpu.vector_load %arg9[%get3A_445, %get3A_446] {strides = array<i32>} : memref<2x1024xi32, #tpu.memory_space<vmem>>, vector<16xi32>,
          %add3A_448 = arith.addi %mul3A_443, %get3A_447 : vector<16xi32>
          %swap3A_449 = arith.constant 0 : i32
          %swap3A_450 = arith.index_cast %swap3A_449 : i32 to index
          %swap3A_451 = arith.index_cast %mul3A_436 : i32 to index
          %swap3A_452 = tpu.vector_load %arg11[%swap3A_450, %swap3A_451] {strides = array<i32>} : memref<2x1024xi32, #tpu.memory_space<vmem>>, vector<16xi32>,
          tpu.vector_store %arg11[%swap3A_450, %swap3A_451], %add3A_448 {strides = array<i32>} : memref<2x1024xi32, #tpu.memory_space<vmem>>, vector<16xi32>,
        }
        %scan3A_337 = arith.constant 64 : i32
        %dma_start3A_338 = arith.constant 0 : i32
        %dma_start3A_339 = arith.constant 0 : i32
        %dma_start3A_340 = arith.constant 0 : i32
        %dma_start3A_341 = arith.constant 0 : i32
        %dma_start3A_342 = tpu.memref_slice %arg12[%dma_start3A_339, %dma_start3A_340, %dma_start3A_341] : memref<2x1024x16xf32, #tpu.memory_space<vmem>> -> memref<1x128x16xf32, #tpu.memory_space<vmem>>
        %dma_start3A_343 = tpu.memref_squeeze %dma_start3A_342 : memref<1x128x16xf32, #tpu.memory_space<vmem>> -> memref<128x16xf32, #tpu.memory_space<vmem>>
        %dma_start3A_344 = arith.constant 0 : i32
        %dma_start3A_345 = tpu.memref_slice %arg11[%dma_start3A_338, %dma_start3A_344] : memref<2x1024xi32, #tpu.memory_space<vmem>> -> memref<1x128xi32, #tpu.memory_space<vmem>>
        %dma_start3A_346 = tpu.memref_squeeze %dma_start3A_345 : memref<1x128xi32, #tpu.memory_space<vmem>> -> memref<128xi32, #tpu.memory_space<vmem>>
        %dma_start3A_347 = arith.constant 0 : i32
        %dma_start3A_348 = arith.constant 0 : i32
        %dma_start3A_349 = tpu.memref_slice %arg2[%dma_start3A_347, %dma_start3A_348] : memref<1048576x16xf32, #tpu.memory_space<hbm>> -> memref<1048576x16xf32, #tpu.memory_space<hbm>>
        tpu.enqueue_indirect_dma source(%dma_start3A_349 : memref<1048576x16xf32, #tpu.memory_space<hbm>>) target(%dma_start3A_343 : memref<128x16xf32, #tpu.memory_space<vmem>>) offsets(%dma_start3A_346 : memref<128xi32, #tpu.memory_space<vmem>>) semaphore(%arg17 : memref<!tpu.dma_semaphore, #tpu.memory_space<semaphore_mem>>)
        %dma_start3A_350 = arith.constant 0 : i32
        %dma_start3A_351 = arith.constant 0 : i32
        %dma_start3A_352 = arith.constant 128 : i32
        %dma_start3A_353 = arith.constant 0 : i32
        %dma_start3A_354 = tpu.memref_slice %arg12[%dma_start3A_351, %dma_start3A_352, %dma_start3A_353] : memref<2x1024x16xf32, #tpu.memory_space<vmem>> -> memref<1x128x16xf32, #tpu.memory_space<vmem>>
        %dma_start3A_355 = tpu.memref_squeeze %dma_start3A_354 : memref<1x128x16xf32, #tpu.memory_space<vmem>> -> memref<128x16xf32, #tpu.memory_space<vmem>>
        %dma_start3A_356 = arith.constant 128 : i32
        %dma_start3A_357 = tpu.memref_slice %arg11[%dma_start3A_350, %dma_start3A_356] : memref<2x1024xi32, #tpu.memory_space<vmem>> -> memref<1x128xi32, #tpu.memory_space<vmem>>
        %dma_start3A_358 = tpu.memref_squeeze %dma_start3A_357 : memref<1x128xi32, #tpu.memory_space<vmem>> -> memref<128xi32, #tpu.memory_space<vmem>>
        %dma_start3A_359 = arith.constant 0 : i32
        %dma_start3A_360 = arith.constant 0 : i32
        %dma_start3A_361 = tpu.memref_slice %arg2[%dma_start3A_359, %dma_start3A_360] : memref<1048576x16xf32, #tpu.memory_space<hbm>> -> memref<1048576x16xf32, #tpu.memory_space<hbm>>
        tpu.enqueue_indirect_dma source(%dma_start3A_361 : memref<1048576x16xf32, #tpu.memory_space<hbm>>) target(%dma_start3A_355 : memref<128x16xf32, #tpu.memory_space<vmem>>) offsets(%dma_start3A_358 : memref<128xi32, #tpu.memory_space<vmem>>) semaphore(%arg17 : memref<!tpu.dma_semaphore, #tpu.memory_space<semaphore_mem>>)
        %dma_start3A_362 = arith.constant 0 : i32
        %dma_start3A_363 = arith.constant 0 : i32
        %dma_start3A_364 = arith.constant 256 : i32
        %dma_start3A_365 = arith.constant 0 : i32
        %dma_start3A_366 = tpu.memref_slice %arg12[%dma_start3A_363, %dma_start3A_364, %dma_start3A_365] : memref<2x1024x16xf32, #tpu.memory_space<vmem>> -> memref<1x128x16xf32, #tpu.memory_space<vmem>>
        %dma_start3A_367 = tpu.memref_squeeze %dma_start3A_366 : memref<1x128x16xf32, #tpu.memory_space<vmem>> -> memref<128x16xf32, #tpu.memory_space<vmem>>
        %dma_start3A_368 = arith.constant 256 : i32
        %dma_start3A_369 = tpu.memref_slice %arg11[%dma_start3A_362, %dma_start3A_368] : memref<2x1024xi32, #tpu.memory_space<vmem>> -> memref<1x128xi32, #tpu.memory_space<vmem>>
        %dma_start3A_370 = tpu.memref_squeeze %dma_start3A_369 : memref<1x128xi32, #tpu.memory_space<vmem>> -> memref<128xi32, #tpu.memory_space<vmem>>
        %dma_start3A_371 = arith.constant 0 : i32
        %dma_start3A_372 = arith.constant 0 : i32
        %dma_start3A_373 = tpu.memref_slice %arg2[%dma_start3A_371, %dma_start3A_372] : memref<1048576x16xf32, #tpu.memory_space<hbm>> -> memref<1048576x16xf32, #tpu.memory_space<hbm>>
        tpu.enqueue_indirect_dma source(%dma_start3A_373 : memref<1048576x16xf32, #tpu.memory_space<hbm>>) target(%dma_start3A_367 : memref<128x16xf32, #tpu.memory_space<vmem>>) offsets(%dma_start3A_370 : memref<128xi32, #tpu.memory_space<vmem>>) semaphore(%arg17 : memref<!tpu.dma_semaphore, #tpu.memory_space<semaphore_mem>>)
        %dma_start3A_374 = arith.constant 0 : i32
        %dma_start3A_375 = arith.constant 0 : i32
        %dma_start3A_376 = arith.constant 384 : i32
        %dma_start3A_377 = arith.constant 0 : i32
        %dma_start3A_378 = tpu.memref_slice %arg12[%dma_start3A_375, %dma_start3A_376, %dma_start3A_377] : memref<2x1024x16xf32, #tpu.memory_space<vmem>> -> memref<1x128x16xf32, #tpu.memory_space<vmem>>
        %dma_start3A_379 = tpu.memref_squeeze %dma_start3A_378 : memref<1x128x16xf32, #tpu.memory_space<vmem>> -> memref<128x16xf32, #tpu.memory_space<vmem>>
        %dma_start3A_380 = arith.constant 384 : i32
        %dma_start3A_381 = tpu.memref_slice %arg11[%dma_start3A_374, %dma_start3A_380] : memref<2x1024xi32, #tpu.memory_space<vmem>> -> memref<1x128xi32, #tpu.memory_space<vmem>>
        %dma_start3A_382 = tpu.memref_squeeze %dma_start3A_381 : memref<1x128xi32, #tpu.memory_space<vmem>> -> memref<128xi32, #tpu.memory_space<vmem>>
        %dma_start3A_383 = arith.constant 0 : i32
        %dma_start3A_384 = arith.constant 0 : i32
        %dma_start3A_385 = tpu.memref_slice %arg2[%dma_start3A_383, %dma_start3A_384] : memref<1048576x16xf32, #tpu.memory_space<hbm>> -> memref<1048576x16xf32, #tpu.memory_space<hbm>>
        tpu.enqueue_indirect_dma source(%dma_start3A_385 : memref<1048576x16xf32, #tpu.memory_space<hbm>>) target(%dma_start3A_379 : memref<128x16xf32, #tpu.memory_space<vmem>>) offsets(%dma_start3A_382 : memref<128xi32, #tpu.memory_space<vmem>>) semaphore(%arg17 : memref<!tpu.dma_semaphore, #tpu.memory_space<semaphore_mem>>)
        %dma_start3A_386 = arith.constant 0 : i32
        %dma_start3A_387 = arith.constant 0 : i32
        %dma_start3A_388 = arith.constant 512 : i32
        %dma_start3A_389 = arith.constant 0 : i32
        %dma_start3A_390 = tpu.memref_slice %arg12[%dma_start3A_387, %dma_start3A_388, %dma_start3A_389] : memref<2x1024x16xf32, #tpu.memory_space<vmem>> -> memref<1x128x16xf32, #tpu.memory_space<vmem>>
        %dma_start3A_391 = tpu.memref_squeeze %dma_start3A_390 : memref<1x128x16xf32, #tpu.memory_space<vmem>> -> memref<128x16xf32, #tpu.memory_space<vmem>>
        %dma_start3A_392 = arith.constant 512 : i32
        %dma_start3A_393 = tpu.memref_slice %arg11[%dma_start3A_386, %dma_start3A_392] : memref<2x1024xi32, #tpu.memory_space<vmem>> -> memref<1x128xi32, #tpu.memory_space<vmem>>
        %dma_start3A_394 = tpu.memref_squeeze %dma_start3A_393 : memref<1x128xi32, #tpu.memory_space<vmem>> -> memref<128xi32, #tpu.memory_space<vmem>>
        %dma_start3A_395 = arith.constant 0 : i32
        %dma_start3A_396 = arith.constant 0 : i32
        %dma_start3A_397 = tpu.memref_slice %arg2[%dma_start3A_395, %dma_start3A_396] : memref<1048576x16xf32, #tpu.memory_space<hbm>> -> memref<1048576x16xf32, #tpu.memory_space<hbm>>
        tpu.enqueue_indirect_dma source(%dma_start3A_397 : memref<1048576x16xf32, #tpu.memory_space<hbm>>) target(%dma_start3A_391 : memref<128x16xf32, #tpu.memory_space<vmem>>) offsets(%dma_start3A_394 : memref<128xi32, #tpu.memory_space<vmem>>) semaphore(%arg17 : memref<!tpu.dma_semaphore, #tpu.memory_space<semaphore_mem>>)
        %dma_start3A_398 = arith.constant 0 : i32
        %dma_start3A_399 = arith.constant 0 : i32
        %dma_start3A_400 = arith.constant 640 : i32
        %dma_start3A_401 = arith.constant 0 : i32
        %dma_start3A_402 = tpu.memref_slice %arg12[%dma_start3A_399, %dma_start3A_400, %dma_start3A_401] : memref<2x1024x16xf32, #tpu.memory_space<vmem>> -> memref<1x128x16xf32, #tpu.memory_space<vmem>>
        %dma_start3A_403 = tpu.memref_squeeze %dma_start3A_402 : memref<1x128x16xf32, #tpu.memory_space<vmem>> -> memref<128x16xf32, #tpu.memory_space<vmem>>
        %dma_start3A_404 = arith.constant 640 : i32
        %dma_start3A_405 = tpu.memref_slice %arg11[%dma_start3A_398, %dma_start3A_404] : memref<2x1024xi32, #tpu.memory_space<vmem>> -> memref<1x128xi32, #tpu.memory_space<vmem>>
        %dma_start3A_406 = tpu.memref_squeeze %dma_start3A_405 : memref<1x128xi32, #tpu.memory_space<vmem>> -> memref<128xi32, #tpu.memory_space<vmem>>
        %dma_start3A_407 = arith.constant 0 : i32
        %dma_start3A_408 = arith.constant 0 : i32
        %dma_start3A_409 = tpu.memref_slice %arg2[%dma_start3A_407, %dma_start3A_408] : memref<1048576x16xf32, #tpu.memory_space<hbm>> -> memref<1048576x16xf32, #tpu.memory_space<hbm>>
        tpu.enqueue_indirect_dma source(%dma_start3A_409 : memref<1048576x16xf32, #tpu.memory_space<hbm>>) target(%dma_start3A_403 : memref<128x16xf32, #tpu.memory_space<vmem>>) offsets(%dma_start3A_406 : memref<128xi32, #tpu.memory_space<vmem>>) semaphore(%arg17 : memref<!tpu.dma_semaphore, #tpu.memory_space<semaphore_mem>>)
        %dma_start3A_410 = arith.constant 0 : i32
        %dma_start3A_411 = arith.constant 0 : i32
        %dma_start3A_412 = arith.constant 768 : i32
        %dma_start3A_413 = arith.constant 0 : i32
        %dma_start3A_414 = tpu.memref_slice %arg12[%dma_start3A_411, %dma_start3A_412, %dma_start3A_413] : memref<2x1024x16xf32, #tpu.memory_space<vmem>> -> memref<1x128x16xf32, #tpu.memory_space<vmem>>
        %dma_start3A_415 = tpu.memref_squeeze %dma_start3A_414 : memref<1x128x16xf32, #tpu.memory_space<vmem>> -> memref<128x16xf32, #tpu.memory_space<vmem>>
        %dma_start3A_416 = arith.constant 768 : i32
        %dma_start3A_417 = tpu.memref_slice %arg11[%dma_start3A_410, %dma_start3A_416] : memref<2x1024xi32, #tpu.memory_space<vmem>> -> memref<1x128xi32, #tpu.memory_space<vmem>>
        %dma_start3A_418 = tpu.memref_squeeze %dma_start3A_417 : memref<1x128xi32, #tpu.memory_space<vmem>> -> memref<128xi32, #tpu.memory_space<vmem>>
        %dma_start3A_419 = arith.constant 0 : i32
        %dma_start3A_420 = arith.constant 0 : i32
        %dma_start3A_421 = tpu.memref_slice %arg2[%dma_start3A_419, %dma_start3A_420] : memref<1048576x16xf32, #tpu.memory_space<hbm>> -> memref<1048576x16xf32, #tpu.memory_space<hbm>>
        tpu.enqueue_indirect_dma source(%dma_start3A_421 : memref<1048576x16xf32, #tpu.memory_space<hbm>>) target(%dma_start3A_415 : memref<128x16xf32, #tpu.memory_space<vmem>>) offsets(%dma_start3A_418 : memref<128xi32, #tpu.memory_space<vmem>>) semaphore(%arg17 : memref<!tpu.dma_semaphore, #tpu.memory_space<semaphore_mem>>)
        %dma_start3A_422 = arith.constant 0 : i32
        %dma_start3A_423 = arith.constant 0 : i32
        %dma_start3A_424 = arith.constant 896 : i32
        %dma_start3A_425 = arith.constant 0 : i32
        %dma_start3A_426 = tpu.memref_slice %arg12[%dma_start3A_423, %dma_start3A_424, %dma_start3A_425] : memref<2x1024x16xf32, #tpu.memory_space<vmem>> -> memref<1x128x16xf32, #tpu.memory_space<vmem>>
        %dma_start3A_427 = tpu.memref_squeeze %dma_start3A_426 : memref<1x128x16xf32, #tpu.memory_space<vmem>> -> memref<128x16xf32, #tpu.memory_space<vmem>>
        %dma_start3A_428 = arith.constant 896 : i32
        %dma_start3A_429 = tpu.memref_slice %arg11[%dma_start3A_422, %dma_start3A_428] : memref<2x1024xi32, #tpu.memory_space<vmem>> -> memref<1x128xi32, #tpu.memory_space<vmem>>
        %dma_start3A_430 = tpu.memref_squeeze %dma_start3A_429 : memref<1x128xi32, #tpu.memory_space<vmem>> -> memref<128xi32, #tpu.memory_space<vmem>>
        %dma_start3A_431 = arith.constant 0 : i32
        %dma_start3A_432 = arith.constant 0 : i32
        %dma_start3A_433 = tpu.memref_slice %arg2[%dma_start3A_431, %dma_start3A_432] : memref<1048576x16xf32, #tpu.memory_space<hbm>> -> memref<1048576x16xf32, #tpu.memory_space<hbm>>
        tpu.enqueue_indirect_dma source(%dma_start3A_433 : memref<1048576x16xf32, #tpu.memory_space<hbm>>) target(%dma_start3A_427 : memref<128x16xf32, #tpu.memory_space<vmem>>) offsets(%dma_start3A_430 : memref<128xi32, #tpu.memory_space<vmem>>) semaphore(%arg17 : memref<!tpu.dma_semaphore, #tpu.memory_space<semaphore_mem>>)
      } else {
      }
      %dma_wait3A_271 = arith.constant 1 : i32
      %dma_wait3A_272 = arith.constant 0 : i32
      %dma_wait3A_273 = arith.constant 0 : i32
      %dma_wait3A_274 = tpu.memref_slice %arg12[%dma_wait3A_271, %dma_wait3A_272, %dma_wait3A_273] : memref<2x1024x16xf32, #tpu.memory_space<vmem>> -> memref<1x1024x16xf32, #tpu.memory_space<vmem>>
      %dma_wait3A_275 = tpu.memref_squeeze %dma_wait3A_274 : memref<1x1024x16xf32, #tpu.memory_space<vmem>> -> memref<1024x16xf32, #tpu.memory_space<vmem>>
      %dma_wait3A_276 = arith.constant 0 : i32
      %dma_wait3A_277 = arith.constant 0 : i32
      %dma_wait3A_278 = tpu.memref_slice %arg2[%dma_wait3A_276, %dma_wait3A_277] : memref<1048576x16xf32, #tpu.memory_space<hbm>> -> memref<1024x16xf32, #tpu.memory_space<hbm>>
      %dma_wait3A_279 = arith.constant 0 : i32
      %dma_wait3A_280 = arith.constant 0 : i32
      %dma_wait3A_281 = tpu.memref_slice %arg12[%dma_wait3A_271, %dma_wait3A_279, %dma_wait3A_280] : memref<2x1024x16xf32, #tpu.memory_space<vmem>> -> memref<1x1024x16xf32, #tpu.memory_space<vmem>>
      %dma_wait3A_282 = tpu.memref_squeeze %dma_wait3A_281 : memref<1x1024x16xf32, #tpu.memory_space<vmem>> -> memref<1024x16xf32, #tpu.memory_space<vmem>>
      %dma_wait3A_283 = arith.constant 0 : i32
      %dma_wait3A_284 = arith.constant 0 : i32
      %dma_wait3A_285 = tpu.memref_slice %arg2[%dma_wait3A_283, %dma_wait3A_284] : memref<1048576x16xf32, #tpu.memory_space<hbm>> -> memref<1024x16xf32, #tpu.memory_space<hbm>>
      tpu.wait_dma2 semaphore(%arg18 : memref<!tpu.dma_semaphore, #tpu.memory_space<semaphore_mem>>) src(%dma_wait3A_285 : memref<1024x16xf32, #tpu.memory_space<hbm>>) dst(%dma_wait3A_282 : memref<1024x16xf32, #tpu.memory_space<vmem>>)
      %scan3A_286 = arith.constant 0 : i32
      %scan3A_287 = arith.constant 64 : i32
      %scan3A_288 = arith.addi %scan3A_286, %scan3A_287 : i32
      %scan3A_289 = arith.constant 1 : i32
      %scan3A_290:3 = scf.for %scan3A_299 = %scan3A_286 to %scan3A_288 step %scan3A_289 iter_args(%scan3A_300 = %scan3A_251#0, %scan3A_301 = %scan3A_251#1, %scan3A_302 = %scan3A_251#2) -> (vector<16xf32>, vector<16xf32>, i32)  : i32 {
        %mul3A_303 = arith.constant 16 : i32
        %mul3A_304 = arith.muli %scan3A_299, %mul3A_303 : i32
        %get3A_305 = arith.constant 1 : i32
        %get3A_306 = arith.index_cast %get3A_305 : i32 to index
        %get3A_307 = arith.index_cast %mul3A_304 : i32 to index
        %get3A_308 = tpu.vector_load %arg10[%get3A_306, %get3A_307] {strides = array<i32>} : memref<2x1024xi32, #tpu.memory_space<vmem>>, vector<16xi32>,
        %slice3A_309 = vector.extract_strided_slice %get3A_308 {offsets = [0], sizes = [1], strides = [1]} : vector<16xi32> to vector<1xi32>
        %squeeze3A_310 = vector.extract %slice3A_309[0] : i32 from vector<1xi32>
        %slice3A_311 = vector.extract_strided_slice %get3A_308 {offsets = [15], sizes = [1], strides = [1]} : vector<16xi32> to vector<1xi32>
        %squeeze3A_312 = vector.extract %slice3A_311[0] : i32 from vector<1xi32>
        %mul3A_313 = arith.constant 16 : i32
        %mul3A_314 = arith.muli %scan3A_299, %mul3A_313 : i32
        %eq3A = arith.cmpi eq, %squeeze3A_310, %squeeze3A_312 : i32
        %convert_element_type3A_315 = arith.extui %eq3A : i1 to i32
        %cond3A_316 = arith.constant 0 : i32
        %cond3A_317 = arith.cmpi ne, %convert_element_type3A_315, %cond3A_316 : i32
        %cond3A_318:3 = scf.if %cond3A_317 -> (vector<16xf32>, vector<16xf32>, i32) {
          %get3A_319 = arith.constant 1 : i32
          %get3A_320 = arith.index_cast %get3A_319 : i32 to index
          %get3A_321 = arith.index_cast %mul3A_314 : i32 to index
          %get3A_322 = arith.constant 0 : index
          %get3A_323 = tpu.vector_load %arg12[%get3A_320, %get3A_321, %get3A_322] {strides = array<i32>} : memref<2x1024x16xf32, #tpu.memory_space<vmem>>, vector<16xf32>,
          %add3A_324 = arith.constant 1 : i32
          %add3A_325 = arith.addi %mul3A_314, %add3A_324 : i32
          %get3A_326 = arith.constant 1 : i32
          %get3A_327 = arith.index_cast %get3A_326 : i32 to index
          %get3A_328 = arith.index_cast %add3A_325 : i32 to index
          %get3A_329 = arith.constant 0 : index
          %get3A_330 = tpu.vector_load %arg12[%get3A_327, %get3A_328, %get3A_329] {strides = array<i32>} : memref<2x1024x16xf32, #tpu.memory_space<vmem>>, vector<16xf32>,
          %add3A_331 = arith.addf %get3A_323, %get3A_330 : vector<16xf32>
          %add3A_332 = arith.constant 2 : i32
          %add3A_333 = arith.addi %mul3A_314, %add3A_332 : i32
          %get3A_334 = arith.constant 1 : i32
          %get3A_335 = arith.index_cast %get3A_334 : i32 to index
          %get3A_336 = arith.index_cast %add3A_333 : i32 to index
          %get3A_337 = arith.constant 0 : index
          %get3A_338 = tpu.vector_load %arg12[%get3A_335, %get3A_336, %get3A_337] {strides = array<i32>} : memref<2x1024x16xf32, #tpu.memory_space<vmem>>, vector<16xf32>,
          %add3A_339 = arith.addf %add3A_331, %get3A_338 : vector<16xf32>
          %add3A_340 = arith.constant 3 : i32
          %add3A_341 = arith.addi %mul3A_314, %add3A_340 : i32
          %get3A_342 = arith.constant 1 : i32
          %get3A_343 = arith.index_cast %get3A_342 : i32 to index
          %get3A_344 = arith.index_cast %add3A_341 : i32 to index
          %get3A_345 = arith.constant 0 : index
          %get3A_346 = tpu.vector_load %arg12[%get3A_343, %get3A_344, %get3A_345] {strides = array<i32>} : memref<2x1024x16xf32, #tpu.memory_space<vmem>>, vector<16xf32>,
          %add3A_347 = arith.addf %add3A_339, %get3A_346 : vector<16xf32>
          %add3A_348 = arith.constant 4 : i32
          %add3A_349 = arith.addi %mul3A_314, %add3A_348 : i32
          %get3A_350 = arith.constant 1 : i32
          %get3A_351 = arith.index_cast %get3A_350 : i32 to index
          %get3A_352 = arith.index_cast %add3A_349 : i32 to index
          %get3A_353 = arith.constant 0 : index
          %get3A_354 = tpu.vector_load %arg12[%get3A_351, %get3A_352, %get3A_353] {strides = array<i32>} : memref<2x1024x16xf32, #tpu.memory_space<vmem>>, vector<16xf32>,
          %add3A_355 = arith.addf %add3A_347, %get3A_354 : vector<16xf32>
          %add3A_356 = arith.constant 5 : i32
          %add3A_357 = arith.addi %mul3A_314, %add3A_356 : i32
          %get3A_358 = arith.constant 1 : i32
          %get3A_359 = arith.index_cast %get3A_358 : i32 to index
          %get3A_360 = arith.index_cast %add3A_357 : i32 to index
          %get3A_361 = arith.constant 0 : index
          %get3A_362 = tpu.vector_load %arg12[%get3A_359, %get3A_360, %get3A_361] {strides = array<i32>} : memref<2x1024x16xf32, #tpu.memory_space<vmem>>, vector<16xf32>,
          %add3A_363 = arith.addf %add3A_355, %get3A_362 : vector<16xf32>
          %add3A_364 = arith.constant 6 : i32
          %add3A_365 = arith.addi %mul3A_314, %add3A_364 : i32
          %get3A_366 = arith.constant 1 : i32
          %get3A_367 = arith.index_cast %get3A_366 : i32 to index
          %get3A_368 = arith.index_cast %add3A_365 : i32 to index
          %get3A_369 = arith.constant 0 : index
          %get3A_370 = tpu.vector_load %arg12[%get3A_367, %get3A_368, %get3A_369] {strides = array<i32>} : memref<2x1024x16xf32, #tpu.memory_space<vmem>>, vector<16xf32>,
          %add3A_371 = arith.addf %add3A_363, %get3A_370 : vector<16xf32>
          %add3A_372 = arith.constant 7 : i32
          %add3A_373 = arith.addi %mul3A_314, %add3A_372 : i32
          %get3A_374 = arith.constant 1 : i32
          %get3A_375 = arith.index_cast %get3A_374 : i32 to index
          %get3A_376 = arith.index_cast %add3A_373 : i32 to index
          %get3A_377 = arith.constant 0 : index
          %get3A_378 = tpu.vector_load %arg12[%get3A_375, %get3A_376, %get3A_377] {strides = array<i32>} : memref<2x1024x16xf32, #tpu.memory_space<vmem>>, vector<16xf32>,
          %add3A_379 = arith.addf %add3A_371, %get3A_378 : vector<16xf32>
          %add3A_380 = arith.constant 8 : i32
          %add3A_381 = arith.addi %mul3A_314, %add3A_380 : i32
          %get3A_382 = arith.constant 1 : i32
          %get3A_383 = arith.index_cast %get3A_382 : i32 to index
          %get3A_384 = arith.index_cast %add3A_381 : i32 to index
          %get3A_385 = arith.constant 0 : index
          %get3A_386 = tpu.vector_load %arg12[%get3A_383, %get3A_384, %get3A_385] {strides = array<i32>} : memref<2x1024x16xf32, #tpu.memory_space<vmem>>, vector<16xf32>,
          %add3A_387 = arith.addf %add3A_379, %get3A_386 : vector<16xf32>
          %add3A_388 = arith.constant 9 : i32
          %add3A_389 = arith.addi %mul3A_314, %add3A_388 : i32
          %get3A_390 = arith.constant 1 : i32
          %get3A_391 = arith.index_cast %get3A_390 : i32 to index
          %get3A_392 = arith.index_cast %add3A_389 : i32 to index
          %get3A_393 = arith.constant 0 : index
          %get3A_394 = tpu.vector_load %arg12[%get3A_391, %get3A_392, %get3A_393] {strides = array<i32>} : memref<2x1024x16xf32, #tpu.memory_space<vmem>>, vector<16xf32>,
          %add3A_395 = arith.addf %add3A_387, %get3A_394 : vector<16xf32>
          %add3A_396 = arith.constant 10 : i32
          %add3A_397 = arith.addi %mul3A_314, %add3A_396 : i32
          %get3A_398 = arith.constant 1 : i32
          %get3A_399 = arith.index_cast %get3A_398 : i32 to index
          %get3A_400 = arith.index_cast %add3A_397 : i32 to index
          %get3A_401 = arith.constant 0 : index
          %get3A_402 = tpu.vector_load %arg12[%get3A_399, %get3A_400, %get3A_401] {strides = array<i32>} : memref<2x1024x16xf32, #tpu.memory_space<vmem>>, vector<16xf32>,
          %add3A_403 = arith.addf %add3A_395, %get3A_402 : vector<16xf32>
          %add3A_404 = arith.constant 11 : i32
          %add3A_405 = arith.addi %mul3A_314, %add3A_404 : i32
          %get3A_406 = arith.constant 1 : i32
          %get3A_407 = arith.index_cast %get3A_406 : i32 to index
          %get3A_408 = arith.index_cast %add3A_405 : i32 to index
          %get3A_409 = arith.constant 0 : index
          %get3A_410 = tpu.vector_load %arg12[%get3A_407, %get3A_408, %get3A_409] {strides = array<i32>} : memref<2x1024x16xf32, #tpu.memory_space<vmem>>, vector<16xf32>,
          %add3A_411 = arith.addf %add3A_403, %get3A_410 : vector<16xf32>
          %add3A_412 = arith.constant 12 : i32
          %add3A_413 = arith.addi %mul3A_314, %add3A_412 : i32
          %get3A_414 = arith.constant 1 : i32
          %get3A_415 = arith.index_cast %get3A_414 : i32 to index
          %get3A_416 = arith.index_cast %add3A_413 : i32 to index
          %get3A_417 = arith.constant 0 : index
          %get3A_418 = tpu.vector_load %arg12[%get3A_415, %get3A_416, %get3A_417] {strides = array<i32>} : memref<2x1024x16xf32, #tpu.memory_space<vmem>>, vector<16xf32>,
          %add3A_419 = arith.addf %add3A_411, %get3A_418 : vector<16xf32>
          %add3A_420 = arith.constant 13 : i32
          %add3A_421 = arith.addi %mul3A_314, %add3A_420 : i32
          %get3A_422 = arith.constant 1 : i32
          %get3A_423 = arith.index_cast %get3A_422 : i32 to index
          %get3A_424 = arith.index_cast %add3A_421 : i32 to index
          %get3A_425 = arith.constant 0 : index
          %get3A_426 = tpu.vector_load %arg12[%get3A_423, %get3A_424, %get3A_425] {strides = array<i32>} : memref<2x1024x16xf32, #tpu.memory_space<vmem>>, vector<16xf32>,
          %add3A_427 = arith.addf %add3A_419, %get3A_426 : vector<16xf32>
          %add3A_428 = arith.constant 14 : i32
          %add3A_429 = arith.addi %mul3A_314, %add3A_428 : i32
          %get3A_430 = arith.constant 1 : i32
          %get3A_431 = arith.index_cast %get3A_430 : i32 to index
          %get3A_432 = arith.index_cast %add3A_429 : i32 to index
          %get3A_433 = arith.constant 0 : index
          %get3A_434 = tpu.vector_load %arg12[%get3A_431, %get3A_432, %get3A_433] {strides = array<i32>} : memref<2x1024x16xf32, #tpu.memory_space<vmem>>, vector<16xf32>,
          %add3A_435 = arith.addf %add3A_427, %get3A_434 : vector<16xf32>
          %add3A_436 = arith.constant 15 : i32
          %add3A_437 = arith.addi %mul3A_314, %add3A_436 : i32
          %get3A_438 = arith.constant 1 : i32
          %get3A_439 = arith.index_cast %get3A_438 : i32 to index
          %get3A_440 = arith.index_cast %add3A_437 : i32 to index
          %get3A_441 = arith.constant 0 : index
          %get3A_442 = tpu.vector_load %arg12[%get3A_439, %get3A_440, %get3A_441] {strides = array<i32>} : memref<2x1024x16xf32, #tpu.memory_space<vmem>>, vector<16xf32>,
          %add3A_443 = arith.addf %add3A_435, %get3A_442 : vector<16xf32>
          %eq3A_444 = arith.cmpi eq, %squeeze3A_310, %scan3A_302 : i32
          %convert_element_type3A_445 = arith.extui %eq3A_444 : i1 to i32
          %cond3A_446 = arith.constant 0 : i32
          %cond3A_447 = arith.cmpi ne, %convert_element_type3A_445, %cond3A_446 : i32
          %cond3A_448:3 = scf.if %cond3A_447 -> (vector<16xf32>, vector<16xf32>, i32) {
            %add3A_449 = arith.addf %scan3A_300, %add3A_443 : vector<16xf32>
            %add3A_450 = arith.constant 1.000000e+00 : f32
            %add3A_451 = vector.broadcast %add3A_450 : f32 to vector<16xf32>
            %add3A_452 = arith.addf %scan3A_301, %add3A_451 : vector<16xf32>
            scf.yield %add3A_449, %add3A_452, %scan3A_302 : vector<16xf32>, vector<16xf32>, i32
          } else {
            %mul3A_449 = arith.constant 16 : i32
            %mul3A_450 = arith.muli %scan3A_302, %mul3A_449 : i32
            %get3A_451 = arith.index_cast %mul3A_450 : i32 to index
            %get3A_452 = tpu.vector_load %arg13[%get3A_451] {strides = array<i32>} : memref<32768xf32, #tpu.memory_space<vmem>>, vector<16xf32>,
            %add3A_453 = arith.addf %get3A_452, %scan3A_300 : vector<16xf32>
            %swap3A_454 = arith.index_cast %mul3A_450 : i32 to index
            %swap3A_455 = tpu.vector_load %arg13[%swap3A_454] {strides = array<i32>} : memref<32768xf32, #tpu.memory_space<vmem>>, vector<16xf32>,
            tpu.vector_store %arg13[%swap3A_454], %add3A_453 {strides = array<i32>} : memref<32768xf32, #tpu.memory_space<vmem>>, vector<16xf32>,
            %get3A_456 = arith.index_cast %mul3A_450 : i32 to index
            %get3A_457 = tpu.vector_load %arg14[%get3A_456] {strides = array<i32>} : memref<32768xf32, #tpu.memory_space<vmem>>, vector<16xf32>,
            %add3A_458 = arith.addf %get3A_457, %scan3A_301 : vector<16xf32>
            %swap3A_459 = arith.index_cast %mul3A_450 : i32 to index
            %swap3A_460 = tpu.vector_load %arg14[%swap3A_459] {strides = array<i32>} : memref<32768xf32, #tpu.memory_space<vmem>>, vector<16xf32>,
            tpu.vector_store %arg14[%swap3A_459], %add3A_458 {strides = array<i32>} : memref<32768xf32, #tpu.memory_space<vmem>>, vector<16xf32>,
            %broadcast_in_dim3A_461 = arith.constant 1.000000e+00 : f32
            %broadcast_in_dim3A_462 = vector.broadcast %broadcast_in_dim3A_461 : f32 to vector<16xf32>
            scf.yield %add3A_443, %broadcast_in_dim3A_462, %squeeze3A_310 : vector<16xf32>, vector<16xf32>, i32
          }
          scf.yield %cond3A_448#0, %cond3A_448#1, %cond3A_448#2 : vector<16xf32>, vector<16xf32>, i32
        } else {
          %slice3A_319 = vector.extract_strided_slice %get3A_308 {offsets = [0], sizes = [1], strides = [1]} : vector<16xi32> to vector<1xi32>
          %squeeze3A_320 = vector.extract %slice3A_319[0] : i32 from vector<1xi32>
          %add3A_321 = arith.constant 0 : i32
          %add3A_322 = arith.addi %mul3A_314, %add3A_321 : i32
          %get3A_323 = arith.constant 1 : i32
          %get3A_324 = arith.index_cast %get3A_323 : i32 to index
          %get3A_325 = arith.index_cast %add3A_322 : i32 to index
          %get3A_326 = arith.constant 0 : index
          %get3A_327 = tpu.vector_load %arg12[%get3A_324, %get3A_325, %get3A_326] {strides = array<i32>} : memref<2x1024x16xf32, #tpu.memory_space<vmem>>, vector<16xf32>,
          %eq3A_328 = arith.cmpi eq, %squeeze3A_320, %scan3A_302 : i32
          %convert_element_type3A_329 = arith.extui %eq3A_328 : i1 to i32
          %cond3A_330 = arith.constant 0 : i32
          %cond3A_331 = arith.cmpi ne, %convert_element_type3A_329, %cond3A_330 : i32
          %cond3A_332:3 = scf.if %cond3A_331 -> (vector<16xf32>, vector<16xf32>, i32) {
            %add3A_543 = arith.addf %scan3A_300, %get3A_327 : vector<16xf32>
            %add3A_544 = arith.constant 6.250000e-02 : f32
            %add3A_545 = vector.broadcast %add3A_544 : f32 to vector<16xf32>
            %add3A_546 = arith.addf %scan3A_301, %add3A_545 : vector<16xf32>
            scf.yield %add3A_543, %add3A_546, %scan3A_302 : vector<16xf32>, vector<16xf32>, i32
          } else {
            %mul3A_543 = arith.constant 16 : i32
            %mul3A_544 = arith.muli %scan3A_302, %mul3A_543 : i32
            %get3A_545 = arith.index_cast %mul3A_544 : i32 to index
            %get3A_546 = tpu.vector_load %arg13[%get3A_545] {strides = array<i32>} : memref<32768xf32, #tpu.memory_space<vmem>>, vector<16xf32>,
            %add3A_547 = arith.addf %get3A_546, %scan3A_300 : vector<16xf32>
            %swap3A_548 = arith.index_cast %mul3A_544 : i32 to index
            %swap3A_549 = tpu.vector_load %arg13[%swap3A_548] {strides = array<i32>} : memref<32768xf32, #tpu.memory_space<vmem>>, vector<16xf32>,
            tpu.vector_store %arg13[%swap3A_548], %add3A_547 {strides = array<i32>} : memref<32768xf32, #tpu.memory_space<vmem>>, vector<16xf32>,
            %get3A_550 = arith.index_cast %mul3A_544 : i32 to index
            %get3A_551 = tpu.vector_load %arg14[%get3A_550] {strides = array<i32>} : memref<32768xf32, #tpu.memory_space<vmem>>, vector<16xf32>,
            %add3A_552 = arith.addf %get3A_551, %scan3A_301 : vector<16xf32>
            %swap3A_553 = arith.index_cast %mul3A_544 : i32 to index
            %swap3A_554 = tpu.vector_load %arg14[%swap3A_553] {strides = array<i32>} : memref<32768xf32, #tpu.memory_space<vmem>>, vector<16xf32>,
            tpu.vector_store %arg14[%swap3A_553], %add3A_552 {strides = array<i32>} : memref<32768xf32, #tpu.memory_space<vmem>>, vector<16xf32>,
            %broadcast_in_dim3A_555 = arith.constant 6.250000e-02 : f32
            %broadcast_in_dim3A_556 = vector.broadcast %broadcast_in_dim3A_555 : f32 to vector<16xf32>
            scf.yield %get3A_327, %broadcast_in_dim3A_556, %squeeze3A_320 : vector<16xf32>, vector<16xf32>, i32
          }
          %slice3A_333 = vector.extract_strided_slice %get3A_308 {offsets = [1], sizes = [1], strides = [1]} : vector<16xi32> to vector<1xi32>
          %squeeze3A_334 = vector.extract %slice3A_333[0] : i32 from vector<1xi32>
          %add3A_335 = arith.constant 1 : i32
          %add3A_336 = arith.addi %mul3A_314, %add3A_335 : i32
          %get3A_337 = arith.constant 1 : i32
          %get3A_338 = arith.index_cast %get3A_337 : i32 to index
          %get3A_339 = arith.index_cast %add3A_336 : i32 to index
          %get3A_340 = arith.constant 0 : index
          %get3A_341 = tpu.vector_load %arg12[%get3A_338, %get3A_339, %get3A_340] {strides = array<i32>} : memref<2x1024x16xf32, #tpu.memory_space<vmem>>, vector<16xf32>,
          %eq3A_342 = arith.cmpi eq, %squeeze3A_334, %cond3A_332#2 : i32
          %convert_element_type3A_343 = arith.extui %eq3A_342 : i1 to i32
          %cond3A_344 = arith.constant 0 : i32
          %cond3A_345 = arith.cmpi ne, %convert_element_type3A_343, %cond3A_344 : i32
          %cond3A_346:3 = scf.if %cond3A_345 -> (vector<16xf32>, vector<16xf32>, i32) {
            %add3A_543 = arith.addf %cond3A_332#0, %get3A_341 : vector<16xf32>
            %add3A_544 = arith.constant 6.250000e-02 : f32
            %add3A_545 = vector.broadcast %add3A_544 : f32 to vector<16xf32>
            %add3A_546 = arith.addf %cond3A_332#1, %add3A_545 : vector<16xf32>
            scf.yield %add3A_543, %add3A_546, %cond3A_332#2 : vector<16xf32>, vector<16xf32>, i32
          } else {
            %mul3A_543 = arith.constant 16 : i32
            %mul3A_544 = arith.muli %cond3A_332#2, %mul3A_543 : i32
            %get3A_545 = arith.index_cast %mul3A_544 : i32 to index
            %get3A_546 = tpu.vector_load %arg13[%get3A_545] {strides = array<i32>} : memref<32768xf32, #tpu.memory_space<vmem>>, vector<16xf32>,
            %add3A_547 = arith.addf %get3A_546, %cond3A_332#0 : vector<16xf32>
            %swap3A_548 = arith.index_cast %mul3A_544 : i32 to index
            %swap3A_549 = tpu.vector_load %arg13[%swap3A_548] {strides = array<i32>} : memref<32768xf32, #tpu.memory_space<vmem>>, vector<16xf32>,
            tpu.vector_store %arg13[%swap3A_548], %add3A_547 {strides = array<i32>} : memref<32768xf32, #tpu.memory_space<vmem>>, vector<16xf32>,
            %get3A_550 = arith.index_cast %mul3A_544 : i32 to index
            %get3A_551 = tpu.vector_load %arg14[%get3A_550] {strides = array<i32>} : memref<32768xf32, #tpu.memory_space<vmem>>, vector<16xf32>,
            %add3A_552 = arith.addf %get3A_551, %cond3A_332#1 : vector<16xf32>
            %swap3A_553 = arith.index_cast %mul3A_544 : i32 to index
            %swap3A_554 = tpu.vector_load %arg14[%swap3A_553] {strides = array<i32>} : memref<32768xf32, #tpu.memory_space<vmem>>, vector<16xf32>,
            tpu.vector_store %arg14[%swap3A_553], %add3A_552 {strides = array<i32>} : memref<32768xf32, #tpu.memory_space<vmem>>, vector<16xf32>,
            %broadcast_in_dim3A_555 = arith.constant 6.250000e-02 : f32
            %broadcast_in_dim3A_556 = vector.broadcast %broadcast_in_dim3A_555 : f32 to vector<16xf32>
            scf.yield %get3A_341, %broadcast_in_dim3A_556, %squeeze3A_334 : vector<16xf32>, vector<16xf32>, i32
          }
          %slice3A_347 = vector.extract_strided_slice %get3A_308 {offsets = [2], sizes = [1], strides = [1]} : vector<16xi32> to vector<1xi32>
          %squeeze3A_348 = vector.extract %slice3A_347[0] : i32 from vector<1xi32>
          %add3A_349 = arith.constant 2 : i32
          %add3A_350 = arith.addi %mul3A_314, %add3A_349 : i32
          %get3A_351 = arith.constant 1 : i32
          %get3A_352 = arith.index_cast %get3A_351 : i32 to index
          %get3A_353 = arith.index_cast %add3A_350 : i32 to index
          %get3A_354 = arith.constant 0 : index
          %get3A_355 = tpu.vector_load %arg12[%get3A_352, %get3A_353, %get3A_354] {strides = array<i32>} : memref<2x1024x16xf32, #tpu.memory_space<vmem>>, vector<16xf32>,
          %eq3A_356 = arith.cmpi eq, %squeeze3A_348, %cond3A_346#2 : i32
          %convert_element_type3A_357 = arith.extui %eq3A_356 : i1 to i32
          %cond3A_358 = arith.constant 0 : i32
          %cond3A_359 = arith.cmpi ne, %convert_element_type3A_357, %cond3A_358 : i32
          %cond3A_360:3 = scf.if %cond3A_359 -> (vector<16xf32>, vector<16xf32>, i32) {
            %add3A_543 = arith.addf %cond3A_346#0, %get3A_355 : vector<16xf32>
            %add3A_544 = arith.constant 6.250000e-02 : f32
            %add3A_545 = vector.broadcast %add3A_544 : f32 to vector<16xf32>
            %add3A_546 = arith.addf %cond3A_346#1, %add3A_545 : vector<16xf32>
            scf.yield %add3A_543, %add3A_546, %cond3A_346#2 : vector<16xf32>, vector<16xf32>, i32
          } else {
            %mul3A_543 = arith.constant 16 : i32
            %mul3A_544 = arith.muli %cond3A_346#2, %mul3A_543 : i32
            %get3A_545 = arith.index_cast %mul3A_544 : i32 to index
            %get3A_546 = tpu.vector_load %arg13[%get3A_545] {strides = array<i32>} : memref<32768xf32, #tpu.memory_space<vmem>>, vector<16xf32>,
            %add3A_547 = arith.addf %get3A_546, %cond3A_346#0 : vector<16xf32>
            %swap3A_548 = arith.index_cast %mul3A_544 : i32 to index
            %swap3A_549 = tpu.vector_load %arg13[%swap3A_548] {strides = array<i32>} : memref<32768xf32, #tpu.memory_space<vmem>>, vector<16xf32>,
            tpu.vector_store %arg13[%swap3A_548], %add3A_547 {strides = array<i32>} : memref<32768xf32, #tpu.memory_space<vmem>>, vector<16xf32>,
            %get3A_550 = arith.index_cast %mul3A_544 : i32 to index
            %get3A_551 = tpu.vector_load %arg14[%get3A_550] {strides = array<i32>} : memref<32768xf32, #tpu.memory_space<vmem>>, vector<16xf32>,
            %add3A_552 = arith.addf %get3A_551, %cond3A_346#1 : vector<16xf32>
            %swap3A_553 = arith.index_cast %mul3A_544 : i32 to index
            %swap3A_554 = tpu.vector_load %arg14[%swap3A_553] {strides = array<i32>} : memref<32768xf32, #tpu.memory_space<vmem>>, vector<16xf32>,
            tpu.vector_store %arg14[%swap3A_553], %add3A_552 {strides = array<i32>} : memref<32768xf32, #tpu.memory_space<vmem>>, vector<16xf32>,
            %broadcast_in_dim3A_555 = arith.constant 6.250000e-02 : f32
            %broadcast_in_dim3A_556 = vector.broadcast %broadcast_in_dim3A_555 : f32 to vector<16xf32>
            scf.yield %get3A_355, %broadcast_in_dim3A_556, %squeeze3A_348 : vector<16xf32>, vector<16xf32>, i32
          }
          %slice3A_361 = vector.extract_strided_slice %get3A_308 {offsets = [3], sizes = [1], strides = [1]} : vector<16xi32> to vector<1xi32>
          %squeeze3A_362 = vector.extract %slice3A_361[0] : i32 from vector<1xi32>
          %add3A_363 = arith.constant 3 : i32
          %add3A_364 = arith.addi %mul3A_314, %add3A_363 : i32
          %get3A_365 = arith.constant 1 : i32
          %get3A_366 = arith.index_cast %get3A_365 : i32 to index
          %get3A_367 = arith.index_cast %add3A_364 : i32 to index
          %get3A_368 = arith.constant 0 : index
          %get3A_369 = tpu.vector_load %arg12[%get3A_366, %get3A_367, %get3A_368] {strides = array<i32>} : memref<2x1024x16xf32, #tpu.memory_space<vmem>>, vector<16xf32>,
          %eq3A_370 = arith.cmpi eq, %squeeze3A_362, %cond3A_360#2 : i32
          %convert_element_type3A_371 = arith.extui %eq3A_370 : i1 to i32
          %cond3A_372 = arith.constant 0 : i32
          %cond3A_373 = arith.cmpi ne, %convert_element_type3A_371, %cond3A_372 : i32
          %cond3A_374:3 = scf.if %cond3A_373 -> (vector<16xf32>, vector<16xf32>, i32) {
            %add3A_543 = arith.addf %cond3A_360#0, %get3A_369 : vector<16xf32>
            %add3A_544 = arith.constant 6.250000e-02 : f32
            %add3A_545 = vector.broadcast %add3A_544 : f32 to vector<16xf32>
            %add3A_546 = arith.addf %cond3A_360#1, %add3A_545 : vector<16xf32>
            scf.yield %add3A_543, %add3A_546, %cond3A_360#2 : vector<16xf32>, vector<16xf32>, i32
          } else {
            %mul3A_543 = arith.constant 16 : i32
            %mul3A_544 = arith.muli %cond3A_360#2, %mul3A_543 : i32
            %get3A_545 = arith.index_cast %mul3A_544 : i32 to index
            %get3A_546 = tpu.vector_load %arg13[%get3A_545] {strides = array<i32>} : memref<32768xf32, #tpu.memory_space<vmem>>, vector<16xf32>,
            %add3A_547 = arith.addf %get3A_546, %cond3A_360#0 : vector<16xf32>
            %swap3A_548 = arith.index_cast %mul3A_544 : i32 to index
            %swap3A_549 = tpu.vector_load %arg13[%swap3A_548] {strides = array<i32>} : memref<32768xf32, #tpu.memory_space<vmem>>, vector<16xf32>,
            tpu.vector_store %arg13[%swap3A_548], %add3A_547 {strides = array<i32>} : memref<32768xf32, #tpu.memory_space<vmem>>, vector<16xf32>,
            %get3A_550 = arith.index_cast %mul3A_544 : i32 to index
            %get3A_551 = tpu.vector_load %arg14[%get3A_550] {strides = array<i32>} : memref<32768xf32, #tpu.memory_space<vmem>>, vector<16xf32>,
            %add3A_552 = arith.addf %get3A_551, %cond3A_360#1 : vector<16xf32>
            %swap3A_553 = arith.index_cast %mul3A_544 : i32 to index
            %swap3A_554 = tpu.vector_load %arg14[%swap3A_553] {strides = array<i32>} : memref<32768xf32, #tpu.memory_space<vmem>>, vector<16xf32>,
            tpu.vector_store %arg14[%swap3A_553], %add3A_552 {strides = array<i32>} : memref<32768xf32, #tpu.memory_space<vmem>>, vector<16xf32>,
            %broadcast_in_dim3A_555 = arith.constant 6.250000e-02 : f32
            %broadcast_in_dim3A_556 = vector.broadcast %broadcast_in_dim3A_555 : f32 to vector<16xf32>
            scf.yield %get3A_369, %broadcast_in_dim3A_556, %squeeze3A_362 : vector<16xf32>, vector<16xf32>, i32
          }
          %slice3A_375 = vector.extract_strided_slice %get3A_308 {offsets = [4], sizes = [1], strides = [1]} : vector<16xi32> to vector<1xi32>
          %squeeze3A_376 = vector.extract %slice3A_375[0] : i32 from vector<1xi32>
          %add3A_377 = arith.constant 4 : i32
          %add3A_378 = arith.addi %mul3A_314, %add3A_377 : i32
          %get3A_379 = arith.constant 1 : i32
          %get3A_380 = arith.index_cast %get3A_379 : i32 to index
          %get3A_381 = arith.index_cast %add3A_378 : i32 to index
          %get3A_382 = arith.constant 0 : index
          %get3A_383 = tpu.vector_load %arg12[%get3A_380, %get3A_381, %get3A_382] {strides = array<i32>} : memref<2x1024x16xf32, #tpu.memory_space<vmem>>, vector<16xf32>,
          %eq3A_384 = arith.cmpi eq, %squeeze3A_376, %cond3A_374#2 : i32
          %convert_element_type3A_385 = arith.extui %eq3A_384 : i1 to i32
          %cond3A_386 = arith.constant 0 : i32
          %cond3A_387 = arith.cmpi ne, %convert_element_type3A_385, %cond3A_386 : i32
          %cond3A_388:3 = scf.if %cond3A_387 -> (vector<16xf32>, vector<16xf32>, i32) {
            %add3A_543 = arith.addf %cond3A_374#0, %get3A_383 : vector<16xf32>
            %add3A_544 = arith.constant 6.250000e-02 : f32
            %add3A_545 = vector.broadcast %add3A_544 : f32 to vector<16xf32>
            %add3A_546 = arith.addf %cond3A_374#1, %add3A_545 : vector<16xf32>
            scf.yield %add3A_543, %add3A_546, %cond3A_374#2 : vector<16xf32>, vector<16xf32>, i32
          } else {
            %mul3A_543 = arith.constant 16 : i32
            %mul3A_544 = arith.muli %cond3A_374#2, %mul3A_543 : i32
            %get3A_545 = arith.index_cast %mul3A_544 : i32 to index
            %get3A_546 = tpu.vector_load %arg13[%get3A_545] {strides = array<i32>} : memref<32768xf32, #tpu.memory_space<vmem>>, vector<16xf32>,
            %add3A_547 = arith.addf %get3A_546, %cond3A_374#0 : vector<16xf32>
            %swap3A_548 = arith.index_cast %mul3A_544 : i32 to index
            %swap3A_549 = tpu.vector_load %arg13[%swap3A_548] {strides = array<i32>} : memref<32768xf32, #tpu.memory_space<vmem>>, vector<16xf32>,
            tpu.vector_store %arg13[%swap3A_548], %add3A_547 {strides = array<i32>} : memref<32768xf32, #tpu.memory_space<vmem>>, vector<16xf32>,
            %get3A_550 = arith.index_cast %mul3A_544 : i32 to index
            %get3A_551 = tpu.vector_load %arg14[%get3A_550] {strides = array<i32>} : memref<32768xf32, #tpu.memory_space<vmem>>, vector<16xf32>,
            %add3A_552 = arith.addf %get3A_551, %cond3A_374#1 : vector<16xf32>
            %swap3A_553 = arith.index_cast %mul3A_544 : i32 to index
            %swap3A_554 = tpu.vector_load %arg14[%swap3A_553] {strides = array<i32>} : memref<32768xf32, #tpu.memory_space<vmem>>, vector<16xf32>,
            tpu.vector_store %arg14[%swap3A_553], %add3A_552 {strides = array<i32>} : memref<32768xf32, #tpu.memory_space<vmem>>, vector<16xf32>,
            %broadcast_in_dim3A_555 = arith.constant 6.250000e-02 : f32
            %broadcast_in_dim3A_556 = vector.broadcast %broadcast_in_dim3A_555 : f32 to vector<16xf32>
            scf.yield %get3A_383, %broadcast_in_dim3A_556, %squeeze3A_376 : vector<16xf32>, vector<16xf32>, i32
          }
          %slice3A_389 = vector.extract_strided_slice %get3A_308 {offsets = [5], sizes = [1], strides = [1]} : vector<16xi32> to vector<1xi32>
          %squeeze3A_390 = vector.extract %slice3A_389[0] : i32 from vector<1xi32>
          %add3A_391 = arith.constant 5 : i32
          %add3A_392 = arith.addi %mul3A_314, %add3A_391 : i32
          %get3A_393 = arith.constant 1 : i32
          %get3A_394 = arith.index_cast %get3A_393 : i32 to index
          %get3A_395 = arith.index_cast %add3A_392 : i32 to index
          %get3A_396 = arith.constant 0 : index
          %get3A_397 = tpu.vector_load %arg12[%get3A_394, %get3A_395, %get3A_396] {strides = array<i32>} : memref<2x1024x16xf32, #tpu.memory_space<vmem>>, vector<16xf32>,
          %eq3A_398 = arith.cmpi eq, %squeeze3A_390, %cond3A_388#2 : i32
          %convert_element_type3A_399 = arith.extui %eq3A_398 : i1 to i32
          %cond3A_400 = arith.constant 0 : i32
          %cond3A_401 = arith.cmpi ne, %convert_element_type3A_399, %cond3A_400 : i32
          %cond3A_402:3 = scf.if %cond3A_401 -> (vector<16xf32>, vector<16xf32>, i32) {
            %add3A_543 = arith.addf %cond3A_388#0, %get3A_397 : vector<16xf32>
            %add3A_544 = arith.constant 6.250000e-02 : f32
            %add3A_545 = vector.broadcast %add3A_544 : f32 to vector<16xf32>
            %add3A_546 = arith.addf %cond3A_388#1, %add3A_545 : vector<16xf32>
            scf.yield %add3A_543, %add3A_546, %cond3A_388#2 : vector<16xf32>, vector<16xf32>, i32
          } else {
            %mul3A_543 = arith.constant 16 : i32
            %mul3A_544 = arith.muli %cond3A_388#2, %mul3A_543 : i32
            %get3A_545 = arith.index_cast %mul3A_544 : i32 to index
            %get3A_546 = tpu.vector_load %arg13[%get3A_545] {strides = array<i32>} : memref<32768xf32, #tpu.memory_space<vmem>>, vector<16xf32>,
            %add3A_547 = arith.addf %get3A_546, %cond3A_388#0 : vector<16xf32>
            %swap3A_548 = arith.index_cast %mul3A_544 : i32 to index
            %swap3A_549 = tpu.vector_load %arg13[%swap3A_548] {strides = array<i32>} : memref<32768xf32, #tpu.memory_space<vmem>>, vector<16xf32>,
            tpu.vector_store %arg13[%swap3A_548], %add3A_547 {strides = array<i32>} : memref<32768xf32, #tpu.memory_space<vmem>>, vector<16xf32>,
            %get3A_550 = arith.index_cast %mul3A_544 : i32 to index
            %get3A_551 = tpu.vector_load %arg14[%get3A_550] {strides = array<i32>} : memref<32768xf32, #tpu.memory_space<vmem>>, vector<16xf32>,
            %add3A_552 = arith.addf %get3A_551, %cond3A_388#1 : vector<16xf32>
            %swap3A_553 = arith.index_cast %mul3A_544 : i32 to index
            %swap3A_554 = tpu.vector_load %arg14[%swap3A_553] {strides = array<i32>} : memref<32768xf32, #tpu.memory_space<vmem>>, vector<16xf32>,
            tpu.vector_store %arg14[%swap3A_553], %add3A_552 {strides = array<i32>} : memref<32768xf32, #tpu.memory_space<vmem>>, vector<16xf32>,
            %broadcast_in_dim3A_555 = arith.constant 6.250000e-02 : f32
            %broadcast_in_dim3A_556 = vector.broadcast %broadcast_in_dim3A_555 : f32 to vector<16xf32>
            scf.yield %get3A_397, %broadcast_in_dim3A_556, %squeeze3A_390 : vector<16xf32>, vector<16xf32>, i32
          }
          %slice3A_403 = vector.extract_strided_slice %get3A_308 {offsets = [6], sizes = [1], strides = [1]} : vector<16xi32> to vector<1xi32>
          %squeeze3A_404 = vector.extract %slice3A_403[0] : i32 from vector<1xi32>
          %add3A_405 = arith.constant 6 : i32
          %add3A_406 = arith.addi %mul3A_314, %add3A_405 : i32
          %get3A_407 = arith.constant 1 : i32
          %get3A_408 = arith.index_cast %get3A_407 : i32 to index
          %get3A_409 = arith.index_cast %add3A_406 : i32 to index
          %get3A_410 = arith.constant 0 : index
          %get3A_411 = tpu.vector_load %arg12[%get3A_408, %get3A_409, %get3A_410] {strides = array<i32>} : memref<2x1024x16xf32, #tpu.memory_space<vmem>>, vector<16xf32>,
          %eq3A_412 = arith.cmpi eq, %squeeze3A_404, %cond3A_402#2 : i32
          %convert_element_type3A_413 = arith.extui %eq3A_412 : i1 to i32
          %cond3A_414 = arith.constant 0 : i32
          %cond3A_415 = arith.cmpi ne, %convert_element_type3A_413, %cond3A_414 : i32
          %cond3A_416:3 = scf.if %cond3A_415 -> (vector<16xf32>, vector<16xf32>, i32) {
            %add3A_543 = arith.addf %cond3A_402#0, %get3A_411 : vector<16xf32>
            %add3A_544 = arith.constant 6.250000e-02 : f32
            %add3A_545 = vector.broadcast %add3A_544 : f32 to vector<16xf32>
            %add3A_546 = arith.addf %cond3A_402#1, %add3A_545 : vector<16xf32>
            scf.yield %add3A_543, %add3A_546, %cond3A_402#2 : vector<16xf32>, vector<16xf32>, i32
          } else {
            %mul3A_543 = arith.constant 16 : i32
            %mul3A_544 = arith.muli %cond3A_402#2, %mul3A_543 : i32
            %get3A_545 = arith.index_cast %mul3A_544 : i32 to index
            %get3A_546 = tpu.vector_load %arg13[%get3A_545] {strides = array<i32>} : memref<32768xf32, #tpu.memory_space<vmem>>, vector<16xf32>,
            %add3A_547 = arith.addf %get3A_546, %cond3A_402#0 : vector<16xf32>
            %swap3A_548 = arith.index_cast %mul3A_544 : i32 to index
            %swap3A_549 = tpu.vector_load %arg13[%swap3A_548] {strides = array<i32>} : memref<32768xf32, #tpu.memory_space<vmem>>, vector<16xf32>,
            tpu.vector_store %arg13[%swap3A_548], %add3A_547 {strides = array<i32>} : memref<32768xf32, #tpu.memory_space<vmem>>, vector<16xf32>,
            %get3A_550 = arith.index_cast %mul3A_544 : i32 to index
            %get3A_551 = tpu.vector_load %arg14[%get3A_550] {strides = array<i32>} : memref<32768xf32, #tpu.memory_space<vmem>>, vector<16xf32>,
            %add3A_552 = arith.addf %get3A_551, %cond3A_402#1 : vector<16xf32>
            %swap3A_553 = arith.index_cast %mul3A_544 : i32 to index
            %swap3A_554 = tpu.vector_load %arg14[%swap3A_553] {strides = array<i32>} : memref<32768xf32, #tpu.memory_space<vmem>>, vector<16xf32>,
            tpu.vector_store %arg14[%swap3A_553], %add3A_552 {strides = array<i32>} : memref<32768xf32, #tpu.memory_space<vmem>>, vector<16xf32>,
            %broadcast_in_dim3A_555 = arith.constant 6.250000e-02 : f32
            %broadcast_in_dim3A_556 = vector.broadcast %broadcast_in_dim3A_555 : f32 to vector<16xf32>
            scf.yield %get3A_411, %broadcast_in_dim3A_556, %squeeze3A_404 : vector<16xf32>, vector<16xf32>, i32
          }
          %slice3A_417 = vector.extract_strided_slice %get3A_308 {offsets = [7], sizes = [1], strides = [1]} : vector<16xi32> to vector<1xi32>
          %squeeze3A_418 = vector.extract %slice3A_417[0] : i32 from vector<1xi32>
          %add3A_419 = arith.constant 7 : i32
          %add3A_420 = arith.addi %mul3A_314, %add3A_419 : i32
          %get3A_421 = arith.constant 1 : i32
          %get3A_422 = arith.index_cast %get3A_421 : i32 to index
          %get3A_423 = arith.index_cast %add3A_420 : i32 to index
          %get3A_424 = arith.constant 0 : index
          %get3A_425 = tpu.vector_load %arg12[%get3A_422, %get3A_423, %get3A_424] {strides = array<i32>} : memref<2x1024x16xf32, #tpu.memory_space<vmem>>, vector<16xf32>,
          %eq3A_426 = arith.cmpi eq, %squeeze3A_418, %cond3A_416#2 : i32
          %convert_element_type3A_427 = arith.extui %eq3A_426 : i1 to i32
          %cond3A_428 = arith.constant 0 : i32
          %cond3A_429 = arith.cmpi ne, %convert_element_type3A_427, %cond3A_428 : i32
          %cond3A_430:3 = scf.if %cond3A_429 -> (vector<16xf32>, vector<16xf32>, i32) {
            %add3A_543 = arith.addf %cond3A_416#0, %get3A_425 : vector<16xf32>
            %add3A_544 = arith.constant 6.250000e-02 : f32
            %add3A_545 = vector.broadcast %add3A_544 : f32 to vector<16xf32>
            %add3A_546 = arith.addf %cond3A_416#1, %add3A_545 : vector<16xf32>
            scf.yield %add3A_543, %add3A_546, %cond3A_416#2 : vector<16xf32>, vector<16xf32>, i32
          } else {
            %mul3A_543 = arith.constant 16 : i32
            %mul3A_544 = arith.muli %cond3A_416#2, %mul3A_543 : i32
            %get3A_545 = arith.index_cast %mul3A_544 : i32 to index
            %get3A_546 = tpu.vector_load %arg13[%get3A_545] {strides = array<i32>} : memref<32768xf32, #tpu.memory_space<vmem>>, vector<16xf32>,
            %add3A_547 = arith.addf %get3A_546, %cond3A_416#0 : vector<16xf32>
            %swap3A_548 = arith.index_cast %mul3A_544 : i32 to index
            %swap3A_549 = tpu.vector_load %arg13[%swap3A_548] {strides = array<i32>} : memref<32768xf32, #tpu.memory_space<vmem>>, vector<16xf32>,
            tpu.vector_store %arg13[%swap3A_548], %add3A_547 {strides = array<i32>} : memref<32768xf32, #tpu.memory_space<vmem>>, vector<16xf32>,
            %get3A_550 = arith.index_cast %mul3A_544 : i32 to index
            %get3A_551 = tpu.vector_load %arg14[%get3A_550] {strides = array<i32>} : memref<32768xf32, #tpu.memory_space<vmem>>, vector<16xf32>,
            %add3A_552 = arith.addf %get3A_551, %cond3A_416#1 : vector<16xf32>
            %swap3A_553 = arith.index_cast %mul3A_544 : i32 to index
            %swap3A_554 = tpu.vector_load %arg14[%swap3A_553] {strides = array<i32>} : memref<32768xf32, #tpu.memory_space<vmem>>, vector<16xf32>,
            tpu.vector_store %arg14[%swap3A_553], %add3A_552 {strides = array<i32>} : memref<32768xf32, #tpu.memory_space<vmem>>, vector<16xf32>,
            %broadcast_in_dim3A_555 = arith.constant 6.250000e-02 : f32
            %broadcast_in_dim3A_556 = vector.broadcast %broadcast_in_dim3A_555 : f32 to vector<16xf32>
            scf.yield %get3A_425, %broadcast_in_dim3A_556, %squeeze3A_418 : vector<16xf32>, vector<16xf32>, i32
          }
          %slice3A_431 = vector.extract_strided_slice %get3A_308 {offsets = [8], sizes = [1], strides = [1]} : vector<16xi32> to vector<1xi32>
          %squeeze3A_432 = vector.extract %slice3A_431[0] : i32 from vector<1xi32>
          %add3A_433 = arith.constant 8 : i32
          %add3A_434 = arith.addi %mul3A_314, %add3A_433 : i32
          %get3A_435 = arith.constant 1 : i32
          %get3A_436 = arith.index_cast %get3A_435 : i32 to index
          %get3A_437 = arith.index_cast %add3A_434 : i32 to index
          %get3A_438 = arith.constant 0 : index
          %get3A_439 = tpu.vector_load %arg12[%get3A_436, %get3A_437, %get3A_438] {strides = array<i32>} : memref<2x1024x16xf32, #tpu.memory_space<vmem>>, vector<16xf32>,
          %eq3A_440 = arith.cmpi eq, %squeeze3A_432, %cond3A_430#2 : i32
          %convert_element_type3A_441 = arith.extui %eq3A_440 : i1 to i32
          %cond3A_442 = arith.constant 0 : i32
          %cond3A_443 = arith.cmpi ne, %convert_element_type3A_441, %cond3A_442 : i32
          %cond3A_444:3 = scf.if %cond3A_443 -> (vector<16xf32>, vector<16xf32>, i32) {
            %add3A_543 = arith.addf %cond3A_430#0, %get3A_439 : vector<16xf32>
            %add3A_544 = arith.constant 6.250000e-02 : f32
            %add3A_545 = vector.broadcast %add3A_544 : f32 to vector<16xf32>
            %add3A_546 = arith.addf %cond3A_430#1, %add3A_545 : vector<16xf32>
            scf.yield %add3A_543, %add3A_546, %cond3A_430#2 : vector<16xf32>, vector<16xf32>, i32
          } else {
            %mul3A_543 = arith.constant 16 : i32
            %mul3A_544 = arith.muli %cond3A_430#2, %mul3A_543 : i32
            %get3A_545 = arith.index_cast %mul3A_544 : i32 to index
            %get3A_546 = tpu.vector_load %arg13[%get3A_545] {strides = array<i32>} : memref<32768xf32, #tpu.memory_space<vmem>>, vector<16xf32>,
            %add3A_547 = arith.addf %get3A_546, %cond3A_430#0 : vector<16xf32>
            %swap3A_548 = arith.index_cast %mul3A_544 : i32 to index
            %swap3A_549 = tpu.vector_load %arg13[%swap3A_548] {strides = array<i32>} : memref<32768xf32, #tpu.memory_space<vmem>>, vector<16xf32>,
            tpu.vector_store %arg13[%swap3A_548], %add3A_547 {strides = array<i32>} : memref<32768xf32, #tpu.memory_space<vmem>>, vector<16xf32>,
            %get3A_550 = arith.index_cast %mul3A_544 : i32 to index
            %get3A_551 = tpu.vector_load %arg14[%get3A_550] {strides = array<i32>} : memref<32768xf32, #tpu.memory_space<vmem>>, vector<16xf32>,
            %add3A_552 = arith.addf %get3A_551, %cond3A_430#1 : vector<16xf32>
            %swap3A_553 = arith.index_cast %mul3A_544 : i32 to index
            %swap3A_554 = tpu.vector_load %arg14[%swap3A_553] {strides = array<i32>} : memref<32768xf32, #tpu.memory_space<vmem>>, vector<16xf32>,
            tpu.vector_store %arg14[%swap3A_553], %add3A_552 {strides = array<i32>} : memref<32768xf32, #tpu.memory_space<vmem>>, vector<16xf32>,
            %broadcast_in_dim3A_555 = arith.constant 6.250000e-02 : f32
            %broadcast_in_dim3A_556 = vector.broadcast %broadcast_in_dim3A_555 : f32 to vector<16xf32>
            scf.yield %get3A_439, %broadcast_in_dim3A_556, %squeeze3A_432 : vector<16xf32>, vector<16xf32>, i32
          }
          %slice3A_445 = vector.extract_strided_slice %get3A_308 {offsets = [9], sizes = [1], strides = [1]} : vector<16xi32> to vector<1xi32>
          %squeeze3A_446 = vector.extract %slice3A_445[0] : i32 from vector<1xi32>
          %add3A_447 = arith.constant 9 : i32
          %add3A_448 = arith.addi %mul3A_314, %add3A_447 : i32
          %get3A_449 = arith.constant 1 : i32
          %get3A_450 = arith.index_cast %get3A_449 : i32 to index
          %get3A_451 = arith.index_cast %add3A_448 : i32 to index
          %get3A_452 = arith.constant 0 : index
          %get3A_453 = tpu.vector_load %arg12[%get3A_450, %get3A_451, %get3A_452] {strides = array<i32>} : memref<2x1024x16xf32, #tpu.memory_space<vmem>>, vector<16xf32>,
          %eq3A_454 = arith.cmpi eq, %squeeze3A_446, %cond3A_444#2 : i32
          %convert_element_type3A_455 = arith.extui %eq3A_454 : i1 to i32
          %cond3A_456 = arith.constant 0 : i32
          %cond3A_457 = arith.cmpi ne, %convert_element_type3A_455, %cond3A_456 : i32
          %cond3A_458:3 = scf.if %cond3A_457 -> (vector<16xf32>, vector<16xf32>, i32) {
            %add3A_543 = arith.addf %cond3A_444#0, %get3A_453 : vector<16xf32>
            %add3A_544 = arith.constant 6.250000e-02 : f32
            %add3A_545 = vector.broadcast %add3A_544 : f32 to vector<16xf32>
            %add3A_546 = arith.addf %cond3A_444#1, %add3A_545 : vector<16xf32>
            scf.yield %add3A_543, %add3A_546, %cond3A_444#2 : vector<16xf32>, vector<16xf32>, i32
          } else {
            %mul3A_543 = arith.constant 16 : i32
            %mul3A_544 = arith.muli %cond3A_444#2, %mul3A_543 : i32
            %get3A_545 = arith.index_cast %mul3A_544 : i32 to index
            %get3A_546 = tpu.vector_load %arg13[%get3A_545] {strides = array<i32>} : memref<32768xf32, #tpu.memory_space<vmem>>, vector<16xf32>,
            %add3A_547 = arith.addf %get3A_546, %cond3A_444#0 : vector<16xf32>
            %swap3A_548 = arith.index_cast %mul3A_544 : i32 to index
            %swap3A_549 = tpu.vector_load %arg13[%swap3A_548] {strides = array<i32>} : memref<32768xf32, #tpu.memory_space<vmem>>, vector<16xf32>,
            tpu.vector_store %arg13[%swap3A_548], %add3A_547 {strides = array<i32>} : memref<32768xf32, #tpu.memory_space<vmem>>, vector<16xf32>,
            %get3A_550 = arith.index_cast %mul3A_544 : i32 to index
            %get3A_551 = tpu.vector_load %arg14[%get3A_550] {strides = array<i32>} : memref<32768xf32, #tpu.memory_space<vmem>>, vector<16xf32>,
            %add3A_552 = arith.addf %get3A_551, %cond3A_444#1 : vector<16xf32>
            %swap3A_553 = arith.index_cast %mul3A_544 : i32 to index
            %swap3A_554 = tpu.vector_load %arg14[%swap3A_553] {strides = array<i32>} : memref<32768xf32, #tpu.memory_space<vmem>>, vector<16xf32>,
            tpu.vector_store %arg14[%swap3A_553], %add3A_552 {strides = array<i32>} : memref<32768xf32, #tpu.memory_space<vmem>>, vector<16xf32>,
            %broadcast_in_dim3A_555 = arith.constant 6.250000e-02 : f32
            %broadcast_in_dim3A_556 = vector.broadcast %broadcast_in_dim3A_555 : f32 to vector<16xf32>
            scf.yield %get3A_453, %broadcast_in_dim3A_556, %squeeze3A_446 : vector<16xf32>, vector<16xf32>, i32
          }
          %slice3A_459 = vector.extract_strided_slice %get3A_308 {offsets = [10], sizes = [1], strides = [1]} : vector<16xi32> to vector<1xi32>
          %squeeze3A_460 = vector.extract %slice3A_459[0] : i32 from vector<1xi32>
          %add3A_461 = arith.constant 10 : i32
          %add3A_462 = arith.addi %mul3A_314, %add3A_461 : i32
          %get3A_463 = arith.constant 1 : i32
          %get3A_464 = arith.index_cast %get3A_463 : i32 to index
          %get3A_465 = arith.index_cast %add3A_462 : i32 to index
          %get3A_466 = arith.constant 0 : index
          %get3A_467 = tpu.vector_load %arg12[%get3A_464, %get3A_465, %get3A_466] {strides = array<i32>} : memref<2x1024x16xf32, #tpu.memory_space<vmem>>, vector<16xf32>,
          %eq3A_468 = arith.cmpi eq, %squeeze3A_460, %cond3A_458#2 : i32
          %convert_element_type3A_469 = arith.extui %eq3A_468 : i1 to i32
          %cond3A_470 = arith.constant 0 : i32
          %cond3A_471 = arith.cmpi ne, %convert_element_type3A_469, %cond3A_470 : i32
          %cond3A_472:3 = scf.if %cond3A_471 -> (vector<16xf32>, vector<16xf32>, i32) {
            %add3A_543 = arith.addf %cond3A_458#0, %get3A_467 : vector<16xf32>
            %add3A_544 = arith.constant 6.250000e-02 : f32
            %add3A_545 = vector.broadcast %add3A_544 : f32 to vector<16xf32>
            %add3A_546 = arith.addf %cond3A_458#1, %add3A_545 : vector<16xf32>
            scf.yield %add3A_543, %add3A_546, %cond3A_458#2 : vector<16xf32>, vector<16xf32>, i32
          } else {
            %mul3A_543 = arith.constant 16 : i32
            %mul3A_544 = arith.muli %cond3A_458#2, %mul3A_543 : i32
            %get3A_545 = arith.index_cast %mul3A_544 : i32 to index
            %get3A_546 = tpu.vector_load %arg13[%get3A_545] {strides = array<i32>} : memref<32768xf32, #tpu.memory_space<vmem>>, vector<16xf32>,
            %add3A_547 = arith.addf %get3A_546, %cond3A_458#0 : vector<16xf32>
            %swap3A_548 = arith.index_cast %mul3A_544 : i32 to index
            %swap3A_549 = tpu.vector_load %arg13[%swap3A_548] {strides = array<i32>} : memref<32768xf32, #tpu.memory_space<vmem>>, vector<16xf32>,
            tpu.vector_store %arg13[%swap3A_548], %add3A_547 {strides = array<i32>} : memref<32768xf32, #tpu.memory_space<vmem>>, vector<16xf32>,
            %get3A_550 = arith.index_cast %mul3A_544 : i32 to index
            %get3A_551 = tpu.vector_load %arg14[%get3A_550] {strides = array<i32>} : memref<32768xf32, #tpu.memory_space<vmem>>, vector<16xf32>,
            %add3A_552 = arith.addf %get3A_551, %cond3A_458#1 : vector<16xf32>
            %swap3A_553 = arith.index_cast %mul3A_544 : i32 to index
            %swap3A_554 = tpu.vector_load %arg14[%swap3A_553] {strides = array<i32>} : memref<32768xf32, #tpu.memory_space<vmem>>, vector<16xf32>,
            tpu.vector_store %arg14[%swap3A_553], %add3A_552 {strides = array<i32>} : memref<32768xf32, #tpu.memory_space<vmem>>, vector<16xf32>,
            %broadcast_in_dim3A_555 = arith.constant 6.250000e-02 : f32
            %broadcast_in_dim3A_556 = vector.broadcast %broadcast_in_dim3A_555 : f32 to vector<16xf32>
            scf.yield %get3A_467, %broadcast_in_dim3A_556, %squeeze3A_460 : vector<16xf32>, vector<16xf32>, i32
          }
          %slice3A_473 = vector.extract_strided_slice %get3A_308 {offsets = [11], sizes = [1], strides = [1]} : vector<16xi32> to vector<1xi32>
          %squeeze3A_474 = vector.extract %slice3A_473[0] : i32 from vector<1xi32>
          %add3A_475 = arith.constant 11 : i32
          %add3A_476 = arith.addi %mul3A_314, %add3A_475 : i32
          %get3A_477 = arith.constant 1 : i32
          %get3A_478 = arith.index_cast %get3A_477 : i32 to index
          %get3A_479 = arith.index_cast %add3A_476 : i32 to index
          %get3A_480 = arith.constant 0 : index
          %get3A_481 = tpu.vector_load %arg12[%get3A_478, %get3A_479, %get3A_480] {strides = array<i32>} : memref<2x1024x16xf32, #tpu.memory_space<vmem>>, vector<16xf32>,
          %eq3A_482 = arith.cmpi eq, %squeeze3A_474, %cond3A_472#2 : i32
          %convert_element_type3A_483 = arith.extui %eq3A_482 : i1 to i32
          %cond3A_484 = arith.constant 0 : i32
          %cond3A_485 = arith.cmpi ne, %convert_element_type3A_483, %cond3A_484 : i32
          %cond3A_486:3 = scf.if %cond3A_485 -> (vector<16xf32>, vector<16xf32>, i32) {
            %add3A_543 = arith.addf %cond3A_472#0, %get3A_481 : vector<16xf32>
            %add3A_544 = arith.constant 6.250000e-02 : f32
            %add3A_545 = vector.broadcast %add3A_544 : f32 to vector<16xf32>
            %add3A_546 = arith.addf %cond3A_472#1, %add3A_545 : vector<16xf32>
            scf.yield %add3A_543, %add3A_546, %cond3A_472#2 : vector<16xf32>, vector<16xf32>, i32
          } else {
            %mul3A_543 = arith.constant 16 : i32
            %mul3A_544 = arith.muli %cond3A_472#2, %mul3A_543 : i32
            %get3A_545 = arith.index_cast %mul3A_544 : i32 to index
            %get3A_546 = tpu.vector_load %arg13[%get3A_545] {strides = array<i32>} : memref<32768xf32, #tpu.memory_space<vmem>>, vector<16xf32>,
            %add3A_547 = arith.addf %get3A_546, %cond3A_472#0 : vector<16xf32>
            %swap3A_548 = arith.index_cast %mul3A_544 : i32 to index
            %swap3A_549 = tpu.vector_load %arg13[%swap3A_548] {strides = array<i32>} : memref<32768xf32, #tpu.memory_space<vmem>>, vector<16xf32>,
            tpu.vector_store %arg13[%swap3A_548], %add3A_547 {strides = array<i32>} : memref<32768xf32, #tpu.memory_space<vmem>>, vector<16xf32>,
            %get3A_550 = arith.index_cast %mul3A_544 : i32 to index
            %get3A_551 = tpu.vector_load %arg14[%get3A_550] {strides = array<i32>} : memref<32768xf32, #tpu.memory_space<vmem>>, vector<16xf32>,
            %add3A_552 = arith.addf %get3A_551, %cond3A_472#1 : vector<16xf32>
            %swap3A_553 = arith.index_cast %mul3A_544 : i32 to index
            %swap3A_554 = tpu.vector_load %arg14[%swap3A_553] {strides = array<i32>} : memref<32768xf32, #tpu.memory_space<vmem>>, vector<16xf32>,
            tpu.vector_store %arg14[%swap3A_553], %add3A_552 {strides = array<i32>} : memref<32768xf32, #tpu.memory_space<vmem>>, vector<16xf32>,
            %broadcast_in_dim3A_555 = arith.constant 6.250000e-02 : f32
            %broadcast_in_dim3A_556 = vector.broadcast %broadcast_in_dim3A_555 : f32 to vector<16xf32>
            scf.yield %get3A_481, %broadcast_in_dim3A_556, %squeeze3A_474 : vector<16xf32>, vector<16xf32>, i32
          }
          %slice3A_487 = vector.extract_strided_slice %get3A_308 {offsets = [12], sizes = [1], strides = [1]} : vector<16xi32> to vector<1xi32>
          %squeeze3A_488 = vector.extract %slice3A_487[0] : i32 from vector<1xi32>
          %add3A_489 = arith.constant 12 : i32
          %add3A_490 = arith.addi %mul3A_314, %add3A_489 : i32
          %get3A_491 = arith.constant 1 : i32
          %get3A_492 = arith.index_cast %get3A_491 : i32 to index
          %get3A_493 = arith.index_cast %add3A_490 : i32 to index
          %get3A_494 = arith.constant 0 : index
          %get3A_495 = tpu.vector_load %arg12[%get3A_492, %get3A_493, %get3A_494] {strides = array<i32>} : memref<2x1024x16xf32, #tpu.memory_space<vmem>>, vector<16xf32>,
          %eq3A_496 = arith.cmpi eq, %squeeze3A_488, %cond3A_486#2 : i32
          %convert_element_type3A_497 = arith.extui %eq3A_496 : i1 to i32
          %cond3A_498 = arith.constant 0 : i32
          %cond3A_499 = arith.cmpi ne, %convert_element_type3A_497, %cond3A_498 : i32
          %cond3A_500:3 = scf.if %cond3A_499 -> (vector<16xf32>, vector<16xf32>, i32) {
            %add3A_543 = arith.addf %cond3A_486#0, %get3A_495 : vector<16xf32>
            %add3A_544 = arith.constant 6.250000e-02 : f32
            %add3A_545 = vector.broadcast %add3A_544 : f32 to vector<16xf32>
            %add3A_546 = arith.addf %cond3A_486#1, %add3A_545 : vector<16xf32>
            scf.yield %add3A_543, %add3A_546, %cond3A_486#2 : vector<16xf32>, vector<16xf32>, i32
          } else {
            %mul3A_543 = arith.constant 16 : i32
            %mul3A_544 = arith.muli %cond3A_486#2, %mul3A_543 : i32
            %get3A_545 = arith.index_cast %mul3A_544 : i32 to index
            %get3A_546 = tpu.vector_load %arg13[%get3A_545] {strides = array<i32>} : memref<32768xf32, #tpu.memory_space<vmem>>, vector<16xf32>,
            %add3A_547 = arith.addf %get3A_546, %cond3A_486#0 : vector<16xf32>
            %swap3A_548 = arith.index_cast %mul3A_544 : i32 to index
            %swap3A_549 = tpu.vector_load %arg13[%swap3A_548] {strides = array<i32>} : memref<32768xf32, #tpu.memory_space<vmem>>, vector<16xf32>,
            tpu.vector_store %arg13[%swap3A_548], %add3A_547 {strides = array<i32>} : memref<32768xf32, #tpu.memory_space<vmem>>, vector<16xf32>,
            %get3A_550 = arith.index_cast %mul3A_544 : i32 to index
            %get3A_551 = tpu.vector_load %arg14[%get3A_550] {strides = array<i32>} : memref<32768xf32, #tpu.memory_space<vmem>>, vector<16xf32>,
            %add3A_552 = arith.addf %get3A_551, %cond3A_486#1 : vector<16xf32>
            %swap3A_553 = arith.index_cast %mul3A_544 : i32 to index
            %swap3A_554 = tpu.vector_load %arg14[%swap3A_553] {strides = array<i32>} : memref<32768xf32, #tpu.memory_space<vmem>>, vector<16xf32>,
            tpu.vector_store %arg14[%swap3A_553], %add3A_552 {strides = array<i32>} : memref<32768xf32, #tpu.memory_space<vmem>>, vector<16xf32>,
            %broadcast_in_dim3A_555 = arith.constant 6.250000e-02 : f32
            %broadcast_in_dim3A_556 = vector.broadcast %broadcast_in_dim3A_555 : f32 to vector<16xf32>
            scf.yield %get3A_495, %broadcast_in_dim3A_556, %squeeze3A_488 : vector<16xf32>, vector<16xf32>, i32
          }
          %slice3A_501 = vector.extract_strided_slice %get3A_308 {offsets = [13], sizes = [1], strides = [1]} : vector<16xi32> to vector<1xi32>
          %squeeze3A_502 = vector.extract %slice3A_501[0] : i32 from vector<1xi32>
          %add3A_503 = arith.constant 13 : i32
          %add3A_504 = arith.addi %mul3A_314, %add3A_503 : i32
          %get3A_505 = arith.constant 1 : i32
          %get3A_506 = arith.index_cast %get3A_505 : i32 to index
          %get3A_507 = arith.index_cast %add3A_504 : i32 to index
          %get3A_508 = arith.constant 0 : index
          %get3A_509 = tpu.vector_load %arg12[%get3A_506, %get3A_507, %get3A_508] {strides = array<i32>} : memref<2x1024x16xf32, #tpu.memory_space<vmem>>, vector<16xf32>,
          %eq3A_510 = arith.cmpi eq, %squeeze3A_502, %cond3A_500#2 : i32
          %convert_element_type3A_511 = arith.extui %eq3A_510 : i1 to i32
          %cond3A_512 = arith.constant 0 : i32
          %cond3A_513 = arith.cmpi ne, %convert_element_type3A_511, %cond3A_512 : i32
          %cond3A_514:3 = scf.if %cond3A_513 -> (vector<16xf32>, vector<16xf32>, i32) {
            %add3A_543 = arith.addf %cond3A_500#0, %get3A_509 : vector<16xf32>
            %add3A_544 = arith.constant 6.250000e-02 : f32
            %add3A_545 = vector.broadcast %add3A_544 : f32 to vector<16xf32>
            %add3A_546 = arith.addf %cond3A_500#1, %add3A_545 : vector<16xf32>
            scf.yield %add3A_543, %add3A_546, %cond3A_500#2 : vector<16xf32>, vector<16xf32>, i32
          } else {
            %mul3A_543 = arith.constant 16 : i32
            %mul3A_544 = arith.muli %cond3A_500#2, %mul3A_543 : i32
            %get3A_545 = arith.index_cast %mul3A_544 : i32 to index
            %get3A_546 = tpu.vector_load %arg13[%get3A_545] {strides = array<i32>} : memref<32768xf32, #tpu.memory_space<vmem>>, vector<16xf32>,
            %add3A_547 = arith.addf %get3A_546, %cond3A_500#0 : vector<16xf32>
            %swap3A_548 = arith.index_cast %mul3A_544 : i32 to index
            %swap3A_549 = tpu.vector_load %arg13[%swap3A_548] {strides = array<i32>} : memref<32768xf32, #tpu.memory_space<vmem>>, vector<16xf32>,
            tpu.vector_store %arg13[%swap3A_548], %add3A_547 {strides = array<i32>} : memref<32768xf32, #tpu.memory_space<vmem>>, vector<16xf32>,
            %get3A_550 = arith.index_cast %mul3A_544 : i32 to index
            %get3A_551 = tpu.vector_load %arg14[%get3A_550] {strides = array<i32>} : memref<32768xf32, #tpu.memory_space<vmem>>, vector<16xf32>,
            %add3A_552 = arith.addf %get3A_551, %cond3A_500#1 : vector<16xf32>
            %swap3A_553 = arith.index_cast %mul3A_544 : i32 to index
            %swap3A_554 = tpu.vector_load %arg14[%swap3A_553] {strides = array<i32>} : memref<32768xf32, #tpu.memory_space<vmem>>, vector<16xf32>,
            tpu.vector_store %arg14[%swap3A_553], %add3A_552 {strides = array<i32>} : memref<32768xf32, #tpu.memory_space<vmem>>, vector<16xf32>,
            %broadcast_in_dim3A_555 = arith.constant 6.250000e-02 : f32
            %broadcast_in_dim3A_556 = vector.broadcast %broadcast_in_dim3A_555 : f32 to vector<16xf32>
            scf.yield %get3A_509, %broadcast_in_dim3A_556, %squeeze3A_502 : vector<16xf32>, vector<16xf32>, i32
          }
          %slice3A_515 = vector.extract_strided_slice %get3A_308 {offsets = [14], sizes = [1], strides = [1]} : vector<16xi32> to vector<1xi32>
          %squeeze3A_516 = vector.extract %slice3A_515[0] : i32 from vector<1xi32>
          %add3A_517 = arith.constant 14 : i32
          %add3A_518 = arith.addi %mul3A_314, %add3A_517 : i32
          %get3A_519 = arith.constant 1 : i32
          %get3A_520 = arith.index_cast %get3A_519 : i32 to index
          %get3A_521 = arith.index_cast %add3A_518 : i32 to index
          %get3A_522 = arith.constant 0 : index
          %get3A_523 = tpu.vector_load %arg12[%get3A_520, %get3A_521, %get3A_522] {strides = array<i32>} : memref<2x1024x16xf32, #tpu.memory_space<vmem>>, vector<16xf32>,
          %eq3A_524 = arith.cmpi eq, %squeeze3A_516, %cond3A_514#2 : i32
          %convert_element_type3A_525 = arith.extui %eq3A_524 : i1 to i32
          %cond3A_526 = arith.constant 0 : i32
          %cond3A_527 = arith.cmpi ne, %convert_element_type3A_525, %cond3A_526 : i32
          %cond3A_528:3 = scf.if %cond3A_527 -> (vector<16xf32>, vector<16xf32>, i32) {
            %add3A_543 = arith.addf %cond3A_514#0, %get3A_523 : vector<16xf32>
            %add3A_544 = arith.constant 6.250000e-02 : f32
            %add3A_545 = vector.broadcast %add3A_544 : f32 to vector<16xf32>
            %add3A_546 = arith.addf %cond3A_514#1, %add3A_545 : vector<16xf32>
            scf.yield %add3A_543, %add3A_546, %cond3A_514#2 : vector<16xf32>, vector<16xf32>, i32
          } else {
            %mul3A_543 = arith.constant 16 : i32
            %mul3A_544 = arith.muli %cond3A_514#2, %mul3A_543 : i32
            %get3A_545 = arith.index_cast %mul3A_544 : i32 to index
            %get3A_546 = tpu.vector_load %arg13[%get3A_545] {strides = array<i32>} : memref<32768xf32, #tpu.memory_space<vmem>>, vector<16xf32>,
            %add3A_547 = arith.addf %get3A_546, %cond3A_514#0 : vector<16xf32>
            %swap3A_548 = arith.index_cast %mul3A_544 : i32 to index
            %swap3A_549 = tpu.vector_load %arg13[%swap3A_548] {strides = array<i32>} : memref<32768xf32, #tpu.memory_space<vmem>>, vector<16xf32>,
            tpu.vector_store %arg13[%swap3A_548], %add3A_547 {strides = array<i32>} : memref<32768xf32, #tpu.memory_space<vmem>>, vector<16xf32>,
            %get3A_550 = arith.index_cast %mul3A_544 : i32 to index
            %get3A_551 = tpu.vector_load %arg14[%get3A_550] {strides = array<i32>} : memref<32768xf32, #tpu.memory_space<vmem>>, vector<16xf32>,
            %add3A_552 = arith.addf %get3A_551, %cond3A_514#1 : vector<16xf32>
            %swap3A_553 = arith.index_cast %mul3A_544 : i32 to index
            %swap3A_554 = tpu.vector_load %arg14[%swap3A_553] {strides = array<i32>} : memref<32768xf32, #tpu.memory_space<vmem>>, vector<16xf32>,
            tpu.vector_store %arg14[%swap3A_553], %add3A_552 {strides = array<i32>} : memref<32768xf32, #tpu.memory_space<vmem>>, vector<16xf32>,
            %broadcast_in_dim3A_555 = arith.constant 6.250000e-02 : f32
            %broadcast_in_dim3A_556 = vector.broadcast %broadcast_in_dim3A_555 : f32 to vector<16xf32>
            scf.yield %get3A_523, %broadcast_in_dim3A_556, %squeeze3A_516 : vector<16xf32>, vector<16xf32>, i32
          }
          %slice3A_529 = vector.extract_strided_slice %get3A_308 {offsets = [15], sizes = [1], strides = [1]} : vector<16xi32> to vector<1xi32>
          %squeeze3A_530 = vector.extract %slice3A_529[0] : i32 from vector<1xi32>
          %add3A_531 = arith.constant 15 : i32
          %add3A_532 = arith.addi %mul3A_314, %add3A_531 : i32
          %get3A_533 = arith.constant 1 : i32
          %get3A_534 = arith.index_cast %get3A_533 : i32 to index
          %get3A_535 = arith.index_cast %add3A_532 : i32 to index
          %get3A_536 = arith.constant 0 : index
          %get3A_537 = tpu.vector_load %arg12[%get3A_534, %get3A_535, %get3A_536] {strides = array<i32>} : memref<2x1024x16xf32, #tpu.memory_space<vmem>>, vector<16xf32>,
          %eq3A_538 = arith.cmpi eq, %squeeze3A_530, %cond3A_528#2 : i32
          %convert_element_type3A_539 = arith.extui %eq3A_538 : i1 to i32
          %cond3A_540 = arith.constant 0 : i32
          %cond3A_541 = arith.cmpi ne, %convert_element_type3A_539, %cond3A_540 : i32
          %cond3A_542:3 = scf.if %cond3A_541 -> (vector<16xf32>, vector<16xf32>, i32) {
            %add3A_543 = arith.addf %cond3A_528#0, %get3A_537 : vector<16xf32>
            %add3A_544 = arith.constant 6.250000e-02 : f32
            %add3A_545 = vector.broadcast %add3A_544 : f32 to vector<16xf32>
            %add3A_546 = arith.addf %cond3A_528#1, %add3A_545 : vector<16xf32>
            scf.yield %add3A_543, %add3A_546, %cond3A_528#2 : vector<16xf32>, vector<16xf32>, i32
          } else {
            %mul3A_543 = arith.constant 16 : i32
            %mul3A_544 = arith.muli %cond3A_528#2, %mul3A_543 : i32
            %get3A_545 = arith.index_cast %mul3A_544 : i32 to index
            %get3A_546 = tpu.vector_load %arg13[%get3A_545] {strides = array<i32>} : memref<32768xf32, #tpu.memory_space<vmem>>, vector<16xf32>,
            %add3A_547 = arith.addf %get3A_546, %cond3A_528#0 : vector<16xf32>
            %swap3A_548 = arith.index_cast %mul3A_544 : i32 to index
            %swap3A_549 = tpu.vector_load %arg13[%swap3A_548] {strides = array<i32>} : memref<32768xf32, #tpu.memory_space<vmem>>, vector<16xf32>,
            tpu.vector_store %arg13[%swap3A_548], %add3A_547 {strides = array<i32>} : memref<32768xf32, #tpu.memory_space<vmem>>, vector<16xf32>,
            %get3A_550 = arith.index_cast %mul3A_544 : i32 to index
            %get3A_551 = tpu.vector_load %arg14[%get3A_550] {strides = array<i32>} : memref<32768xf32, #tpu.memory_space<vmem>>, vector<16xf32>,
            %add3A_552 = arith.addf %get3A_551, %cond3A_528#1 : vector<16xf32>
            %swap3A_553 = arith.index_cast %mul3A_544 : i32 to index
            %swap3A_554 = tpu.vector_load %arg14[%swap3A_553] {strides = array<i32>} : memref<32768xf32, #tpu.memory_space<vmem>>, vector<16xf32>,
            tpu.vector_store %arg14[%swap3A_553], %add3A_552 {strides = array<i32>} : memref<32768xf32, #tpu.memory_space<vmem>>, vector<16xf32>,
            %broadcast_in_dim3A_555 = arith.constant 6.250000e-02 : f32
            %broadcast_in_dim3A_556 = vector.broadcast %broadcast_in_dim3A_555 : f32 to vector<16xf32>
            scf.yield %get3A_537, %broadcast_in_dim3A_556, %squeeze3A_530 : vector<16xf32>, vector<16xf32>, i32
          }
          scf.yield %cond3A_542#0, %cond3A_542#1, %cond3A_542#2 : vector<16xf32>, vector<16xf32>, i32
        }
        scf.yield %cond3A_318#0, %cond3A_318#1, %cond3A_318#2 : vector<16xf32>, vector<16xf32>, i32
      }
      %scan3A_291 = arith.constant 64 : i32
      %add3A_292 = arith.constant 2 : i32
      %add3A_293 = arith.addi %add3A_263, %add3A_292 : i32
      %lt3A_294 = arith.constant 32 : i32
      %lt3A_295 = arith.cmpi slt, %add3A_293, %lt3A_294 : i32
      %convert_element_type3A_296 = arith.extui %lt3A_295 : i1 to i32
      %cond3A_297 = arith.constant 0 : i32
      %cond3A_298 = arith.cmpi ne, %convert_element_type3A_296, %cond3A_297 : i32
      scf.if %cond3A_298 {
        %add3A_299 = arith.constant 2 : i32
        %add3A_300 = arith.addi %add3A_263, %add3A_299 : i32
        %mul3A_301 = arith.constant 1024 : i32
        %mul3A_302 = arith.muli %add3A_300, %mul3A_301 : i32
        %add3A_303 = arith.addi %mul3A_2, %mul3A_302 : i32
        %dma_start3A_304 = arith.constant 1 : i32
        %dma_start3A_305 = arith.constant 0 : i32
        %dma_start3A_306 = tpu.memref_slice %arg8[%dma_start3A_304, %dma_start3A_305] : memref<2x1024xi32, #tpu.memory_space<vmem>> -> memref<1x1024xi32, #tpu.memory_space<vmem>>
        %dma_start3A_307 = tpu.memref_squeeze %dma_start3A_306 : memref<1x1024xi32, #tpu.memory_space<vmem>> -> memref<1024xi32, #tpu.memory_space<vmem>>
        %dma_start3A_308 = tpu.memref_slice %arg3[%add3A_303] : memref<1048576xi32, #tpu.memory_space<hbm>> -> memref<1024xi32, #tpu.memory_space<hbm>>
        %dma_start3A_309 = arith.constant 0 : i32
        %dma_start3A_310 = tpu.memref_slice %arg8[%dma_start3A_304, %dma_start3A_309] : memref<2x1024xi32, #tpu.memory_space<vmem>> -> memref<1x1024xi32, #tpu.memory_space<vmem>>
        %dma_start3A_311 = tpu.memref_squeeze %dma_start3A_310 : memref<1x1024xi32, #tpu.memory_space<vmem>> -> memref<1024xi32, #tpu.memory_space<vmem>>
        %dma_start3A_312 = tpu.memref_slice %arg3[%add3A_303] : memref<1048576xi32, #tpu.memory_space<hbm>> -> memref<1024xi32, #tpu.memory_space<hbm>>
        tpu.enqueue_dma source(%dma_start3A_312 : memref<1024xi32, #tpu.memory_space<hbm>>) target(%dma_start3A_311 : memref<1024xi32, #tpu.memory_space<vmem>>) target_semaphore(%arg16 : memref<!tpu.dma_semaphore, #tpu.memory_space<semaphore_mem>>)
        %dma_start3A_313 = arith.constant 1 : i32
        %dma_start3A_314 = arith.constant 0 : i32
        %dma_start3A_315 = tpu.memref_slice %arg9[%dma_start3A_313, %dma_start3A_314] : memref<2x1024xi32, #tpu.memory_space<vmem>> -> memref<1x1024xi32, #tpu.memory_space<vmem>>
        %dma_start3A_316 = tpu.memref_squeeze %dma_start3A_315 : memref<1x1024xi32, #tpu.memory_space<vmem>> -> memref<1024xi32, #tpu.memory_space<vmem>>
        %dma_start3A_317 = tpu.memref_slice %arg4[%add3A_303] : memref<1048576xi32, #tpu.memory_space<hbm>> -> memref<1024xi32, #tpu.memory_space<hbm>>
        %dma_start3A_318 = arith.constant 0 : i32
        %dma_start3A_319 = tpu.memref_slice %arg9[%dma_start3A_313, %dma_start3A_318] : memref<2x1024xi32, #tpu.memory_space<vmem>> -> memref<1x1024xi32, #tpu.memory_space<vmem>>
        %dma_start3A_320 = tpu.memref_squeeze %dma_start3A_319 : memref<1x1024xi32, #tpu.memory_space<vmem>> -> memref<1024xi32, #tpu.memory_space<vmem>>
        %dma_start3A_321 = tpu.memref_slice %arg4[%add3A_303] : memref<1048576xi32, #tpu.memory_space<hbm>> -> memref<1024xi32, #tpu.memory_space<hbm>>
        tpu.enqueue_dma source(%dma_start3A_321 : memref<1024xi32, #tpu.memory_space<hbm>>) target(%dma_start3A_320 : memref<1024xi32, #tpu.memory_space<vmem>>) target_semaphore(%arg16 : memref<!tpu.dma_semaphore, #tpu.memory_space<semaphore_mem>>)
        %dma_start3A_322 = arith.constant 1 : i32
        %dma_start3A_323 = arith.constant 0 : i32
        %dma_start3A_324 = tpu.memref_slice %arg10[%dma_start3A_322, %dma_start3A_323] : memref<2x1024xi32, #tpu.memory_space<vmem>> -> memref<1x1024xi32, #tpu.memory_space<vmem>>
        %dma_start3A_325 = tpu.memref_squeeze %dma_start3A_324 : memref<1x1024xi32, #tpu.memory_space<vmem>> -> memref<1024xi32, #tpu.memory_space<vmem>>
        %dma_start3A_326 = tpu.memref_slice %arg5[%add3A_303] : memref<1048576xi32, #tpu.memory_space<hbm>> -> memref<1024xi32, #tpu.memory_space<hbm>>
        %dma_start3A_327 = arith.constant 0 : i32
        %dma_start3A_328 = tpu.memref_slice %arg10[%dma_start3A_322, %dma_start3A_327] : memref<2x1024xi32, #tpu.memory_space<vmem>> -> memref<1x1024xi32, #tpu.memory_space<vmem>>
        %dma_start3A_329 = tpu.memref_squeeze %dma_start3A_328 : memref<1x1024xi32, #tpu.memory_space<vmem>> -> memref<1024xi32, #tpu.memory_space<vmem>>
        %dma_start3A_330 = tpu.memref_slice %arg5[%add3A_303] : memref<1048576xi32, #tpu.memory_space<hbm>> -> memref<1024xi32, #tpu.memory_space<hbm>>
        tpu.enqueue_dma source(%dma_start3A_330 : memref<1024xi32, #tpu.memory_space<hbm>>) target(%dma_start3A_329 : memref<1024xi32, #tpu.memory_space<vmem>>) target_semaphore(%arg16 : memref<!tpu.dma_semaphore, #tpu.memory_space<semaphore_mem>>)
      } else {
      }
      scf.yield %scan3A_290#0, %scan3A_290#1, %scan3A_290#2 : vector<16xf32>, vector<16xf32>, i32
    }
    %scan3A_208 = arith.constant 16 : i32
    %mul3A_209 = arith.constant 16 : i32
    %mul3A_210 = arith.muli %scan3A_207#2, %mul3A_209 : i32
    %get3A_211 = arith.index_cast %mul3A_210 : i32 to index
    %get3A_212 = tpu.vector_load %arg13[%get3A_211] {strides = array<i32>} : memref<32768xf32, #tpu.memory_space<vmem>>, vector<16xf32>,
    %add3A_213 = arith.addf %get3A_212, %scan3A_207#0 : vector<16xf32>
    %swap3A = arith.index_cast %mul3A_210 : i32 to index
    %swap3A_214 = tpu.vector_load %arg13[%swap3A] {strides = array<i32>} : memref<32768xf32, #tpu.memory_space<vmem>>, vector<16xf32>,
    tpu.vector_store %arg13[%swap3A], %add3A_213 {strides = array<i32>} : memref<32768xf32, #tpu.memory_space<vmem>>, vector<16xf32>,
    %get3A_215 = arith.index_cast %mul3A_210 : i32 to index
    %get3A_216 = tpu.vector_load %arg14[%get3A_215] {strides = array<i32>} : memref<32768xf32, #tpu.memory_space<vmem>>, vector<16xf32>,
    %add3A_217 = arith.addf %get3A_216, %scan3A_207#1 : vector<16xf32>
    %swap3A_218 = arith.index_cast %mul3A_210 : i32 to index
    %swap3A_219 = tpu.vector_load %arg14[%swap3A_218] {strides = array<i32>} : memref<32768xf32, #tpu.memory_space<vmem>>, vector<16xf32>,
    tpu.vector_store %arg14[%swap3A_218], %add3A_217 {strides = array<i32>} : memref<32768xf32, #tpu.memory_space<vmem>>, vector<16xf32>,
    "tpu.region"() ({
      %run_scoped3A = tpu.sem_alloc : memref<!tpu.dma_semaphore, #tpu.memory_space<semaphore_mem>>
      %dma_start3A_220 = arith.constant 0 : i32
      %dma_start3A_221 = tpu.memref_slice %arg6[%add3A, %dma_start3A_220] : memref<32x32768xf32, #tpu.memory_space<hbm>> -> memref<1x32768xf32, #tpu.memory_space<hbm>>
      %dma_start3A_222 = tpu.memref_squeeze %dma_start3A_221 : memref<1x32768xf32, #tpu.memory_space<hbm>> -> memref<32768xf32, #tpu.memory_space<hbm>>
      %dma_start3A_223 = arith.constant 0 : i32
      %dma_start3A_224 = tpu.memref_slice %arg6[%add3A, %dma_start3A_223] : memref<32x32768xf32, #tpu.memory_space<hbm>> -> memref<1x32768xf32, #tpu.memory_space<hbm>>
      %dma_start3A_225 = tpu.memref_squeeze %dma_start3A_224 : memref<1x32768xf32, #tpu.memory_space<hbm>> -> memref<32768xf32, #tpu.memory_space<hbm>>
      tpu.enqueue_dma source(%arg13 : memref<32768xf32, #tpu.memory_space<vmem>>) target(%dma_start3A_225 : memref<32768xf32, #tpu.memory_space<hbm>>) target_semaphore(%run_scoped3A : memref<!tpu.dma_semaphore, #tpu.memory_space<semaphore_mem>>)
      %dma_wait3A_226 = arith.constant 0 : i32
      %dma_wait3A_227 = tpu.memref_slice %arg6[%add3A, %dma_wait3A_226] : memref<32x32768xf32, #tpu.memory_space<hbm>> -> memref<1x32768xf32, #tpu.memory_space<hbm>>
      %dma_wait3A_228 = tpu.memref_squeeze %dma_wait3A_227 : memref<1x32768xf32, #tpu.memory_space<hbm>> -> memref<32768xf32, #tpu.memory_space<hbm>>
      %dma_wait3A_229 = arith.constant 0 : i32
      %dma_wait3A_230 = tpu.memref_slice %arg6[%add3A, %dma_wait3A_229] : memref<32x32768xf32, #tpu.memory_space<hbm>> -> memref<1x32768xf32, #tpu.memory_space<hbm>>
      %dma_wait3A_231 = tpu.memref_squeeze %dma_wait3A_230 : memref<1x32768xf32, #tpu.memory_space<hbm>> -> memref<32768xf32, #tpu.memory_space<hbm>>
      tpu.wait_dma2 semaphore(%run_scoped3A : memref<!tpu.dma_semaphore, #tpu.memory_space<semaphore_mem>>) src(%arg13 : memref<32768xf32, #tpu.memory_space<vmem>>) dst(%dma_wait3A_231 : memref<32768xf32, #tpu.memory_space<hbm>>)
      tpu.yield
    }) : () -> ()
    "tpu.region"() ({
      %run_scoped3A = tpu.sem_alloc : memref<!tpu.dma_semaphore, #tpu.memory_space<semaphore_mem>>
      %dma_start3A_220 = arith.constant 0 : i32
      %dma_start3A_221 = tpu.memref_slice %arg7[%add3A, %dma_start3A_220] : memref<32x32768xf32, #tpu.memory_space<hbm>> -> memref<1x32768xf32, #tpu.memory_space<hbm>>
      %dma_start3A_222 = tpu.memref_squeeze %dma_start3A_221 : memref<1x32768xf32, #tpu.memory_space<hbm>> -> memref<32768xf32, #tpu.memory_space<hbm>>
      %dma_start3A_223 = arith.constant 0 : i32
      %dma_start3A_224 = tpu.memref_slice %arg7[%add3A, %dma_start3A_223] : memref<32x32768xf32, #tpu.memory_space<hbm>> -> memref<1x32768xf32, #tpu.memory_space<hbm>>
      %dma_start3A_225 = tpu.memref_squeeze %dma_start3A_224 : memref<1x32768xf32, #tpu.memory_space<hbm>> -> memref<32768xf32, #tpu.memory_space<hbm>>
      tpu.enqueue_dma source(%arg14 : memref<32768xf32, #tpu.memory_space<vmem>>) target(%dma_start3A_225 : memref<32768xf32, #tpu.memory_space<hbm>>) target_semaphore(%run_scoped3A : memref<!tpu.dma_semaphore, #tpu.memory_space<semaphore_mem>>)
      %dma_wait3A_226 = arith.constant 0 : i32
      %dma_wait3A_227 = tpu.memref_slice %arg7[%add3A, %dma_wait3A_226] : memref<32x32768xf32, #tpu.memory_space<hbm>> -> memref<1x32768xf32, #tpu.memory_space<hbm>>
      %dma_wait3A_228 = tpu.memref_squeeze %dma_wait3A_227 : memref<1x32768xf32, #tpu.memory_space<hbm>> -> memref<32768xf32, #tpu.memory_space<hbm>>
      %dma_wait3A_229 = arith.constant 0 : i32
      %dma_wait3A_230 = tpu.memref_slice %arg7[%add3A, %dma_wait3A_229] : memref<32x32768xf32, #tpu.memory_space<hbm>> -> memref<1x32768xf32, #tpu.memory_space<hbm>>
      %dma_wait3A_231 = tpu.memref_squeeze %dma_wait3A_230 : memref<1x32768xf32, #tpu.memory_space<hbm>> -> memref<32768xf32, #tpu.memory_space<hbm>>
      tpu.wait_dma2 semaphore(%run_scoped3A : memref<!tpu.dma_semaphore, #tpu.memory_space<semaphore_mem>>) src(%arg14 : memref<32768xf32, #tpu.memory_space<vmem>>) dst(%dma_wait3A_231 : memref<32768xf32, #tpu.memory_space<hbm>>)
      tpu.yield
    }) : () -> ()
    return
  }
}

module attributes {stable_mosaic.version = 14 : i64} {
  func.func @_merge_body(%arg0: memref<32x32768xf32, #tpu.memory_space<vmem>>, %arg1: memref<32x32768xf32, #tpu.memory_space<vmem>>, %arg2: memref<256x128xf32, #tpu.memory_space<vmem>>) attributes {dimension_semantics = [], scalar_prefetch = 0 : i64, scratch_operands = 0 : i64, tpu.core_type = #tpu.core_type<tc>} {
    %get3A = arith.constant 0 : index
    %get3A_0 = arith.constant 0 : index
    %get3A_1 = vector.load %arg0[%get3A, %get3A_0] : memref<32x32768xf32, #tpu.memory_space<vmem>>, vector<32x32768xf32>
    %reduce_sum3A = arith.constant dense<0.000000e+00> : vector<32768xf32>
    %reduce_sum3A_2 = vector.multi_reduction <add>, %get3A_1, %reduce_sum3A [0] : vector<32x32768xf32> to vector<32768xf32>
    %reshape3A = vector.shape_cast %reduce_sum3A_2 : vector<32768xf32> to vector<256x128xf32>
    %get3A_3 = arith.constant 0 : index
    %get3A_4 = arith.constant 0 : index
    %get3A_5 = vector.load %arg1[%get3A_3, %get3A_4] : memref<32x32768xf32, #tpu.memory_space<vmem>>, vector<32x32768xf32>
    %reduce_sum3A_6 = arith.constant dense<0.000000e+00> : vector<32768xf32>
    %reduce_sum3A_7 = vector.multi_reduction <add>, %get3A_5, %reduce_sum3A_6 [0] : vector<32x32768xf32> to vector<32768xf32>
    %reshape3A_8 = vector.shape_cast %reduce_sum3A_7 : vector<32768xf32> to vector<256x128xf32>
    %iota3A = tpu.iota {dimensions = array<i32: 0>} : vector<128x128xi32>
    %iota3A_9 = tpu.iota {dimensions = array<i32: 1>} : vector<128x128xi32>
    %jit3A = arith.constant 16 : i32
    %div3A = vector.broadcast %jit3A : i32 to vector<128x128xi32>
    %div3A_10 = arith.divsi %iota3A, %div3A : vector<128x128xi32>
    %sign3A = arith.constant 0 : i32
    %sign3A_11 = vector.broadcast %sign3A : i32 to vector<128x128xi32>
    %sign3A_12 = arith.cmpi sgt, %iota3A, %sign3A_11 : vector<128x128xi32>
    %sign3A_13 = arith.extui %sign3A_12 : vector<128x128xi1> to vector<128x128xi32>
    %sign3A_14 = arith.constant 0 : i32
    %sign3A_15 = vector.broadcast %sign3A_14 : i32 to vector<128x128xi32>
    %sign3A_16 = arith.cmpi slt, %iota3A, %sign3A_15 : vector<128x128xi32>
    %sign3A_17 = arith.extui %sign3A_16 : vector<128x128xi1> to vector<128x128xi32>
    %sign3A_18 = arith.subi %sign3A_13, %sign3A_17 : vector<128x128xi32>
    %sign3A_19 = arith.constant 0 : i32
    %sign3A_20 = arith.cmpi sgt, %jit3A, %sign3A_19 : i32
    %sign3A_21 = arith.extui %sign3A_20 : i1 to i32
    %sign3A_22 = arith.constant 0 : i32
    %sign3A_23 = arith.cmpi slt, %jit3A, %sign3A_22 : i32
    %sign3A_24 = arith.extui %sign3A_23 : i1 to i32
    %sign3A_25 = arith.subi %sign3A_21, %sign3A_24 : i32
    %ne3A = vector.broadcast %sign3A_25 : i32 to vector<128x128xi32>
    %ne3A_26 = arith.cmpi ne, %sign3A_18, %ne3A : vector<128x128xi32>
    %rem3A = vector.broadcast %jit3A : i32 to vector<128x128xi32>
    %rem3A_27 = arith.remsi %iota3A, %rem3A : vector<128x128xi32>
    %ne3A_28 = arith.constant 0 : i32
    %ne3A_29 = vector.broadcast %ne3A_28 : i32 to vector<128x128xi32>
    %ne3A_30 = arith.cmpi ne, %rem3A_27, %ne3A_29 : vector<128x128xi32>
    %and3A = arith.andi %ne3A_26, %ne3A_30 : vector<128x128xi1>
    %sub3A = arith.constant 1 : i32
    %sub3A_31 = vector.broadcast %sub3A : i32 to vector<128x128xi32>
    %sub3A_32 = arith.subi %div3A_10, %sub3A_31 : vector<128x128xi32>
    %select_n3A = arith.select %and3A, %sub3A_32, %div3A_10 : vector<128x128xi1>, vector<128x128xi32>
    %jit3A_33 = arith.constant 16 : i32
    %div3A_34 = vector.broadcast %jit3A_33 : i32 to vector<128x128xi32>
    %div3A_35 = arith.divsi %iota3A_9, %div3A_34 : vector<128x128xi32>
    %sign3A_36 = arith.constant 0 : i32
    %sign3A_37 = vector.broadcast %sign3A_36 : i32 to vector<128x128xi32>
    %sign3A_38 = arith.cmpi sgt, %iota3A_9, %sign3A_37 : vector<128x128xi32>
    %sign3A_39 = arith.extui %sign3A_38 : vector<128x128xi1> to vector<128x128xi32>
    %sign3A_40 = arith.constant 0 : i32
    %sign3A_41 = vector.broadcast %sign3A_40 : i32 to vector<128x128xi32>
    %sign3A_42 = arith.cmpi slt, %iota3A_9, %sign3A_41 : vector<128x128xi32>
    %sign3A_43 = arith.extui %sign3A_42 : vector<128x128xi1> to vector<128x128xi32>
    %sign3A_44 = arith.subi %sign3A_39, %sign3A_43 : vector<128x128xi32>
    %sign3A_45 = arith.constant 0 : i32
    %sign3A_46 = arith.cmpi sgt, %jit3A_33, %sign3A_45 : i32
    %sign3A_47 = arith.extui %sign3A_46 : i1 to i32
    %sign3A_48 = arith.constant 0 : i32
    %sign3A_49 = arith.cmpi slt, %jit3A_33, %sign3A_48 : i32
    %sign3A_50 = arith.extui %sign3A_49 : i1 to i32
    %sign3A_51 = arith.subi %sign3A_47, %sign3A_50 : i32
    %ne3A_52 = vector.broadcast %sign3A_51 : i32 to vector<128x128xi32>
    %ne3A_53 = arith.cmpi ne, %sign3A_44, %ne3A_52 : vector<128x128xi32>
    %rem3A_54 = vector.broadcast %jit3A_33 : i32 to vector<128x128xi32>
    %rem3A_55 = arith.remsi %iota3A_9, %rem3A_54 : vector<128x128xi32>
    %ne3A_56 = arith.constant 0 : i32
    %ne3A_57 = vector.broadcast %ne3A_56 : i32 to vector<128x128xi32>
    %ne3A_58 = arith.cmpi ne, %rem3A_55, %ne3A_57 : vector<128x128xi32>
    %and3A_59 = arith.andi %ne3A_53, %ne3A_58 : vector<128x128xi1>
    %sub3A_60 = arith.constant 1 : i32
    %sub3A_61 = vector.broadcast %sub3A_60 : i32 to vector<128x128xi32>
    %sub3A_62 = arith.subi %div3A_35, %sub3A_61 : vector<128x128xi32>
    %select_n3A_63 = arith.select %and3A_59, %sub3A_62, %div3A_35 : vector<128x128xi1>, vector<128x128xi32>
    %eq3A = arith.cmpi eq, %select_n3A, %select_n3A_63 : vector<128x128xi32>
    %convert_element_type3A = arith.extui %eq3A : vector<128x128xi1> to vector<128x128xi32>
    %convert_element_type3A_64 = arith.sitofp %convert_element_type3A : vector<128x128xi32> to vector<128x128xf32>
    %dot_general3A = arith.constant dense<0.000000e+00> : vector<256x128xf32>
    %dot_general3A_65 = tpu.matmul %reshape3A_8, %convert_element_type3A_64, %dot_general3A {dimension_numbers = #tpu.dot_dimension_numbers<[1], [0], [0], [1], [0, 0, 1, 1], [], []>, precision = #tpu.contract_precision<fp32>, transpose_lhs_hint = false} : vector<256x128xf32>, vector<128x128xf32>, vector<256x128xf32> -> vector<256x128xf32>
    %max3A = arith.constant 1.000000e+00 : f32
    %max3A_66 = vector.broadcast %max3A : f32 to vector<256x128xf32>
    %max3A_67 = arith.maximumf %dot_general3A_65, %max3A_66 : vector<256x128xf32>
    %div3A_68 = arith.divf %reshape3A, %max3A_67 : vector<256x128xf32>
    %swap3A = arith.constant 0 : index
    %swap3A_69 = arith.constant 0 : index
    %swap3A_70 = vector.load %arg2[%swap3A, %swap3A_69] : memref<256x128xf32, #tpu.memory_space<vmem>>, vector<256x128xf32>
    tpu.vector_store %arg2[%swap3A, %swap3A_69], %div3A_68 {strides = array<i32>} : memref<256x128xf32, #tpu.memory_space<vmem>>, vector<256x128xf32>,
    return
  }
}

</mosaic_0001>

<sc_bundles>
// kernel: kernel.5.cloned.1.call-start
scs
__scs_entry_jumppad:
0x0: {  	(pc) =	sbr.rel $0x88, $3  }
0x1: {  	(tag) =	ssettag $0x0;
	lr =	simm.s32 $0x1  }
0x2: {  	[smem:$0x3F9E] =	sst lr;
	_ =	strace $0xD0000000  }
0x3: {  	_ = 	snop  }
0x4: {  	_ = 	snop  }
0x5: {  	_ = 	snop  }
0x6: {  	_ = 	snop  }
0x7: {  	_ = 	snop  }
__scs_overlays_trampoline_lowered:
0x8: {  	[smem:$0x3FAD] =	sst s0  }
0x9: {  	[smem:$0x3FAE] =	sst s1  }
0xa: {  	[smem:$0x3FAF] =	sst s2  }
0xb: {  	[smem:$0x3FB0] =	sst s3  }
0xc: {  	[smem:$0x3FB1] =	sst s4  }
0xd: {  	[smem:$0x3FB2] =	sst s5  }
0xe: {  	[smem:$0x3FB3] =	sst s6  }
0xf: {  	[smem:$0x3FB4] =	sst s7  }
0x10: {  	[smem:$0x3FB5] =	sst s8  }
0x11: {  	[smem:$0x3FB6] =	sst s9;
	s0 =	simm.s32 @!p0 $0x0  }
0x12: {  	s1 =	sld [smem:$0x3F9C];
	s0 =	simm.s32 @p0 $0x1  }
0x13: {  	[smem:$0x3FB7] =	sst s0;
	s0 =	simm.s32 @!p1 $0x0  }
0x14: {  	s2 =	sld [smem:$0x3F9B];
	s0 =	simm.s32 @p1 $0x1  }
0x15: {  	[smem:$0x3FB8] =	sst s0;
	s0 =	simm.s32 @!p2 $0x0  }
0x16: {  	s3 =	sld [smem:$0x3FDB];
	s0 =	simm.s32 @p2 $0x1  }
0x17: {  	s4 =	simm.s32 $0x1BF5;
	[smem:$0x3FBA] =	sst s0  }
0x18: {  	s0 =	sld [smem:$0x3F9D];
	_ =	swait.ge [sflag:s4], $0x0  }
0x19: {  	s7 =	sld [smem:$0x3F9E]  }
0x1a: {  	s8 =	sadd.s32 $0xFFFFE003, lr  }
0x1b: {  	s9 =	sadd.s32 $0xFFFFFEF7, lr;
	s5 =	simm.s32 $0xFFFFFFFF;
	p2 =	slt.u32 s8, $0xFFFFF086  }
0x1c: {  	p1 =	slt.u32 s9, $0xF7A;
	s5 =	simm.s32 @!p2 $0x0  }
0x1d: {  	s5 =	simm.s32 @p1 $0x1;
	p0 =	seq.s32 s7, s2  }
0x1e: {  	s7 =	smul.u32 @!p0 $0xF7A, s2;
	p2 =	seq.s32 @!p0 s5, $0x0  }
0x1f: {  	s9 =	smul.u32 $0xF7A, s1;
	s8 =	simm.s32 @!p0 $0x1BF5;
	p2 =	por !p2, p0  }
0x20: {  	[sflag:s8] =	ssyncset.s32 @!p0 $0xFFFFF086;
	s6 =	sadd.s32 @!p0 s3, s7;
	s7 =	simm.s32 @!p0 $0x108  }
0x21: {  	s3 =	sadd.s32 s3, s9;
	s6 =	sadd.s32 @!p0 $0x88, s6;
	s7 =	simm.s32 @p2 $0x1082  }
0x22: {  	[simem:s7], [sflag:s8] =	dma.local @!p0 [hbm:s6], $0xF7A  }
0x23: {  	s9 =	sor.u32 $0xD0000000, s2;
	s6 =	simm.s32 $0x108;
	_ =	swait.ge @!p0 [sflag:s8], $0x0  }
0x24: {  	s3 =	sadd.s32 $0x88, s3;
	s6 =	simm.s32 @!p1 $0x1082;
	[sflag:s4] =	ssyncset.s32 $0xFFFFF086  }
0x25: {  	[simem:s6], [sflag:s4] =	dma.local [hbm:s3], $0xF7A  }
0x26: {  	[smem:$0x3F9E] =	sst s1;
	(tag) =	ssettag s2;
	_ =	strace s9  }
0x27: {  	s1 =	sld [smem:$0x3FAE]  }
0x28: {  	s2 =	sld [smem:$0x3FAF]  }
0x29: {  	s4 =	sld [smem:$0x3FB1]  }
0x2a: {  	p0 =	seq.s32 s5, $0x0;
	s5 =	sld [smem:$0x3FB2]  }
0x2b: {  	s6 =	sld [smem:$0x3FB3]  }
0x2c: {  	s7 =	sld [smem:$0x3FB4]  }
0x2d: {  	s3 =	simm.s32 $0x108;
	s8 =	sld [smem:$0x3FB5]  }
0x2e: {  	s3 =	simm.s32 @!p0 $0x1082;
	s9 =	sld [smem:$0x3FB6]  }
0x2f: {  	lr =	sadd.s32 s0, s3;
	s0 =	sld [smem:$0x3FAD]  }
0x30: {  	s3 =	sld [smem:$0x3FB0]  }
0x31: {  	[smem:$0x3FB9] =	sst s10  }
0x32: {  	s10 =	sld [smem:$0x3FB7];
	_ =	sdelay $0x3  }
0x33: {  	p0 =	seq.s32 s10, $0x1;
	s10 =	sld [smem:$0x3FB9];
	_ =	sdelay $0x3  }
0x34: {  	[smem:$0x3FB9] =	sst s10  }
0x35: {  	s10 =	sld [smem:$0x3FB8];
	_ =	sdelay $0x3  }
0x36: {  	p1 =	seq.s32 s10, $0x1;
	s10 =	sld [smem:$0x3FB9];
	_ =	sdelay $0x3  }
0x37: {  	[smem:$0x3FB9] =	sst s10  }
0x38: {  	s10 =	sld [smem:$0x3FBA]  }
0x39: {  	_ = 	snop;
	(pc) =	sbr.ind lr, $3  }
0x3a: {  	_ = 	snop  }
0x3b: {  	_ = 	snop  }
0x3c: {  	p2 =	seq.s32 s10, $0x1;
	s10 =	sld [smem:$0x3FB9]  }
0x3d: {  	_ =	shalt  }
0x3e: {  	_ =	shalt  }
0x3f: {  	_ =	shalt  }
0x40: {  	_ =	shalt  }
0x41: {  	_ =	shalt  }
0x42: {  	_ =	shalt  }
0x43: {  	_ =	shalt  }
0x44: {  	_ =	shalt  }
0x45: {  	_ =	shalt  }
0x46: {  	_ =	shalt  }
0x47: {  	_ =	shalt  }
0x48: {  	_ =	shalt  }
0x49: {  	_ =	shalt  }
0x4a: {  	_ =	shalt  }
0x4b: {  	_ =	shalt  }
0x4c: {  	_ =	shalt  }
0x4d: {  	_ =	shalt  }
0x4e: {  	_ =	shalt  }
0x4f: {  	_ =	shalt  }
0x50: {  	_ =	shalt  }
0x51: {  	_ =	shalt  }
0x52: {  	_ =	shalt  }
0x53: {  	_ =	shalt  }
0x54: {  	_ =	shalt  }
0x55: {  	_ =	shalt  }
0x56: {  	_ =	shalt  }
0x57: {  	_ =	shalt  }
0x58: {  	_ =	shalt  }
0x59: {  	_ =	shalt  }
0x5a: {  	_ =	shalt  }
0x5b: {  	_ =	shalt  }
0x5c: {  	_ =	shalt  }
0x5d: {  	_ =	shalt  }
0x5e: {  	_ =	shalt  }
0x5f: {  	_ =	shalt  }
0x60: {  	_ =	shalt  }
0x61: {  	_ =	shalt  }
0x62: {  	_ =	shalt  }
0x63: {  	_ =	shalt  }
0x64: {  	_ =	shalt  }
0x65: {  	_ =	shalt  }
0x66: {  	_ =	shalt  }
0x67: {  	_ =	shalt  }
0x68: {  	_ =	shalt  }
0x69: {  	_ =	shalt  }
0x6a: {  	_ =	shalt  }
0x6b: {  	_ =	shalt  }
0x6c: {  	_ =	shalt  }
0x6d: {  	_ =	shalt  }
0x6e: {  	_ =	shalt  }
0x6f: {  	_ =	shalt  }
0x70: {  	_ =	shalt  }
0x71: {  	_ =	shalt  }
0x72: {  	_ =	shalt  }
0x73: {  	_ =	shalt  }
0x74: {  	_ =	shalt  }
0x75: {  	_ =	shalt  }
0x76: {  	_ =	shalt  }
0x77: {  	_ =	shalt  }
0x78: {  	_ =	shalt  }
0x79: {  	_ =	shalt  }
0x7a: {  	_ =	shalt  }
0x7b: {  	_ =	shalt  }
0x7c: {  	_ =	shalt  }
0x7d: {  	_ =	shalt  }
0x7e: {  	_ =	shalt  }
0x7f: {  	_ =	shalt  }
0x80: {  	_ =	shalt  }
0x81: {  	_ =	shalt  }
0x82: {  	_ =	shalt  }
0x83: {  	_ =	shalt  }
0x84: {  	_ =	shalt  }
0x85: {  	_ =	shalt  }
0x86: {  	_ =	shalt  }
0x87: {  	_ =	shalt  }
.Lfunc_end0:
.L_simem_size_0:
called_computation.1_lowered:
.L_overlay_start_0:
0x88: {  	s2 =	sld [smem:$0x3FD9]  }
0x89: {  	s3 =	sld [smem:$0x3FFE];
	_ =	sdelay $0x1  }
0x8a: {  	s1 =	srdreg.scid  }
0x8b: {  	s0 =	sand.u32 $0x1, s1  }
0x8c: {  	s16 =	sshll.u32 s0, $0xA;
	s2 =	sadd.s32 s3, s2  }
0x8d: {  	s2 =	sadd.s32 s2, s16  }
0x8e: {  	[smem:$0x3FC5] =	sst s2  }
0x8f: {  	_ = 	snop  }
0x90: {  	(tm) =	ssettm $0x1  }
0x91: {  	s17 =	sld [smem:$0x3FFB];
	_ =	sdelay $0x3  }
0x92: {  	_ =	strace s17  }
0x93: {  	s2 =	sld [smem:$0x3FFC];
	_ =	sdelay $0x3  }
0x94: {  	_ =	strace s2  }
0x95: {  	s2 =	sld [smem:$0x3FFD];
	_ =	sdelay $0x3  }
0x96: {  	_ =	strace s2  }
0x97: {  	_ =	strace $0x8FFFFFFF  }
0x98: {  	s18 =	sld [smem:$0x3FDB];
	_ =	sdelay $0x1  }
0x99: {  	s19 =	simm.s32 $_scs_section_size  }
0x9a: {  	s4 =	simm.s32 $_size__tile_overlayer_lowered;
	s5 =	simm.s32 $_tile_overlayer_lowered  }
0x9b: {  	s22 =	simm.s32 $0x1BFF;
	s21 =	sshll.u32 s5, $0x1;
	s2 =	sadd.s32 s19, s18  }
0x9c: {  	s6 =	simm.s32 $0x0;
	s20 =	sshll.u32 s4, $0x1;
	s4 =	sadd.s32 s21, s2  }
0x9d: {  	[timem:s6], [sflag:s22] =	dma.local [hbm:s4], s20  }
0x9e: {  	_ =	swait.ge [sflag:s22], s20  }
0x9f: {  	s3 =	ssub.s32 $0x0, s20;
	[sflag:s22] =	ssyncset.done $0x0  }
0xa0: {  	[sflag:s22] =	ssyncadd.s32 s3;
	_ =	sdelay $0x1  }
0xa1: {  	s23 =	simm.s32 $0x1B8B  }
0xa2: {  	_ =	swait.ge [sflag:s23], $0x1  }
0xa3: {  	[sflag:s23] =	ssyncset.done $0x0  }
0xa4: {  	s25 =	simm.s32 $0x1B8E;
	s24 =	sld [smem:$0x3FFE];
	[sflag:s23] =	ssyncadd.s32 $0xFFFFFFFF  }
0xa5: {  	s26 =	simm.s32 $execute0_lowered;
	[smem:$0x3FD2] =	sst s25  }
0xa6: {  	s4 =	sshll.u32 s26, $0x1;
	_ =	strace $0x80000049;
	[dreg:$0x1] =	wrdreg $0xFFFFFFFF  }
0xa7: {  	s28 =	simm.s32 $_size_execute0_lowered;
	s2 =	sadd.s32 s2, s4;
	[dreg:$0x0] =	wrdreg $0x0  }
0xa8: {  	s4 =	sshll.u32 s28, $0x1;
	[dreg:$0x2] =	wrdreg s2  }
0xa9: {  	[dreg:$0x3] =	wrdreg s4  }
0xaa: {  	[dreg:$0x4] =	wrdreg $0xC0  }
0xab: {  	_ =	task [dreg:s6], $0x5FFFF  }
0xac: {  	[dreg:$0x1] =	wrdreg $0xFFFFFFFF  }
0xad: {  	[dreg:$0x0] =	wrdreg $0x60  }
0xae: {  	[dreg:$0x2] =	wrdreg s24  }
0xaf: {  	[dreg:$0x3] =	wrdreg $0x9  }
0xb0: {  	_ =	task.clear_ibuf [dreg:s6], $0x4FFFF;
	_ =	strace $0x90000049  }
0xb1: {  	s29 =	simm.s32 $0x9;
	_ =	strace $0x8000004B  }
0xb2: {  	_ =	swait.ge [sflag:s29], $0x1  }
0xb3: {  	[sflag:s29] =	ssyncadd.s32 $0xFFFFFFFF  }
0xb4: {  	_ =	strace $0x9000004B  }
0xb5: {  	_ =	sfence  }
0xb6: {  	s30 =	sld [smem:$0x0];
	_ =	sdelay $0x2  }
0xb7: {  	s31 =	sshll.u32 s1, $0xD;
	s1 =	sshrl.u32 s1, $0x2  }
0xb8: {  	s3 =	sand.u32 $0x4000, s31;
	s1 =	sadd.s32 s1, s30  }
0xb9: {  	s0 =	sor.u32 s3, s0;
	s1 =	sshll.u32 s1, $0x11  }
0xba: {  	s0 =	sor.u32 s1, s0  }
0xbb: {  	s0 =	sadd.s32 $0x8F2B, s0  }
0xbc: {  	[sflag:s0] =	ssyncadd.remote.s32 $0x1  }
0xbd: {  	_ =	sfence.sel $0xFFFF  }
0xbe: {  	[dreg:$0x0] =	wrdreg $0xFFFFFFFF;
	(pc) =	sbr.abs _section_cstart, $3  }
0xbf: {  	[dreg:$0x1] =	wrdreg $0xFFFFFFFF  }
0xc0: {  	_ =	task.clear_ibuf [dreg:s6], $0x2FFFF;
	_ =	strace $0x9FFFFFFF  }
0xc1: {  	(tm) =	ssettm $0x7FFFFFFF  }
tec
execute0_lowered:
.L_overlay_start_1:
0x0: {  	(tag) =	ssettag $0x1  }
0x1: {  	s0 =	rddreg [dreg:$0x0];
	s1 =	srdreg.scid;
	s2 =	simm.s32 $0x0  }
0x2: {  	s3 =	stileid.u32;
	s1 =	sand.u32 $0x1, s1;
	[smem:$0x7FF] =	sst s2  }
0x3: {  	s3 =	sshll.u32 s3, $0x10;
	s9 =	sadd.s32 $0x81600, s0;
	s4 =	sshll.u32 s1, $0xF  }
0x4: {  	s14 =	sadd.s32 $0xC1600, s0;
	s17 =	sadd.s32 $0x101600, s0;
	s3 =	sor.u32 s4, s3  }
0x5: {  	s18 =	sadd.s32 $0x141600, s0;
	s20 =	sadd.s32 $0x181600, s0;
	s7 =	sshrl.u32 s3, $0x3  }
0x6: {  	s21 =	sadd.s32 $0x1C1600, s0;
	_ =	strace $0x8000004A;
	s23 =	sadd.s32 s7, s9  }
0x7: {  	s1 =	ssub.s32 $0x2, s1;
	s26 =	sadd.s32 s7, s14;
	[dreg:$0x5] =	wrdreg s23  }
0x8: {  	s4 =	sadd.s32 $0x1600, s0;
	s11 =	sadd.s32 s7, s17;
	[dreg:$0x8] =	wrdreg s26  }
0x9: {  	s6 =	sshrl.u32 s1, $0x1;
	s12 =	sadd.s32 s7, s18;
	[dreg:$0x9] =	wrdreg s11  }
0xa: {  	s1 =	ssub.s32 s1, s6;
	s13 =	sadd.s32 s7, s20;
	[dreg:$0xa] =	wrdreg s12  }
0xb: {  	s6 =	sadd.s32 s4, s7;
	s15 =	sadd.s32 s7, s21;
	[dreg:$0xb] =	wrdreg s13  }
0xc: {  	s8 =	sadd.s32 $0x20000, s6;
	[dreg:$0xc] =	wrdreg s15  }
0xd: {  	s22 =	sadd.s32 $0x60000, s6;
	[dreg:$0x2] =	wrdreg s8  }
0xe: {  	s24 =	sadd.s32 $0xA0000, s6;
	[dreg:$0x4] =	wrdreg s22  }
0xf: {  	s25 =	sadd.s32 $0xE0000, s6;
	[dreg:$0x6] =	wrdreg s24  }
0x10: {  	s16 =	sadd.s32 $0x120000, s6;
	[dreg:$0x7] =	wrdreg s25  }
0x11: {  	s19 =	sadd.s32 $0x160000, s6;
	[dreg:$0xd] =	wrdreg s16  }
0x12: {  	s23 =	sadd.s32 $0x1E0000, s6;
	[dreg:$0xe] =	wrdreg s19  }
0x13: {  	s26 =	sadd.s32 $0x60080, s6;
	[dreg:$0x10] =	wrdreg s23  }
0x14: {  	s11 =	sadd.s32 $0xC0080, s6;
	[dreg:$0x13] =	wrdreg s26  }
0x15: {  	s12 =	sadd.s32 $0x100080, s6;
	[dreg:$0x16] =	wrdreg s11  }
0x16: {  	s15 =	sadd.s32 $0x120080, s6;
	[dreg:$0x17] =	wrdreg s12  }
0x17: {  	s31 =	simm.s32 $0x1;
	s22 =	sadd.s32 $0x1A0000, s6;
	[dreg:$0x18] =	wrdreg s15  }
0x18: {  	s5 =	sadd.s32 $0x201600, s0;
	s24 =	sadd.s32 $0x20080, s6;
	[dreg:$0xf] =	wrdreg s22  }
0x19: {  	s29 =	sor.u32 $0x800, s3;
	s25 =	sadd.s32 $0x40080, s6;
	[dreg:$0x11] =	wrdreg s24  }
0x1a: {  	s30 =	sor.u32 $0xC00, s3;
	s16 =	sadd.s32 $0x140080, s6;
	[dreg:$0x12] =	wrdreg s25  }
0x1b: {  	s13 =	sshll.u32 s3, $0x1;
	s19 =	smax.u32 s1, $0x1;
	[dreg:$0x19] =	wrdreg s16  }
0x1c: {  	s28 =	sadd.s32 $0x1E0080, s6;
	s23 =	sadd.s32 $0x180080, s6;
	[dreg:$0x1a] =	wrdreg s19  }
0x1d: {  	v0 =	vlaneseq.u32;
	s8 =	sadd.s32 $0x41600, s0;
	s26 =	sadd.s32 $0x1C0080, s6;
	[dreg:$0x1c] =	wrdreg s23  }
0x1e: {  	v0 =	vmul.u32 $0x10, v0;
	s12 =	sadd.s32 s5, s13;
	s10 =	sadd.s32 s7, s8;
	[dreg:$0x1f] =	wrdreg s26  }
0x1f: {  	s0 =	simm.s32 $0x8000;
	s7 =	sadd.s32 $0x80080, s6;
	[dreg:$0x3] =	wrdreg s10  }
0x20: {  	v1 =	vor.u32 $0x1, v0;
	v2 =	vor.u32 $0x2, v0;
	v3 =	vor.u32 $0x3, v0;
	s1 =	simm.s32 $0x2;
	s22 =	sadd.s32 $0x160080, s6;
	[dreg:$0x14] =	wrdreg s7  }
0x21: {  	v4 =	vor.u32 $0x4, v0;
	v5 =	vor.u32 $0x5, v0;
	v6 =	vor.u32 $0x6, v0;
	s11 =	simm.s32 $0x4;
	s24 =	sadd.s32 $0x80, s6;
	[dreg:$0x1b] =	wrdreg s22  }
0x22: {  	v7 =	vor.u32 $0x7, v0;
	v8 =	vor.u32 $0x8, v0;
	v9 =	vor.u32 $0x9, v0;
	s13 =	simm.s32 $0x0;
	s25 =	sadd.s32 $0x1A0080, s6;
	[dreg:$0x1d] =	wrdreg s24  }
0x23: {  	v10 =	vor.u32 $0xA, v0;
	v11 =	vor.u32 $0xB, v0;
	v12 =	vor.u32 $0xC, v0;
	s26 =	sadd.s32 $0xE0080, s6;
	s10 =	sadd.s32 $0xA0080, s6;
	[dreg:$0x1e] =	wrdreg s25  }
0x24: {  	v13 =	vor.u32 $0xD, v0;
	v14 =	vor.u32 $0xE, v0;
	v15 =	vor.u32 $0xF, v0;
	s7 =	simm.s32 $0xC000;
	[dreg:$0x15] =	wrdreg s10;
	s10 =	simm.s32 $0x3  }
.LBB2_1:
0x25: {  	[tilespmem:s2], [sflag:$0x1] =	stream.linear.gather [hbm4b:s6+s2], $0x400, $0x38;
	[tilespmem:$0x10000] =	vst v63  }
0x26: {  	s15 =	rddreg [dreg:$0x2];
	s16 =	simm.s32 $0x400  }
0x27: {  	[tilespmem:s16], [sflag:$0x1] =	stream.linear.gather [hbm4b:s15+s2], $0x400, $0x38;
	[tilespmem:$0x10000] =	vst v63  }
0x28: {  	s19 =	simm.s32 $0x800;
	s16 =	rddreg [dreg:$0x3]  }
0x29: {  	[tilespmem:s19], [sflag:$0x1] =	stream.linear.gather [hbm4b:s16+s2], $0x400, $0x38;
	[tilespmem:$0x10000] =	vst v63  }
0x2a: {  	s22 =	rddreg [dreg:$0x4];
	s23 =	simm.s32 $0xC00  }
0x2b: {  	[tilespmem:s23], [sflag:$0x1] =	stream.linear.gather [hbm4b:s22+s2], $0x400, $0x38;
	[tilespmem:$0x10000] =	vst v63  }
0x2c: {  	s24 =	rddreg [dreg:$0x5];
	s25 =	simm.s32 $0x1000  }
0x2d: {  	[tilespmem:s25], [sflag:$0x1] =	stream.linear.gather [hbm4b:s24+s2], $0x400, $0x38;
	[tilespmem:$0x10000] =	vst v63  }
0x2e: {  	s16 =	rddreg [dreg:$0x6];
	s19 =	simm.s32 $0x1400  }
0x2f: {  	[tilespmem:s19], [sflag:$0x1] =	stream.linear.gather [hbm4b:s16+s2], $0x400, $0x38;
	[tilespmem:$0x10000] =	vst v63  }
0x30: {  	s22 =	rddreg [dreg:$0x8];
	s23 =	simm.s32 $0x1800  }
0x31: {  	[tilespmem:s23], [sflag:$0x1] =	stream.linear.gather [hbm4b:s22+s2], $0x400, $0x38;
	[tilespmem:$0x10000] =	vst v63  }
0x32: {  	s24 =	rddreg [dreg:$0x7];
	s25 =	simm.s32 $0x1C00  }
0x33: {  	[tilespmem:s25], [sflag:$0x1] =	stream.linear.gather [hbm4b:s24+s2], $0x400, $0x38;
	[tilespmem:$0x10000] =	vst v63  }
0x34: {  	s16 =	rddreg [dreg:$0x9];
	s19 =	simm.s32 $0x2000  }
0x35: {  	[tilespmem:s19], [sflag:$0x1] =	stream.linear.gather [hbm4b:s16+s2], $0x400, $0x38;
	[tilespmem:$0x10000] =	vst v63  }
0x36: {  	s22 =	rddreg [dreg:$0xd];
	s23 =	simm.s32 $0x2400  }
0x37: {  	[tilespmem:s23], [sflag:$0x1] =	stream.linear.gather [hbm4b:s22+s2], $0x400, $0x38;
	[tilespmem:$0x10000] =	vst v63  }
0x38: {  	s24 =	rddreg [dreg:$0xa];
	s25 =	simm.s32 $0x2800  }
0x39: {  	[tilespmem:s25], [sflag:$0x1] =	stream.linear.gather [hbm4b:s24+s2], $0x400, $0x38;
	[tilespmem:$0x10000] =	vst v63  }
0x3a: {  	s16 =	rddreg [dreg:$0xe];
	s19 =	simm.s32 $0x2C00  }
0x3b: {  	[tilespmem:s19], [sflag:$0x1] =	stream.linear.gather [hbm4b:s16+s2], $0x400, $0x38;
	[tilespmem:$0x10000] =	vst v63  }
0x3c: {  	s22 =	rddreg [dreg:$0xb];
	s23 =	simm.s32 $0x3000  }
0x3d: {  	[tilespmem:s23], [sflag:$0x1] =	stream.linear.gather [hbm4b:s22+s2], $0x400, $0x38;
	[tilespmem:$0x10000] =	vst v63  }
0x3e: {  	s24 =	rddreg [dreg:$0xf];
	s25 =	simm.s32 $0x3400  }
0x3f: {  	[tilespmem:s25], [sflag:$0x1] =	stream.linear.gather [hbm4b:s24+s2], $0x400, $0x38;
	[tilespmem:$0x10000] =	vst v63  }
0x40: {  	s16 =	rddreg [dreg:$0xc];
	s19 =	simm.s32 $0x3800  }
0x41: {  	[tilespmem:s19], [sflag:$0x1] =	stream.linear.gather [hbm4b:s16+s2], $0x400, $0x38;
	[tilespmem:$0x10000] =	vst v63  }
0x42: {  	s22 =	rddreg [dreg:$0x10];
	s23 =	simm.s32 $0x3C00  }
0x43: {  	[tilespmem:s23], [sflag:$0x1] =	stream.linear.gather [hbm4b:s22+s2], $0x400, $0x38;
	[tilespmem:$0x10000] =	vst v63  }
0x44: {  	s24 =	rddreg [dreg:$0x1d];
	s25 =	simm.s32 $0x4000  }
0x45: {  	[tilespmem:s25], [sflag:$0x2] =	stream.linear.gather [hbm4b:s24+s2], $0x400, $0x38;
	[tilespmem:$0x10000] =	vst v63  }
0x46: {  	s16 =	rddreg [dreg:$0x11];
	s19 =	simm.s32 $0x4400  }
0x47: {  	[tilespmem:s19], [sflag:$0x2] =	stream.linear.gather [hbm4b:s16+s2], $0x400, $0x38;
	[tilespmem:$0x10000] =	vst v63  }
0x48: {  	s22 =	rddreg [dreg:$0x12];
	s23 =	simm.s32 $0x4800  }
0x49: {  	[tilespmem:s23], [sflag:$0x2] =	stream.linear.gather [hbm4b:s22+s2], $0x400, $0x38;
	[tilespmem:$0x10000] =	vst v63  }
0x4a: {  	s24 =	rddreg [dreg:$0x13];
	s25 =	simm.s32 $0x4C00  }
0x4b: {  	[tilespmem:s25], [sflag:$0x2] =	stream.linear.gather [hbm4b:s24+s2], $0x400, $0x38;
	[tilespmem:$0x10000] =	vst v63  }
0x4c: {  	s16 =	rddreg [dreg:$0x14];
	s19 =	simm.s32 $0x5000  }
0x4d: {  	[tilespmem:s19], [sflag:$0x2] =	stream.linear.gather [hbm4b:s16+s2], $0x400, $0x38;
	[tilespmem:$0x10000] =	vst v63  }
0x4e: {  	s22 =	rddreg [dreg:$0x15];
	s23 =	simm.s32 $0x5400  }
0x4f: {  	[tilespmem:s23], [sflag:$0x2] =	stream.linear.gather [hbm4b:s22+s2], $0x400, $0x38;
	[tilespmem:$0x10000] =	vst v63  }
0x50: {  	s24 =	rddreg [dreg:$0x16];
	s25 =	simm.s32 $0x5800  }
0x51: {  	[tilespmem:s25], [sflag:$0x2] =	stream.linear.gather [hbm4b:s24+s2], $0x400, $0x38;
	[tilespmem:$0x10000] =	vst v63  }
0x52: {  	s19 =	simm.s32 $0x5C00  }
0x53: {  	[tilespmem:s19], [sflag:$0x2] =	stream.linear.gather [hbm4b:s26+s2], $0x400, $0x38;
	[tilespmem:$0x10000] =	vst v63  }
0x54: {  	s22 =	rddreg [dreg:$0x17];
	s23 =	simm.s32 $0x6000  }
0x55: {  	[tilespmem:s23], [sflag:$0x2] =	stream.linear.gather [hbm4b:s22+s2], $0x400, $0x38;
	[tilespmem:$0x10000] =	vst v63  }
0x56: {  	s24 =	rddreg [dreg:$0x18];
	s25 =	simm.s32 $0x6400  }
0x57: {  	[tilespmem:s25], [sflag:$0x2] =	stream.linear.gather [hbm4b:s24+s2], $0x400, $0x38;
	[tilespmem:$0x10000] =	vst v63  }
0x58: {  	s16 =	rddreg [dreg:$0x19];
	s19 =	simm.s32 $0x6800  }
0x59: {  	[tilespmem:s19], [sflag:$0x2] =	stream.linear.gather [hbm4b:s16+s2], $0x400, $0x38;
	[tilespmem:$0x10000] =	vst v63  }
0x5a: {  	s22 =	rddreg [dreg:$0x1b];
	s23 =	simm.s32 $0x6C00  }
0x5b: {  	[tilespmem:s23], [sflag:$0x2] =	stream.linear.gather [hbm4b:s22+s2], $0x400, $0x38;
	[tilespmem:$0x10000] =	vst v63  }
0x5c: {  	s24 =	rddreg [dreg:$0x1c];
	s25 =	simm.s32 $0x7000  }
0x5d: {  	[tilespmem:s25], [sflag:$0x2] =	stream.linear.gather [hbm4b:s24+s2], $0x400, $0x38;
	[tilespmem:$0x10000] =	vst v63  }
0x5e: {  	s19 =	rddreg [dreg:$0x1e];
	s22 =	simm.s32 $0x7400  }
0x5f: {  	[tilespmem:s22], [sflag:$0x2] =	stream.linear.gather [hbm4b:s19+s2], $0x400, $0x38;
	[tilespmem:$0x10000] =	vst v63  }
0x60: {  	s23 =	rddreg [dreg:$0x1f];
	s24 =	simm.s32 $0x7800  }
0x61: {  	[tilespmem:s24], [sflag:$0x2] =	stream.linear.gather [hbm4b:s23+s2], $0x400, $0x38;
	[tilespmem:$0x10000] =	vst v63  }
0x62: {  	s15 =	simm.s32 $0x0;
	s25 =	simm.s32 $0x7C00  }
0x63: {  	[tilespmem:s25], [sflag:$0x2] =	stream.linear.gather [hbm4b:s28+s2], $0x400, $0x38;
	[tilespmem:$0x10000] =	vst v63  }
.LBB2_2:
0x64: {  	_ =	swait.ge [sflag:s31], $0x4000  }
0x65: {  	p1 =	seq.s32 s15, $0x0;
	[sflag:s31] =	ssyncset.done $0x0  }
0x66: {  	s16 =	simm.s32 @!p1 $0x3;
	[sflag:s31] =	ssyncadd.s32 $0xFFFFC000  }
0x67: {  	_ =	swait.ge @!p1 [sflag:s16], $0x4000  }
0x68: {  	[sflag:s16] =	ssyncset.done @!p1 $0x0  }
0x69: {  	s19 =	simm.s32 $0x2000;
	[sflag:s16] =	ssyncadd.s32 @!p1 $0xFFFFC000  }
0x6a: {  	s22 =	simm.s32 $0x0;
	s23 =	simm.s32 $0x400;
	s16 =	sshll.u32 s15, $0xB;
	v16 =	vld [tilespmem:s19+$0xFFFFE000]  }
.LBB2_3:
0x6b: {  	p0 =	sne.s32 s23, $0xFC00;
	_ =	sdelay $0x2  }
0x6c: {  	s24 =	sshra.s32 s22, $0x2;
	s22 =	smov.u32 s23  }
0x6d: {  	[tilespmem:v0+s24+$0x8000] =	vst.idx.msk $0xffff, v16  }
0x6e: {  	v16 =	vld [tilespmem:s19+$0xFFFFE400];
	_ =	sdelay $0x4  }
0x6f: {  	[tilespmem:v1+s24+$0x8000] =	vst.idx.msk $0xffff, v16  }
0x70: {  	v16 =	vld [tilespmem:s19+$0xFFFFE800];
	_ =	sdelay $0x4  }
0x71: {  	[tilespmem:v2+s24+$0x8000] =	vst.idx.msk $0xffff, v16  }
0x72: {  	v16 =	vld [tilespmem:s19+$0xFFFFEC00];
	_ =	sdelay $0x4  }
0x73: {  	[tilespmem:v3+s24+$0x8000] =	vst.idx.msk $0xffff, v16  }
0x74: {  	v16 =	vld [tilespmem:s19+$0xFFFFF000];
	_ =	sdelay $0x4  }
0x75: {  	[tilespmem:v4+s24+$0x8000] =	vst.idx.msk $0xffff, v16  }
0x76: {  	v16 =	vld [tilespmem:s19+$0xFFFFF400];
	_ =	sdelay $0x4  }
0x77: {  	[tilespmem:v5+s24+$0x8000] =	vst.idx.msk $0xffff, v16  }
0x78: {  	v16 =	vld [tilespmem:s19+$0xFFFFF800];
	_ =	sdelay $0x4  }
0x79: {  	[tilespmem:v6+s24+$0x8000] =	vst.idx.msk $0xffff, v16  }
0x7a: {  	v16 =	vld [tilespmem:s19+$0xFFFFFC00];
	_ =	sdelay $0x4  }
0x7b: {  	[tilespmem:v7+s24+$0x8000] =	vst.idx.msk $0xffff, v16  }
0x7c: {  	v16 =	vld [tilespmem:s19+$0x0];
	_ =	sdelay $0x4  }
0x7d: {  	[tilespmem:v8+s24+$0x8000] =	vst.idx.msk $0xffff, v16  }
0x7e: {  	v16 =	vld [tilespmem:s19+$0x400];
	_ =	sdelay $0x4  }
0x7f: {  	[tilespmem:v9+s24+$0x8000] =	vst.idx.msk $0xffff, v16  }
0x80: {  	v16 =	vld [tilespmem:s19+$0x800];
	_ =	sdelay $0x4  }
0x81: {  	[tilespmem:v10+s24+$0x8000] =	vst.idx.msk $0xffff, v16  }
0x82: {  	v16 =	vld [tilespmem:s19+$0xC00];
	_ =	sdelay $0x4  }
0x83: {  	[tilespmem:v11+s24+$0x8000] =	vst.idx.msk $0xffff, v16  }
0x84: {  	v16 =	vld [tilespmem:s19+$0x1000];
	_ =	sdelay $0x4  }
0x85: {  	[tilespmem:v12+s24+$0x8000] =	vst.idx.msk $0xffff, v16  }
0x86: {  	v16 =	vld [tilespmem:s19+$0x1400];
	_ =	sdelay $0x4  }
0x87: {  	[tilespmem:v13+s24+$0x8000] =	vst.idx.msk $0xffff, v16  }
0x88: {  	v16 =	vld [tilespmem:s19+$0x1800];
	_ =	sdelay $0x4  }
0x89: {  	[tilespmem:v14+s24+$0x8000] =	vst.idx.msk $0xffff, v16  }
0x8a: {  	v16 =	vld [tilespmem:s19+$0x1C00];
	_ =	sdelay $0x1  }
.Ltmp0:
0x8b: {  	(pc) =	sbr.rel @p0 .LBB2_3-.Ltmp0, $3  }
0x8c: {  	_ =	sdelay $0x1  }
0x8d: {  	s19 =	sadd.s32 $0x10, s19;
	[tilespmem:v15+s24+$0x8000] =	vst.idx.msk $0xffff, v16  }
0x8e: {  	s23 =	sadd.s32 $0x400, s23;
	v16 =	vld [tilespmem:s19+$0xFFFFE000]  }
0x8f: {  	_ =	sdelay $0x2  }
0x90: {  	s22 =	sshra.s32 s22, $0x2  }
0x91: {  	[tilespmem:v0+s22+$0x8000] =	vst.idx.msk $0xffff, v16  }
0x92: {  	v16 =	vld [tilespmem:s19+$0xFFFFE400];
	_ =	sdelay $0x4  }
0x93: {  	[tilespmem:v1+s22+$0x8000] =	vst.idx.msk $0xffff, v16  }
0x94: {  	v16 =	vld [tilespmem:s19+$0xFFFFE800];
	_ =	sdelay $0x4  }
0x95: {  	[tilespmem:v2+s22+$0x8000] =	vst.idx.msk $0xffff, v16  }
0x96: {  	v16 =	vld [tilespmem:s19+$0xFFFFEC00];
	_ =	sdelay $0x4  }
0x97: {  	[tilespmem:v3+s22+$0x8000] =	vst.idx.msk $0xffff, v16  }
0x98: {  	v16 =	vld [tilespmem:s19+$0xFFFFF000];
	_ =	sdelay $0x4  }
0x99: {  	[tilespmem:v4+s22+$0x8000] =	vst.idx.msk $0xffff, v16  }
0x9a: {  	v16 =	vld [tilespmem:s19+$0xFFFFF400];
	_ =	sdelay $0x4  }
0x9b: {  	[tilespmem:v5+s22+$0x8000] =	vst.idx.msk $0xffff, v16  }
0x9c: {  	v16 =	vld [tilespmem:s19+$0xFFFFF800];
	_ =	sdelay $0x4  }
0x9d: {  	[tilespmem:v6+s22+$0x8000] =	vst.idx.msk $0xffff, v16  }
0x9e: {  	v16 =	vld [tilespmem:s19+$0xFFFFFC00];
	_ =	sdelay $0x4  }
0x9f: {  	[tilespmem:v7+s22+$0x8000] =	vst.idx.msk $0xffff, v16  }
0xa0: {  	v16 =	vld [tilespmem:s19+$0x0];
	_ =	sdelay $0x4  }
0xa1: {  	[tilespmem:v8+s22+$0x8000] =	vst.idx.msk $0xffff, v16  }
0xa2: {  	v16 =	vld [tilespmem:s19+$0x400];
	_ =	sdelay $0x4  }
0xa3: {  	[tilespmem:v9+s22+$0x8000] =	vst.idx.msk $0xffff, v16  }
0xa4: {  	v16 =	vld [tilespmem:s19+$0x800];
	_ =	sdelay $0x4  }
0xa5: {  	[tilespmem:v10+s22+$0x8000] =	vst.idx.msk $0xffff, v16  }
0xa6: {  	v16 =	vld [tilespmem:s19+$0xC00];
	_ =	sdelay $0x4  }
0xa7: {  	[tilespmem:v11+s22+$0x8000] =	vst.idx.msk $0xffff, v16  }
0xa8: {  	v16 =	vld [tilespmem:s19+$0x1000];
	_ =	sdelay $0x4  }
0xa9: {  	[tilespmem:v12+s22+$0x8000] =	vst.idx.msk $0xffff, v16  }
0xaa: {  	v16 =	vld [tilespmem:s19+$0x1400];
	_ =	sdelay $0x4  }
0xab: {  	[tilespmem:v13+s22+$0x8000] =	vst.idx.msk $0xffff, v16  }
0xac: {  	v16 =	vld [tilespmem:s19+$0x1800];
	_ =	sdelay $0x4  }
0xad: {  	[tilespmem:v14+s22+$0x8000] =	vst.idx.msk $0xffff, v16  }
0xae: {  	v16 =	vld [tilespmem:s19+$0x1C00];
	_ =	sdelay $0x1  }
0xaf: {  	p0 =	seq.s32 s15, $0xF  }
0xb0: {  	s19 =	sadd.s32 @!p0 s16, s29  }
0xb1: {  	s19 =	sshrl.u32 @!p0 s19, $0x3  }
0xb2: {  	s23 =	simm.s32 @!p0 $0x0;
	[tilespmem:v15+s22+$0x8000] =	vst.idx.msk $0xffff, v16;
	s22 =	sadd.s32 @!p0 s4, s19  }
0xb3: {  	[tilespmem:s23], [sflag:$0x1] =	stream.linear.gather @!p0 [hbm4b:s22+s23], $0x400, $0x38;
	[tilespmem:$0x10000] =	vst v63  }
0xb4: {  	s25 =	simm.s32 @!p0 $0x400;
	s24 =	sadd.s32 @!p0 $0x20000, s22  }
0xb5: {  	[tilespmem:s25], [sflag:$0x1] =	stream.linear.gather @!p0 [hbm4b:s24+s23], $0x400, $0x38;
	[tilespmem:$0x10000] =	vst v63  }
0xb6: {  	s24 =	sadd.s32 @!p0 s19, s8;
	s25 =	simm.s32 @!p0 $0x800  }
0xb7: {  	[tilespmem:s25], [sflag:$0x1] =	stream.linear.gather @!p0 [hbm4b:s24+s23], $0x400, $0x38;
	[tilespmem:$0x10000] =	vst v63  }
0xb8: {  	s24 =	sadd.s32 @!p0 $0x60000, s22;
	s25 =	simm.s32 @!p0 $0xC00  }
0xb9: {  	[tilespmem:s25], [sflag:$0x1] =	stream.linear.gather @!p0 [hbm4b:s24+s23], $0x400, $0x38;
	[tilespmem:$0x10000] =	vst v63  }
0xba: {  	s24 =	sadd.s32 @!p0 s19, s9;
	s25 =	simm.s32 @!p0 $0x1000  }
0xbb: {  	[tilespmem:s25], [sflag:$0x1] =	stream.linear.gather @!p0 [hbm4b:s24+s23], $0x400, $0x38;
	[tilespmem:$0x10000] =	vst v63  }
0xbc: {  	s24 =	sadd.s32 @!p0 $0xA0000, s22;
	s25 =	simm.s32 @!p0 $0x1400  }
0xbd: {  	[tilespmem:s25], [sflag:$0x1] =	stream.linear.gather @!p0 [hbm4b:s24+s23], $0x400, $0x38;
	[tilespmem:$0x10000] =	vst v63  }
0xbe: {  	s24 =	sadd.s32 @!p0 s19, s14;
	s25 =	simm.s32 @!p0 $0x1800  }
0xbf: {  	[tilespmem:s25], [sflag:$0x1] =	stream.linear.gather @!p0 [hbm4b:s24+s23], $0x400, $0x38;
	[tilespmem:$0x10000] =	vst v63  }
0xc0: {  	s24 =	sadd.s32 @!p0 $0xE0000, s22;
	s25 =	simm.s32 @!p0 $0x1C00  }
0xc1: {  	[tilespmem:s25], [sflag:$0x1] =	stream.linear.gather @!p0 [hbm4b:s24+s23], $0x400, $0x38;
	[tilespmem:$0x10000] =	vst v63  }
0xc2: {  	s24 =	sadd.s32 @!p0 s19, s17;
	s25 =	simm.s32 @!p0 $0x2000  }
0xc3: {  	[tilespmem:s25], [sflag:$0x1] =	stream.linear.gather @!p0 [hbm4b:s24+s23], $0x400, $0x38;
	[tilespmem:$0x10000] =	vst v63  }
0xc4: {  	s24 =	sadd.s32 @!p0 $0x120000, s22;
	s25 =	simm.s32 @!p0 $0x2400  }
0xc5: {  	[tilespmem:s25], [sflag:$0x1] =	stream.linear.gather @!p0 [hbm4b:s24+s23], $0x400, $0x38;
	[tilespmem:$0x10000] =	vst v63  }
0xc6: {  	s24 =	sadd.s32 @!p0 s19, s18;
	s25 =	simm.s32 @!p0 $0x2800  }
0xc7: {  	[tilespmem:s25], [sflag:$0x1] =	stream.linear.gather @!p0 [hbm4b:s24+s23], $0x400, $0x38;
	[tilespmem:$0x10000] =	vst v63  }
0xc8: {  	s24 =	sadd.s32 @!p0 $0x160000, s22;
	s25 =	simm.s32 @!p0 $0x2C00  }
0xc9: {  	[tilespmem:s25], [sflag:$0x1] =	stream.linear.gather @!p0 [hbm4b:s24+s23], $0x400, $0x38;
	[tilespmem:$0x10000] =	vst v63  }
0xca: {  	s24 =	sadd.s32 @!p0 s19, s20;
	s25 =	simm.s32 @!p0 $0x3000  }
0xcb: {  	[tilespmem:s25], [sflag:$0x1] =	stream.linear.gather @!p0 [hbm4b:s24+s23], $0x400, $0x38;
	[tilespmem:$0x10000] =	vst v63  }
0xcc: {  	s24 =	sadd.s32 @!p0 $0x1A0000, s22;
	s25 =	simm.s32 @!p0 $0x3400  }
0xcd: {  	[tilespmem:s25], [sflag:$0x1] =	stream.linear.gather @!p0 [hbm4b:s24+s23], $0x400, $0x38;
	[tilespmem:$0x10000] =	vst v63  }
0xce: {  	s19 =	sadd.s32 @!p0 s19, s21;
	s24 =	simm.s32 @!p0 $0x3800  }
0xcf: {  	[tilespmem:s24], [sflag:$0x1] =	stream.linear.gather @!p0 [hbm4b:s19+s23], $0x400, $0x38;
	[tilespmem:$0x10000] =	vst v63  }
0xd0: {  	s19 =	sadd.s32 @!p0 $0x1E0000, s22;
	s22 =	simm.s32 @!p0 $0x3C00;
	s24 =	sshll.u32 s15, $0xC  }
0xd1: {  	[tilespmem:s22], [sflag:$0x1] =	stream.linear.gather @!p0 [hbm4b:s19+s23], $0x400, $0x38;
	[tilespmem:$0x10000] =	vst v63  }
0xd2: {  	s19 =	sadd.s32 s24, s12  }
0xd3: {  	[hbm4b:s19+s2] =	stream.linear.scatter [tilespmem:s0], [sflag:$0x3], $0x4000, $0x38;
	[tilespmem:$0x10000] =	vst v63  }
0xd4: {  	_ =	swait.ge [sflag:s1], $0x4000  }
0xd5: {  	[sflag:s1] =	ssyncset.done $0x0  }
0xd6: {  	s19 =	simm.s32 @!p1 $0x4;
	[sflag:s1] =	ssyncadd.s32 $0xFFFFC000  }
0xd7: {  	_ =	swait.ge @!p1 [sflag:s19], $0x4000  }
0xd8: {  	[sflag:s19] =	ssyncset.done @!p1 $0x0  }
0xd9: {  	s25 =	simm.s32 $0x0;
	[sflag:s19] =	ssyncadd.s32 @!p1 $0xFFFFC000  }
0xda: {  	v16 =	vld [tilespmem:s25+$0x4000];
	_ =	sdelay $0x3  }
0xdb: {  	s19 =	simm.s32 $0xC000  }
0xdc: {  	[tilespmem:v0+s19+$0x0] =	vst.idx.msk $0xffff, v16  }
0xdd: {  	v16 =	vld [tilespmem:s25+$0x4400];
	_ =	sdelay $0x4  }
0xde: {  	[tilespmem:v1+s19+$0x0] =	vst.idx.msk $0xffff, v16  }
0xdf: {  	v16 =	vld [tilespmem:s25+$0x4800];
	_ =	sdelay $0x4  }
0xe0: {  	[tilespmem:v2+s19+$0x0] =	vst.idx.msk $0xffff, v16  }
0xe1: {  	v16 =	vld [tilespmem:s25+$0x4C00];
	_ =	sdelay $0x4  }
0xe2: {  	[tilespmem:v3+s19+$0x0] =	vst.idx.msk $0xffff, v16  }
0xe3: {  	v16 =	vld [tilespmem:s25+$0x5000];
	_ =	sdelay $0x4  }
0xe4: {  	[tilespmem:v4+s19+$0x0] =	vst.idx.msk $0xffff, v16  }
0xe5: {  	v16 =	vld [tilespmem:s25+$0x5400];
	_ =	sdelay $0x4  }
0xe6: {  	[tilespmem:v5+s19+$0x0] =	vst.idx.msk $0xffff, v16  }
0xe7: {  	v16 =	vld [tilespmem:s25+$0x5800];
	_ =	sdelay $0x4  }
0xe8: {  	[tilespmem:v6+s19+$0x0] =	vst.idx.msk $0xffff, v16  }
0xe9: {  	v16 =	vld [tilespmem:s25+$0x5C00];
	_ =	sdelay $0x4  }
0xea: {  	[tilespmem:v7+s19+$0x0] =	vst.idx.msk $0xffff, v16  }
0xeb: {  	v16 =	vld [tilespmem:s25+$0x6000];
	_ =	sdelay $0x4  }
0xec: {  	[tilespmem:v8+s19+$0x0] =	vst.idx.msk $0xffff, v16  }
0xed: {  	v16 =	vld [tilespmem:s25+$0x6400];
	_ =	sdelay $0x4  }
0xee: {  	[tilespmem:v9+s19+$0x0] =	vst.idx.msk $0xffff, v16  }
0xef: {  	v16 =	vld [tilespmem:s25+$0x6800];
	_ =	sdelay $0x4  }
0xf0: {  	[tilespmem:v10+s19+$0x0] =	vst.idx.msk $0xffff, v16  }
0xf1: {  	v16 =	vld [tilespmem:s25+$0x6C00];
	_ =	sdelay $0x4  }
0xf2: {  	[tilespmem:v11+s19+$0x0] =	vst.idx.msk $0xffff, v16  }
0xf3: {  	v16 =	vld [tilespmem:s25+$0x7000];
	_ =	sdelay $0x4  }
0xf4: {  	[tilespmem:v12+s19+$0x0] =	vst.idx.msk $0xffff, v16  }
0xf5: {  	v16 =	vld [tilespmem:s25+$0x7400];
	_ =	sdelay $0x4  }
0xf6: {  	[tilespmem:v13+s19+$0x0] =	vst.idx.msk $0xffff, v16  }
0xf7: {  	v16 =	vld [tilespmem:s25+$0x7800];
	_ =	sdelay $0x4  }
0xf8: {  	[tilespmem:v14+s19+$0x0] =	vst.idx.msk $0xffff, v16  }
0xf9: {  	v16 =	vld [tilespmem:s25+$0x7C00];
	_ =	sdelay $0x4  }
0xfa: {  	s22 =	simm.s32 $0x10;
	s23 =	simm.s32 $0x80;
	[tilespmem:v15+s19+$0x0] =	vst.idx.msk $0xffff, v16  }
.LBB2_5:
0xfb: {  	p1 =	sne.s32 s23, $0xFC0;
	v16 =	vld [tilespmem:s22+$0x4000];
	_ =	sdelay $0x3  }
0xfc: {  	s19 =	sadd.s32 $0x100, s19  }
0xfd: {  	[tilespmem:v0+s19+$0x0] =	vst.idx.msk $0xffff, v16  }
0xfe: {  	v16 =	vld [tilespmem:s22+$0x4400];
	_ =	sdelay $0x4  }
0xff: {  	[tilespmem:v1+s19+$0x0] =	vst.idx.msk $0xffff, v16  }
0x100: {  	v16 =	vld [tilespmem:s22+$0x4800];
	_ =	sdelay $0x4  }
0x101: {  	[tilespmem:v2+s19+$0x0] =	vst.idx.msk $0xffff, v16  }
0x102: {  	v16 =	vld [tilespmem:s22+$0x4C00];
	_ =	sdelay $0x4  }
0x103: {  	[tilespmem:v3+s19+$0x0] =	vst.idx.msk $0xffff, v16  }
0x104: {  	v16 =	vld [tilespmem:s22+$0x5000];
	_ =	sdelay $0x4  }
0x105: {  	[tilespmem:v4+s19+$0x0] =	vst.idx.msk $0xffff, v16  }
0x106: {  	v16 =	vld [tilespmem:s22+$0x5400];
	_ =	sdelay $0x4  }
0x107: {  	[tilespmem:v5+s19+$0x0] =	vst.idx.msk $0xffff, v16  }
0x108: {  	v16 =	vld [tilespmem:s22+$0x5800];
	_ =	sdelay $0x4  }
0x109: {  	[tilespmem:v6+s19+$0x0] =	vst.idx.msk $0xffff, v16  }
0x10a: {  	v16 =	vld [tilespmem:s22+$0x5C00];
	_ =	sdelay $0x4  }
0x10b: {  	[tilespmem:v7+s19+$0x0] =	vst.idx.msk $0xffff, v16  }
0x10c: {  	v16 =	vld [tilespmem:s22+$0x6000];
	_ =	sdelay $0x4  }
0x10d: {  	[tilespmem:v8+s19+$0x0] =	vst.idx.msk $0xffff, v16  }
0x10e: {  	v16 =	vld [tilespmem:s22+$0x6400];
	_ =	sdelay $0x4  }
0x10f: {  	[tilespmem:v9+s19+$0x0] =	vst.idx.msk $0xffff, v16  }
0x110: {  	v16 =	vld [tilespmem:s22+$0x6800];
	_ =	sdelay $0x4  }
0x111: {  	[tilespmem:v10+s19+$0x0] =	vst.idx.msk $0xffff, v16  }
0x112: {  	v16 =	vld [tilespmem:s22+$0x6C00];
	_ =	sdelay $0x4  }
0x113: {  	[tilespmem:v11+s19+$0x0] =	vst.idx.msk $0xffff, v16  }
0x114: {  	v16 =	vld [tilespmem:s22+$0x7000];
	_ =	sdelay $0x4  }
0x115: {  	[tilespmem:v12+s19+$0x0] =	vst.idx.msk $0xffff, v16  }
0x116: {  	v16 =	vld [tilespmem:s22+$0x7400];
	_ =	sdelay $0x4  }
0x117: {  	[tilespmem:v13+s19+$0x0] =	vst.idx.msk $0xffff, v16  }
0x118: {  	v16 =	vld [tilespmem:s22+$0x7800];
	_ =	sdelay $0x4  }
0x119: {  	[tilespmem:v14+s19+$0x0] =	vst.idx.msk $0xffff, v16  }
0x11a: {  	v16 =	vld [tilespmem:s22+$0x7C00]  }
.Ltmp1:
0x11b: {  	(pc) =	sbr.rel @p1 .LBB2_5-.Ltmp1, $2  }
0x11c: {  	_ =	sdelay $0x2  }
0x11d: {  	s22 =	sshra.s32 s23, $0x2;
	s23 =	sadd.s32 $0x40, s23;
	[tilespmem:v15+s19+$0x0] =	vst.idx.msk $0xffff, v16  }
0x11e: {  	v16 =	vld [tilespmem:s22+$0x4000];
	_ =	sdelay $0x3  }
0x11f: {  	s19 =	sadd.s32 $0x100, s19  }
0x120: {  	[tilespmem:v0+s19+$0x0] =	vst.idx.msk $0xffff, v16  }
0x121: {  	v16 =	vld [tilespmem:s22+$0x4400];
	_ =	sdelay $0x4  }
0x122: {  	[tilespmem:v1+s19+$0x0] =	vst.idx.msk $0xffff, v16  }
0x123: {  	v16 =	vld [tilespmem:s22+$0x4800];
	_ =	sdelay $0x4  }
0x124: {  	[tilespmem:v2+s19+$0x0] =	vst.idx.msk $0xffff, v16  }
0x125: {  	v16 =	vld [tilespmem:s22+$0x4C00];
	_ =	sdelay $0x4  }
0x126: {  	[tilespmem:v3+s19+$0x0] =	vst.idx.msk $0xffff, v16  }
0x127: {  	v16 =	vld [tilespmem:s22+$0x5000];
	_ =	sdelay $0x4  }
0x128: {  	[tilespmem:v4+s19+$0x0] =	vst.idx.msk $0xffff, v16  }
0x129: {  	v16 =	vld [tilespmem:s22+$0x5400];
	_ =	sdelay $0x4  }
0x12a: {  	[tilespmem:v5+s19+$0x0] =	vst.idx.msk $0xffff, v16  }
0x12b: {  	v16 =	vld [tilespmem:s22+$0x5800];
	_ =	sdelay $0x4  }
0x12c: {  	[tilespmem:v6+s19+$0x0] =	vst.idx.msk $0xffff, v16  }
0x12d: {  	v16 =	vld [tilespmem:s22+$0x5C00];
	_ =	sdelay $0x4  }
0x12e: {  	[tilespmem:v7+s19+$0x0] =	vst.idx.msk $0xffff, v16  }
0x12f: {  	v16 =	vld [tilespmem:s22+$0x6000];
	_ =	sdelay $0x4  }
0x130: {  	[tilespmem:v8+s19+$0x0] =	vst.idx.msk $0xffff, v16  }
0x131: {  	v16 =	vld [tilespmem:s22+$0x6400];
	_ =	sdelay $0x4  }
0x132: {  	[tilespmem:v9+s19+$0x0] =	vst.idx.msk $0xffff, v16  }
0x133: {  	v16 =	vld [tilespmem:s22+$0x6800];
	_ =	sdelay $0x4  }
0x134: {  	[tilespmem:v10+s19+$0x0] =	vst.idx.msk $0xffff, v16  }
0x135: {  	v16 =	vld [tilespmem:s22+$0x6C00];
	_ =	sdelay $0x4  }
0x136: {  	[tilespmem:v11+s19+$0x0] =	vst.idx.msk $0xffff, v16  }
0x137: {  	v16 =	vld [tilespmem:s22+$0x7000];
	_ =	sdelay $0x4  }
0x138: {  	[tilespmem:v12+s19+$0x0] =	vst.idx.msk $0xffff, v16  }
0x139: {  	v16 =	vld [tilespmem:s22+$0x7400];
	_ =	sdelay $0x4  }
0x13a: {  	[tilespmem:v13+s19+$0x0] =	vst.idx.msk $0xffff, v16  }
0x13b: {  	v16 =	vld [tilespmem:s22+$0x7800];
	_ =	sdelay $0x4  }
0x13c: {  	[tilespmem:v14+s19+$0x0] =	vst.idx.msk $0xffff, v16  }
0x13d: {  	v16 =	vld [tilespmem:s22+$0x7C00];
	_ =	sdelay $0x2  }
0x13e: {  	s22 =	sadd.s32 @!p0 s16, s30  }
0x13f: {  	s22 =	sshrl.u32 @!p0 s22, $0x3  }
0x140: {  	s23 =	simm.s32 @!p0 $0x0;
	s24 =	simm.s32 @!p0 $0x4000;
	[tilespmem:v15+s19+$0x0] =	vst.idx.msk $0xffff, v16;
	s19 =	sadd.s32 @!p0 s4, s22  }
0x141: {  	[tilespmem:s24], [sflag:$0x2] =	stream.linear.gather @!p0 [hbm4b:s19+s23], $0x400, $0x38;
	[tilespmem:$0x10000] =	vst v63  }
0x142: {  	s25 =	simm.s32 @!p0 $0x4400;
	s24 =	sadd.s32 @!p0 $0x20000, s19  }
0x143: {  	[tilespmem:s25], [sflag:$0x2] =	stream.linear.gather @!p0 [hbm4b:s24+s23], $0x400, $0x38;
	[tilespmem:$0x10000] =	vst v63  }
0x144: {  	s24 =	sadd.s32 @!p0 s22, s8;
	s25 =	simm.s32 @!p0 $0x4800  }
0x145: {  	[tilespmem:s25], [sflag:$0x2] =	stream.linear.gather @!p0 [hbm4b:s24+s23], $0x400, $0x38;
	[tilespmem:$0x10000] =	vst v63  }
0x146: {  	s24 =	sadd.s32 @!p0 $0x60000, s19;
	s25 =	simm.s32 @!p0 $0x4C00  }
0x147: {  	[tilespmem:s25], [sflag:$0x2] =	stream.linear.gather @!p0 [hbm4b:s24+s23], $0x400, $0x38;
	[tilespmem:$0x10000] =	vst v63  }
0x148: {  	s24 =	sadd.s32 @!p0 s22, s9;
	s25 =	simm.s32 @!p0 $0x5000  }
0x149: {  	[tilespmem:s25], [sflag:$0x2] =	stream.linear.gather @!p0 [hbm4b:s24+s23], $0x400, $0x38;
	[tilespmem:$0x10000] =	vst v63  }
0x14a: {  	s24 =	sadd.s32 @!p0 $0xA0000, s19;
	s25 =	simm.s32 @!p0 $0x5400  }
0x14b: {  	[tilespmem:s25], [sflag:$0x2] =	stream.linear.gather @!p0 [hbm4b:s24+s23], $0x400, $0x38;
	[tilespmem:$0x10000] =	vst v63  }
0x14c: {  	s24 =	sadd.s32 @!p0 s22, s14;
	s25 =	simm.s32 @!p0 $0x5800  }
0x14d: {  	[tilespmem:s25], [sflag:$0x2] =	stream.linear.gather @!p0 [hbm4b:s24+s23], $0x400, $0x38;
	[tilespmem:$0x10000] =	vst v63  }
0x14e: {  	s24 =	sadd.s32 @!p0 $0xE0000, s19;
	s25 =	simm.s32 @!p0 $0x5C00  }
0x14f: {  	[tilespmem:s25], [sflag:$0x2] =	stream.linear.gather @!p0 [hbm4b:s24+s23], $0x400, $0x38;
	[tilespmem:$0x10000] =	vst v63  }
0x150: {  	s24 =	sadd.s32 @!p0 s22, s17;
	s25 =	simm.s32 @!p0 $0x6000  }
0x151: {  	[tilespmem:s25], [sflag:$0x2] =	stream.linear.gather @!p0 [hbm4b:s24+s23], $0x400, $0x38;
	[tilespmem:$0x10000] =	vst v63  }
0x152: {  	s24 =	sadd.s32 @!p0 $0x120000, s19;
	s25 =	simm.s32 @!p0 $0x6400  }
0x153: {  	[tilespmem:s25], [sflag:$0x2] =	stream.linear.gather @!p0 [hbm4b:s24+s23], $0x400, $0x38;
	[tilespmem:$0x10000] =	vst v63  }
0x154: {  	s24 =	sadd.s32 @!p0 s22, s18;
	s25 =	simm.s32 @!p0 $0x6800  }
0x155: {  	[tilespmem:s25], [sflag:$0x2] =	stream.linear.gather @!p0 [hbm4b:s24+s23], $0x400, $0x38;
	[tilespmem:$0x10000] =	vst v63  }
0x156: {  	s24 =	sadd.s32 @!p0 $0x160000, s19;
	s25 =	simm.s32 @!p0 $0x6C00  }
0x157: {  	[tilespmem:s25], [sflag:$0x2] =	stream.linear.gather @!p0 [hbm4b:s24+s23], $0x400, $0x38;
	[tilespmem:$0x10000] =	vst v63  }
0x158: {  	s24 =	sadd.s32 @!p0 s22, s20;
	s25 =	simm.s32 @!p0 $0x7000  }
0x159: {  	[tilespmem:s25], [sflag:$0x2] =	stream.linear.gather @!p0 [hbm4b:s24+s23], $0x400, $0x38;
	[tilespmem:$0x10000] =	vst v63  }
0x15a: {  	s24 =	sadd.s32 @!p0 $0x1A0000, s19;
	s25 =	simm.s32 @!p0 $0x7400  }
0x15b: {  	[tilespmem:s25], [sflag:$0x2] =	stream.linear.gather @!p0 [hbm4b:s24+s23], $0x400, $0x38;
	[tilespmem:$0x10000] =	vst v63  }
0x15c: {  	s22 =	sadd.s32 @!p0 s22, s21;
	s24 =	simm.s32 @!p0 $0x7800  }
0x15d: {  	[tilespmem:s24], [sflag:$0x2] =	stream.linear.gather @!p0 [hbm4b:s22+s23], $0x400, $0x38;
	[tilespmem:$0x10000] =	vst v63  }
0x15e: {  	s15 =	sadd.s32 $0x1, s15;
	s19 =	sadd.s32 @!p0 $0x1E0000, s19;
	s22 =	simm.s32 @!p0 $0x7C00  }
0x15f: {  	[tilespmem:s22], [sflag:$0x2] =	stream.linear.gather @!p0 [hbm4b:s19+s23], $0x400, $0x38;
	[tilespmem:$0x10000] =	vst v63  }
0x160: {  	p0 =	sne.s32 s15, $0x10  }
.Ltmp2:
0x161: {  	s25 =	sadd.s32 s16, s3;
	(pc) =	sbr.rel @p0 .LBB2_2-.Ltmp2, $4  }
0x162: {  	s16 =	sshll.u32 s25, $0x1  }
0x163: {  	s16 =	sadd.s32 s5, s16  }
0x164: {  	s16 =	sadd.s32 $0x800, s16  }
0x165: {  	[hbm4b:s16+s2] =	stream.linear.scatter [tilespmem:s7], [sflag:$0x4], $0x4000, $0x38;
	[tilespmem:$0x10000] =	vst v63  }
0x166: {  	_ =	swait.ge [sflag:s10], $0x4000  }
0x167: {  	[sflag:s10] =	ssyncset.done $0x0  }
0x168: {  	[sflag:s10] =	ssyncadd.s32 $0xFFFFC000  }
0x169: {  	_ =	swait.ge [sflag:s11], $0x4000  }
0x16a: {  	s13 =	sadd.s32 $0x1, s13;
	s15 =	rddreg [dreg:$0x1a]  }
0x16b: {  	p0 =	sne.s32 s13, s15  }
.Ltmp3:
0x16c: {  	_ = 	snop;
	(pc) =	sbr.rel @p0 .LBB2_1-.Ltmp3, $3  }
0x16d: {  	_ =	sdelay $0x1  }
0x16e: {  	[sflag:s11] =	ssyncset.done $0x0  }
0x16f: {  	[sflag:s11] =	ssyncadd.s32 $0xFFFFC000  }
0x170: {  	_ =	sfence.sel $0x180000  }
0x171: {  	[bflag:$0x0] =	sbarrier.arrive $0xFFFF  }
0x172: {  	_ =	strace $0x9000004A  }
0x173: {  	s0 =	stileid.u32;
	[bflag:$0x2] =	sbarrier.arrive $0xFFFF  }
0x174: {  	p0 =	sne.s32 s0, $0x0;
	s0 =	rddreg [dreg:$0x1]  }
0x175: {  	s0 =	sadd.s32 @!p0 $0x100000, s0  }
0x176: {  	[sflag:s0] =	ssyncadd.tile.s32 @!p0 $0x1;
	_ =	shalt  }
.Lfunc_end2:
_tile_overlayer_lowered:
.L_overlay_start_2:
0x177: {  	(tag) =	ssettag $0x2  }
0x178: {  	s0 =	rddreg [dreg:$0x0];
	s2 =	stileid.u32  }
0x179: {  	s1 =	rddreg [dreg:$0x1];
	p0 =	sne.s32 s2, $0x0  }
0x17a: {  	s3 =	rddreg [dreg:$0x2];
	[bflag:$0x3] =	sbarrier.arrive $0xFFFF;
	s2 =	simm.s32 @!p0 $0x1C05  }
0x17b: {  	[timem:s3], [sflag:s2] =	dma.local @!p0 [hbm:s0], s1  }
0x17c: {  	s0 =	simm.s32 @!p0 $0x5  }
0x17d: {  	_ =	swait.ge @!p0 [sflag:s0], s1  }
0x17e: {  	s1 =	ssub.s32 @!p0 $0x0, s1;
	[sflag:s0] =	ssyncset.done @!p0 $0x0  }
0x17f: {  	[sflag:s0] =	ssyncadd.s32 @!p0 s1  }
0x180: {  	[bflag:$0x3] =	sbarrier.arrive $0xFFFF  }
0x181: {  	_ =	shalt  }

// kernel: kernel.8.cloned.1.call-start
scs
__scs_entry_jumppad:
0x0: {  	(pc) =	sbr.rel $0x88, $3  }
0x1: {  	(tag) =	ssettag $0x0;
	lr =	simm.s32 $0x1  }
0x2: {  	[smem:$0x3F9E] =	sst lr;
	_ =	strace $0xD0000000  }
0x3: {  	_ = 	snop  }
0x4: {  	_ = 	snop  }
0x5: {  	_ = 	snop  }
0x6: {  	_ = 	snop  }
0x7: {  	_ = 	snop  }
__scs_overlays_trampoline_lowered:
0x8: {  	[smem:$0x3FAD] =	sst s0  }
0x9: {  	[smem:$0x3FAE] =	sst s1  }
0xa: {  	[smem:$0x3FAF] =	sst s2  }
0xb: {  	[smem:$0x3FB0] =	sst s3  }
0xc: {  	[smem:$0x3FB1] =	sst s4  }
0xd: {  	[smem:$0x3FB2] =	sst s5  }
0xe: {  	[smem:$0x3FB3] =	sst s6  }
0xf: {  	[smem:$0x3FB4] =	sst s7  }
0x10: {  	[smem:$0x3FB5] =	sst s8  }
0x11: {  	[smem:$0x3FB6] =	sst s9;
	s0 =	simm.s32 @!p0 $0x0  }
0x12: {  	s1 =	sld [smem:$0x3F9C];
	s0 =	simm.s32 @p0 $0x1  }
0x13: {  	[smem:$0x3FB7] =	sst s0;
	s0 =	simm.s32 @!p1 $0x0  }
0x14: {  	s2 =	sld [smem:$0x3F9B];
	s0 =	simm.s32 @p1 $0x1  }
0x15: {  	[smem:$0x3FB8] =	sst s0;
	s0 =	simm.s32 @!p2 $0x0  }
0x16: {  	s3 =	sld [smem:$0x3FDB];
	s0 =	simm.s32 @p2 $0x1  }
0x17: {  	s4 =	simm.s32 $0x1BF5;
	[smem:$0x3FBA] =	sst s0  }
0x18: {  	s0 =	sld [smem:$0x3F9D];
	_ =	swait.ge [sflag:s4], $0x0  }
0x19: {  	s7 =	sld [smem:$0x3F9E]  }
0x1a: {  	s8 =	sadd.s32 $0xFFFFE003, lr  }
0x1b: {  	s9 =	sadd.s32 $0xFFFFFEF7, lr;
	s5 =	simm.s32 $0xFFFFFFFF;
	p2 =	slt.u32 s8, $0xFFFFF086  }
0x1c: {  	p1 =	slt.u32 s9, $0xF7A;
	s5 =	simm.s32 @!p2 $0x0  }
0x1d: {  	s5 =	simm.s32 @p1 $0x1;
	p0 =	seq.s32 s7, s2  }
0x1e: {  	s7 =	smul.u32 @!p0 $0xF7A, s2;
	p2 =	seq.s32 @!p0 s5, $0x0  }
0x1f: {  	s9 =	smul.u32 $0xF7A, s1;
	s8 =	simm.s32 @!p0 $0x1BF5;
	p2 =	por !p2, p0  }
0x20: {  	[sflag:s8] =	ssyncset.s32 @!p0 $0xFFFFF086;
	s6 =	sadd.s32 @!p0 s3, s7;
	s7 =	simm.s32 @!p0 $0x108  }
0x21: {  	s3 =	sadd.s32 s3, s9;
	s6 =	sadd.s32 @!p0 $0x88, s6;
	s7 =	simm.s32 @p2 $0x1082  }
0x22: {  	[simem:s7], [sflag:s8] =	dma.local @!p0 [hbm:s6], $0xF7A  }
0x23: {  	s9 =	sor.u32 $0xD0000000, s2;
	s6 =	simm.s32 $0x108;
	_ =	swait.ge @!p0 [sflag:s8], $0x0  }
0x24: {  	s3 =	sadd.s32 $0x88, s3;
	s6 =	simm.s32 @!p1 $0x1082;
	[sflag:s4] =	ssyncset.s32 $0xFFFFF086  }
0x25: {  	[simem:s6], [sflag:s4] =	dma.local [hbm:s3], $0xF7A  }
0x26: {  	[smem:$0x3F9E] =	sst s1;
	(tag) =	ssettag s2;
	_ =	strace s9  }
0x27: {  	s1 =	sld [smem:$0x3FAE]  }
0x28: {  	s2 =	sld [smem:$0x3FAF]  }
0x29: {  	s4 =	sld [smem:$0x3FB1]  }
0x2a: {  	p0 =	seq.s32 s5, $0x0;
	s5 =	sld [smem:$0x3FB2]  }
0x2b: {  	s6 =	sld [smem:$0x3FB3]  }
0x2c: {  	s7 =	sld [smem:$0x3FB4]  }
0x2d: {  	s3 =	simm.s32 $0x108;
	s8 =	sld [smem:$0x3FB5]  }
0x2e: {  	s3 =	simm.s32 @!p0 $0x1082;
	s9 =	sld [smem:$0x3FB6]  }
0x2f: {  	lr =	sadd.s32 s0, s3;
	s0 =	sld [smem:$0x3FAD]  }
0x30: {  	s3 =	sld [smem:$0x3FB0]  }
0x31: {  	[smem:$0x3FB9] =	sst s10  }
0x32: {  	s10 =	sld [smem:$0x3FB7];
	_ =	sdelay $0x3  }
0x33: {  	p0 =	seq.s32 s10, $0x1;
	s10 =	sld [smem:$0x3FB9];
	_ =	sdelay $0x3  }
0x34: {  	[smem:$0x3FB9] =	sst s10  }
0x35: {  	s10 =	sld [smem:$0x3FB8];
	_ =	sdelay $0x3  }
0x36: {  	p1 =	seq.s32 s10, $0x1;
	s10 =	sld [smem:$0x3FB9];
	_ =	sdelay $0x3  }
0x37: {  	[smem:$0x3FB9] =	sst s10  }
0x38: {  	s10 =	sld [smem:$0x3FBA]  }
0x39: {  	_ = 	snop;
	(pc) =	sbr.ind lr, $3  }
0x3a: {  	_ = 	snop  }
0x3b: {  	_ = 	snop  }
0x3c: {  	p2 =	seq.s32 s10, $0x1;
	s10 =	sld [smem:$0x3FB9]  }
0x3d: {  	_ =	shalt  }
0x3e: {  	_ =	shalt  }
0x3f: {  	_ =	shalt  }
0x40: {  	_ =	shalt  }
0x41: {  	_ =	shalt  }
0x42: {  	_ =	shalt  }
0x43: {  	_ =	shalt  }
0x44: {  	_ =	shalt  }
0x45: {  	_ =	shalt  }
0x46: {  	_ =	shalt  }
0x47: {  	_ =	shalt  }
0x48: {  	_ =	shalt  }
0x49: {  	_ =	shalt  }
0x4a: {  	_ =	shalt  }
0x4b: {  	_ =	shalt  }
0x4c: {  	_ =	shalt  }
0x4d: {  	_ =	shalt  }
0x4e: {  	_ =	shalt  }
0x4f: {  	_ =	shalt  }
0x50: {  	_ =	shalt  }
0x51: {  	_ =	shalt  }
0x52: {  	_ =	shalt  }
0x53: {  	_ =	shalt  }
0x54: {  	_ =	shalt  }
0x55: {  	_ =	shalt  }
0x56: {  	_ =	shalt  }
0x57: {  	_ =	shalt  }
0x58: {  	_ =	shalt  }
0x59: {  	_ =	shalt  }
0x5a: {  	_ =	shalt  }
0x5b: {  	_ =	shalt  }
0x5c: {  	_ =	shalt  }
0x5d: {  	_ =	shalt  }
0x5e: {  	_ =	shalt  }
0x5f: {  	_ =	shalt  }
0x60: {  	_ =	shalt  }
0x61: {  	_ =	shalt  }
0x62: {  	_ =	shalt  }
0x63: {  	_ =	shalt  }
0x64: {  	_ =	shalt  }
0x65: {  	_ =	shalt  }
0x66: {  	_ =	shalt  }
0x67: {  	_ =	shalt  }
0x68: {  	_ =	shalt  }
0x69: {  	_ =	shalt  }
0x6a: {  	_ =	shalt  }
0x6b: {  	_ =	shalt  }
0x6c: {  	_ =	shalt  }
0x6d: {  	_ =	shalt  }
0x6e: {  	_ =	shalt  }
0x6f: {  	_ =	shalt  }
0x70: {  	_ =	shalt  }
0x71: {  	_ =	shalt  }
0x72: {  	_ =	shalt  }
0x73: {  	_ =	shalt  }
0x74: {  	_ =	shalt  }
0x75: {  	_ =	shalt  }
0x76: {  	_ =	shalt  }
0x77: {  	_ =	shalt  }
0x78: {  	_ =	shalt  }
0x79: {  	_ =	shalt  }
0x7a: {  	_ =	shalt  }
0x7b: {  	_ =	shalt  }
0x7c: {  	_ =	shalt  }
0x7d: {  	_ =	shalt  }
0x7e: {  	_ =	shalt  }
0x7f: {  	_ =	shalt  }
0x80: {  	_ =	shalt  }
0x81: {  	_ =	shalt  }
0x82: {  	_ =	shalt  }
0x83: {  	_ =	shalt  }
0x84: {  	_ =	shalt  }
0x85: {  	_ =	shalt  }
0x86: {  	_ =	shalt  }
0x87: {  	_ =	shalt  }
.Lfunc_end0:
.L_simem_size_0:
called_computation.2_lowered:
.L_overlay_start_0:
0x88: {  	s2 =	sld [smem:$0x3FD9]  }
0x89: {  	s3 =	sld [smem:$0x3FFE];
	_ =	sdelay $0x1  }
0x8a: {  	s1 =	srdreg.scid  }
0x8b: {  	s0 =	sand.u32 $0x1, s1  }
0x8c: {  	s17 =	sshll.u32 s0, $0xA;
	s2 =	sadd.s32 s3, s2  }
0x8d: {  	s2 =	sadd.s32 s2, s17  }
0x8e: {  	[smem:$0x3FC5] =	sst s2  }
0x8f: {  	_ = 	snop  }
0x90: {  	s2 =	sld [smem:$0x3FC7];
	(tm) =	ssettm $0x1  }
0x91: {  	s18 =	sld [smem:$0x3FFB];
	_ =	sdelay $0x3  }
0x92: {  	_ =	strace s18  }
0x93: {  	s3 =	sld [smem:$0x3FFC];
	_ =	sdelay $0x3  }
0x94: {  	_ =	strace s3  }
0x95: {  	s3 =	sld [smem:$0x3FFD];
	_ =	sdelay $0x3  }
0x96: {  	_ =	strace s3  }
0x97: {  	_ =	strace $0x8FFFFFFF  }
0x98: {  	s19 =	sld [smem:$0x3FDB];
	_ =	sdelay $0x1  }
0x99: {  	s4 =	simm.s32 $_scs_section_size  }
0x9a: {  	s5 =	simm.s32 $_size__tile_overlayer_lowered;
	s6 =	simm.s32 $_tile_overlayer_lowered  }
0x9b: {  	s22 =	simm.s32 $0x1BFF;
	s21 =	sshll.u32 s6, $0x1;
	s3 =	sadd.s32 s4, s19  }
0x9c: {  	s7 =	simm.s32 $0x0;
	s20 =	sshll.u32 s5, $0x1;
	s5 =	sadd.s32 s21, s3  }
0x9d: {  	[timem:s7], [sflag:s22] =	dma.local [hbm:s5], s20  }
0x9e: {  	_ =	swait.ge [sflag:s22], s20  }
0x9f: {  	s4 =	ssub.s32 $0x0, s20;
	[sflag:s22] =	ssyncset.done $0x0  }
0xa0: {  	[sflag:s22] =	ssyncadd.s32 s4;
	_ =	sdelay $0x1  }
0xa1: {  	s23 =	simm.s32 $0x1B8B  }
0xa2: {  	_ =	swait.ge [sflag:s23], $0x1  }
0xa3: {  	[sflag:s23] =	ssyncset.done $0x0  }
0xa4: {  	s25 =	simm.s32 $0x1B8E;
	s24 =	sld [smem:$0x3FFE];
	[sflag:s23] =	ssyncadd.s32 $0xFFFFFFFF  }
0xa5: {  	s26 =	simm.s32 $execute0_lowered;
	[smem:$0x3FD2] =	sst s25  }
0xa6: {  	s5 =	sshll.u32 s26, $0x1;
	_ =	strace $0x8000004C;
	[dreg:$0x1] =	wrdreg $0xFFFFFFFF  }
0xa7: {  	s28 =	simm.s32 $_size_execute0_lowered;
	s3 =	sadd.s32 s3, s5;
	[dreg:$0x0] =	wrdreg $0x0  }
0xa8: {  	s5 =	sshll.u32 s28, $0x1;
	[dreg:$0x2] =	wrdreg s3  }
0xa9: {  	[dreg:$0x3] =	wrdreg s5  }
0xaa: {  	[dreg:$0x4] =	wrdreg $0xC0  }
0xab: {  	_ =	task [dreg:s7], $0x5FFFF  }
0xac: {  	[dreg:$0x1] =	wrdreg $0xFFFFFFFF  }
0xad: {  	[dreg:$0x0] =	wrdreg $0x60  }
0xae: {  	[dreg:$0x2] =	wrdreg s24  }
0xaf: {  	[dreg:$0x3] =	wrdreg s2  }
0xb0: {  	[dreg:$0x4] =	wrdreg $0x9  }
0xb1: {  	_ =	task.clear_ibuf [dreg:s7], $0x5FFFF;
	_ =	strace $0x9000004C  }
0xb2: {  	s29 =	simm.s32 $0x9;
	_ =	strace $0x8000004E  }
0xb3: {  	_ =	swait.ge [sflag:s29], $0x1  }
0xb4: {  	[sflag:s29] =	ssyncadd.s32 $0xFFFFFFFF  }
0xb5: {  	_ =	strace $0x9000004E  }
0xb6: {  	_ =	sfence  }
0xb7: {  	s30 =	sld [smem:$0x0];
	_ =	sdelay $0x2  }
0xb8: {  	s31 =	sshll.u32 s1, $0xD;
	s1 =	sshrl.u32 s1, $0x2  }
0xb9: {  	s3 =	sand.u32 $0x4000, s31;
	s1 =	sadd.s32 s1, s30  }
0xba: {  	s0 =	sor.u32 s3, s0;
	s1 =	sshll.u32 s1, $0x11  }
0xbb: {  	s0 =	sor.u32 s1, s0  }
0xbc: {  	s0 =	sadd.s32 $0x8F2B, s0  }
0xbd: {  	[sflag:s0] =	ssyncadd.remote.s32 $0x1  }
0xbe: {  	_ =	sfence.sel $0xFFFF  }
0xbf: {  	[dreg:$0x0] =	wrdreg $0xFFFFFFFF;
	(pc) =	sbr.abs _section_cstart, $3  }
0xc0: {  	[dreg:$0x1] =	wrdreg $0xFFFFFFFF  }
0xc1: {  	_ =	task.clear_ibuf [dreg:s7], $0x2FFFF;
	_ =	strace $0x9FFFFFFF  }
0xc2: {  	(tm) =	ssettm $0x7FFFFFFF  }
0xc3: {  	_ =	shalt  }
tec
execute0_lowered:
.L_overlay_start_1:
0x0: {  	(tag) =	ssettag $0x1  }
0x1: {  	s0 =	rddreg [dreg:$0x0]  }
0x2: {  	s1 =	rddreg [dreg:$0x1]  }
0x3: {  	s3 =	simm.s32 $0x0;
	s2 =	srdreg.scid;
	s5 =	stileid.u32  }
0x4: {  	s17 =	simm.s32 $0x2;
	s28 =	simm.s32 $0x7800;
	s29 =	simm.s32 $0x1E00  }
0x5: {  	s30 =	simm.s32 $0x8000;
	s31 =	simm.s32 $0x1E80;
	s10 =	simm.s32 $0x3  }
0x6: {  	s11 =	simm.s32 $0x4;
	[smem:$0x7FF] =	sst s3;
	s2 =	sand.u32 $0x1, s2  }
0x7: {  	s4 =	sadd.s32 $0x201600, s0;
	s6 =	sshll.u32 s5, $0x10;
	s5 =	sadd.s32 $0x421600, s0  }
0x8: {  	s15 =	simm.s32 $0x0;
	_ =	strace $0x8000004D;
	s7 =	sshll.u32 s2, $0xF  }
0x9: {  	s2 =	ssub.s32 $0x2, s2;
	s7 =	sor.u32 s7, s6;
	s6 =	sadd.s32 $0x401600, s0  }
0xa: {  	s9 =	sshrl.u32 s2, $0x1;
	s8 =	sshrl.u32 s7, $0x3;
	s24 =	sor.u32 $0x800, s7  }
0xb: {  	s2 =	ssub.s32 s2, s9;
	s19 =	sadd.s32 s5, s8;
	[dreg:$0x9] =	wrdreg s24  }
0xc: {  	s14 =	sor.u32 $0xC00, s7;
	s20 =	sadd.s32 s6, s8;
	[dreg:$0x3] =	wrdreg s19  }
0xd: {  	s0 =	sadd.s32 s8, s0;
	s21 =	sadd.s32 s1, s8;
	[dreg:$0x4] =	wrdreg s20  }
0xe: {  	s8 =	sor.u32 $0x80, s8;
	s26 =	smax.u32 s2, $0x1;
	[dreg:$0x5] =	wrdreg s21  }
0xf: {  	s7 =	simm.s32 $0x9000;
	s22 =	sadd.s32 s5, s8;
	[dreg:$0xc] =	wrdreg s26  }
0x10: {  	s9 =	simm.s32 $0x9800;
	s23 =	sadd.s32 s6, s8;
	[dreg:$0x6] =	wrdreg s22  }
.Ltmp0:
0x11: {  	s8 =	sadd.s32 s1, s8;
	[dreg:$0x7] =	wrdreg s23;
	(pc) =	sbr.rel .LBB2_1-.Ltmp0, $4  }
0x12: {  	s2 =	simm.s32 $0x1F00;
	s25 =	sadd.s32 $0x1600, s0;
	[dreg:$0x8] =	wrdreg s8  }
0x13: {  	s0 =	sadd.s32 $0x21600, s0;
	s20 =	simm.s32 $0x1;
	[dreg:$0xa] =	wrdreg s25  }
0x14: {  	s21 =	simm.s32 $0x80;
	s26 =	simm.s32 $0x1D80;
	[dreg:$0xb] =	wrdreg s0  }
0x15: {  	v0 =	vimm.f32 $0.0e+00;
	s25 =	simm.s32 $0x7000;
	s0 =	simm.s32 $0x8800;
	s8 =	simm.s32 $0x1F80  }
.LBB2_24:
0x16: {  	s12 =	sshll.u32 s15, $0x4  }
0x17: {  	v3 =	vld [tilespmem:s12+$0xA000]  }
0x18: {  	v4 =	vld [tilespmem:s12+$0x12000];
	_ =	sdelay $0x3  }
0x19: {  	v2 =	vadd.f32 v3, v2  }
0x1a: {  	v1 =	vadd.f32 v4, v1  }
0x1b: {  	[tilespmem:s12+$0xA000] =	vst v2  }
0x1c: {  	s16 =	rddreg [dreg:$0xa];
	s13 =	simm.s32 $0xA000;
	s18 =	simm.s32 $0x5;
	[tilespmem:s12+$0x12000] =	vst v1  }
0x1d: {  	[hbm4b:s16+s3] =	stream.linear.scatter [tilespmem:s13], [sflag:$0x5], $0x8000, $0x38;
	[tilespmem:$0x1A000] =	vst v63  }
0x1e: {  	_ =	swait.ge [sflag:s18], $0x8000  }
0x1f: {  	[sflag:s18] =	ssyncset.done $0x0  }
0x20: {  	s22 =	simm.s32 $0x12000;
	s19 =	rddreg [dreg:$0xb];
	[sflag:s18] =	ssyncadd.s32 $0xFFFF8000  }
0x21: {  	[hbm4b:s19+s3] =	stream.linear.scatter [tilespmem:s22], [sflag:$0x5], $0x8000, $0x38;
	[tilespmem:$0x1A000] =	vst v63  }
0x22: {  	_ =	swait.ge [sflag:s18], $0x8000  }
0x23: {  	s23 =	rddreg [dreg:$0xd]  }
0x24: {  	s24 =	rddreg [dreg:$0xc];
	s15 =	sadd.s32 $0x1, s23  }
0x25: {  	p0 =	sne.s32 s15, s24  }
.Ltmp1:
0x26: {  	_ = 	snop;
	(pc) =	sbr.rel @!p0 .LBB2_25-.Ltmp1, $3  }
0x27: {  	_ =	sdelay $0x1  }
0x28: {  	[sflag:s18] =	ssyncset.done $0x0  }
0x29: {  	[sflag:s18] =	ssyncadd.s32 $0xFFFF8000  }
.LBB2_1:
0x2a: {  	[dreg:$0xd] =	wrdreg s15;
	s12 =	simm.s32 $0x40;
	s13 =	simm.s32 $0x0  }
.LBB2_2:
0x2b: {  	p0 =	sne.s32 s12, $0x1FFC0;
	[tilespmem:s13+$0xA000] =	vst v0;
	s15 =	smov.u32 s12;
	s12 =	sadd.s32 $0x40, s12  }
.Ltmp2:
0x2c: {  	[tilespmem:s13+$0x12000] =	vst v0;
	(pc) =	sbr.rel @p0 .LBB2_2-.Ltmp2, $2  }
0x2d: {  	_ =	sdelay $0x2  }
0x2e: {  	s13 =	sshra.s32 s15, $0x2  }
0x2f: {  	[tilespmem:s13+$0xA000] =	vst v0  }
0x30: {  	[tilespmem:s13+$0x12000] =	vst v0;
	s12 =	simm.s32 $0x0;
	s19 =	rddreg [dreg:$0x3]  }
0x31: {  	[tilespmem:s12], [sflag:$0x1] =	stream.linear.gather [hbm4b:s19+s12], $0x400, $0x38;
	[tilespmem:$0x1A000] =	vst v63  }
0x32: {  	s22 =	rddreg [dreg:$0x4];
	s15 =	simm.s32 $0x800  }
0x33: {  	[tilespmem:s15], [sflag:$0x1] =	stream.linear.gather [hbm4b:s22+s12], $0x400, $0x38;
	[tilespmem:$0x1A000] =	vst v63  }
0x34: {  	s23 =	rddreg [dreg:$0x5];
	s24 =	simm.s32 $0x1000  }
0x35: {  	[tilespmem:s24], [sflag:$0x1] =	stream.linear.gather [hbm4b:s23+s12], $0x400, $0x38;
	[tilespmem:$0x1A000] =	vst v63  }
0x36: {  	_ =	swait.ge [sflag:s20], $0x400  }
0x37: {  	[sflag:s20] =	ssyncset.done $0x0  }
0x38: {  	[sflag:s20] =	ssyncadd.s32 $0xFFFFFC00  }
0x39: {  	_ =	swait.ge [sflag:s20], $0x400  }
0x3a: {  	[sflag:s20] =	ssyncset.done $0x0  }
0x3b: {  	[sflag:s20] =	ssyncadd.s32 $0xFFFFFC00  }
0x3c: {  	_ =	swait.ge [sflag:s20], $0x400  }
0x3d: {  	[sflag:s20] =	ssyncset.done $0x0  }
0x3e: {  	s12 =	simm.s32 $0x0;
	[sflag:s20] =	ssyncadd.s32 $0xFFFFFC00  }
0x3f: {  	v1 =	vld [tilespmem:s12+$0x0]  }
0x40: {  	s13 =	simm.s32 $0x40;
	v2 =	vld [tilespmem:s12+$0x800]  }
.LBB2_4:
0x41: {  	p0 =	sne.s32 s13, $0xFC0  }
.Ltmp3:
0x42: {  	_ = 	snop;
	(pc) =	sbr.rel @p0 .LBB2_4-.Ltmp3, $4  }
0x43: {  	_ = 	snop  }
0x44: {  	s15 =	sshra.s32 s13, $0x2;
	s13 =	sadd.s32 $0x40, s13;
	v3 =	vshll.u32 v1, $0xA  }
0x45: {  	v1 =	vld [tilespmem:s15+$0x0];
	v3 =	vadd.s32 v2, v3  }
0x46: {  	v2 =	vld [tilespmem:s15+$0x800];
	[tilespmem:s12+$0x1800] =	vst v3;
	s12 =	smov.u32 s15  }
0x47: {  	_ =	sdelay $0x2  }
0x48: {  	v1 =	vshll.u32 v1, $0xA  }
0x49: {  	v1 =	vadd.s32 v2, v1  }
0x4a: {  	s18 =	simm.s32 $0x1800;
	s13 =	simm.s32 $0x2000;
	[tilespmem:s12+$0x1800] =	vst v1  }
0x4b: {  	[tilespmem:s13], [sflag:$0x3] =	stream.indirect.gather [hbm4b:s4+s21], $0x10, s18, s21, $0xb8;
	[tilespmem:$0x1A000] =	vst v63  }
0x4c: {  	s19 =	simm.s32 $0x1880;
	s22 =	simm.s32 $0x2800  }
0x4d: {  	[tilespmem:s22], [sflag:$0x3] =	stream.indirect.gather [hbm4b:s4+s21], $0x10, s19, s21, $0xb8;
	[tilespmem:$0x1A000] =	vst v63  }
0x4e: {  	s23 =	simm.s32 $0x1900;
	s24 =	simm.s32 $0x3000  }
0x4f: {  	[tilespmem:s24], [sflag:$0x3] =	stream.indirect.gather [hbm4b:s4+s21], $0x10, s23, s21, $0xb8;
	[tilespmem:$0x1A000] =	vst v63  }
0x50: {  	s15 =	simm.s32 $0x3800;
	s13 =	simm.s32 $0x1980  }
0x51: {  	[tilespmem:s15], [sflag:$0x3] =	stream.indirect.gather [hbm4b:s4+s21], $0x10, s13, s21, $0xb8;
	[tilespmem:$0x1A000] =	vst v63  }
0x52: {  	s16 =	simm.s32 $0x1A00;
	s18 =	simm.s32 $0x4000  }
0x53: {  	[tilespmem:s18], [sflag:$0x3] =	stream.indirect.gather [hbm4b:s4+s21], $0x10, s16, s21, $0xb8;
	[tilespmem:$0x1A000] =	vst v63  }
0x54: {  	s19 =	simm.s32 $0x1A80;
	s22 =	simm.s32 $0x4800  }
0x55: {  	[tilespmem:s22], [sflag:$0x3] =	stream.indirect.gather [hbm4b:s4+s21], $0x10, s19, s21, $0xb8;
	[tilespmem:$0x1A000] =	vst v63  }
0x56: {  	s23 =	simm.s32 $0x1B00;
	s24 =	simm.s32 $0x5000  }
0x57: {  	[tilespmem:s24], [sflag:$0x3] =	stream.indirect.gather [hbm4b:s4+s21], $0x10, s23, s21, $0xb8;
	[tilespmem:$0x1A000] =	vst v63  }
0x58: {  	s15 =	simm.s32 $0x1B80;
	s16 =	simm.s32 $0x5800  }
0x59: {  	[tilespmem:s16], [sflag:$0x3] =	stream.indirect.gather [hbm4b:s4+s21], $0x10, s15, s21, $0xb8;
	[tilespmem:$0x1A000] =	vst v63  }
0x5a: {  	s13 =	simm.s32 $0x0;
	s18 =	rddreg [dreg:$0x6];
	s15 =	simm.s32 $0x400  }
0x5b: {  	[tilespmem:s15], [sflag:$0x2] =	stream.linear.gather [hbm4b:s18+s13], $0x400, $0x38;
	[tilespmem:$0x1A000] =	vst v63  }
0x5c: {  	s19 =	rddreg [dreg:$0x7];
	s22 =	simm.s32 $0xC00  }
0x5d: {  	[tilespmem:s22], [sflag:$0x2] =	stream.linear.gather [hbm4b:s19+s13], $0x400, $0x38;
	[tilespmem:$0x1A000] =	vst v63  }
0x5e: {  	s23 =	rddreg [dreg:$0x8];
	s24 =	simm.s32 $0x1400  }
0x5f: {  	[tilespmem:s24], [sflag:$0x2] =	stream.linear.gather [hbm4b:s23+s13], $0x400, $0x38;
	[tilespmem:$0x1A000] =	vst v63  }
0x60: {  	v1 =	vld [tilespmem:$0x1000];
	_ =	sdelay $0x4  }
0x61: {  	(v2sf) =	vpush v1, $0x0;
	_ =	sdelay $0xe  }
0x62: {  	v2 =	vimm.f32 $0.0e+00;
	v1 =	vimm.f32 $0.0e+00;
	s15 =	spop (v2sf)  }
.LBB2_6:
0x63: {  	_ =	swait.ge [sflag:s17], $0x400  }
0x64: {  	[sflag:s17] =	ssyncset.done $0x0  }
0x65: {  	[sflag:s17] =	ssyncadd.s32 $0xFFFFFC00  }
0x66: {  	_ =	swait.ge [sflag:s17], $0x400  }
0x67: {  	[sflag:s17] =	ssyncset.done $0x0  }
0x68: {  	[sflag:s17] =	ssyncadd.s32 $0xFFFFFC00  }
0x69: {  	_ =	swait.ge [sflag:s17], $0x400  }
0x6a: {  	[sflag:s17] =	ssyncset.done $0x0  }
0x6b: {  	s12 =	simm.s32 $0x0;
	[sflag:s17] =	ssyncadd.s32 $0xFFFFFC00  }
0x6c: {  	v3 =	vld [tilespmem:s12+$0x400]  }
0x6d: {  	s16 =	simm.s32 $0x40;
	v4 =	vld [tilespmem:s12+$0xC00]  }
.LBB2_7:
0x6e: {  	p0 =	sne.s32 s16, $0xFC0  }
.Ltmp4:
0x6f: {  	_ = 	snop;
	(pc) =	sbr.rel @p0 .LBB2_7-.Ltmp4, $4  }
0x70: {  	_ = 	snop  }
0x71: {  	s18 =	sshra.s32 s16, $0x2;
	s16 =	sadd.s32 $0x40, s16;
	v5 =	vshll.u32 v3, $0xA  }
0x72: {  	v3 =	vld [tilespmem:s18+$0x400];
	v5 =	vadd.s32 v4, v5  }
0x73: {  	v4 =	vld [tilespmem:s18+$0xC00];
	[tilespmem:s12+$0x1C00] =	vst v5;
	s12 =	smov.u32 s18  }
0x74: {  	_ =	sdelay $0x2  }
0x75: {  	v3 =	vshll.u32 v3, $0xA  }
0x76: {  	v3 =	vadd.s32 v4, v3  }
0x77: {  	s19 =	simm.s32 $0x1C00;
	s16 =	simm.s32 $0x6000;
	[tilespmem:s12+$0x1C00] =	vst v3  }
0x78: {  	[tilespmem:s16], [sflag:$0x4] =	stream.indirect.gather [hbm4b:s4+s21], $0x10, s19, s21, $0xb8;
	[tilespmem:$0x1A000] =	vst v63  }
0x79: {  	s22 =	simm.s32 $0x1C80;
	s23 =	simm.s32 $0x6800  }
0x7a: {  	[tilespmem:s23], [sflag:$0x4] =	stream.indirect.gather [hbm4b:s4+s21], $0x10, s22, s21, $0xb8;
	[tilespmem:$0x1A000] =	vst v63  }
0x7b: {  	s24 =	simm.s32 $0x1D00  }
0x7c: {  	[tilespmem:s25], [sflag:$0x4] =	stream.indirect.gather [hbm4b:s4+s21], $0x10, s24, s21, $0xb8;
	[tilespmem:$0x1A000] =	vst v63  }
0x7d: {  	_ = 	snop  }
0x7e: {  	[tilespmem:s28], [sflag:$0x4] =	stream.indirect.gather [hbm4b:s4+s21], $0x10, s26, s21, $0xb8;
	[tilespmem:$0x1A000] =	vst v63  }
0x7f: {  	_ = 	snop  }
0x80: {  	[tilespmem:s30], [sflag:$0x4] =	stream.indirect.gather [hbm4b:s4+s21], $0x10, s29, s21, $0xb8;
	[tilespmem:$0x1A000] =	vst v63  }
0x81: {  	_ = 	snop  }
0x82: {  	[tilespmem:s0], [sflag:$0x4] =	stream.indirect.gather [hbm4b:s4+s21], $0x10, s31, s21, $0xb8;
	[tilespmem:$0x1A000] =	vst v63  }
0x83: {  	_ = 	snop  }
0x84: {  	[tilespmem:s7], [sflag:$0x4] =	stream.indirect.gather [hbm4b:s4+s21], $0x10, s2, s21, $0xb8;
	[tilespmem:$0x1A000] =	vst v63  }
.Ltmp5:
0x85: {  	_ = 	snop;
	(pc) =	sbr.rel .LBB2_9-.Ltmp5, $4  }
0x86: {  	[tilespmem:s9], [sflag:$0x4] =	stream.indirect.gather [hbm4b:s4+s21], $0x10, s8, s21, $0xb8;
	[tilespmem:$0x1A000] =	vst v63  }
0x87: {  	_ =	swait.ge [sflag:s10], $0x4000  }
0x88: {  	[sflag:s10] =	ssyncset.done $0x0  }
0x89: {  	s18 =	simm.s32 $0x2080;
	s16 =	simm.s32 $0x0;
	[sflag:s10] =	ssyncadd.s32 $0xFFFFC000  }
.LBB2_11:
0x8a: {  	(v2sf) =	vpush v3, $0x1;
	_ =	sdelay $0x6  }
0x8b: {  	p1 =	sne.s32 s19, s15  }
0x8c: {  	s15 =	sshll.u32 @p1 s15, $0x4  }
0x8d: {  	(v2sf) =	vpush v3, $0x2;
	v5 =	vld @p1 [tilespmem:s15+$0xA000]  }
0x8e: {  	v6 =	vld @p1 [tilespmem:s15+$0x12000];
	_ =	sdelay $0x3  }
0x8f: {  	v5 =	vadd.f32 @p1 v5, v2  }
0x90: {  	v6 =	vadd.f32 @p1 v6, v1;
	s22 =	spop (v2sf)  }
0x91: {  	[tilespmem:s15+$0xA000] =	vst @p1 v5;
	p0 =	sne.s32 s22, s19  }
0x92: {  	[tilespmem:s15+$0x12000] =	vst @p1 v6;
	s15 =	sshll.u32 @p0 s19, $0x4  }
0x93: {  	(v2sf) =	vpush v3, $0x3;
	v5 =	vld @p0 [tilespmem:s15+$0xA000]  }
0x94: {  	v6 =	vld @p0 [tilespmem:s15+$0x12000]  }
0x95: {  	v2 =	vadd.f32 @!p1 v4, v2  }
0x96: {  	v1 =	vadd.f32 @!p1 $6.250000000e-02, v1  }
0x97: {  	v2 =	vpsel p1, v4, v2  }
0x98: {  	v1 =	vpsel p1, $0x3D800000, v1;
	v4 =	vadd.f32 @p0 v5, v2  }
0x99: {  	s19 =	spop (v2sf);
	v5 =	vld [tilespmem:s18+$0xFFFFFF90];
	v6 =	vadd.f32 @p0 v6, v1  }
0x9a: {  	p1 =	sne.s32 s19, s22;
	[tilespmem:s15+$0xA000] =	vst @p0 v4  }
0x9b: {  	[tilespmem:s15+$0x12000] =	vst @p0 v6;
	s15 =	sshll.u32 @p1 s22, $0x4  }
0x9c: {  	(v2sf) =	vpush v3, $0x4;
	v4 =	vld @p1 [tilespmem:s15+$0xA000]  }
0x9d: {  	v6 =	vld @p1 [tilespmem:s15+$0x12000]  }
0x9e: {  	v2 =	vadd.f32 @!p0 v5, v2  }
0x9f: {  	v1 =	vadd.f32 @!p0 $6.250000000e-02, v1  }
0xa0: {  	v2 =	vpsel p0, v5, v2  }
0xa1: {  	v1 =	vpsel p0, $0x3D800000, v1;
	v4 =	vadd.f32 @p1 v4, v2  }
0xa2: {  	v5 =	vld [tilespmem:s18+$0xFFFFFFA0];
	s22 =	spop (v2sf);
	v6 =	vadd.f32 @p1 v6, v1  }
0xa3: {  	p0 =	sne.s32 s22, s19;
	[tilespmem:s15+$0xA000] =	vst @p1 v4  }
0xa4: {  	[tilespmem:s15+$0x12000] =	vst @p1 v6;
	s15 =	sshll.u32 @p0 s19, $0x4  }
0xa5: {  	(v2sf) =	vpush v3, $0x5;
	v4 =	vld @p0 [tilespmem:s15+$0xA000]  }
0xa6: {  	v6 =	vld @p0 [tilespmem:s15+$0x12000]  }
0xa7: {  	v2 =	vadd.f32 @!p1 v5, v2  }
0xa8: {  	v1 =	vadd.f32 @!p1 $6.250000000e-02, v1  }
0xa9: {  	v2 =	vpsel p1, v5, v2  }
0xaa: {  	v1 =	vpsel p1, $0x3D800000, v1;
	v4 =	vadd.f32 @p0 v4, v2  }
0xab: {  	s19 =	spop (v2sf);
	v5 =	vld [tilespmem:s18+$0xFFFFFFB0];
	v6 =	vadd.f32 @p0 v6, v1  }
0xac: {  	p1 =	sne.s32 s19, s22;
	[tilespmem:s15+$0xA000] =	vst @p0 v4  }
0xad: {  	[tilespmem:s15+$0x12000] =	vst @p0 v6;
	s15 =	sshll.u32 @p1 s22, $0x4  }
0xae: {  	(v2sf) =	vpush v3, $0x6;
	v4 =	vld @p1 [tilespmem:s15+$0xA000]  }
0xaf: {  	v6 =	vld @p1 [tilespmem:s15+$0x12000]  }
0xb0: {  	v2 =	vadd.f32 @!p0 v5, v2  }
0xb1: {  	v1 =	vadd.f32 @!p0 $6.250000000e-02, v1  }
0xb2: {  	v2 =	vpsel p0, v5, v2  }
0xb3: {  	v1 =	vpsel p0, $0x3D800000, v1;
	v4 =	vadd.f32 @p1 v4, v2  }
0xb4: {  	v5 =	vld [tilespmem:s18+$0xFFFFFFC0];
	s22 =	spop (v2sf);
	v6 =	vadd.f32 @p1 v6, v1  }
0xb5: {  	p0 =	sne.s32 s22, s19;
	[tilespmem:s15+$0xA000] =	vst @p1 v4  }
0xb6: {  	[tilespmem:s15+$0x12000] =	vst @p1 v6;
	s15 =	sshll.u32 @p0 s19, $0x4  }
0xb7: {  	(v2sf) =	vpush v3, $0x7;
	v4 =	vld @p0 [tilespmem:s15+$0xA000]  }
0xb8: {  	v6 =	vld @p0 [tilespmem:s15+$0x12000]  }
0xb9: {  	v2 =	vadd.f32 @!p1 v5, v2  }
0xba: {  	v1 =	vadd.f32 @!p1 $6.250000000e-02, v1  }
0xbb: {  	v2 =	vpsel p1, v5, v2  }
0xbc: {  	v1 =	vpsel p1, $0x3D800000, v1;
	v4 =	vadd.f32 @p0 v4, v2  }
0xbd: {  	s19 =	spop (v2sf);
	v5 =	vld [tilespmem:s18+$0xFFFFFFD0];
	v6 =	vadd.f32 @p0 v6, v1  }
0xbe: {  	p1 =	sne.s32 s19, s22;
	[tilespmem:s15+$0xA000] =	vst @p0 v4  }
0xbf: {  	[tilespmem:s15+$0x12000] =	vst @p0 v6;
	s15 =	sshll.u32 @p1 s22, $0x4  }
0xc0: {  	(v2sf) =	vpush v3, $0x8;
	v4 =	vld @p1 [tilespmem:s15+$0xA000]  }
0xc1: {  	v6 =	vld @p1 [tilespmem:s15+$0x12000]  }
0xc2: {  	v2 =	vadd.f32 @!p0 v5, v2  }
0xc3: {  	v1 =	vadd.f32 @!p0 $6.250000000e-02, v1  }
0xc4: {  	v2 =	vpsel p0, v5, v2  }
0xc5: {  	v1 =	vpsel p0, $0x3D800000, v1;
	v4 =	vadd.f32 @p1 v4, v2  }
0xc6: {  	v5 =	vld [tilespmem:s18+$0xFFFFFFE0];
	s22 =	spop (v2sf);
	v6 =	vadd.f32 @p1 v6, v1  }
0xc7: {  	p0 =	sne.s32 s22, s19;
	[tilespmem:s15+$0xA000] =	vst @p1 v4  }
0xc8: {  	[tilespmem:s15+$0x12000] =	vst @p1 v6;
	s15 =	sshll.u32 @p0 s19, $0x4  }
0xc9: {  	(v2sf) =	vpush v3, $0x9;
	v4 =	vld @p0 [tilespmem:s15+$0xA000]  }
0xca: {  	v6 =	vld @p0 [tilespmem:s15+$0x12000]  }
0xcb: {  	v2 =	vadd.f32 @!p1 v5, v2  }
0xcc: {  	v1 =	vadd.f32 @!p1 $6.250000000e-02, v1  }
0xcd: {  	v2 =	vpsel p1, v5, v2  }
0xce: {  	v1 =	vpsel p1, $0x3D800000, v1;
	v4 =	vadd.f32 @p0 v4, v2  }
0xcf: {  	s19 =	spop (v2sf);
	v5 =	vld [tilespmem:s18+$0xFFFFFFF0];
	v6 =	vadd.f32 @p0 v6, v1  }
0xd0: {  	p1 =	sne.s32 s19, s22;
	[tilespmem:s15+$0xA000] =	vst @p0 v4  }
0xd1: {  	[tilespmem:s15+$0x12000] =	vst @p0 v6;
	s15 =	sshll.u32 @p1 s22, $0x4  }
0xd2: {  	(v2sf) =	vpush v3, $0xA;
	v4 =	vld @p1 [tilespmem:s15+$0xA000]  }
0xd3: {  	v6 =	vld @p1 [tilespmem:s15+$0x12000]  }
0xd4: {  	v2 =	vadd.f32 @!p0 v5, v2  }
0xd5: {  	v1 =	vadd.f32 @!p0 $6.250000000e-02, v1  }
0xd6: {  	v2 =	vpsel p0, v5, v2  }
0xd7: {  	v1 =	vpsel p0, $0x3D800000, v1;
	v4 =	vadd.f32 @p1 v4, v2  }
0xd8: {  	v5 =	vld [tilespmem:s18+$0x0];
	s22 =	spop (v2sf);
	v6 =	vadd.f32 @p1 v6, v1  }
0xd9: {  	p0 =	sne.s32 s22, s19;
	[tilespmem:s15+$0xA000] =	vst @p1 v4  }
0xda: {  	[tilespmem:s15+$0x12000] =	vst @p1 v6;
	s15 =	sshll.u32 @p0 s19, $0x4  }
0xdb: {  	(v2sf) =	vpush v3, $0xB;
	v4 =	vld @p0 [tilespmem:s15+$0xA000]  }
0xdc: {  	v6 =	vld @p0 [tilespmem:s15+$0x12000]  }
0xdd: {  	v2 =	vadd.f32 @!p1 v5, v2  }
0xde: {  	v1 =	vadd.f32 @!p1 $6.250000000e-02, v1  }
0xdf: {  	v2 =	vpsel p1, v5, v2  }
0xe0: {  	v1 =	vpsel p1, $0x3D800000, v1;
	v4 =	vadd.f32 @p0 v4, v2  }
0xe1: {  	s19 =	spop (v2sf);
	v5 =	vld [tilespmem:s18+$0x10];
	v6 =	vadd.f32 @p0 v6, v1  }
0xe2: {  	p1 =	sne.s32 s19, s22;
	[tilespmem:s15+$0xA000] =	vst @p0 v4  }
0xe3: {  	[tilespmem:s15+$0x12000] =	vst @p0 v6;
	s15 =	sshll.u32 @p1 s22, $0x4  }
0xe4: {  	(v2sf) =	vpush v3, $0xC;
	v4 =	vld @p1 [tilespmem:s15+$0xA000]  }
0xe5: {  	v6 =	vld @p1 [tilespmem:s15+$0x12000]  }
0xe6: {  	v2 =	vadd.f32 @!p0 v5, v2  }
0xe7: {  	v1 =	vadd.f32 @!p0 $6.250000000e-02, v1  }
0xe8: {  	v2 =	vpsel p0, v5, v2  }
0xe9: {  	v1 =	vpsel p0, $0x3D800000, v1;
	v4 =	vadd.f32 @p1 v4, v2  }
0xea: {  	v5 =	vld [tilespmem:s18+$0x20];
	s22 =	spop (v2sf);
	v6 =	vadd.f32 @p1 v6, v1  }
0xeb: {  	p0 =	sne.s32 s22, s19;
	[tilespmem:s15+$0xA000] =	vst @p1 v4  }
0xec: {  	[tilespmem:s15+$0x12000] =	vst @p1 v6;
	s15 =	sshll.u32 @p0 s19, $0x4  }
0xed: {  	(v2sf) =	vpush v3, $0xD;
	v4 =	vld @p0 [tilespmem:s15+$0xA000]  }
0xee: {  	v6 =	vld @p0 [tilespmem:s15+$0x12000]  }
0xef: {  	v2 =	vadd.f32 @!p1 v5, v2  }
0xf0: {  	v1 =	vadd.f32 @!p1 $6.250000000e-02, v1  }
0xf1: {  	v2 =	vpsel p1, v5, v2  }
0xf2: {  	v1 =	vpsel p1, $0x3D800000, v1;
	v4 =	vadd.f32 @p0 v4, v2  }
0xf3: {  	s19 =	spop (v2sf);
	v5 =	vld [tilespmem:s18+$0x30];
	v6 =	vadd.f32 @p0 v6, v1  }
0xf4: {  	p1 =	sne.s32 s19, s22;
	[tilespmem:s15+$0xA000] =	vst @p0 v4  }
0xf5: {  	[tilespmem:s15+$0x12000] =	vst @p0 v6;
	s15 =	sshll.u32 @p1 s22, $0x4  }
0xf6: {  	(v2sf) =	vpush v3, $0xE;
	v4 =	vld @p1 [tilespmem:s15+$0xA000]  }
0xf7: {  	v3 =	vld @p1 [tilespmem:s15+$0x12000]  }
0xf8: {  	v2 =	vadd.f32 @!p0 v5, v2  }
0xf9: {  	v1 =	vadd.f32 @!p0 $6.250000000e-02, v1  }
0xfa: {  	v2 =	vpsel p0, v5, v2  }
0xfb: {  	v1 =	vpsel p0, $0x3D800000, v1;
	v4 =	vadd.f32 @p1 v4, v2  }
0xfc: {  	s22 =	spop (v2sf);
	v5 =	vld [tilespmem:s18+$0x40];
	v3 =	vadd.f32 @p1 v3, v1  }
0xfd: {  	p0 =	sne.s32 s22, s19;
	[tilespmem:s15+$0xA000] =	vst @p1 v4  }
0xfe: {  	[tilespmem:s15+$0x12000] =	vst @p1 v3;
	s15 =	sshll.u32 @p0 s19, $0x4  }
0xff: {  	v3 =	vld @p0 [tilespmem:s15+$0xA000]  }
0x100: {  	v4 =	vld @p0 [tilespmem:s15+$0x12000]  }
0x101: {  	v2 =	vadd.f32 @!p1 v5, v2  }
0x102: {  	v1 =	vadd.f32 @!p1 $6.250000000e-02, v1  }
0x103: {  	v2 =	vpsel p1, v5, v2  }
0x104: {  	v1 =	vpsel p1, $0x3D800000, v1;
	v3 =	vadd.f32 @p0 v3, v2  }
0x105: {  	s19 =	spop (v2sf);
	v5 =	vld [tilespmem:s18+$0x50];
	v4 =	vadd.f32 @p0 v4, v1  }
0x106: {  	p1 =	sne.s32 s19, s22;
	[tilespmem:s15+$0xA000] =	vst @p0 v3  }
0x107: {  	[tilespmem:s15+$0x12000] =	vst @p0 v4;
	s15 =	sshll.u32 @p1 s22, $0x4  }
0x108: {  	v3 =	vld @p1 [tilespmem:s15+$0xA000]  }
0x109: {  	v4 =	vld @p1 [tilespmem:s15+$0x12000]  }
0x10a: {  	v2 =	vadd.f32 @!p0 v5, v2  }
0x10b: {  	v1 =	vadd.f32 @!p0 $6.250000000e-02, v1  }
0x10c: {  	v2 =	vpsel p0, v5, v2  }
0x10d: {  	v1 =	vpsel p0, $0x3D800000, v1;
	v3 =	vadd.f32 @p1 v3, v2  }
0x10e: {  	v4 =	vadd.f32 @p1 v4, v1  }
0x10f: {  	p0 =	sne.s32 s12, s19;
	v5 =	vld [tilespmem:s18+$0x60];
	[tilespmem:s15+$0xA000] =	vst @p1 v3  }
0x110: {  	[tilespmem:s15+$0x12000] =	vst @p1 v4;
	s15 =	sshll.u32 @p0 s19, $0x4  }
0x111: {  	v3 =	vld @p0 [tilespmem:s15+$0xA000]  }
0x112: {  	v4 =	vld @p0 [tilespmem:s15+$0x12000]  }
0x113: {  	v6 =	vld [tilespmem:s18+$0x70]  }
0x114: {  	v2 =	vadd.f32 @!p1 v5, v2;
	v1 =	vadd.f32 @!p1 $6.250000000e-02, v1;
	_ =	sdelay $0x1  }
0x115: {  	v2 =	vpsel p1, v5, v2;
	v1 =	vpsel p1, $0x3D800000, v1  }
0x116: {  	v3 =	vadd.f32 @p0 v3, v2;
	v4 =	vadd.f32 @p0 v4, v1  }
0x117: {  	v2 =	vadd.f32 @!p0 v6, v2;
	v1 =	vadd.f32 @!p0 $6.250000000e-02, v1  }
0x118: {  	[tilespmem:s15+$0xA000] =	vst @p0 v3  }
0x119: {  	[tilespmem:s15+$0x12000] =	vst @p0 v4;
	v2 =	vpsel p0, v6, v2;
	v1 =	vpsel p0, $0x3D800000, v1  }
.LBB2_12:
0x11a: {  	s16 =	sadd.s32 $0x40, s16  }
0x11b: {  	p0 =	sne.s32 s16, $0x1000  }
.Ltmp6:
0x11c: {  	_ = 	snop;
	(pc) =	sbr.rel @!p0 .LBB2_13-.Ltmp6, $2  }
0x11d: {  	_ =	sdelay $0x2  }
0x11e: {  	s18 =	sadd.s32 $0x100, s18;
	s15 =	smov.u32 s12  }
.LBB2_9:
0x11f: {  	s12 =	sshra.s32 s16, $0x2  }
0x120: {  	v3 =	vld [tilespmem:s12+$0x1000];
	_ =	sdelay $0x4  }
0x121: {  	(v2sf) =	vpush v3, $0x0  }
0x122: {  	(v2sf) =	vpush v3, $0xF;
	_ =	sdelay $0xd  }
0x123: {  	s19 =	spop (v2sf)  }
0x124: {  	s12 =	spop (v2sf)  }
0x125: {  	p0 =	sne.s32 s19, s12  }
.Ltmp7:
0x126: {  	_ = 	snop;
	(pc) =	sbr.rel @p0 .LBB2_11-.Ltmp7, $2  }
0x127: {  	_ =	sdelay $0x2  }
0x128: {  	v4 =	vld [tilespmem:s18+$0xFFFFFF80]  }
0x129: {  	v3 =	vld [tilespmem:s18+$0xFFFFFF90];
	_ =	sdelay $0x1  }
0x12a: {  	v5 =	vld [tilespmem:s18+$0xFFFFFFA0];
	_ =	sdelay $0x1  }
0x12b: {  	v6 =	vld [tilespmem:s18+$0xFFFFFFB0]  }
0x12c: {  	v3 =	vadd.f32 v3, v4  }
0x12d: {  	v52 =	vld [tilespmem:s18+$0xFFFFFFC0]  }
0x12e: {  	v3 =	vadd.f32 v5, v3  }
0x12f: {  	v53 =	vld [tilespmem:s18+$0xFFFFFFD0]  }
0x130: {  	v3 =	vadd.f32 v6, v3  }
0x131: {  	v54 =	vld [tilespmem:s18+$0xFFFFFFE0]  }
0x132: {  	v3 =	vadd.f32 v52, v3  }
0x133: {  	v55 =	vld [tilespmem:s18+$0xFFFFFFF0]  }
0x134: {  	v3 =	vadd.f32 v53, v3  }
0x135: {  	v56 =	vld [tilespmem:s18+$0x0]  }
0x136: {  	v3 =	vadd.f32 v54, v3  }
0x137: {  	v57 =	vld [tilespmem:s18+$0x10]  }
0x138: {  	v3 =	vadd.f32 v55, v3  }
0x139: {  	v58 =	vld [tilespmem:s18+$0x20]  }
0x13a: {  	v3 =	vadd.f32 v56, v3  }
0x13b: {  	v59 =	vld [tilespmem:s18+$0x30]  }
0x13c: {  	v3 =	vadd.f32 v57, v3  }
0x13d: {  	v60 =	vld [tilespmem:s18+$0x40]  }
0x13e: {  	v3 =	vadd.f32 v58, v3  }
0x13f: {  	v61 =	vld [tilespmem:s18+$0x50]  }
0x140: {  	v3 =	vadd.f32 v59, v3  }
0x141: {  	v62 =	vld [tilespmem:s18+$0x60];
	p0 =	sne.s32 s19, s15  }
0x142: {  	v63 =	vld [tilespmem:s18+$0x70];
	s15 =	sshll.u32 @p0 s15, $0x4;
	v3 =	vadd.f32 v60, v3  }
0x143: {  	v7 =	vld @p0 [tilespmem:s15+$0xA000]  }
0x144: {  	v4 =	vld @p0 [tilespmem:s15+$0x12000];
	v3 =	vadd.f32 v61, v3;
	_ =	sdelay $0x1  }
0x145: {  	v3 =	vadd.f32 v62, v3;
	_ =	sdelay $0x1  }
.Ltmp8:
0x146: {  	v3 =	vadd.f32 v63, v3;
	(pc) =	sbr.rel .LBB2_12-.Ltmp8, $4  }
0x147: {  	v5 =	vadd.f32 @p0 v7, v2;
	v4 =	vadd.f32 @p0 v4, v1  }
0x148: {  	v1 =	vadd.f32 @!p0 $1.000000000e+00, v1;
	v2 =	vadd.f32 @!p0 v3, v2  }
0x149: {  	[tilespmem:s15+$0xA000] =	vst @p0 v5  }
0x14a: {  	[tilespmem:s15+$0x12000] =	vst @p0 v4;
	v1 =	vpsel p0, $0x3F800000, v1;
	v2 =	vpsel p0, v3, v2  }
.LBB2_13:
0x14b: {  	p0 =	seq.s32 s13, $0xF  }
.Ltmp9:
0x14c: {  	_ = 	snop;
	(pc) =	sbr.rel @p0 .LBB2_17-.Ltmp9, $2  }
0x14d: {  	_ =	sdelay $0x2  }
0x14e: {  	s16 =	sshll.u32 s13, $0xB  }
0x14f: {  	s15 =	rddreg [dreg:$0x9]  }
0x150: {  	s15 =	sadd.s32 s16, s15  }
0x151: {  	s15 =	sshrl.u32 s15, $0x3  }
0x152: {  	s19 =	simm.s32 $0x0;
	s18 =	sadd.s32 s5, s15  }
0x153: {  	[tilespmem:s19], [sflag:$0x1] =	stream.linear.gather [hbm4b:s18+s19], $0x400, $0x38;
	[tilespmem:$0x1A000] =	vst v63  }
0x154: {  	s22 =	simm.s32 $0x800;
	s23 =	sadd.s32 s6, s15  }
0x155: {  	[tilespmem:s22], [sflag:$0x1] =	stream.linear.gather [hbm4b:s23+s19], $0x400, $0x38;
	[tilespmem:$0x1A000] =	vst v63  }
0x156: {  	s24 =	simm.s32 $0x1000;
	s15 =	sadd.s32 s1, s15  }
0x157: {  	[tilespmem:s24], [sflag:$0x1] =	stream.linear.gather [hbm4b:s15+s19], $0x400, $0x38;
	[tilespmem:$0x1A000] =	vst v63  }
0x158: {  	_ =	swait.ge [sflag:s20], $0x400  }
0x159: {  	[sflag:s20] =	ssyncset.done $0x0  }
0x15a: {  	[sflag:s20] =	ssyncadd.s32 $0xFFFFFC00  }
0x15b: {  	_ =	swait.ge [sflag:s20], $0x400  }
0x15c: {  	[sflag:s20] =	ssyncset.done $0x0  }
0x15d: {  	[sflag:s20] =	ssyncadd.s32 $0xFFFFFC00  }
0x15e: {  	_ =	swait.ge [sflag:s20], $0x400  }
0x15f: {  	[sflag:s20] =	ssyncset.done $0x0  }
0x160: {  	s15 =	simm.s32 $0x0;
	[sflag:s20] =	ssyncadd.s32 $0xFFFFFC00  }
0x161: {  	v3 =	vld [tilespmem:s15+$0x0]  }
0x162: {  	s18 =	simm.s32 $0x40;
	v4 =	vld [tilespmem:s15+$0x800]  }
.LBB2_15:
0x163: {  	p1 =	sne.s32 s18, $0xFC0  }
.Ltmp10:
0x164: {  	_ = 	snop;
	(pc) =	sbr.rel @p1 .LBB2_15-.Ltmp10, $4  }
0x165: {  	_ = 	snop  }
0x166: {  	s19 =	sshra.s32 s18, $0x2;
	s18 =	sadd.s32 $0x40, s18;
	v5 =	vshll.u32 v3, $0xA  }
0x167: {  	v3 =	vld [tilespmem:s19+$0x0];
	v5 =	vadd.s32 v4, v5  }
0x168: {  	v4 =	vld [tilespmem:s19+$0x800];
	[tilespmem:s15+$0x1800] =	vst v5;
	s15 =	smov.u32 s19  }
0x169: {  	_ =	sdelay $0x2  }
0x16a: {  	v3 =	vshll.u32 v3, $0xA  }
0x16b: {  	v3 =	vadd.s32 v4, v3  }
0x16c: {  	s22 =	simm.s32 $0x1800;
	s18 =	simm.s32 $0x2000;
	[tilespmem:s15+$0x1800] =	vst v3  }
0x16d: {  	[tilespmem:s18], [sflag:$0x3] =	stream.indirect.gather [hbm4b:s4+s21], $0x10, s22, s21, $0xb8;
	[tilespmem:$0x1A000] =	vst v63  }
0x16e: {  	s23 =	simm.s32 $0x1880;
	s24 =	simm.s32 $0x2800  }
0x16f: {  	[tilespmem:s24], [sflag:$0x3] =	stream.indirect.gather [hbm4b:s4+s21], $0x10, s23, s21, $0xb8;
	[tilespmem:$0x1A000] =	vst v63  }
0x170: {  	s19 =	simm.s32 $0x1900;
	s22 =	simm.s32 $0x3000  }
0x171: {  	[tilespmem:s22], [sflag:$0x3] =	stream.indirect.gather [hbm4b:s4+s21], $0x10, s19, s21, $0xb8;
	[tilespmem:$0x1A000] =	vst v63  }
0x172: {  	s23 =	simm.s32 $0x1980;
	s24 =	simm.s32 $0x3800  }
0x173: {  	[tilespmem:s24], [sflag:$0x3] =	stream.indirect.gather [hbm4b:s4+s21], $0x10, s23, s21, $0xb8;
	[tilespmem:$0x1A000] =	vst v63  }
0x174: {  	s19 =	simm.s32 $0x1A00;
	s22 =	simm.s32 $0x4000  }
0x175: {  	[tilespmem:s22], [sflag:$0x3] =	stream.indirect.gather [hbm4b:s4+s21], $0x10, s19, s21, $0xb8;
	[tilespmem:$0x1A000] =	vst v63  }
0x176: {  	s23 =	simm.s32 $0x1A80;
	s24 =	simm.s32 $0x4800  }
0x177: {  	[tilespmem:s24], [sflag:$0x3] =	stream.indirect.gather [hbm4b:s4+s21], $0x10, s23, s21, $0xb8;
	[tilespmem:$0x1A000] =	vst v63  }
0x178: {  	s19 =	simm.s32 $0x1B00;
	s22 =	simm.s32 $0x5000  }
0x179: {  	[tilespmem:s22], [sflag:$0x3] =	stream.indirect.gather [hbm4b:s4+s21], $0x10, s19, s21, $0xb8;
	[tilespmem:$0x1A000] =	vst v63  }
0x17a: {  	s23 =	simm.s32 $0x1B80;
	s24 =	simm.s32 $0x5800  }
0x17b: {  	[tilespmem:s24], [sflag:$0x3] =	stream.indirect.gather [hbm4b:s4+s21], $0x10, s23, s21, $0xb8;
	[tilespmem:$0x1A000] =	vst v63  }
.LBB2_17:
.Ltmp11:
0x17c: {  	(pc) =	sbr.rel .LBB2_18-.Ltmp11, $4  }
0x17d: {  	_ = 	snop  }
0x17e: {  	_ =	swait.ge [sflag:s11], $0x4000  }
0x17f: {  	[sflag:s11] =	ssyncset.done $0x0  }
0x180: {  	s18 =	simm.s32 $0x0;
	s19 =	simm.s32 $0x1400;
	[sflag:s11] =	ssyncadd.s32 $0xFFFFC000  }
.LBB2_20:
0x181: {  	(v2sf) =	vpush v3, $0x1;
	_ =	sdelay $0x6  }
0x182: {  	p2 =	sne.s32 s23, s12  }
0x183: {  	s12 =	sshll.u32 @p2 s12, $0x4  }
0x184: {  	(v2sf) =	vpush v3, $0x2;
	v5 =	vld @p2 [tilespmem:s12+$0xA000]  }
0x185: {  	v6 =	vld @p2 [tilespmem:s12+$0x12000];
	_ =	sdelay $0x3  }
0x186: {  	v5 =	vadd.f32 @p2 v5, v2  }
0x187: {  	v6 =	vadd.f32 @p2 v6, v1;
	s24 =	spop (v2sf)  }
0x188: {  	[tilespmem:s12+$0xA000] =	vst @p2 v5;
	p1 =	sne.s32 s24, s23  }
0x189: {  	[tilespmem:s12+$0x12000] =	vst @p2 v6;
	s12 =	sshll.u32 @p1 s23, $0x4  }
0x18a: {  	(v2sf) =	vpush v3, $0x3;
	v5 =	vld @p1 [tilespmem:s12+$0xA000]  }
0x18b: {  	v6 =	vld @p1 [tilespmem:s12+$0x12000]  }
0x18c: {  	v2 =	vadd.f32 @!p2 v4, v2  }
0x18d: {  	v1 =	vadd.f32 @!p2 $6.250000000e-02, v1  }
0x18e: {  	v2 =	vpsel p2, v4, v2  }
0x18f: {  	v1 =	vpsel p2, $0x3D800000, v1;
	v4 =	vadd.f32 @p1 v5, v2  }
0x190: {  	s23 =	spop (v2sf);
	v5 =	vld [tilespmem:s22+$0x6010];
	v6 =	vadd.f32 @p1 v6, v1  }
0x191: {  	p2 =	sne.s32 s23, s24;
	[tilespmem:s12+$0xA000] =	vst @p1 v4  }
0x192: {  	[tilespmem:s12+$0x12000] =	vst @p1 v6;
	s12 =	sshll.u32 @p2 s24, $0x4  }
0x193: {  	(v2sf) =	vpush v3, $0x4;
	v4 =	vld @p2 [tilespmem:s12+$0xA000]  }
0x194: {  	v6 =	vld @p2 [tilespmem:s12+$0x12000]  }
0x195: {  	v2 =	vadd.f32 @!p1 v5, v2  }
0x196: {  	v1 =	vadd.f32 @!p1 $6.250000000e-02, v1  }
0x197: {  	v2 =	vpsel p1, v5, v2  }
0x198: {  	v1 =	vpsel p1, $0x3D800000, v1;
	v4 =	vadd.f32 @p2 v4, v2  }
0x199: {  	v5 =	vld [tilespmem:s22+$0x6020];
	s24 =	spop (v2sf);
	v6 =	vadd.f32 @p2 v6, v1  }
0x19a: {  	p1 =	sne.s32 s24, s23;
	[tilespmem:s12+$0xA000] =	vst @p2 v4  }
0x19b: {  	[tilespmem:s12+$0x12000] =	vst @p2 v6;
	s12 =	sshll.u32 @p1 s23, $0x4  }
0x19c: {  	(v2sf) =	vpush v3, $0x5;
	v4 =	vld @p1 [tilespmem:s12+$0xA000]  }
0x19d: {  	v6 =	vld @p1 [tilespmem:s12+$0x12000]  }
0x19e: {  	v2 =	vadd.f32 @!p2 v5, v2  }
0x19f: {  	v1 =	vadd.f32 @!p2 $6.250000000e-02, v1  }
0x1a0: {  	v2 =	vpsel p2, v5, v2  }
0x1a1: {  	v1 =	vpsel p2, $0x3D800000, v1;
	v4 =	vadd.f32 @p1 v4, v2  }
0x1a2: {  	s23 =	spop (v2sf);
	v5 =	vld [tilespmem:s22+$0x6030];
	v6 =	vadd.f32 @p1 v6, v1  }
0x1a3: {  	p2 =	sne.s32 s23, s24;
	[tilespmem:s12+$0xA000] =	vst @p1 v4  }
0x1a4: {  	[tilespmem:s12+$0x12000] =	vst @p1 v6;
	s12 =	sshll.u32 @p2 s24, $0x4  }
0x1a5: {  	(v2sf) =	vpush v3, $0x6;
	v4 =	vld @p2 [tilespmem:s12+$0xA000]  }
0x1a6: {  	v6 =	vld @p2 [tilespmem:s12+$0x12000]  }
0x1a7: {  	v2 =	vadd.f32 @!p1 v5, v2  }
0x1a8: {  	v1 =	vadd.f32 @!p1 $6.250000000e-02, v1  }
0x1a9: {  	v2 =	vpsel p1, v5, v2  }
0x1aa: {  	v1 =	vpsel p1, $0x3D800000, v1;
	v4 =	vadd.f32 @p2 v4, v2  }
0x1ab: {  	v5 =	vld [tilespmem:s22+$0x6040];
	s24 =	spop (v2sf);
	v6 =	vadd.f32 @p2 v6, v1  }
0x1ac: {  	p1 =	sne.s32 s24, s23;
	[tilespmem:s12+$0xA000] =	vst @p2 v4  }
0x1ad: {  	[tilespmem:s12+$0x12000] =	vst @p2 v6;
	s12 =	sshll.u32 @p1 s23, $0x4  }
0x1ae: {  	(v2sf) =	vpush v3, $0x7;
	v4 =	vld @p1 [tilespmem:s12+$0xA000]  }
0x1af: {  	v6 =	vld @p1 [tilespmem:s12+$0x12000]  }
0x1b0: {  	v2 =	vadd.f32 @!p2 v5, v2  }
0x1b1: {  	v1 =	vadd.f32 @!p2 $6.250000000e-02, v1  }
0x1b2: {  	v2 =	vpsel p2, v5, v2  }
0x1b3: {  	v1 =	vpsel p2, $0x3D800000, v1;
	v4 =	vadd.f32 @p1 v4, v2  }
0x1b4: {  	s23 =	spop (v2sf);
	v5 =	vld [tilespmem:s22+$0x6050];
	v6 =	vadd.f32 @p1 v6, v1  }
0x1b5: {  	p2 =	sne.s32 s23, s24;
	[tilespmem:s12+$0xA000] =	vst @p1 v4  }
0x1b6: {  	[tilespmem:s12+$0x12000] =	vst @p1 v6;
	s12 =	sshll.u32 @p2 s24, $0x4  }
0x1b7: {  	(v2sf) =	vpush v3, $0x8;
	v4 =	vld @p2 [tilespmem:s12+$0xA000]  }
0x1b8: {  	v6 =	vld @p2 [tilespmem:s12+$0x12000]  }
0x1b9: {  	v2 =	vadd.f32 @!p1 v5, v2  }
0x1ba: {  	v1 =	vadd.f32 @!p1 $6.250000000e-02, v1  }
0x1bb: {  	v2 =	vpsel p1, v5, v2  }
0x1bc: {  	v1 =	vpsel p1, $0x3D800000, v1;
	v4 =	vadd.f32 @p2 v4, v2  }
0x1bd: {  	v5 =	vld [tilespmem:s22+$0x6060];
	s24 =	spop (v2sf);
	v6 =	vadd.f32 @p2 v6, v1  }
0x1be: {  	p1 =	sne.s32 s24, s23;
	[tilespmem:s12+$0xA000] =	vst @p2 v4  }
0x1bf: {  	[tilespmem:s12+$0x12000] =	vst @p2 v6;
	s12 =	sshll.u32 @p1 s23, $0x4  }
0x1c0: {  	(v2sf) =	vpush v3, $0x9;
	v4 =	vld @p1 [tilespmem:s12+$0xA000]  }
0x1c1: {  	v6 =	vld @p1 [tilespmem:s12+$0x12000]  }
0x1c2: {  	v2 =	vadd.f32 @!p2 v5, v2  }
0x1c3: {  	v1 =	vadd.f32 @!p2 $6.250000000e-02, v1  }
0x1c4: {  	v2 =	vpsel p2, v5, v2  }
0x1c5: {  	v1 =	vpsel p2, $0x3D800000, v1;
	v4 =	vadd.f32 @p1 v4, v2  }
0x1c6: {  	s23 =	spop (v2sf);
	v5 =	vld [tilespmem:s22+$0x6070];
	v6 =	vadd.f32 @p1 v6, v1  }
0x1c7: {  	p2 =	sne.s32 s23, s24;
	[tilespmem:s12+$0xA000] =	vst @p1 v4  }
0x1c8: {  	[tilespmem:s12+$0x12000] =	vst @p1 v6;
	s12 =	sshll.u32 @p2 s24, $0x4  }
0x1c9: {  	(v2sf) =	vpush v3, $0xA;
	v4 =	vld @p2 [tilespmem:s12+$0xA000]  }
0x1ca: {  	v6 =	vld @p2 [tilespmem:s12+$0x12000]  }
0x1cb: {  	v2 =	vadd.f32 @!p1 v5, v2  }
0x1cc: {  	v1 =	vadd.f32 @!p1 $6.250000000e-02, v1  }
0x1cd: {  	v2 =	vpsel p1, v5, v2  }
0x1ce: {  	v1 =	vpsel p1, $0x3D800000, v1;
	v4 =	vadd.f32 @p2 v4, v2  }
0x1cf: {  	v5 =	vld [tilespmem:s22+$0x6080];
	s24 =	spop (v2sf);
	v6 =	vadd.f32 @p2 v6, v1  }
0x1d0: {  	p1 =	sne.s32 s24, s23;
	[tilespmem:s12+$0xA000] =	vst @p2 v4  }
0x1d1: {  	[tilespmem:s12+$0x12000] =	vst @p2 v6;
	s12 =	sshll.u32 @p1 s23, $0x4  }
0x1d2: {  	(v2sf) =	vpush v3, $0xB;
	v4 =	vld @p1 [tilespmem:s12+$0xA000]  }
0x1d3: {  	v6 =	vld @p1 [tilespmem:s12+$0x12000]  }
0x1d4: {  	v2 =	vadd.f32 @!p2 v5, v2  }
0x1d5: {  	v1 =	vadd.f32 @!p2 $6.250000000e-02, v1  }
0x1d6: {  	v2 =	vpsel p2, v5, v2  }
0x1d7: {  	v1 =	vpsel p2, $0x3D800000, v1;
	v4 =	vadd.f32 @p1 v4, v2  }
0x1d8: {  	s23 =	spop (v2sf);
	v5 =	vld [tilespmem:s22+$0x6090];
	v6 =	vadd.f32 @p1 v6, v1  }
0x1d9: {  	p2 =	sne.s32 s23, s24;
	[tilespmem:s12+$0xA000] =	vst @p1 v4  }
0x1da: {  	[tilespmem:s12+$0x12000] =	vst @p1 v6;
	s12 =	sshll.u32 @p2 s24, $0x4  }
0x1db: {  	(v2sf) =	vpush v3, $0xC;
	v4 =	vld @p2 [tilespmem:s12+$0xA000]  }
0x1dc: {  	v6 =	vld @p2 [tilespmem:s12+$0x12000]  }
0x1dd: {  	v2 =	vadd.f32 @!p1 v5, v2  }
0x1de: {  	v1 =	vadd.f32 @!p1 $6.250000000e-02, v1  }
0x1df: {  	v2 =	vpsel p1, v5, v2  }
0x1e0: {  	v1 =	vpsel p1, $0x3D800000, v1;
	v4 =	vadd.f32 @p2 v4, v2  }
0x1e1: {  	v5 =	vld [tilespmem:s22+$0x60A0];
	s24 =	spop (v2sf);
	v6 =	vadd.f32 @p2 v6, v1  }
0x1e2: {  	p1 =	sne.s32 s24, s23;
	[tilespmem:s12+$0xA000] =	vst @p2 v4  }
0x1e3: {  	[tilespmem:s12+$0x12000] =	vst @p2 v6;
	s12 =	sshll.u32 @p1 s23, $0x4  }
0x1e4: {  	(v2sf) =	vpush v3, $0xD;
	v4 =	vld @p1 [tilespmem:s12+$0xA000]  }
0x1e5: {  	v6 =	vld @p1 [tilespmem:s12+$0x12000]  }
0x1e6: {  	v2 =	vadd.f32 @!p2 v5, v2  }
0x1e7: {  	v1 =	vadd.f32 @!p2 $6.250000000e-02, v1  }
0x1e8: {  	v2 =	vpsel p2, v5, v2  }
0x1e9: {  	v1 =	vpsel p2, $0x3D800000, v1;
	v4 =	vadd.f32 @p1 v4, v2  }
0x1ea: {  	s23 =	spop (v2sf);
	v5 =	vld [tilespmem:s22+$0x60B0];
	v6 =	vadd.f32 @p1 v6, v1  }
0x1eb: {  	p2 =	sne.s32 s23, s24;
	[tilespmem:s12+$0xA000] =	vst @p1 v4  }
0x1ec: {  	[tilespmem:s12+$0x12000] =	vst @p1 v6;
	s12 =	sshll.u32 @p2 s24, $0x4  }
0x1ed: {  	(v2sf) =	vpush v3, $0xE;
	v4 =	vld @p2 [tilespmem:s12+$0xA000]  }
0x1ee: {  	v3 =	vld @p2 [tilespmem:s12+$0x12000]  }
0x1ef: {  	v2 =	vadd.f32 @!p1 v5, v2  }
0x1f0: {  	v1 =	vadd.f32 @!p1 $6.250000000e-02, v1  }
0x1f1: {  	v2 =	vpsel p1, v5, v2  }
0x1f2: {  	v1 =	vpsel p1, $0x3D800000, v1;
	v4 =	vadd.f32 @p2 v4, v2  }
0x1f3: {  	s24 =	spop (v2sf);
	v5 =	vld [tilespmem:s22+$0x60C0];
	v3 =	vadd.f32 @p2 v3, v1  }
0x1f4: {  	p1 =	sne.s32 s24, s23;
	[tilespmem:s12+$0xA000] =	vst @p2 v4  }
0x1f5: {  	[tilespmem:s12+$0x12000] =	vst @p2 v3;
	s12 =	sshll.u32 @p1 s23, $0x4  }
0x1f6: {  	v3 =	vld @p1 [tilespmem:s12+$0xA000]  }
0x1f7: {  	v4 =	vld @p1 [tilespmem:s12+$0x12000]  }
0x1f8: {  	v2 =	vadd.f32 @!p2 v5, v2  }
0x1f9: {  	v1 =	vadd.f32 @!p2 $6.250000000e-02, v1  }
0x1fa: {  	v2 =	vpsel p2, v5, v2  }
0x1fb: {  	v1 =	vpsel p2, $0x3D800000, v1;
	v3 =	vadd.f32 @p1 v3, v2  }
0x1fc: {  	s23 =	spop (v2sf);
	v5 =	vld [tilespmem:s22+$0x60D0];
	v4 =	vadd.f32 @p1 v4, v1  }
0x1fd: {  	p2 =	sne.s32 s23, s24;
	[tilespmem:s12+$0xA000] =	vst @p1 v3  }
0x1fe: {  	[tilespmem:s12+$0x12000] =	vst @p1 v4;
	s12 =	sshll.u32 @p2 s24, $0x4  }
0x1ff: {  	v3 =	vld @p2 [tilespmem:s12+$0xA000]  }
0x200: {  	v4 =	vld @p2 [tilespmem:s12+$0x12000]  }
0x201: {  	v2 =	vadd.f32 @!p1 v5, v2  }
0x202: {  	v1 =	vadd.f32 @!p1 $6.250000000e-02, v1  }
0x203: {  	v2 =	vpsel p1, v5, v2  }
0x204: {  	v1 =	vpsel p1, $0x3D800000, v1;
	v3 =	vadd.f32 @p2 v3, v2  }
0x205: {  	v4 =	vadd.f32 @p2 v4, v1  }
0x206: {  	p1 =	sne.s32 s15, s23;
	v5 =	vld [tilespmem:s22+$0x60E0];
	[tilespmem:s12+$0xA000] =	vst @p2 v3  }
0x207: {  	[tilespmem:s12+$0x12000] =	vst @p2 v4;
	s12 =	sshll.u32 @p1 s23, $0x4  }
0x208: {  	v3 =	vld @p1 [tilespmem:s12+$0xA000]  }
0x209: {  	v4 =	vld @p1 [tilespmem:s12+$0x12000]  }
0x20a: {  	v6 =	vld [tilespmem:s22+$0x60F0]  }
0x20b: {  	v2 =	vadd.f32 @!p2 v5, v2;
	v1 =	vadd.f32 @!p2 $6.250000000e-02, v1;
	_ =	sdelay $0x1  }
0x20c: {  	v2 =	vpsel p2, v5, v2;
	v1 =	vpsel p2, $0x3D800000, v1  }
0x20d: {  	v3 =	vadd.f32 @p1 v3, v2;
	v4 =	vadd.f32 @p1 v4, v1  }
0x20e: {  	v2 =	vadd.f32 @!p1 v6, v2;
	v1 =	vadd.f32 @!p1 $6.250000000e-02, v1  }
0x20f: {  	[tilespmem:s12+$0xA000] =	vst @p1 v3  }
0x210: {  	[tilespmem:s12+$0x12000] =	vst @p1 v4;
	v2 =	vpsel p1, v6, v2;
	v1 =	vpsel p1, $0x3D800000, v1  }
.LBB2_21:
0x211: {  	s18 =	sadd.s32 $0x400, s18  }
0x212: {  	p1 =	sne.s32 s18, $0x10000  }
.Ltmp12:
0x213: {  	_ = 	snop;
	(pc) =	sbr.rel @!p1 .LBB2_22-.Ltmp12, $2  }
0x214: {  	_ =	sdelay $0x2  }
0x215: {  	s19 =	sadd.s32 $0x10, s19;
	s12 =	smov.u32 s15  }
.LBB2_18:
0x216: {  	v3 =	vld [tilespmem:s19+$0x0];
	_ =	sdelay $0x4  }
0x217: {  	(v2sf) =	vpush v3, $0x0  }
0x218: {  	(v2sf) =	vpush v3, $0xF;
	_ =	sdelay $0xd  }
0x219: {  	s23 =	spop (v2sf)  }
0x21a: {  	s15 =	spop (v2sf)  }
0x21b: {  	p1 =	sne.s32 s23, s15  }
.Ltmp13:
0x21c: {  	_ = 	snop;
	(pc) =	sbr.rel @p1 .LBB2_20-.Ltmp13, $3  }
0x21d: {  	_ =	sdelay $0x1  }
0x21e: {  	s22 =	sshra.s32 s18, $0x2  }
0x21f: {  	v4 =	vld [tilespmem:s22+$0x6000]  }
0x220: {  	v3 =	vld [tilespmem:s22+$0x6010];
	_ =	sdelay $0x1  }
0x221: {  	v5 =	vld [tilespmem:s22+$0x6020];
	_ =	sdelay $0x1  }
0x222: {  	v6 =	vld [tilespmem:s22+$0x6030]  }
0x223: {  	v3 =	vadd.f32 v3, v4  }
0x224: {  	v52 =	vld [tilespmem:s22+$0x6040]  }
0x225: {  	v3 =	vadd.f32 v5, v3  }
0x226: {  	v53 =	vld [tilespmem:s22+$0x6050]  }
0x227: {  	v3 =	vadd.f32 v6, v3  }
0x228: {  	v54 =	vld [tilespmem:s22+$0x6060]  }
0x229: {  	v3 =	vadd.f32 v52, v3  }
0x22a: {  	v55 =	vld [tilespmem:s22+$0x6070]  }
0x22b: {  	v3 =	vadd.f32 v53, v3  }
0x22c: {  	v56 =	vld [tilespmem:s22+$0x6080]  }
0x22d: {  	v3 =	vadd.f32 v54, v3  }
0x22e: {  	v57 =	vld [tilespmem:s22+$0x6090]  }
0x22f: {  	v3 =	vadd.f32 v55, v3  }
0x230: {  	v58 =	vld [tilespmem:s22+$0x60A0]  }
0x231: {  	v3 =	vadd.f32 v56, v3  }
0x232: {  	v59 =	vld [tilespmem:s22+$0x60B0]  }
0x233: {  	v3 =	vadd.f32 v57, v3  }
0x234: {  	v60 =	vld [tilespmem:s22+$0x60C0]  }
0x235: {  	v3 =	vadd.f32 v58, v3  }
0x236: {  	v61 =	vld [tilespmem:s22+$0x60D0]  }
0x237: {  	v3 =	vadd.f32 v59, v3  }
0x238: {  	v62 =	vld [tilespmem:s22+$0x60E0];
	p1 =	sne.s32 s23, s12  }
0x239: {  	v63 =	vld [tilespmem:s22+$0x60F0];
	s12 =	sshll.u32 @p1 s12, $0x4;
	v3 =	vadd.f32 v60, v3  }
0x23a: {  	v7 =	vld @p1 [tilespmem:s12+$0xA000]  }
0x23b: {  	v4 =	vld @p1 [tilespmem:s12+$0x12000];
	v3 =	vadd.f32 v61, v3;
	_ =	sdelay $0x1  }
0x23c: {  	v3 =	vadd.f32 v62, v3;
	_ =	sdelay $0x1  }
.Ltmp14:
0x23d: {  	v3 =	vadd.f32 v63, v3;
	(pc) =	sbr.rel .LBB2_21-.Ltmp14, $4  }
0x23e: {  	v5 =	vadd.f32 @p1 v7, v2;
	v4 =	vadd.f32 @p1 v4, v1  }
0x23f: {  	v1 =	vadd.f32 @!p1 $1.000000000e+00, v1;
	v2 =	vadd.f32 @!p1 v3, v2  }
0x240: {  	[tilespmem:s12+$0xA000] =	vst @p1 v5  }
0x241: {  	[tilespmem:s12+$0x12000] =	vst @p1 v4;
	v1 =	vpsel p1, $0x3F800000, v1;
	v2 =	vpsel p1, v3, v2  }
.LBB2_22:
.Ltmp15:
0x242: {  	(pc) =	sbr.rel @p0 .LBB2_24-.Ltmp15, $1  }
0x243: {  	_ =	sdelay $0x3  }
0x244: {  	s12 =	sadd.s32 s16, s14  }
0x245: {  	s12 =	sshrl.u32 s12, $0x3  }
0x246: {  	s18 =	simm.s32 $0x400;
	s19 =	sadd.s32 s5, s12  }
0x247: {  	[tilespmem:s18], [sflag:$0x2] =	stream.linear.gather [hbm4b:s19+s3], $0x400, $0x38;
	[tilespmem:$0x1A000] =	vst v63  }
.Ltmp16:
0x248: {  	_ = 	snop;
	(pc) =	sbr.rel .LBB2_6-.Ltmp16, $4  }
0x249: {  	s23 =	simm.s32 $0xC00;
	s22 =	sadd.s32 s6, s12  }
0x24a: {  	[tilespmem:s23], [sflag:$0x2] =	stream.linear.gather [hbm4b:s22+s3], $0x400, $0x38;
	[tilespmem:$0x1A000] =	vst v63  }
0x24b: {  	s24 =	simm.s32 $0x1400;
	s13 =	sadd.s32 $0x1, s13;
	s12 =	sadd.s32 s1, s12  }
0x24c: {  	[tilespmem:s24], [sflag:$0x2] =	stream.linear.gather [hbm4b:s12+s3], $0x400, $0x38;
	[tilespmem:$0x1A000] =	vst v63  }
.LBB2_25:
0x24d: {  	_ =	sfence.sel $0x180000  }
0x24e: {  	[bflag:$0x0] =	sbarrier.arrive $0xFFFF  }
0x24f: {  	_ =	strace $0x9000004D  }
0x250: {  	s0 =	stileid.u32;
	[bflag:$0x2] =	sbarrier.arrive $0xFFFF  }
0x251: {  	p0 =	sne.s32 s0, $0x0;
	s0 =	rddreg [dreg:$0x2]  }
0x252: {  	s0 =	sadd.s32 @!p0 $0x100000, s0  }
0x253: {  	[sflag:s0] =	ssyncadd.tile.s32 @!p0 $0x1;
	_ =	shalt  }
.Lfunc_end2:
_tile_overlayer_lowered:
.L_overlay_start_2:
0x254: {  	(tag) =	ssettag $0x2  }
0x255: {  	s0 =	rddreg [dreg:$0x0];
	s2 =	stileid.u32  }
0x256: {  	s1 =	rddreg [dreg:$0x1];
	p0 =	sne.s32 s2, $0x0  }
0x257: {  	s3 =	rddreg [dreg:$0x2];
	[bflag:$0x3] =	sbarrier.arrive $0xFFFF;
	s2 =	simm.s32 @!p0 $0x1C05  }
0x258: {  	[timem:s3], [sflag:s2] =	dma.local @!p0 [hbm:s0], s1  }
0x259: {  	s0 =	simm.s32 @!p0 $0x5  }
0x25a: {  	_ =	swait.ge @!p0 [sflag:s0], s1  }
0x25b: {  	s1 =	ssub.s32 @!p0 $0x0, s1;
	[sflag:s0] =	ssyncset.done @!p0 $0x0  }
0x25c: {  	[sflag:s0] =	ssyncadd.s32 @!p0 s1  }
0x25d: {  	[bflag:$0x3] =	sbarrier.arrive $0xFFFF  }
0x25e: {  	_ =	shalt  }

// kernel: sparse-core-data-format-call.cloned.1.call-start
scs
called_computation_lowered:
.L_overlay_start_0:
0x0: {  	s2 =	sld [smem:$0x3FD9]  }
0x1: {  	s3 =	sld [smem:$0x3FFE];
	_ =	sdelay $0x1  }
0x2: {  	s1 =	srdreg.scid  }
0x3: {  	s0 =	sand.u32 $0x1, s1  }
0x4: {  	s18 =	sshll.u32 s0, $0xA;
	s2 =	sadd.s32 s3, s2  }
0x5: {  	s2 =	sadd.s32 s2, s18  }
0x6: {  	[smem:$0x3FC5] =	sst s2  }
0x7: {  	_ = 	snop  }
0x8: {  	s2 =	sld [smem:$0x3FC9];
	(tm) =	ssettm $0x1  }
0x9: {  	s19 =	sld [smem:$0x3FFB];
	_ =	sdelay $0x3  }
0xa: {  	_ =	strace s19  }
0xb: {  	s3 =	sld [smem:$0x3FFC];
	_ =	sdelay $0x3  }
0xc: {  	_ =	strace s3  }
0xd: {  	s3 =	sld [smem:$0x3FFD];
	_ =	sdelay $0x3  }
0xe: {  	_ =	strace s3  }
0xf: {  	_ =	strace $0x8FFFFFFF  }
0x10: {  	s20 =	sld [smem:$0x3FDB];
	_ =	sdelay $0x1  }
0x11: {  	s4 =	simm.s32 $_scs_section_size  }
0x12: {  	s5 =	simm.s32 $_size__tile_overlayer_lowered;
	s6 =	simm.s32 $_tile_overlayer_lowered  }
0x13: {  	s23 =	simm.s32 $0x1BFF;
	s22 =	sshll.u32 s6, $0x1;
	s3 =	sadd.s32 s4, s20  }
0x14: {  	s7 =	simm.s32 $0x0;
	s21 =	sshll.u32 s5, $0x1;
	s5 =	sadd.s32 s22, s3  }
0x15: {  	[timem:s7], [sflag:s23] =	dma.local [hbm:s5], s21  }
0x16: {  	_ =	swait.ge [sflag:s23], s21  }
0x17: {  	s4 =	ssub.s32 $0x0, s21;
	[sflag:s23] =	ssyncset.done $0x0  }
0x18: {  	[sflag:s23] =	ssyncadd.s32 s4;
	_ =	sdelay $0x1  }
0x19: {  	s24 =	simm.s32 $0x1B8B  }
0x1a: {  	_ =	swait.ge [sflag:s24], $0x1  }
0x1b: {  	[sflag:s24] =	ssyncset.done $0x0  }
0x1c: {  	s26 =	simm.s32 $0x1B8E;
	s25 =	sld [smem:$0x3FFE];
	[sflag:s24] =	ssyncadd.s32 $0xFFFFFFFF  }
0x1d: {  	s27 =	simm.s32 $execute0_lowered;
	[smem:$0x3FD2] =	sst s26  }
0x1e: {  	s5 =	sshll.u32 s27, $0x1;
	_ =	strace $0x80000046;
	[dreg:$0x1] =	wrdreg $0xFFFFFFFF  }
0x1f: {  	s28 =	simm.s32 $_size_execute0_lowered;
	s3 =	sadd.s32 s3, s5;
	[dreg:$0x0] =	wrdreg $0x0  }
0x20: {  	s5 =	sshll.u32 s28, $0x1;
	[dreg:$0x2] =	wrdreg s3  }
0x21: {  	[dreg:$0x3] =	wrdreg s5  }
0x22: {  	[dreg:$0x4] =	wrdreg $0xC0  }
0x23: {  	_ =	task [dreg:s7], $0x5FFFF  }
0x24: {  	[dreg:$0x1] =	wrdreg $0xFFFFFFFF  }
0x25: {  	[dreg:$0x0] =	wrdreg $0x60  }
0x26: {  	[dreg:$0x2] =	wrdreg s2  }
0x27: {  	[dreg:$0x3] =	wrdreg s25  }
0x28: {  	[dreg:$0x4] =	wrdreg $0x9  }
0x29: {  	_ =	task.clear_ibuf [dreg:s7], $0x5FFFF;
	_ =	strace $0x90000046  }
0x2a: {  	s29 =	simm.s32 $0x9;
	_ =	strace $0x80000048  }
0x2b: {  	_ =	swait.ge [sflag:s29], $0x1  }
0x2c: {  	[sflag:s29] =	ssyncadd.s32 $0xFFFFFFFF  }
0x2d: {  	_ =	strace $0x90000048  }
0x2e: {  	_ =	sfence  }
0x2f: {  	s30 =	sld [smem:$0x0];
	_ =	sdelay $0x2  }
0x30: {  	s31 =	sshll.u32 s1, $0xD;
	s1 =	sshrl.u32 s1, $0x2  }
0x31: {  	s3 =	sand.u32 $0x4000, s31;
	s1 =	sadd.s32 s1, s30  }
0x32: {  	s0 =	sor.u32 s3, s0;
	s1 =	sshll.u32 s1, $0x11  }
0x33: {  	s0 =	sor.u32 s1, s0  }
0x34: {  	s0 =	sadd.s32 $0x8F2B, s0  }
0x35: {  	[sflag:s0] =	ssyncadd.remote.s32 $0x1  }
0x36: {  	_ =	sfence.sel $0xFFFF  }
0x37: {  	[dreg:$0x0] =	wrdreg $0xFFFFFFFF;
	(pc) =	sbr.abs _section_cstart, $3  }
0x38: {  	[dreg:$0x1] =	wrdreg $0xFFFFFFFF  }
0x39: {  	_ =	task.clear_ibuf [dreg:s7], $0x2FFFF;
	_ =	strace $0x9FFFFFFF  }
0x3a: {  	(tm) =	ssettm $0x7FFFFFFF  }
0x3b: {  	_ =	shalt  }
tec
execute0_lowered:
.L_overlay_start_1:
0x0: {  	(tag) =	ssettag $0x1  }
0x1: {  	s0 =	srdreg.scid  }
0x2: {  	s1 =	sshll.u32 s0, $0x4  }
0x3: {  	s2 =	rddreg [dreg:$0x0];
	s0 =	stileid.u32;
	s1 =	sand.u32 $0x10, s1  }
0x4: {  	s4 =	rddreg [dreg:$0x1];
	s7 =	simm.s32 $0x1;
	s1 =	sor.u32 s0, s1  }
0x5: {  	s8 =	simm.s32 $0x2;
	s9 =	simm.s32 $0x0;
	s3 =	sshll.u32 s1, $0x1  }
0x6: {  	s12 =	simm.s32 $0x0;
	s11 =	simm.s32 $0x0;
	s6 =	ssub.s32 $0x800, s3  }
.Ltmp0:
0x7: {  	s4 =	sadd.s32 $0x1600, s4;
	s5 =	sand.u32 $0x3E, s6;
	(pc) =	sbr.rel .LBB1_1-.Ltmp0, $4  }
0x8: {  	s1 =	rddreg [dreg:$0x2];
	_ =	strace $0x80000047;
	p0 =	sne.s32 s5, $0x0  }
0x9: {  	s6 =	sshrl.u32 s6, $0x6;
	s5 =	simm.s32 $0x1;
	s7 =	simm.s32 @!p0 $0x0  }
0xa: {  	s10 =	smov.u32 s3;
	[sflag:s5] =	ssyncpa.u1 $0x0;
	s6 =	sadd.s32 s7, s6  }
0xb: {  	[sflag:s8] =	ssyncpa.u1 $0x0;
	s8 =	simm.s32 $0x0;
	s7 =	sadd.s32 $0x1, s6  }
.LBB1_9:
0xc: {  	s14 =	sadd.s32 $0x40, s10  }
0xd: {  	p1 =	sgt.s32 s14, $0x7FF  }
0xe: {  	s14 =	smov.u32 @p1 s3;
	p1 =	sne.s32 s11, s7  }
.Ltmp1:
0xf: {  	p0 =	slt.u32 s11, $0x2;
	(pc) =	sbr.rel @!p1 .LBB1_10-.Ltmp1, $4  }
0x10: {  	s13 =	simm.s32 @!p0 $0x2  }
0x11: {  	s15 =	sadd.s32 $0x1, s11;
	_ =	swait.ge @!p0 [sflag:s13], $0x4000  }
0x12: {  	s12 =	smov.u32 s10;
	s9 =	sadd.s32 $0x4000, s9;
	[sflag:s13] =	ssyncset.done @!p0 $0x0  }
0x13: {  	s11 =	smov.u32 s15;
	s10 =	smov.u32 s14;
	[sflag:s13] =	ssyncadd.s32 @!p0 $0xFFFFC000  }
.LBB1_1:
0x14: {  	p0 =	sge.u32 s11, s6  }
0x15: {  	s13 =	sxor.u32 @!p0 $0xFFFFFFFF, s11  }
0x16: {  	s31 =	sadd.s32 $0xFFFFFFFF, s11;
	s14 =	sshll.u32 @!p0 s10, $0xA;
	s13 =	sshll.u32 @!p0 s13, $0xE  }
0x17: {  	s15 =	simm.s32 @!p0 $0x0;
	s14 =	sadd.s32 @!p0 s2, s14;
	s13 =	sand.u32 @!p0 $0x4000, s13  }
0x18: {  	[tilespmem:s13], [sflag:$0x1] =	stream.linear.gather @!p0 [hbm4b:s14+s15], $0x4000, $0x38;
	[tilespmem:$0x10000] =	vst v63  }
0x19: {  	p0 =	sge.u32 s31, s6  }
.Ltmp2:
0x1a: {  	_ = 	snop;
	(pc) =	sbr.rel @p0 .LBB1_9-.Ltmp2, $1  }
0x1b: {  	_ =	sdelay $0x3  }
0x1c: {  	s13 =	sshll.u32 s9, $0x2  }
0x1d: {  	_ =	swait.ge [sflag:s5], $0x4000;
	s14 =	sshll.u32 s11, $0xE;
	s16 =	simm.s32 $0x0  }
0x1e: {  	p1 =	por $0x1, $0x1;
	s13 =	sand.u32 $0x10000, s13;
	[sflag:s5] =	ssyncset.done $0x0  }
0x1f: {  	s14 =	sand.u32 $0x4000, s14;
	s15 =	sshrl.u32 s13, $0x2;
	[sflag:s5] =	ssyncadd.s32 $0xFFFFC000  }
0x20: {  	s13 =	sor.u32 $0x8000, s14;
	s14 =	sadd.s32 $0x8040, s15;
	s15 =	sadd.s32 $0x40, s15  }
.LBB1_3:
0x21: {  	s16 =	sshll.u32 s16, $0x2  }
0x22: {  	p0 =	por p1, p1;
	s17 =	sshra.s32 s16, $0x2  }
0x23: {  	s18 =	simm.s32 $0x0;
	s16 =	sadd.s32 s17, s14;
	s17 =	sadd.s32 s17, s15  }
.LBB1_4:
0x24: {  	v0 =	vmov s17;
	_ =	sdelay $0x3  }
0x25: {  	s20 =	simm.s32 $0x0  }
0x26: {  	v6 =	vld.idx.msk [tilespmem:v0+s20+$0x30 ss:$0x1], $0xffff  }
0x27: {  	v7 =	vld.idx.msk [tilespmem:v0+s20+$0xFFFFFFC0 ss:$0x1], $0xffff  }
0x28: {  	v5 =	vld.idx.msk [tilespmem:v0+s20+$0xFFFFFFD0 ss:$0x1], $0xffff  }
0x29: {  	v4 =	vld.idx.msk [tilespmem:v0+s20+$0xFFFFFFE0 ss:$0x1], $0xffff  }
0x2a: {  	v3 =	vld.idx.msk [tilespmem:v0+s20+$0xFFFFFFF0 ss:$0x1], $0xffff  }
0x2b: {  	v1 =	vld.idx.msk [tilespmem:v0+s20+$0x0 ss:$0x1], $0xffff  }
0x2c: {  	v2 =	vld.idx.msk [tilespmem:v0+s20+$0x10 ss:$0x1], $0xffff;
	[tilespmem:s16+$0x30] =	vst v6  }
0x2d: {  	s19 =	simm.s32 $0x80;
	s21 =	simm.s32 $0x400;
	[tilespmem:s16+$0xFFFFFFC0] =	vst v7;
	v6 =	vld.idx.msk [tilespmem:v0+s20+$0x20 ss:$0x1], $0xffff;
	s20 =	smov.u32 s16  }
.LBB1_5:
0x2e: {  	p1 =	sne.s32 s21, $0xE00;
	v7 =	vld.idx.msk [tilespmem:v0+s19+$0x30 ss:$0x1], $0xffff;
	[tilespmem:s20+$0xFFFFFFD0] =	vst v5  }
0x2f: {  	v8 =	vld.idx.msk [tilespmem:v0+s19+$0xFFFFFFC0 ss:$0x1], $0xffff;
	[tilespmem:s20+$0xFFFFFFE0] =	vst v4  }
0x30: {  	v5 =	vld.idx.msk [tilespmem:v0+s19+$0xFFFFFFD0 ss:$0x1], $0xffff;
	[tilespmem:s20+$0xFFFFFFF0] =	vst v3  }
.Ltmp3:
0x31: {  	v4 =	vld.idx.msk [tilespmem:v0+s19+$0xFFFFFFE0 ss:$0x1], $0xffff;
	[tilespmem:s20+$0x0] =	vst v1;
	(pc) =	sbr.rel @p1 .LBB1_5-.Ltmp3, $4  }
0x32: {  	v3 =	vld.idx.msk [tilespmem:v0+s19+$0xFFFFFFF0 ss:$0x1], $0xffff;
	[tilespmem:s20+$0x10] =	vst v2  }
0x33: {  	v1 =	vld.idx.msk [tilespmem:v0+s19+$0x0 ss:$0x1], $0xffff;
	[tilespmem:s20+$0x20] =	vst v6;
	s20 =	sadd.s32 $0x400, s20  }
0x34: {  	v2 =	vld.idx.msk [tilespmem:v0+s19+$0x10 ss:$0x1], $0xffff;
	[tilespmem:s20+$0x30] =	vst v7  }
0x35: {  	[tilespmem:s20+$0xFFFFFFC0] =	vst v8;
	v6 =	vld.idx.msk [tilespmem:v0+s19+$0x20 ss:$0x1], $0xffff;
	s19 =	sshra.s32 s21, $0x2;
	s21 =	sadd.s32 $0x200, s21  }
0x36: {  	_ =	sdelay $0x2  }
0x37: {  	[tilespmem:s20+$0xFFFFFFD0] =	vst v5  }
0x38: {  	v56 =	vld.idx.msk [tilespmem:v0+s19+$0x30 ss:$0x1], $0xffff;
	[tilespmem:s20+$0xFFFFFFE0] =	vst v4  }
0x39: {  	v57 =	vld.idx.msk [tilespmem:v0+s19+$0xFFFFFFC0 ss:$0x1], $0xffff;
	[tilespmem:s20+$0xFFFFFFF0] =	vst v3  }
0x3a: {  	v58 =	vld.idx.msk [tilespmem:v0+s19+$0xFFFFFFD0 ss:$0x1], $0xffff;
	[tilespmem:s20+$0x0] =	vst v1  }
0x3b: {  	v59 =	vld.idx.msk [tilespmem:v0+s19+$0xFFFFFFE0 ss:$0x1], $0xffff;
	[tilespmem:s20+$0x10] =	vst v2  }
0x3c: {  	v60 =	vld.idx.msk [tilespmem:v0+s19+$0xFFFFFFF0 ss:$0x1], $0xffff;
	s31 =	sadd.s32 $0x400, s20;
	[tilespmem:s20+$0x20] =	vst v6  }
0x3d: {  	v61 =	vld.idx.msk [tilespmem:v0+s19+$0x0 ss:$0x1], $0xffff;
	[tilespmem:s31+$0x30] =	vst v56  }
0x3e: {  	v62 =	vld.idx.msk [tilespmem:v0+s19+$0x10 ss:$0x1], $0xffff;
	s18 =	sadd.s32 $0x1, s18;
	[tilespmem:s31+$0xFFFFFFC0] =	vst v57  }
0x3f: {  	v63 =	vld.idx.msk [tilespmem:v0+s19+$0x20 ss:$0x1], $0xffff;
	p1 =	sne.s32 s18, $0x8;
	[tilespmem:s31+$0xFFFFFFD0] =	vst v58  }
.Ltmp4:
0x40: {  	[tilespmem:s31+$0xFFFFFFE0] =	vst v59;
	(pc) =	sbr.rel @p1 .LBB1_4-.Ltmp4, $4  }
0x41: {  	[tilespmem:s31+$0xFFFFFFF0] =	vst v60  }
0x42: {  	[tilespmem:s31+$0x0] =	vst v61  }
0x43: {  	[tilespmem:s31+$0x10] =	vst v62  }
0x44: {  	s16 =	sadd.s32 $0x80, s16;
	s17 =	sadd.s32 $0x400, s17;
	[tilespmem:s31+$0x20] =	vst v63  }
.Ltmp5:
0x45: {  	(pc) =	sbr.rel @p0 .LBB1_3-.Ltmp5, $2  }
0x46: {  	_ =	sdelay $0x2  }
0x47: {  	s16 =	simm.s32 $0x2000;
	p1 =	por $0x0, $0x0  }
.Ltmp6:
0x48: {  	(pc) =	sbr.rel .LBB1_9-.Ltmp6, $4  }
0x49: {  	_ = 	snop  }
0x4a: {  	s12 =	sshll.u32 s12, $0xA  }
0x4b: {  	s12 =	sadd.s32 s4, s12  }
0x4c: {  	[hbm4b:s12+s8] =	stream.linear.scatter [tilespmem:s13], [sflag:$0x2], $0x4000, $0x38;
	[tilespmem:$0x10000] =	vst v63  }
.LBB1_10:
0x4d: {  	_ =	sfence.sel $0x180000  }
0x4e: {  	s2 =	simm.s32 $0x1;
	[bflag:$0x0] =	sbarrier.arrive $0xFFFF  }
0x4f: {  	s31 =	simm.s32 $0x2;
	[sflag:s2] =	ssyncpa.u1 $0x1  }
0x50: {  	[sflag:s31] =	ssyncpa.u1 $0x1  }
0x51: {  	p0 =	sne.s32 s0, $0x0;
	_ =	strace $0x90000047  }
0x52: {  	s0 =	sadd.s32 @!p0 $0x100000, s1;
	[bflag:$0x2] =	sbarrier.arrive $0xFFFF  }
0x53: {  	[sflag:s0] =	ssyncadd.tile.s32 @!p0 $0x1;
	_ =	shalt  }
.Lfunc_end1:
_tile_overlayer_lowered:
.L_overlay_start_2:
0x54: {  	(tag) =	ssettag $0x2  }
0x55: {  	s0 =	rddreg [dreg:$0x0];
	s2 =	stileid.u32  }
0x56: {  	s1 =	rddreg [dreg:$0x1];
	p0 =	sne.s32 s2, $0x0  }
0x57: {  	s3 =	rddreg [dreg:$0x2];
	[bflag:$0x3] =	sbarrier.arrive $0xFFFF;
	s2 =	simm.s32 @!p0 $0x1C01  }
0x58: {  	[timem:s3], [sflag:s2] =	dma.local @!p0 [hbm:s0], s1  }
0x59: {  	s0 =	simm.s32 @!p0 $0x1  }
0x5a: {  	_ =	swait.ge @!p0 [sflag:s0], s1  }
0x5b: {  	s1 =	ssub.s32 @!p0 $0x0, s1;
	[sflag:s0] =	ssyncset.done @!p0 $0x0  }
0x5c: {  	[sflag:s0] =	ssyncadd.s32 @!p0 s1  }
0x5d: {  	[bflag:$0x3] =	sbarrier.arrive $0xFFFF  }
0x5e: {  	_ =	shalt  }

</sc_bundles>
